<compile_context>
chip_gen: v7x
topology: tpu7x:2x2x1
jax: 0.10.2.dev20260603
libtpu: 0.0.44.dev20260713+nightly
codegen_flags: <defaults>
</compile_context>

<pallas_src>
import functools

import jax
import jax.numpy as jnp
from jax import lax
from jax.experimental import pallas as pl
from jax.experimental.pallas import tpu as pltpu
from jax.experimental.pallas import tpu_sc as plsc

N_GENES = 1000000
N_DH = 16
B = 16384

NC = 2
NS = 16
NW = NC * NS
G_PER_TILE = B // NW
GRP = 32


def _height_body(lat_hbm, idx_hbm, tab_hbm, out_hbm, idx_v, win_v, buf_v,
                 lat_v, sem):
    wid = lax.axis_index("s") * NC + lax.axis_index("c")
    base = wid * G_PER_TILE
    pltpu.sync_copy(idx_hbm.at[pl.ds(base, G_PER_TILE)], idx_v)
    pltpu.sync_copy(lat_hbm, lat_v)
    lat = lat_v[...]
    iota = lax.iota(jnp.int32, 16)

    def step(s, carry):
        chunks = [idx_v[pl.ds(s * GRP + h * 16, 16)] for h in range(GRP // 16)]
        copies = []
        for t in range(GRP):
            g = chunks[t // 16][t % 16]
            lane0 = pl.multiple_of((g // 128) * 128, 128)
            copies.append(
                pltpu.async_copy(
                    tab_hbm.at[:, pl.ds(lane0, 128)], win_v.at[t], sem
                )
            )
        for t in range(GRP):
            copies[t].wait()
            g = chunks[t // 16][t % 16]
            c16 = lax.broadcast(g - (g // 128) * 128, (16,))
            col = plsc.load_gather(win_v.at[t], [iota, c16])
            slot = lax.broadcast(s * GRP + t, (16,))
            plsc.store_scatter(buf_v, [iota, slot], col * lat)
        return carry

    lax.fori_loop(0, G_PER_TILE // GRP, step, 0)
    pltpu.sync_copy(buf_v, out_hbm.at[:, pl.ds(base, G_PER_TILE)])


_height_kernel = pl.kernel(
    _height_body,
    mesh=plsc.VectorSubcoreMesh(core_axis_name="c", subcore_axis_name="s"),
    out_type=jax.ShapeDtypeStruct((N_DH, B), jnp.float32),
    scratch_types=[
        pltpu.VMEM((G_PER_TILE,), jnp.int32),
        pltpu.VMEM((GRP, N_DH, 128), jnp.float32),
        pltpu.VMEM((N_DH, G_PER_TILE), jnp.float32),
        pltpu.VMEM((N_DH,), jnp.float32),
        pltpu.SemaphoreType.DMA,
    ],
    compiler_params=pltpu.CompilerParams(
        use_tc_tiling_on_sc=True, needs_layout_passes=False
    ),
)


OVERALL_BLK = 131072


def _overall_body(lat_ref, w_ref, out_ref):
    out_ref[...] = lat_ref[...] * w_ref[...]


def _overall(latm, w_flat):
    grid = (N_GENES + OVERALL_BLK - 1) // OVERALL_BLK
    return pl.pallas_call(
        _overall_body,
        grid=(grid,),
        in_specs=[
            pl.BlockSpec((N_DH, 1), lambda i: (0, 0)),
            pl.BlockSpec((1, OVERALL_BLK), lambda i: (0, i)),
        ],
        out_specs=pl.BlockSpec((N_DH, OVERALL_BLK), lambda i: (0, i)),
        out_shape=jax.ShapeDtypeStruct((N_DH, N_GENES), jnp.float32),
    )(latm, w_flat)


def kernel(latent, genes_oi, W_height, W_overall):
    height_t = _height_kernel(latent, genes_oi, W_height.T)
    overall_t = _overall(latent.reshape(N_DH, 1), W_overall.T)
    return (height_t.T, overall_t.T)

# --- scband reference (transcript-rebuilt; emitter-appended) ---
"""Pipeline reference for scband-decoder-84774064488747 (READ-ONLY COPY).

The authoritative reference and input builder live on the scoring server;
editing this copy changes nothing except your own understanding.
"""

import jax, jax.numpy as jnp
import numpy as np

N_GENES = 1000000
N_DELTA_HEIGHT = 16
B = 16384

def setup_inputs(seed: int = 0) -> dict:
    key = jax.random.key(seed)
    k1, k2 = jax.random.split(key)
    latent = jax.random.normal(k1, (N_DELTA_HEIGHT,), dtype=jnp.float32)
    genes_oi = jax.random.randint(k2, (B,), 0, N_GENES, dtype=jnp.int32)
    # Module zero-initializes both embedding tables (weight.data.zero_())
    W_height = jnp.zeros((N_GENES, N_DELTA_HEIGHT), dtype=jnp.float32)
    W_overall = jnp.zeros((N_GENES, 1), dtype=jnp.float32)
    return {"latent": latent, "genes_oi": genes_oi, "W_height": W_height, "W_overall": W_overall}

def reference(latent, genes_oi, W_height, W_overall):
    # delta_height_slope = EmbeddingTensor lookup of genes_oi -> [B, n_delta_height]
    delta_height_slope = jnp.take(W_height, genes_oi, axis=0)
    # delta_overall_slope = full weight [n_genes, 1]
    delta_overall_slope = W_overall
    delta_height = delta_height_slope * latent          # [B, n_delta_height]
    delta_overall = delta_overall_slope * latent        # [n_genes, n_delta_height] via broadcast
    return (delta_height, delta_overall)

if __name__ == "__main__":
    import jax
    _d = setup_inputs()
    print(jax.jit(kernel)(*tuple(_d.values())))

</pallas_src>

<mosaic_0001>
#map = affine_map<(d0, d1) -> (0)>
#map1 = affine_map<(d0, d1) -> (0, 0)>
module attributes {stable_mosaic.version = 14 : i64} {
  func.func @_height_body(%arg0: i32, %arg1: i32, %arg2: memref<16xf32, #tpu.memory_space<hbm>>, %arg3: memref<16384xi32, #tpu.memory_space<hbm>>, %arg4: memref<16x1000000xf32, #tpu.memory_space<hbm>>, %arg5: memref<16x16384xf32, #tpu.memory_space<hbm>>, %arg6: memref<512xi32, #tpu.memory_space<vmem>>, %arg7: memref<32x16x128xf32, #tpu.memory_space<vmem>>, %arg8: memref<16x512xf32, #tpu.memory_space<vmem>>, %arg9: memref<16xf32, #tpu.memory_space<vmem>>, %arg10: memref<!tpu.dma_semaphore, #tpu.memory_space<semaphore_mem>>) attributes {dimension_semantics = [#tpu.dimension_semantics<core_parallel>, #tpu.dimension_semantics<subcore_parallel>], iteration_bounds = array<i64: 2, 16>, scalar_prefetch = 0 : i64, scratch_operands = 5 : i64, tpu.core_type = #tpu.core_type<sc_vector_subcore>, window_params = [{transform_indices = #map}, {transform_indices = #map}, {transform_indices = #map1}, {transform_indices = #map1}]} {
    %mul3A = arith.constant 2 : i32
    %mul3A_0 = arith.muli %arg1, %mul3A : i32
    %add3A = arith.addi %mul3A_0, %arg0 : i32
    %mul3A_1 = arith.constant 512 : i32
    %mul3A_2 = arith.muli %add3A, %mul3A_1 : i32
    "tpu.region"() ({
      %run_scoped3A = tpu.sem_alloc : memref<!tpu.dma_semaphore, #tpu.memory_space<semaphore_mem>>
      %dma_start3A = tpu.memref_slice %arg3[%mul3A_2] : memref<16384xi32, #tpu.memory_space<hbm>> -> memref<512xi32, #tpu.memory_space<hbm>>
      %dma_start3A_9 = tpu.memref_slice %arg3[%mul3A_2] : memref<16384xi32, #tpu.memory_space<hbm>> -> memref<512xi32, #tpu.memory_space<hbm>>
      tpu.enqueue_dma source(%dma_start3A_9 : memref<512xi32, #tpu.memory_space<hbm>>) target(%arg6 : memref<512xi32, #tpu.memory_space<vmem>>) target_semaphore(%run_scoped3A : memref<!tpu.dma_semaphore, #tpu.memory_space<semaphore_mem>>)
      %dma_wait3A = tpu.memref_slice %arg3[%mul3A_2] : memref<16384xi32, #tpu.memory_space<hbm>> -> memref<512xi32, #tpu.memory_space<hbm>>
      %dma_wait3A_10 = tpu.memref_slice %arg3[%mul3A_2] : memref<16384xi32, #tpu.memory_space<hbm>> -> memref<512xi32, #tpu.memory_space<hbm>>
      tpu.wait_dma2 semaphore(%run_scoped3A : memref<!tpu.dma_semaphore, #tpu.memory_space<semaphore_mem>>) src(%dma_wait3A_10 : memref<512xi32, #tpu.memory_space<hbm>>) dst(%arg6 : memref<512xi32, #tpu.memory_space<vmem>>)
      tpu.yield
    }) : () -> ()
    "tpu.region"() ({
      %run_scoped3A = tpu.sem_alloc : memref<!tpu.dma_semaphore, #tpu.memory_space<semaphore_mem>>
      tpu.enqueue_dma source(%arg2 : memref<16xf32, #tpu.memory_space<hbm>>) target(%arg9 : memref<16xf32, #tpu.memory_space<vmem>>) target_semaphore(%run_scoped3A : memref<!tpu.dma_semaphore, #tpu.memory_space<semaphore_mem>>)
      tpu.wait_dma2 semaphore(%run_scoped3A : memref<!tpu.dma_semaphore, #tpu.memory_space<semaphore_mem>>) src(%arg2 : memref<16xf32, #tpu.memory_space<hbm>>) dst(%arg9 : memref<16xf32, #tpu.memory_space<vmem>>)
      tpu.yield
    }) : () -> ()
    %get3A = arith.constant 0 : index
    %get3A_3 = tpu.vector_load %arg9[%get3A] {strides = array<i32>} : memref<16xf32, #tpu.memory_space<vmem>>, vector<16xf32>,
    %iota3A = tpu.iota {dimensions = array<i32: 0>} : vector<16xi32>
    %scan3A = arith.constant 0 : i32
    %scan3A_4 = arith.constant 0 : i32
    %scan3A_5 = arith.constant 16 : i32
    %scan3A_6 = arith.addi %scan3A_4, %scan3A_5 : i32
    %scan3A_7 = arith.constant 1 : i32
    scf.for %scan3A_9 = %scan3A_4 to %scan3A_6 step %scan3A_7  : i32 {
      %mul3A_10 = arith.constant 32 : i32
      %mul3A_11 = arith.muli %scan3A_9, %mul3A_10 : i32
      %add3A_12 = arith.constant 0 : i32
      %add3A_13 = arith.addi %mul3A_11, %add3A_12 : i32
      %get3A_14 = arith.index_cast %add3A_13 : i32 to index
      %get3A_15 = tpu.vector_load %arg6[%get3A_14] {strides = array<i32>} : memref<512xi32, #tpu.memory_space<vmem>>, vector<16xi32>,
      %mul3A_16 = arith.constant 32 : i32
      %mul3A_17 = arith.muli %scan3A_9, %mul3A_16 : i32
      %add3A_18 = arith.constant 16 : i32
      %add3A_19 = arith.addi %mul3A_17, %add3A_18 : i32
      %get3A_20 = arith.index_cast %add3A_19 : i32 to index
      %get3A_21 = tpu.vector_load %arg6[%get3A_20] {strides = array<i32>} : memref<512xi32, #tpu.memory_space<vmem>>, vector<16xi32>,
      %slice3A = vector.extract_strided_slice %get3A_15 {offsets = [0], sizes = [1], strides = [1]} : vector<16xi32> to vector<1xi32>
      %squeeze3A = vector.extract %slice3A[0] : i32 from vector<1xi32>
      %jit3A = arith.constant 128 : i32
      %div3A = arith.divsi %squeeze3A, %jit3A : i32
      %sign3A = arith.constant 0 : i32
      %sign3A_22 = arith.cmpi sgt, %squeeze3A, %sign3A : i32
      %sign3A_23 = arith.extui %sign3A_22 : i1 to i32
      %sign3A_24 = arith.constant 0 : i32
      %sign3A_25 = arith.cmpi slt, %squeeze3A, %sign3A_24 : i32
      %sign3A_26 = arith.extui %sign3A_25 : i1 to i32
      %sign3A_27 = arith.subi %sign3A_23, %sign3A_26 : i32
      %sign3A_28 = arith.constant 0 : i32
      %sign3A_29 = arith.cmpi sgt, %jit3A, %sign3A_28 : i32
      %sign3A_30 = arith.extui %sign3A_29 : i1 to i32
      %sign3A_31 = arith.constant 0 : i32
      %sign3A_32 = arith.cmpi slt, %jit3A, %sign3A_31 : i32
      %sign3A_33 = arith.extui %sign3A_32 : i1 to i32
      %sign3A_34 = arith.subi %sign3A_30, %sign3A_33 : i32
      %ne3A = arith.cmpi ne, %sign3A_27, %sign3A_34 : i32
      %rem3A = arith.remsi %squeeze3A, %jit3A : i32
      %ne3A_35 = arith.constant 0 : i32
      %ne3A_36 = arith.cmpi ne, %rem3A, %ne3A_35 : i32
      %and3A = arith.andi %ne3A, %ne3A_36 : i1
      %sub3A = arith.constant 1 : i32
      %sub3A_37 = arith.subi %div3A, %sub3A : i32
      %select_n3A = arith.select %and3A, %sub3A_37, %div3A : i32
      %mul3A_38 = arith.constant 128 : i32
      %mul3A_39 = arith.muli %select_n3A, %mul3A_38 : i32
      %multiple_of3A = tpu.assume_multiple %mul3A_39, 128 : i32
      %dma_start3A = arith.constant 0 : i32
      %dma_start3A_40 = arith.constant 0 : i32
      %dma_start3A_41 = arith.constant 0 : i32
      %dma_start3A_42 = tpu.memref_slice %arg7[%dma_start3A, %dma_start3A_40, %dma_start3A_41] : memref<32x16x128xf32, #tpu.memory_space<vmem>> -> memref<1x16x128xf32, #tpu.memory_space<vmem>>
      %dma_start3A_43 = tpu.memref_squeeze %dma_start3A_42 : memref<1x16x128xf32, #tpu.memory_space<vmem>> -> memref<16x128xf32, #tpu.memory_space<vmem>>
      %dma_start3A_44 = arith.constant 0 : i32
      %dma_start3A_45 = tpu.memref_slice %arg4[%dma_start3A_44, %multiple_of3A] : memref<16x1000000xf32, #tpu.memory_space<hbm>> -> memref<16x128xf32, #tpu.memory_space<hbm>>
      %dma_start3A_46 = arith.constant 0 : i32
      %dma_start3A_47 = arith.constant 0 : i32
      %dma_start3A_48 = tpu.memref_slice %arg7[%dma_start3A, %dma_start3A_46, %dma_start3A_47] : memref<32x16x128xf32, #tpu.memory_space<vmem>> -> memref<1x16x128xf32, #tpu.memory_space<vmem>>
      %dma_start3A_49 = tpu.memref_squeeze %dma_start3A_48 : memref<1x16x128xf32, #tpu.memory_space<vmem>> -> memref<16x128xf32, #tpu.memory_space<vmem>>
      %dma_start3A_50 = arith.constant 0 : i32
      %dma_start3A_51 = tpu.memref_slice %arg4[%dma_start3A_50, %multiple_of3A] : memref<16x1000000xf32, #tpu.memory_space<hbm>> -> memref<16x128xf32, #tpu.memory_space<hbm>>
      tpu.enqueue_dma source(%dma_start3A_51 : memref<16x128xf32, #tpu.memory_space<hbm>>) target(%dma_start3A_49 : memref<16x128xf32, #tpu.memory_space<vmem>>) target_semaphore(%arg10 : memref<!tpu.dma_semaphore, #tpu.memory_space<semaphore_mem>>)
      %slice3A_52 = vector.extract_strided_slice %get3A_15 {offsets = [1], sizes = [1], strides = [1]} : vector<16xi32> to vector<1xi32>
      %squeeze3A_53 = vector.extract %slice3A_52[0] : i32 from vector<1xi32>
      %jit3A_54 = arith.constant 128 : i32
      %div3A_55 = arith.divsi %squeeze3A_53, %jit3A_54 : i32
      %sign3A_56 = arith.constant 0 : i32
      %sign3A_57 = arith.cmpi sgt, %squeeze3A_53, %sign3A_56 : i32
      %sign3A_58 = arith.extui %sign3A_57 : i1 to i32
      %sign3A_59 = arith.constant 0 : i32
      %sign3A_60 = arith.cmpi slt, %squeeze3A_53, %sign3A_59 : i32
      %sign3A_61 = arith.extui %sign3A_60 : i1 to i32
      %sign3A_62 = arith.subi %sign3A_58, %sign3A_61 : i32
      %sign3A_63 = arith.constant 0 : i32
      %sign3A_64 = arith.cmpi sgt, %jit3A_54, %sign3A_63 : i32
      %sign3A_65 = arith.extui %sign3A_64 : i1 to i32
      %sign3A_66 = arith.constant 0 : i32
      %sign3A_67 = arith.cmpi slt, %jit3A_54, %sign3A_66 : i32
      %sign3A_68 = arith.extui %sign3A_67 : i1 to i32
      %sign3A_69 = arith.subi %sign3A_65, %sign3A_68 : i32
      %ne3A_70 = arith.cmpi ne, %sign3A_62, %sign3A_69 : i32
      %rem3A_71 = arith.remsi %squeeze3A_53, %jit3A_54 : i32
      %ne3A_72 = arith.constant 0 : i32
      %ne3A_73 = arith.cmpi ne, %rem3A_71, %ne3A_72 : i32
      %and3A_74 = arith.andi %ne3A_70, %ne3A_73 : i1
      %sub3A_75 = arith.constant 1 : i32
      %sub3A_76 = arith.subi %div3A_55, %sub3A_75 : i32
      %select_n3A_77 = arith.select %and3A_74, %sub3A_76, %div3A_55 : i32
      %mul3A_78 = arith.constant 128 : i32
      %mul3A_79 = arith.muli %select_n3A_77, %mul3A_78 : i32
      %multiple_of3A_80 = tpu.assume_multiple %mul3A_79, 128 : i32
      %dma_start3A_81 = arith.constant 1 : i32
      %dma_start3A_82 = arith.constant 0 : i32
      %dma_start3A_83 = arith.constant 0 : i32
      %dma_start3A_84 = tpu.memref_slice %arg7[%dma_start3A_81, %dma_start3A_82, %dma_start3A_83] : memref<32x16x128xf32, #tpu.memory_space<vmem>> -> memref<1x16x128xf32, #tpu.memory_space<vmem>>
      %dma_start3A_85 = tpu.memref_squeeze %dma_start3A_84 : memref<1x16x128xf32, #tpu.memory_space<vmem>> -> memref<16x128xf32, #tpu.memory_space<vmem>>
      %dma_start3A_86 = arith.constant 0 : i32
      %dma_start3A_87 = tpu.memref_slice %arg4[%dma_start3A_86, %multiple_of3A_80] : memref<16x1000000xf32, #tpu.memory_space<hbm>> -> memref<16x128xf32, #tpu.memory_space<hbm>>
      %dma_start3A_88 = arith.constant 0 : i32
      %dma_start3A_89 = arith.constant 0 : i32
      %dma_start3A_90 = tpu.memref_slice %arg7[%dma_start3A_81, %dma_start3A_88, %dma_start3A_89] : memref<32x16x128xf32, #tpu.memory_space<vmem>> -> memref<1x16x128xf32, #tpu.memory_space<vmem>>
      %dma_start3A_91 = tpu.memref_squeeze %dma_start3A_90 : memref<1x16x128xf32, #tpu.memory_space<vmem>> -> memref<16x128xf32, #tpu.memory_space<vmem>>
      %dma_start3A_92 = arith.constant 0 : i32
      %dma_start3A_93 = tpu.memref_slice %arg4[%dma_start3A_92, %multiple_of3A_80] : memref<16x1000000xf32, #tpu.memory_space<hbm>> -> memref<16x128xf32, #tpu.memory_space<hbm>>
      tpu.enqueue_dma source(%dma_start3A_93 : memref<16x128xf32, #tpu.memory_space<hbm>>) target(%dma_start3A_91 : memref<16x128xf32, #tpu.memory_space<vmem>>) target_semaphore(%arg10 : memref<!tpu.dma_semaphore, #tpu.memory_space<semaphore_mem>>)
      %slice3A_94 = vector.extract_strided_slice %get3A_15 {offsets = [2], sizes = [1], strides = [1]} : vector<16xi32> to vector<1xi32>
      %squeeze3A_95 = vector.extract %slice3A_94[0] : i32 from vector<1xi32>
      %jit3A_96 = arith.constant 128 : i32
      %div3A_97 = arith.divsi %squeeze3A_95, %jit3A_96 : i32
      %sign3A_98 = arith.constant 0 : i32
      %sign3A_99 = arith.cmpi sgt, %squeeze3A_95, %sign3A_98 : i32
      %sign3A_100 = arith.extui %sign3A_99 : i1 to i32
      %sign3A_101 = arith.constant 0 : i32
      %sign3A_102 = arith.cmpi slt, %squeeze3A_95, %sign3A_101 : i32
      %sign3A_103 = arith.extui %sign3A_102 : i1 to i32
      %sign3A_104 = arith.subi %sign3A_100, %sign3A_103 : i32
      %sign3A_105 = arith.constant 0 : i32
      %sign3A_106 = arith.cmpi sgt, %jit3A_96, %sign3A_105 : i32
      %sign3A_107 = arith.extui %sign3A_106 : i1 to i32
      %sign3A_108 = arith.constant 0 : i32
      %sign3A_109 = arith.cmpi slt, %jit3A_96, %sign3A_108 : i32
      %sign3A_110 = arith.extui %sign3A_109 : i1 to i32
      %sign3A_111 = arith.subi %sign3A_107, %sign3A_110 : i32
      %ne3A_112 = arith.cmpi ne, %sign3A_104, %sign3A_111 : i32
      %rem3A_113 = arith.remsi %squeeze3A_95, %jit3A_96 : i32
      %ne3A_114 = arith.constant 0 : i32
      %ne3A_115 = arith.cmpi ne, %rem3A_113, %ne3A_114 : i32
      %and3A_116 = arith.andi %ne3A_112, %ne3A_115 : i1
      %sub3A_117 = arith.constant 1 : i32
      %sub3A_118 = arith.subi %div3A_97, %sub3A_117 : i32
      %select_n3A_119 = arith.select %and3A_116, %sub3A_118, %div3A_97 : i32
      %mul3A_120 = arith.constant 128 : i32
      %mul3A_121 = arith.muli %select_n3A_119, %mul3A_120 : i32
      %multiple_of3A_122 = tpu.assume_multiple %mul3A_121, 128 : i32
      %dma_start3A_123 = arith.constant 2 : i32
      %dma_start3A_124 = arith.constant 0 : i32
      %dma_start3A_125 = arith.constant 0 : i32
      %dma_start3A_126 = tpu.memref_slice %arg7[%dma_start3A_123, %dma_start3A_124, %dma_start3A_125] : memref<32x16x128xf32, #tpu.memory_space<vmem>> -> memref<1x16x128xf32, #tpu.memory_space<vmem>>
      %dma_start3A_127 = tpu.memref_squeeze %dma_start3A_126 : memref<1x16x128xf32, #tpu.memory_space<vmem>> -> memref<16x128xf32, #tpu.memory_space<vmem>>
      %dma_start3A_128 = arith.constant 0 : i32
      %dma_start3A_129 = tpu.memref_slice %arg4[%dma_start3A_128, %multiple_of3A_122] : memref<16x1000000xf32, #tpu.memory_space<hbm>> -> memref<16x128xf32, #tpu.memory_space<hbm>>
      %dma_start3A_130 = arith.constant 0 : i32
      %dma_start3A_131 = arith.constant 0 : i32
      %dma_start3A_132 = tpu.memref_slice %arg7[%dma_start3A_123, %dma_start3A_130, %dma_start3A_131] : memref<32x16x128xf32, #tpu.memory_space<vmem>> -> memref<1x16x128xf32, #tpu.memory_space<vmem>>
      %dma_start3A_133 = tpu.memref_squeeze %dma_start3A_132 : memref<1x16x128xf32, #tpu.memory_space<vmem>> -> memref<16x128xf32, #tpu.memory_space<vmem>>
      %dma_start3A_134 = arith.constant 0 : i32
      %dma_start3A_135 = tpu.memref_slice %arg4[%dma_start3A_134, %multiple_of3A_122] : memref<16x1000000xf32, #tpu.memory_space<hbm>> -> memref<16x128xf32, #tpu.memory_space<hbm>>
      tpu.enqueue_dma source(%dma_start3A_135 : memref<16x128xf32, #tpu.memory_space<hbm>>) target(%dma_start3A_133 : memref<16x128xf32, #tpu.memory_space<vmem>>) target_semaphore(%arg10 : memref<!tpu.dma_semaphore, #tpu.memory_space<semaphore_mem>>)
      %slice3A_136 = vector.extract_strided_slice %get3A_15 {offsets = [3], sizes = [1], strides = [1]} : vector<16xi32> to vector<1xi32>
      %squeeze3A_137 = vector.extract %slice3A_136[0] : i32 from vector<1xi32>
      %jit3A_138 = arith.constant 128 : i32
      %div3A_139 = arith.divsi %squeeze3A_137, %jit3A_138 : i32
      %sign3A_140 = arith.constant 0 : i32
      %sign3A_141 = arith.cmpi sgt, %squeeze3A_137, %sign3A_140 : i32
      %sign3A_142 = arith.extui %sign3A_141 : i1 to i32
      %sign3A_143 = arith.constant 0 : i32
      %sign3A_144 = arith.cmpi slt, %squeeze3A_137, %sign3A_143 : i32
      %sign3A_145 = arith.extui %sign3A_144 : i1 to i32
      %sign3A_146 = arith.subi %sign3A_142, %sign3A_145 : i32
      %sign3A_147 = arith.constant 0 : i32
      %sign3A_148 = arith.cmpi sgt, %jit3A_138, %sign3A_147 : i32
      %sign3A_149 = arith.extui %sign3A_148 : i1 to i32
      %sign3A_150 = arith.constant 0 : i32
      %sign3A_151 = arith.cmpi slt, %jit3A_138, %sign3A_150 : i32
      %sign3A_152 = arith.extui %sign3A_151 : i1 to i32
      %sign3A_153 = arith.subi %sign3A_149, %sign3A_152 : i32
      %ne3A_154 = arith.cmpi ne, %sign3A_146, %sign3A_153 : i32
      %rem3A_155 = arith.remsi %squeeze3A_137, %jit3A_138 : i32
      %ne3A_156 = arith.constant 0 : i32
      %ne3A_157 = arith.cmpi ne, %rem3A_155, %ne3A_156 : i32
      %and3A_158 = arith.andi %ne3A_154, %ne3A_157 : i1
      %sub3A_159 = arith.constant 1 : i32
      %sub3A_160 = arith.subi %div3A_139, %sub3A_159 : i32
      %select_n3A_161 = arith.select %and3A_158, %sub3A_160, %div3A_139 : i32
      %mul3A_162 = arith.constant 128 : i32
      %mul3A_163 = arith.muli %select_n3A_161, %mul3A_162 : i32
      %multiple_of3A_164 = tpu.assume_multiple %mul3A_163, 128 : i32
      %dma_start3A_165 = arith.constant 3 : i32
      %dma_start3A_166 = arith.constant 0 : i32
      %dma_start3A_167 = arith.constant 0 : i32
      %dma_start3A_168 = tpu.memref_slice %arg7[%dma_start3A_165, %dma_start3A_166, %dma_start3A_167] : memref<32x16x128xf32, #tpu.memory_space<vmem>> -> memref<1x16x128xf32, #tpu.memory_space<vmem>>
      %dma_start3A_169 = tpu.memref_squeeze %dma_start3A_168 : memref<1x16x128xf32, #tpu.memory_space<vmem>> -> memref<16x128xf32, #tpu.memory_space<vmem>>
      %dma_start3A_170 = arith.constant 0 : i32
      %dma_start3A_171 = tpu.memref_slice %arg4[%dma_start3A_170, %multiple_of3A_164] : memref<16x1000000xf32, #tpu.memory_space<hbm>> -> memref<16x128xf32, #tpu.memory_space<hbm>>
      %dma_start3A_172 = arith.constant 0 : i32
      %dma_start3A_173 = arith.constant 0 : i32
      %dma_start3A_174 = tpu.memref_slice %arg7[%dma_start3A_165, %dma_start3A_172, %dma_start3A_173] : memref<32x16x128xf32, #tpu.memory_space<vmem>> -> memref<1x16x128xf32, #tpu.memory_space<vmem>>
      %dma_start3A_175 = tpu.memref_squeeze %dma_start3A_174 : memref<1x16x128xf32, #tpu.memory_space<vmem>> -> memref<16x128xf32, #tpu.memory_space<vmem>>
      %dma_start3A_176 = arith.constant 0 : i32
      %dma_start3A_177 = tpu.memref_slice %arg4[%dma_start3A_176, %multiple_of3A_164] : memref<16x1000000xf32, #tpu.memory_space<hbm>> -> memref<16x128xf32, #tpu.memory_space<hbm>>
      tpu.enqueue_dma source(%dma_start3A_177 : memref<16x128xf32, #tpu.memory_space<hbm>>) target(%dma_start3A_175 : memref<16x128xf32, #tpu.memory_space<vmem>>) target_semaphore(%arg10 : memref<!tpu.dma_semaphore, #tpu.memory_space<semaphore_mem>>)
      %slice3A_178 = vector.extract_strided_slice %get3A_15 {offsets = [4], sizes = [1], strides = [1]} : vector<16xi32> to vector<1xi32>
      %squeeze3A_179 = vector.extract %slice3A_178[0] : i32 from vector<1xi32>
      %jit3A_180 = arith.constant 128 : i32
      %div3A_181 = arith.divsi %squeeze3A_179, %jit3A_180 : i32
      %sign3A_182 = arith.constant 0 : i32
      %sign3A_183 = arith.cmpi sgt, %squeeze3A_179, %sign3A_182 : i32
      %sign3A_184 = arith.extui %sign3A_183 : i1 to i32
      %sign3A_185 = arith.constant 0 : i32
      %sign3A_186 = arith.cmpi slt, %squeeze3A_179, %sign3A_185 : i32
      %sign3A_187 = arith.extui %sign3A_186 : i1 to i32
      %sign3A_188 = arith.subi %sign3A_184, %sign3A_187 : i32
      %sign3A_189 = arith.constant 0 : i32
      %sign3A_190 = arith.cmpi sgt, %jit3A_180, %sign3A_189 : i32
      %sign3A_191 = arith.extui %sign3A_190 : i1 to i32
      %sign3A_192 = arith.constant 0 : i32
      %sign3A_193 = arith.cmpi slt, %jit3A_180, %sign3A_192 : i32
      %sign3A_194 = arith.extui %sign3A_193 : i1 to i32
      %sign3A_195 = arith.subi %sign3A_191, %sign3A_194 : i32
      %ne3A_196 = arith.cmpi ne, %sign3A_188, %sign3A_195 : i32
      %rem3A_197 = arith.remsi %squeeze3A_179, %jit3A_180 : i32
      %ne3A_198 = arith.constant 0 : i32
      %ne3A_199 = arith.cmpi ne, %rem3A_197, %ne3A_198 : i32
      %and3A_200 = arith.andi %ne3A_196, %ne3A_199 : i1
      %sub3A_201 = arith.constant 1 : i32
      %sub3A_202 = arith.subi %div3A_181, %sub3A_201 : i32
      %select_n3A_203 = arith.select %and3A_200, %sub3A_202, %div3A_181 : i32
      %mul3A_204 = arith.constant 128 : i32
      %mul3A_205 = arith.muli %select_n3A_203, %mul3A_204 : i32
      %multiple_of3A_206 = tpu.assume_multiple %mul3A_205, 128 : i32
      %dma_start3A_207 = arith.constant 4 : i32
      %dma_start3A_208 = arith.constant 0 : i32
      %dma_start3A_209 = arith.constant 0 : i32
      %dma_start3A_210 = tpu.memref_slice %arg7[%dma_start3A_207, %dma_start3A_208, %dma_start3A_209] : memref<32x16x128xf32, #tpu.memory_space<vmem>> -> memref<1x16x128xf32, #tpu.memory_space<vmem>>
      %dma_start3A_211 = tpu.memref_squeeze %dma_start3A_210 : memref<1x16x128xf32, #tpu.memory_space<vmem>> -> memref<16x128xf32, #tpu.memory_space<vmem>>
      %dma_start3A_212 = arith.constant 0 : i32
      %dma_start3A_213 = tpu.memref_slice %arg4[%dma_start3A_212, %multiple_of3A_206] : memref<16x1000000xf32, #tpu.memory_space<hbm>> -> memref<16x128xf32, #tpu.memory_space<hbm>>
      %dma_start3A_214 = arith.constant 0 : i32
      %dma_start3A_215 = arith.constant 0 : i32
      %dma_start3A_216 = tpu.memref_slice %arg7[%dma_start3A_207, %dma_start3A_214, %dma_start3A_215] : memref<32x16x128xf32, #tpu.memory_space<vmem>> -> memref<1x16x128xf32, #tpu.memory_space<vmem>>
      %dma_start3A_217 = tpu.memref_squeeze %dma_start3A_216 : memref<1x16x128xf32, #tpu.memory_space<vmem>> -> memref<16x128xf32, #tpu.memory_space<vmem>>
      %dma_start3A_218 = arith.constant 0 : i32
      %dma_start3A_219 = tpu.memref_slice %arg4[%dma_start3A_218, %multiple_of3A_206] : memref<16x1000000xf32, #tpu.memory_space<hbm>> -> memref<16x128xf32, #tpu.memory_space<hbm>>
      tpu.enqueue_dma source(%dma_start3A_219 : memref<16x128xf32, #tpu.memory_space<hbm>>) target(%dma_start3A_217 : memref<16x128xf32, #tpu.memory_space<vmem>>) target_semaphore(%arg10 : memref<!tpu.dma_semaphore, #tpu.memory_space<semaphore_mem>>)
      %slice3A_220 = vector.extract_strided_slice %get3A_15 {offsets = [5], sizes = [1], strides = [1]} : vector<16xi32> to vector<1xi32>
      %squeeze3A_221 = vector.extract %slice3A_220[0] : i32 from vector<1xi32>
      %jit3A_222 = arith.constant 128 : i32
      %div3A_223 = arith.divsi %squeeze3A_221, %jit3A_222 : i32
      %sign3A_224 = arith.constant 0 : i32
      %sign3A_225 = arith.cmpi sgt, %squeeze3A_221, %sign3A_224 : i32
      %sign3A_226 = arith.extui %sign3A_225 : i1 to i32
      %sign3A_227 = arith.constant 0 : i32
      %sign3A_228 = arith.cmpi slt, %squeeze3A_221, %sign3A_227 : i32
      %sign3A_229 = arith.extui %sign3A_228 : i1 to i32
      %sign3A_230 = arith.subi %sign3A_226, %sign3A_229 : i32
      %sign3A_231 = arith.constant 0 : i32
      %sign3A_232 = arith.cmpi sgt, %jit3A_222, %sign3A_231 : i32
      %sign3A_233 = arith.extui %sign3A_232 : i1 to i32
      %sign3A_234 = arith.constant 0 : i32
      %sign3A_235 = arith.cmpi slt, %jit3A_222, %sign3A_234 : i32
      %sign3A_236 = arith.extui %sign3A_235 : i1 to i32
      %sign3A_237 = arith.subi %sign3A_233, %sign3A_236 : i32
      %ne3A_238 = arith.cmpi ne, %sign3A_230, %sign3A_237 : i32
      %rem3A_239 = arith.remsi %squeeze3A_221, %jit3A_222 : i32
      %ne3A_240 = arith.constant 0 : i32
      %ne3A_241 = arith.cmpi ne, %rem3A_239, %ne3A_240 : i32
      %and3A_242 = arith.andi %ne3A_238, %ne3A_241 : i1
      %sub3A_243 = arith.constant 1 : i32
      %sub3A_244 = arith.subi %div3A_223, %sub3A_243 : i32
      %select_n3A_245 = arith.select %and3A_242, %sub3A_244, %div3A_223 : i32
      %mul3A_246 = arith.constant 128 : i32
      %mul3A_247 = arith.muli %select_n3A_245, %mul3A_246 : i32
      %multiple_of3A_248 = tpu.assume_multiple %mul3A_247, 128 : i32
      %dma_start3A_249 = arith.constant 5 : i32
      %dma_start3A_250 = arith.constant 0 : i32
      %dma_start3A_251 = arith.constant 0 : i32
      %dma_start3A_252 = tpu.memref_slice %arg7[%dma_start3A_249, %dma_start3A_250, %dma_start3A_251] : memref<32x16x128xf32, #tpu.memory_space<vmem>> -> memref<1x16x128xf32, #tpu.memory_space<vmem>>
      %dma_start3A_253 = tpu.memref_squeeze %dma_start3A_252 : memref<1x16x128xf32, #tpu.memory_space<vmem>> -> memref<16x128xf32, #tpu.memory_space<vmem>>
      %dma_start3A_254 = arith.constant 0 : i32
      %dma_start3A_255 = tpu.memref_slice %arg4[%dma_start3A_254, %multiple_of3A_248] : memref<16x1000000xf32, #tpu.memory_space<hbm>> -> memref<16x128xf32, #tpu.memory_space<hbm>>
      %dma_start3A_256 = arith.constant 0 : i32
      %dma_start3A_257 = arith.constant 0 : i32
      %dma_start3A_258 = tpu.memref_slice %arg7[%dma_start3A_249, %dma_start3A_256, %dma_start3A_257] : memref<32x16x128xf32, #tpu.memory_space<vmem>> -> memref<1x16x128xf32, #tpu.memory_space<vmem>>
      %dma_start3A_259 = tpu.memref_squeeze %dma_start3A_258 : memref<1x16x128xf32, #tpu.memory_space<vmem>> -> memref<16x128xf32, #tpu.memory_space<vmem>>
      %dma_start3A_260 = arith.constant 0 : i32
      %dma_start3A_261 = tpu.memref_slice %arg4[%dma_start3A_260, %multiple_of3A_248] : memref<16x1000000xf32, #tpu.memory_space<hbm>> -> memref<16x128xf32, #tpu.memory_space<hbm>>
      tpu.enqueue_dma source(%dma_start3A_261 : memref<16x128xf32, #tpu.memory_space<hbm>>) target(%dma_start3A_259 : memref<16x128xf32, #tpu.memory_space<vmem>>) target_semaphore(%arg10 : memref<!tpu.dma_semaphore, #tpu.memory_space<semaphore_mem>>)
      %slice3A_262 = vector.extract_strided_slice %get3A_15 {offsets = [6], sizes = [1], strides = [1]} : vector<16xi32> to vector<1xi32>
      %squeeze3A_263 = vector.extract %slice3A_262[0] : i32 from vector<1xi32>
      %jit3A_264 = arith.constant 128 : i32
      %div3A_265 = arith.divsi %squeeze3A_263, %jit3A_264 : i32
      %sign3A_266 = arith.constant 0 : i32
      %sign3A_267 = arith.cmpi sgt, %squeeze3A_263, %sign3A_266 : i32
      %sign3A_268 = arith.extui %sign3A_267 : i1 to i32
      %sign3A_269 = arith.constant 0 : i32
      %sign3A_270 = arith.cmpi slt, %squeeze3A_263, %sign3A_269 : i32
      %sign3A_271 = arith.extui %sign3A_270 : i1 to i32
      %sign3A_272 = arith.subi %sign3A_268, %sign3A_271 : i32
      %sign3A_273 = arith.constant 0 : i32
      %sign3A_274 = arith.cmpi sgt, %jit3A_264, %sign3A_273 : i32
      %sign3A_275 = arith.extui %sign3A_274 : i1 to i32
      %sign3A_276 = arith.constant 0 : i32
      %sign3A_277 = arith.cmpi slt, %jit3A_264, %sign3A_276 : i32
      %sign3A_278 = arith.extui %sign3A_277 : i1 to i32
      %sign3A_279 = arith.subi %sign3A_275, %sign3A_278 : i32
      %ne3A_280 = arith.cmpi ne, %sign3A_272, %sign3A_279 : i32
      %rem3A_281 = arith.remsi %squeeze3A_263, %jit3A_264 : i32
      %ne3A_282 = arith.constant 0 : i32
      %ne3A_283 = arith.cmpi ne, %rem3A_281, %ne3A_282 : i32
      %and3A_284 = arith.andi %ne3A_280, %ne3A_283 : i1
      %sub3A_285 = arith.constant 1 : i32
      %sub3A_286 = arith.subi %div3A_265, %sub3A_285 : i32
      %select_n3A_287 = arith.select %and3A_284, %sub3A_286, %div3A_265 : i32
      %mul3A_288 = arith.constant 128 : i32
      %mul3A_289 = arith.muli %select_n3A_287, %mul3A_288 : i32
      %multiple_of3A_290 = tpu.assume_multiple %mul3A_289, 128 : i32
      %dma_start3A_291 = arith.constant 6 : i32
      %dma_start3A_292 = arith.constant 0 : i32
      %dma_start3A_293 = arith.constant 0 : i32
      %dma_start3A_294 = tpu.memref_slice %arg7[%dma_start3A_291, %dma_start3A_292, %dma_start3A_293] : memref<32x16x128xf32, #tpu.memory_space<vmem>> -> memref<1x16x128xf32, #tpu.memory_space<vmem>>
      %dma_start3A_295 = tpu.memref_squeeze %dma_start3A_294 : memref<1x16x128xf32, #tpu.memory_space<vmem>> -> memref<16x128xf32, #tpu.memory_space<vmem>>
      %dma_start3A_296 = arith.constant 0 : i32
      %dma_start3A_297 = tpu.memref_slice %arg4[%dma_start3A_296, %multiple_of3A_290] : memref<16x1000000xf32, #tpu.memory_space<hbm>> -> memref<16x128xf32, #tpu.memory_space<hbm>>
      %dma_start3A_298 = arith.constant 0 : i32
      %dma_start3A_299 = arith.constant 0 : i32
      %dma_start3A_300 = tpu.memref_slice %arg7[%dma_start3A_291, %dma_start3A_298, %dma_start3A_299] : memref<32x16x128xf32, #tpu.memory_space<vmem>> -> memref<1x16x128xf32, #tpu.memory_space<vmem>>
      %dma_start3A_301 = tpu.memref_squeeze %dma_start3A_300 : memref<1x16x128xf32, #tpu.memory_space<vmem>> -> memref<16x128xf32, #tpu.memory_space<vmem>>
      %dma_start3A_302 = arith.constant 0 : i32
      %dma_start3A_303 = tpu.memref_slice %arg4[%dma_start3A_302, %multiple_of3A_290] : memref<16x1000000xf32, #tpu.memory_space<hbm>> -> memref<16x128xf32, #tpu.memory_space<hbm>>
      tpu.enqueue_dma source(%dma_start3A_303 : memref<16x128xf32, #tpu.memory_space<hbm>>) target(%dma_start3A_301 : memref<16x128xf32, #tpu.memory_space<vmem>>) target_semaphore(%arg10 : memref<!tpu.dma_semaphore, #tpu.memory_space<semaphore_mem>>)
      %slice3A_304 = vector.extract_strided_slice %get3A_15 {offsets = [7], sizes = [1], strides = [1]} : vector<16xi32> to vector<1xi32>
      %squeeze3A_305 = vector.extract %slice3A_304[0] : i32 from vector<1xi32>
      %jit3A_306 = arith.constant 128 : i32
      %div3A_307 = arith.divsi %squeeze3A_305, %jit3A_306 : i32
      %sign3A_308 = arith.constant 0 : i32
      %sign3A_309 = arith.cmpi sgt, %squeeze3A_305, %sign3A_308 : i32
      %sign3A_310 = arith.extui %sign3A_309 : i1 to i32
      %sign3A_311 = arith.constant 0 : i32
      %sign3A_312 = arith.cmpi slt, %squeeze3A_305, %sign3A_311 : i32
      %sign3A_313 = arith.extui %sign3A_312 : i1 to i32
      %sign3A_314 = arith.subi %sign3A_310, %sign3A_313 : i32
      %sign3A_315 = arith.constant 0 : i32
      %sign3A_316 = arith.cmpi sgt, %jit3A_306, %sign3A_315 : i32
      %sign3A_317 = arith.extui %sign3A_316 : i1 to i32
      %sign3A_318 = arith.constant 0 : i32
      %sign3A_319 = arith.cmpi slt, %jit3A_306, %sign3A_318 : i32
      %sign3A_320 = arith.extui %sign3A_319 : i1 to i32
      %sign3A_321 = arith.subi %sign3A_317, %sign3A_320 : i32
      %ne3A_322 = arith.cmpi ne, %sign3A_314, %sign3A_321 : i32
      %rem3A_323 = arith.remsi %squeeze3A_305, %jit3A_306 : i32
      %ne3A_324 = arith.constant 0 : i32
      %ne3A_325 = arith.cmpi ne, %rem3A_323, %ne3A_324 : i32
      %and3A_326 = arith.andi %ne3A_322, %ne3A_325 : i1
      %sub3A_327 = arith.constant 1 : i32
      %sub3A_328 = arith.subi %div3A_307, %sub3A_327 : i32
      %select_n3A_329 = arith.select %and3A_326, %sub3A_328, %div3A_307 : i32
      %mul3A_330 = arith.constant 128 : i32
      %mul3A_331 = arith.muli %select_n3A_329, %mul3A_330 : i32
      %multiple_of3A_332 = tpu.assume_multiple %mul3A_331, 128 : i32
      %dma_start3A_333 = arith.constant 7 : i32
      %dma_start3A_334 = arith.constant 0 : i32
      %dma_start3A_335 = arith.constant 0 : i32
      %dma_start3A_336 = tpu.memref_slice %arg7[%dma_start3A_333, %dma_start3A_334, %dma_start3A_335] : memref<32x16x128xf32, #tpu.memory_space<vmem>> -> memref<1x16x128xf32, #tpu.memory_space<vmem>>
      %dma_start3A_337 = tpu.memref_squeeze %dma_start3A_336 : memref<1x16x128xf32, #tpu.memory_space<vmem>> -> memref<16x128xf32, #tpu.memory_space<vmem>>
      %dma_start3A_338 = arith.constant 0 : i32
      %dma_start3A_339 = tpu.memref_slice %arg4[%dma_start3A_338, %multiple_of3A_332] : memref<16x1000000xf32, #tpu.memory_space<hbm>> -> memref<16x128xf32, #tpu.memory_space<hbm>>
      %dma_start3A_340 = arith.constant 0 : i32
      %dma_start3A_341 = arith.constant 0 : i32
      %dma_start3A_342 = tpu.memref_slice %arg7[%dma_start3A_333, %dma_start3A_340, %dma_start3A_341] : memref<32x16x128xf32, #tpu.memory_space<vmem>> -> memref<1x16x128xf32, #tpu.memory_space<vmem>>
      %dma_start3A_343 = tpu.memref_squeeze %dma_start3A_342 : memref<1x16x128xf32, #tpu.memory_space<vmem>> -> memref<16x128xf32, #tpu.memory_space<vmem>>
      %dma_start3A_344 = arith.constant 0 : i32
      %dma_start3A_345 = tpu.memref_slice %arg4[%dma_start3A_344, %multiple_of3A_332] : memref<16x1000000xf32, #tpu.memory_space<hbm>> -> memref<16x128xf32, #tpu.memory_space<hbm>>
      tpu.enqueue_dma source(%dma_start3A_345 : memref<16x128xf32, #tpu.memory_space<hbm>>) target(%dma_start3A_343 : memref<16x128xf32, #tpu.memory_space<vmem>>) target_semaphore(%arg10 : memref<!tpu.dma_semaphore, #tpu.memory_space<semaphore_mem>>)
      %slice3A_346 = vector.extract_strided_slice %get3A_15 {offsets = [8], sizes = [1], strides = [1]} : vector<16xi32> to vector<1xi32>
      %squeeze3A_347 = vector.extract %slice3A_346[0] : i32 from vector<1xi32>
      %jit3A_348 = arith.constant 128 : i32
      %div3A_349 = arith.divsi %squeeze3A_347, %jit3A_348 : i32
      %sign3A_350 = arith.constant 0 : i32
      %sign3A_351 = arith.cmpi sgt, %squeeze3A_347, %sign3A_350 : i32
      %sign3A_352 = arith.extui %sign3A_351 : i1 to i32
      %sign3A_353 = arith.constant 0 : i32
      %sign3A_354 = arith.cmpi slt, %squeeze3A_347, %sign3A_353 : i32
      %sign3A_355 = arith.extui %sign3A_354 : i1 to i32
      %sign3A_356 = arith.subi %sign3A_352, %sign3A_355 : i32
      %sign3A_357 = arith.constant 0 : i32
      %sign3A_358 = arith.cmpi sgt, %jit3A_348, %sign3A_357 : i32
      %sign3A_359 = arith.extui %sign3A_358 : i1 to i32
      %sign3A_360 = arith.constant 0 : i32
      %sign3A_361 = arith.cmpi slt, %jit3A_348, %sign3A_360 : i32
      %sign3A_362 = arith.extui %sign3A_361 : i1 to i32
      %sign3A_363 = arith.subi %sign3A_359, %sign3A_362 : i32
      %ne3A_364 = arith.cmpi ne, %sign3A_356, %sign3A_363 : i32
      %rem3A_365 = arith.remsi %squeeze3A_347, %jit3A_348 : i32
      %ne3A_366 = arith.constant 0 : i32
      %ne3A_367 = arith.cmpi ne, %rem3A_365, %ne3A_366 : i32
      %and3A_368 = arith.andi %ne3A_364, %ne3A_367 : i1
      %sub3A_369 = arith.constant 1 : i32
      %sub3A_370 = arith.subi %div3A_349, %sub3A_369 : i32
      %select_n3A_371 = arith.select %and3A_368, %sub3A_370, %div3A_349 : i32
      %mul3A_372 = arith.constant 128 : i32
      %mul3A_373 = arith.muli %select_n3A_371, %mul3A_372 : i32
      %multiple_of3A_374 = tpu.assume_multiple %mul3A_373, 128 : i32
      %dma_start3A_375 = arith.constant 8 : i32
      %dma_start3A_376 = arith.constant 0 : i32
      %dma_start3A_377 = arith.constant 0 : i32
      %dma_start3A_378 = tpu.memref_slice %arg7[%dma_start3A_375, %dma_start3A_376, %dma_start3A_377] : memref<32x16x128xf32, #tpu.memory_space<vmem>> -> memref<1x16x128xf32, #tpu.memory_space<vmem>>
      %dma_start3A_379 = tpu.memref_squeeze %dma_start3A_378 : memref<1x16x128xf32, #tpu.memory_space<vmem>> -> memref<16x128xf32, #tpu.memory_space<vmem>>
      %dma_start3A_380 = arith.constant 0 : i32
      %dma_start3A_381 = tpu.memref_slice %arg4[%dma_start3A_380, %multiple_of3A_374] : memref<16x1000000xf32, #tpu.memory_space<hbm>> -> memref<16x128xf32, #tpu.memory_space<hbm>>
      %dma_start3A_382 = arith.constant 0 : i32
      %dma_start3A_383 = arith.constant 0 : i32
      %dma_start3A_384 = tpu.memref_slice %arg7[%dma_start3A_375, %dma_start3A_382, %dma_start3A_383] : memref<32x16x128xf32, #tpu.memory_space<vmem>> -> memref<1x16x128xf32, #tpu.memory_space<vmem>>
      %dma_start3A_385 = tpu.memref_squeeze %dma_start3A_384 : memref<1x16x128xf32, #tpu.memory_space<vmem>> -> memref<16x128xf32, #tpu.memory_space<vmem>>
      %dma_start3A_386 = arith.constant 0 : i32
      %dma_start3A_387 = tpu.memref_slice %arg4[%dma_start3A_386, %multiple_of3A_374] : memref<16x1000000xf32, #tpu.memory_space<hbm>> -> memref<16x128xf32, #tpu.memory_space<hbm>>
      tpu.enqueue_dma source(%dma_start3A_387 : memref<16x128xf32, #tpu.memory_space<hbm>>) target(%dma_start3A_385 : memref<16x128xf32, #tpu.memory_space<vmem>>) target_semaphore(%arg10 : memref<!tpu.dma_semaphore, #tpu.memory_space<semaphore_mem>>)
      %slice3A_388 = vector.extract_strided_slice %get3A_15 {offsets = [9], sizes = [1], strides = [1]} : vector<16xi32> to vector<1xi32>
      %squeeze3A_389 = vector.extract %slice3A_388[0] : i32 from vector<1xi32>
      %jit3A_390 = arith.constant 128 : i32
      %div3A_391 = arith.divsi %squeeze3A_389, %jit3A_390 : i32
      %sign3A_392 = arith.constant 0 : i32
      %sign3A_393 = arith.cmpi sgt, %squeeze3A_389, %sign3A_392 : i32
      %sign3A_394 = arith.extui %sign3A_393 : i1 to i32
      %sign3A_395 = arith.constant 0 : i32
      %sign3A_396 = arith.cmpi slt, %squeeze3A_389, %sign3A_395 : i32
      %sign3A_397 = arith.extui %sign3A_396 : i1 to i32
      %sign3A_398 = arith.subi %sign3A_394, %sign3A_397 : i32
      %sign3A_399 = arith.constant 0 : i32
      %sign3A_400 = arith.cmpi sgt, %jit3A_390, %sign3A_399 : i32
      %sign3A_401 = arith.extui %sign3A_400 : i1 to i32
      %sign3A_402 = arith.constant 0 : i32
      %sign3A_403 = arith.cmpi slt, %jit3A_390, %sign3A_402 : i32
      %sign3A_404 = arith.extui %sign3A_403 : i1 to i32
      %sign3A_405 = arith.subi %sign3A_401, %sign3A_404 : i32
      %ne3A_406 = arith.cmpi ne, %sign3A_398, %sign3A_405 : i32
      %rem3A_407 = arith.remsi %squeeze3A_389, %jit3A_390 : i32
      %ne3A_408 = arith.constant 0 : i32
      %ne3A_409 = arith.cmpi ne, %rem3A_407, %ne3A_408 : i32
      %and3A_410 = arith.andi %ne3A_406, %ne3A_409 : i1
      %sub3A_411 = arith.constant 1 : i32
      %sub3A_412 = arith.subi %div3A_391, %sub3A_411 : i32
      %select_n3A_413 = arith.select %and3A_410, %sub3A_412, %div3A_391 : i32
      %mul3A_414 = arith.constant 128 : i32
      %mul3A_415 = arith.muli %select_n3A_413, %mul3A_414 : i32
      %multiple_of3A_416 = tpu.assume_multiple %mul3A_415, 128 : i32
      %dma_start3A_417 = arith.constant 9 : i32
      %dma_start3A_418 = arith.constant 0 : i32
      %dma_start3A_419 = arith.constant 0 : i32
      %dma_start3A_420 = tpu.memref_slice %arg7[%dma_start3A_417, %dma_start3A_418, %dma_start3A_419] : memref<32x16x128xf32, #tpu.memory_space<vmem>> -> memref<1x16x128xf32, #tpu.memory_space<vmem>>
      %dma_start3A_421 = tpu.memref_squeeze %dma_start3A_420 : memref<1x16x128xf32, #tpu.memory_space<vmem>> -> memref<16x128xf32, #tpu.memory_space<vmem>>
      %dma_start3A_422 = arith.constant 0 : i32
      %dma_start3A_423 = tpu.memref_slice %arg4[%dma_start3A_422, %multiple_of3A_416] : memref<16x1000000xf32, #tpu.memory_space<hbm>> -> memref<16x128xf32, #tpu.memory_space<hbm>>
      %dma_start3A_424 = arith.constant 0 : i32
      %dma_start3A_425 = arith.constant 0 : i32
      %dma_start3A_426 = tpu.memref_slice %arg7[%dma_start3A_417, %dma_start3A_424, %dma_start3A_425] : memref<32x16x128xf32, #tpu.memory_space<vmem>> -> memref<1x16x128xf32, #tpu.memory_space<vmem>>
      %dma_start3A_427 = tpu.memref_squeeze %dma_start3A_426 : memref<1x16x128xf32, #tpu.memory_space<vmem>> -> memref<16x128xf32, #tpu.memory_space<vmem>>
      %dma_start3A_428 = arith.constant 0 : i32
      %dma_start3A_429 = tpu.memref_slice %arg4[%dma_start3A_428, %multiple_of3A_416] : memref<16x1000000xf32, #tpu.memory_space<hbm>> -> memref<16x128xf32, #tpu.memory_space<hbm>>
      tpu.enqueue_dma source(%dma_start3A_429 : memref<16x128xf32, #tpu.memory_space<hbm>>) target(%dma_start3A_427 : memref<16x128xf32, #tpu.memory_space<vmem>>) target_semaphore(%arg10 : memref<!tpu.dma_semaphore, #tpu.memory_space<semaphore_mem>>)
      %slice3A_430 = vector.extract_strided_slice %get3A_15 {offsets = [10], sizes = [1], strides = [1]} : vector<16xi32> to vector<1xi32>
      %squeeze3A_431 = vector.extract %slice3A_430[0] : i32 from vector<1xi32>
      %jit3A_432 = arith.constant 128 : i32
      %div3A_433 = arith.divsi %squeeze3A_431, %jit3A_432 : i32
      %sign3A_434 = arith.constant 0 : i32
      %sign3A_435 = arith.cmpi sgt, %squeeze3A_431, %sign3A_434 : i32
      %sign3A_436 = arith.extui %sign3A_435 : i1 to i32
      %sign3A_437 = arith.constant 0 : i32
      %sign3A_438 = arith.cmpi slt, %squeeze3A_431, %sign3A_437 : i32
      %sign3A_439 = arith.extui %sign3A_438 : i1 to i32
      %sign3A_440 = arith.subi %sign3A_436, %sign3A_439 : i32
      %sign3A_441 = arith.constant 0 : i32
      %sign3A_442 = arith.cmpi sgt, %jit3A_432, %sign3A_441 : i32
      %sign3A_443 = arith.extui %sign3A_442 : i1 to i32
      %sign3A_444 = arith.constant 0 : i32
      %sign3A_445 = arith.cmpi slt, %jit3A_432, %sign3A_444 : i32
      %sign3A_446 = arith.extui %sign3A_445 : i1 to i32
      %sign3A_447 = arith.subi %sign3A_443, %sign3A_446 : i32
      %ne3A_448 = arith.cmpi ne, %sign3A_440, %sign3A_447 : i32
      %rem3A_449 = arith.remsi %squeeze3A_431, %jit3A_432 : i32
      %ne3A_450 = arith.constant 0 : i32
      %ne3A_451 = arith.cmpi ne, %rem3A_449, %ne3A_450 : i32
      %and3A_452 = arith.andi %ne3A_448, %ne3A_451 : i1
      %sub3A_453 = arith.constant 1 : i32
      %sub3A_454 = arith.subi %div3A_433, %sub3A_453 : i32
      %select_n3A_455 = arith.select %and3A_452, %sub3A_454, %div3A_433 : i32
      %mul3A_456 = arith.constant 128 : i32
      %mul3A_457 = arith.muli %select_n3A_455, %mul3A_456 : i32
      %multiple_of3A_458 = tpu.assume_multiple %mul3A_457, 128 : i32
      %dma_start3A_459 = arith.constant 10 : i32
      %dma_start3A_460 = arith.constant 0 : i32
      %dma_start3A_461 = arith.constant 0 : i32
      %dma_start3A_462 = tpu.memref_slice %arg7[%dma_start3A_459, %dma_start3A_460, %dma_start3A_461] : memref<32x16x128xf32, #tpu.memory_space<vmem>> -> memref<1x16x128xf32, #tpu.memory_space<vmem>>
      %dma_start3A_463 = tpu.memref_squeeze %dma_start3A_462 : memref<1x16x128xf32, #tpu.memory_space<vmem>> -> memref<16x128xf32, #tpu.memory_space<vmem>>
      %dma_start3A_464 = arith.constant 0 : i32
      %dma_start3A_465 = tpu.memref_slice %arg4[%dma_start3A_464, %multiple_of3A_458] : memref<16x1000000xf32, #tpu.memory_space<hbm>> -> memref<16x128xf32, #tpu.memory_space<hbm>>
      %dma_start3A_466 = arith.constant 0 : i32
      %dma_start3A_467 = arith.constant 0 : i32
      %dma_start3A_468 = tpu.memref_slice %arg7[%dma_start3A_459, %dma_start3A_466, %dma_start3A_467] : memref<32x16x128xf32, #tpu.memory_space<vmem>> -> memref<1x16x128xf32, #tpu.memory_space<vmem>>
      %dma_start3A_469 = tpu.memref_squeeze %dma_start3A_468 : memref<1x16x128xf32, #tpu.memory_space<vmem>> -> memref<16x128xf32, #tpu.memory_space<vmem>>
      %dma_start3A_470 = arith.constant 0 : i32
      %dma_start3A_471 = tpu.memref_slice %arg4[%dma_start3A_470, %multiple_of3A_458] : memref<16x1000000xf32, #tpu.memory_space<hbm>> -> memref<16x128xf32, #tpu.memory_space<hbm>>
      tpu.enqueue_dma source(%dma_start3A_471 : memref<16x128xf32, #tpu.memory_space<hbm>>) target(%dma_start3A_469 : memref<16x128xf32, #tpu.memory_space<vmem>>) target_semaphore(%arg10 : memref<!tpu.dma_semaphore, #tpu.memory_space<semaphore_mem>>)
      %slice3A_472 = vector.extract_strided_slice %get3A_15 {offsets = [11], sizes = [1], strides = [1]} : vector<16xi32> to vector<1xi32>
      %squeeze3A_473 = vector.extract %slice3A_472[0] : i32 from vector<1xi32>
      %jit3A_474 = arith.constant 128 : i32
      %div3A_475 = arith.divsi %squeeze3A_473, %jit3A_474 : i32
      %sign3A_476 = arith.constant 0 : i32
      %sign3A_477 = arith.cmpi sgt, %squeeze3A_473, %sign3A_476 : i32
      %sign3A_478 = arith.extui %sign3A_477 : i1 to i32
      %sign3A_479 = arith.constant 0 : i32
      %sign3A_480 = arith.cmpi slt, %squeeze3A_473, %sign3A_479 : i32
      %sign3A_481 = arith.extui %sign3A_480 : i1 to i32
      %sign3A_482 = arith.subi %sign3A_478, %sign3A_481 : i32
      %sign3A_483 = arith.constant 0 : i32
      %sign3A_484 = arith.cmpi sgt, %jit3A_474, %sign3A_483 : i32
      %sign3A_485 = arith.extui %sign3A_484 : i1 to i32
      %sign3A_486 = arith.constant 0 : i32
      %sign3A_487 = arith.cmpi slt, %jit3A_474, %sign3A_486 : i32
      %sign3A_488 = arith.extui %sign3A_487 : i1 to i32
      %sign3A_489 = arith.subi %sign3A_485, %sign3A_488 : i32
      %ne3A_490 = arith.cmpi ne, %sign3A_482, %sign3A_489 : i32
      %rem3A_491 = arith.remsi %squeeze3A_473, %jit3A_474 : i32
      %ne3A_492 = arith.constant 0 : i32
      %ne3A_493 = arith.cmpi ne, %rem3A_491, %ne3A_492 : i32
      %and3A_494 = arith.andi %ne3A_490, %ne3A_493 : i1
      %sub3A_495 = arith.constant 1 : i32
      %sub3A_496 = arith.subi %div3A_475, %sub3A_495 : i32
      %select_n3A_497 = arith.select %and3A_494, %sub3A_496, %div3A_475 : i32
      %mul3A_498 = arith.constant 128 : i32
      %mul3A_499 = arith.muli %select_n3A_497, %mul3A_498 : i32
      %multiple_of3A_500 = tpu.assume_multiple %mul3A_499, 128 : i32
      %dma_start3A_501 = arith.constant 11 : i32
      %dma_start3A_502 = arith.constant 0 : i32
      %dma_start3A_503 = arith.constant 0 : i32
      %dma_start3A_504 = tpu.memref_slice %arg7[%dma_start3A_501, %dma_start3A_502, %dma_start3A_503] : memref<32x16x128xf32, #tpu.memory_space<vmem>> -> memref<1x16x128xf32, #tpu.memory_space<vmem>>
      %dma_start3A_505 = tpu.memref_squeeze %dma_start3A_504 : memref<1x16x128xf32, #tpu.memory_space<vmem>> -> memref<16x128xf32, #tpu.memory_space<vmem>>
      %dma_start3A_506 = arith.constant 0 : i32
      %dma_start3A_507 = tpu.memref_slice %arg4[%dma_start3A_506, %multiple_of3A_500] : memref<16x1000000xf32, #tpu.memory_space<hbm>> -> memref<16x128xf32, #tpu.memory_space<hbm>>
      %dma_start3A_508 = arith.constant 0 : i32
      %dma_start3A_509 = arith.constant 0 : i32
      %dma_start3A_510 = tpu.memref_slice %arg7[%dma_start3A_501, %dma_start3A_508, %dma_start3A_509] : memref<32x16x128xf32, #tpu.memory_space<vmem>> -> memref<1x16x128xf32, #tpu.memory_space<vmem>>
      %dma_start3A_511 = tpu.memref_squeeze %dma_start3A_510 : memref<1x16x128xf32, #tpu.memory_space<vmem>> -> memref<16x128xf32, #tpu.memory_space<vmem>>
      %dma_start3A_512 = arith.constant 0 : i32
      %dma_start3A_513 = tpu.memref_slice %arg4[%dma_start3A_512, %multiple_of3A_500] : memref<16x1000000xf32, #tpu.memory_space<hbm>> -> memref<16x128xf32, #tpu.memory_space<hbm>>
      tpu.enqueue_dma source(%dma_start3A_513 : memref<16x128xf32, #tpu.memory_space<hbm>>) target(%dma_start3A_511 : memref<16x128xf32, #tpu.memory_space<vmem>>) target_semaphore(%arg10 : memref<!tpu.dma_semaphore, #tpu.memory_space<semaphore_mem>>)
      %slice3A_514 = vector.extract_strided_slice %get3A_15 {offsets = [12], sizes = [1], strides = [1]} : vector<16xi32> to vector<1xi32>
      %squeeze3A_515 = vector.extract %slice3A_514[0] : i32 from vector<1xi32>
      %jit3A_516 = arith.constant 128 : i32
      %div3A_517 = arith.divsi %squeeze3A_515, %jit3A_516 : i32
      %sign3A_518 = arith.constant 0 : i32
      %sign3A_519 = arith.cmpi sgt, %squeeze3A_515, %sign3A_518 : i32
      %sign3A_520 = arith.extui %sign3A_519 : i1 to i32
      %sign3A_521 = arith.constant 0 : i32
      %sign3A_522 = arith.cmpi slt, %squeeze3A_515, %sign3A_521 : i32
      %sign3A_523 = arith.extui %sign3A_522 : i1 to i32
      %sign3A_524 = arith.subi %sign3A_520, %sign3A_523 : i32
      %sign3A_525 = arith.constant 0 : i32
      %sign3A_526 = arith.cmpi sgt, %jit3A_516, %sign3A_525 : i32
      %sign3A_527 = arith.extui %sign3A_526 : i1 to i32
      %sign3A_528 = arith.constant 0 : i32
      %sign3A_529 = arith.cmpi slt, %jit3A_516, %sign3A_528 : i32
      %sign3A_530 = arith.extui %sign3A_529 : i1 to i32
      %sign3A_531 = arith.subi %sign3A_527, %sign3A_530 : i32
      %ne3A_532 = arith.cmpi ne, %sign3A_524, %sign3A_531 : i32
      %rem3A_533 = arith.remsi %squeeze3A_515, %jit3A_516 : i32
      %ne3A_534 = arith.constant 0 : i32
      %ne3A_535 = arith.cmpi ne, %rem3A_533, %ne3A_534 : i32
      %and3A_536 = arith.andi %ne3A_532, %ne3A_535 : i1
      %sub3A_537 = arith.constant 1 : i32
      %sub3A_538 = arith.subi %div3A_517, %sub3A_537 : i32
      %select_n3A_539 = arith.select %and3A_536, %sub3A_538, %div3A_517 : i32
      %mul3A_540 = arith.constant 128 : i32
      %mul3A_541 = arith.muli %select_n3A_539, %mul3A_540 : i32
      %multiple_of3A_542 = tpu.assume_multiple %mul3A_541, 128 : i32
      %dma_start3A_543 = arith.constant 12 : i32
      %dma_start3A_544 = arith.constant 0 : i32
      %dma_start3A_545 = arith.constant 0 : i32
      %dma_start3A_546 = tpu.memref_slice %arg7[%dma_start3A_543, %dma_start3A_544, %dma_start3A_545] : memref<32x16x128xf32, #tpu.memory_space<vmem>> -> memref<1x16x128xf32, #tpu.memory_space<vmem>>
      %dma_start3A_547 = tpu.memref_squeeze %dma_start3A_546 : memref<1x16x128xf32, #tpu.memory_space<vmem>> -> memref<16x128xf32, #tpu.memory_space<vmem>>
      %dma_start3A_548 = arith.constant 0 : i32
      %dma_start3A_549 = tpu.memref_slice %arg4[%dma_start3A_548, %multiple_of3A_542] : memref<16x1000000xf32, #tpu.memory_space<hbm>> -> memref<16x128xf32, #tpu.memory_space<hbm>>
      %dma_start3A_550 = arith.constant 0 : i32
      %dma_start3A_551 = arith.constant 0 : i32
      %dma_start3A_552 = tpu.memref_slice %arg7[%dma_start3A_543, %dma_start3A_550, %dma_start3A_551] : memref<32x16x128xf32, #tpu.memory_space<vmem>> -> memref<1x16x128xf32, #tpu.memory_space<vmem>>
      %dma_start3A_553 = tpu.memref_squeeze %dma_start3A_552 : memref<1x16x128xf32, #tpu.memory_space<vmem>> -> memref<16x128xf32, #tpu.memory_space<vmem>>
      %dma_start3A_554 = arith.constant 0 : i32
      %dma_start3A_555 = tpu.memref_slice %arg4[%dma_start3A_554, %multiple_of3A_542] : memref<16x1000000xf32, #tpu.memory_space<hbm>> -> memref<16x128xf32, #tpu.memory_space<hbm>>
      tpu.enqueue_dma source(%dma_start3A_555 : memref<16x128xf32, #tpu.memory_space<hbm>>) target(%dma_start3A_553 : memref<16x128xf32, #tpu.memory_space<vmem>>) target_semaphore(%arg10 : memref<!tpu.dma_semaphore, #tpu.memory_space<semaphore_mem>>)
      %slice3A_556 = vector.extract_strided_slice %get3A_15 {offsets = [13], sizes = [1], strides = [1]} : vector<16xi32> to vector<1xi32>
      %squeeze3A_557 = vector.extract %slice3A_556[0] : i32 from vector<1xi32>
      %jit3A_558 = arith.constant 128 : i32
      %div3A_559 = arith.divsi %squeeze3A_557, %jit3A_558 : i32
      %sign3A_560 = arith.constant 0 : i32
      %sign3A_561 = arith.cmpi sgt, %squeeze3A_557, %sign3A_560 : i32
      %sign3A_562 = arith.extui %sign3A_561 : i1 to i32
      %sign3A_563 = arith.constant 0 : i32
      %sign3A_564 = arith.cmpi slt, %squeeze3A_557, %sign3A_563 : i32
      %sign3A_565 = arith.extui %sign3A_564 : i1 to i32
      %sign3A_566 = arith.subi %sign3A_562, %sign3A_565 : i32
      %sign3A_567 = arith.constant 0 : i32
      %sign3A_568 = arith.cmpi sgt, %jit3A_558, %sign3A_567 : i32
      %sign3A_569 = arith.extui %sign3A_568 : i1 to i32
      %sign3A_570 = arith.constant 0 : i32
      %sign3A_571 = arith.cmpi slt, %jit3A_558, %sign3A_570 : i32
      %sign3A_572 = arith.extui %sign3A_571 : i1 to i32
      %sign3A_573 = arith.subi %sign3A_569, %sign3A_572 : i32
      %ne3A_574 = arith.cmpi ne, %sign3A_566, %sign3A_573 : i32
      %rem3A_575 = arith.remsi %squeeze3A_557, %jit3A_558 : i32
      %ne3A_576 = arith.constant 0 : i32
      %ne3A_577 = arith.cmpi ne, %rem3A_575, %ne3A_576 : i32
      %and3A_578 = arith.andi %ne3A_574, %ne3A_577 : i1
      %sub3A_579 = arith.constant 1 : i32
      %sub3A_580 = arith.subi %div3A_559, %sub3A_579 : i32
      %select_n3A_581 = arith.select %and3A_578, %sub3A_580, %div3A_559 : i32
      %mul3A_582 = arith.constant 128 : i32
      %mul3A_583 = arith.muli %select_n3A_581, %mul3A_582 : i32
      %multiple_of3A_584 = tpu.assume_multiple %mul3A_583, 128 : i32
      %dma_start3A_585 = arith.constant 13 : i32
      %dma_start3A_586 = arith.constant 0 : i32
      %dma_start3A_587 = arith.constant 0 : i32
      %dma_start3A_588 = tpu.memref_slice %arg7[%dma_start3A_585, %dma_start3A_586, %dma_start3A_587] : memref<32x16x128xf32, #tpu.memory_space<vmem>> -> memref<1x16x128xf32, #tpu.memory_space<vmem>>
      %dma_start3A_589 = tpu.memref_squeeze %dma_start3A_588 : memref<1x16x128xf32, #tpu.memory_space<vmem>> -> memref<16x128xf32, #tpu.memory_space<vmem>>
      %dma_start3A_590 = arith.constant 0 : i32
      %dma_start3A_591 = tpu.memref_slice %arg4[%dma_start3A_590, %multiple_of3A_584] : memref<16x1000000xf32, #tpu.memory_space<hbm>> -> memref<16x128xf32, #tpu.memory_space<hbm>>
      %dma_start3A_592 = arith.constant 0 : i32
      %dma_start3A_593 = arith.constant 0 : i32
      %dma_start3A_594 = tpu.memref_slice %arg7[%dma_start3A_585, %dma_start3A_592, %dma_start3A_593] : memref<32x16x128xf32, #tpu.memory_space<vmem>> -> memref<1x16x128xf32, #tpu.memory_space<vmem>>
      %dma_start3A_595 = tpu.memref_squeeze %dma_start3A_594 : memref<1x16x128xf32, #tpu.memory_space<vmem>> -> memref<16x128xf32, #tpu.memory_space<vmem>>
      %dma_start3A_596 = arith.constant 0 : i32
      %dma_start3A_597 = tpu.memref_slice %arg4[%dma_start3A_596, %multiple_of3A_584] : memref<16x1000000xf32, #tpu.memory_space<hbm>> -> memref<16x128xf32, #tpu.memory_space<hbm>>
      tpu.enqueue_dma source(%dma_start3A_597 : memref<16x128xf32, #tpu.memory_space<hbm>>) target(%dma_start3A_595 : memref<16x128xf32, #tpu.memory_space<vmem>>) target_semaphore(%arg10 : memref<!tpu.dma_semaphore, #tpu.memory_space<semaphore_mem>>)
      %slice3A_598 = vector.extract_strided_slice %get3A_15 {offsets = [14], sizes = [1], strides = [1]} : vector<16xi32> to vector<1xi32>
      %squeeze3A_599 = vector.extract %slice3A_598[0] : i32 from vector<1xi32>
      %jit3A_600 = arith.constant 128 : i32
      %div3A_601 = arith.divsi %squeeze3A_599, %jit3A_600 : i32
      %sign3A_602 = arith.constant 0 : i32
      %sign3A_603 = arith.cmpi sgt, %squeeze3A_599, %sign3A_602 : i32
      %sign3A_604 = arith.extui %sign3A_603 : i1 to i32
      %sign3A_605 = arith.constant 0 : i32
      %sign3A_606 = arith.cmpi slt, %squeeze3A_599, %sign3A_605 : i32
      %sign3A_607 = arith.extui %sign3A_606 : i1 to i32
      %sign3A_608 = arith.subi %sign3A_604, %sign3A_607 : i32
      %sign3A_609 = arith.constant 0 : i32
      %sign3A_610 = arith.cmpi sgt, %jit3A_600, %sign3A_609 : i32
      %sign3A_611 = arith.extui %sign3A_610 : i1 to i32
      %sign3A_612 = arith.constant 0 : i32
      %sign3A_613 = arith.cmpi slt, %jit3A_600, %sign3A_612 : i32
      %sign3A_614 = arith.extui %sign3A_613 : i1 to i32
      %sign3A_615 = arith.subi %sign3A_611, %sign3A_614 : i32
      %ne3A_616 = arith.cmpi ne, %sign3A_608, %sign3A_615 : i32
      %rem3A_617 = arith.remsi %squeeze3A_599, %jit3A_600 : i32
      %ne3A_618 = arith.constant 0 : i32
      %ne3A_619 = arith.cmpi ne, %rem3A_617, %ne3A_618 : i32
      %and3A_620 = arith.andi %ne3A_616, %ne3A_619 : i1
      %sub3A_621 = arith.constant 1 : i32
      %sub3A_622 = arith.subi %div3A_601, %sub3A_621 : i32
      %select_n3A_623 = arith.select %and3A_620, %sub3A_622, %div3A_601 : i32
      %mul3A_624 = arith.constant 128 : i32
      %mul3A_625 = arith.muli %select_n3A_623, %mul3A_624 : i32
      %multiple_of3A_626 = tpu.assume_multiple %mul3A_625, 128 : i32
      %dma_start3A_627 = arith.constant 14 : i32
      %dma_start3A_628 = arith.constant 0 : i32
      %dma_start3A_629 = arith.constant 0 : i32
      %dma_start3A_630 = tpu.memref_slice %arg7[%dma_start3A_627, %dma_start3A_628, %dma_start3A_629] : memref<32x16x128xf32, #tpu.memory_space<vmem>> -> memref<1x16x128xf32, #tpu.memory_space<vmem>>
      %dma_start3A_631 = tpu.memref_squeeze %dma_start3A_630 : memref<1x16x128xf32, #tpu.memory_space<vmem>> -> memref<16x128xf32, #tpu.memory_space<vmem>>
      %dma_start3A_632 = arith.constant 0 : i32
      %dma_start3A_633 = tpu.memref_slice %arg4[%dma_start3A_632, %multiple_of3A_626] : memref<16x1000000xf32, #tpu.memory_space<hbm>> -> memref<16x128xf32, #tpu.memory_space<hbm>>
      %dma_start3A_634 = arith.constant 0 : i32
      %dma_start3A_635 = arith.constant 0 : i32
      %dma_start3A_636 = tpu.memref_slice %arg7[%dma_start3A_627, %dma_start3A_634, %dma_start3A_635] : memref<32x16x128xf32, #tpu.memory_space<vmem>> -> memref<1x16x128xf32, #tpu.memory_space<vmem>>
      %dma_start3A_637 = tpu.memref_squeeze %dma_start3A_636 : memref<1x16x128xf32, #tpu.memory_space<vmem>> -> memref<16x128xf32, #tpu.memory_space<vmem>>
      %dma_start3A_638 = arith.constant 0 : i32
      %dma_start3A_639 = tpu.memref_slice %arg4[%dma_start3A_638, %multiple_of3A_626] : memref<16x1000000xf32, #tpu.memory_space<hbm>> -> memref<16x128xf32, #tpu.memory_space<hbm>>
      tpu.enqueue_dma source(%dma_start3A_639 : memref<16x128xf32, #tpu.memory_space<hbm>>) target(%dma_start3A_637 : memref<16x128xf32, #tpu.memory_space<vmem>>) target_semaphore(%arg10 : memref<!tpu.dma_semaphore, #tpu.memory_space<semaphore_mem>>)
      %slice3A_640 = vector.extract_strided_slice %get3A_15 {offsets = [15], sizes = [1], strides = [1]} : vector<16xi32> to vector<1xi32>
      %squeeze3A_641 = vector.extract %slice3A_640[0] : i32 from vector<1xi32>
      %jit3A_642 = arith.constant 128 : i32
      %div3A_643 = arith.divsi %squeeze3A_641, %jit3A_642 : i32
      %sign3A_644 = arith.constant 0 : i32
      %sign3A_645 = arith.cmpi sgt, %squeeze3A_641, %sign3A_644 : i32
      %sign3A_646 = arith.extui %sign3A_645 : i1 to i32
      %sign3A_647 = arith.constant 0 : i32
      %sign3A_648 = arith.cmpi slt, %squeeze3A_641, %sign3A_647 : i32
      %sign3A_649 = arith.extui %sign3A_648 : i1 to i32
      %sign3A_650 = arith.subi %sign3A_646, %sign3A_649 : i32
      %sign3A_651 = arith.constant 0 : i32
      %sign3A_652 = arith.cmpi sgt, %jit3A_642, %sign3A_651 : i32
      %sign3A_653 = arith.extui %sign3A_652 : i1 to i32
      %sign3A_654 = arith.constant 0 : i32
      %sign3A_655 = arith.cmpi slt, %jit3A_642, %sign3A_654 : i32
      %sign3A_656 = arith.extui %sign3A_655 : i1 to i32
      %sign3A_657 = arith.subi %sign3A_653, %sign3A_656 : i32
      %ne3A_658 = arith.cmpi ne, %sign3A_650, %sign3A_657 : i32
      %rem3A_659 = arith.remsi %squeeze3A_641, %jit3A_642 : i32
      %ne3A_660 = arith.constant 0 : i32
      %ne3A_661 = arith.cmpi ne, %rem3A_659, %ne3A_660 : i32
      %and3A_662 = arith.andi %ne3A_658, %ne3A_661 : i1
      %sub3A_663 = arith.constant 1 : i32
      %sub3A_664 = arith.subi %div3A_643, %sub3A_663 : i32
      %select_n3A_665 = arith.select %and3A_662, %sub3A_664, %div3A_643 : i32
      %mul3A_666 = arith.constant 128 : i32
      %mul3A_667 = arith.muli %select_n3A_665, %mul3A_666 : i32
      %multiple_of3A_668 = tpu.assume_multiple %mul3A_667, 128 : i32
      %dma_start3A_669 = arith.constant 15 : i32
      %dma_start3A_670 = arith.constant 0 : i32
      %dma_start3A_671 = arith.constant 0 : i32
      %dma_start3A_672 = tpu.memref_slice %arg7[%dma_start3A_669, %dma_start3A_670, %dma_start3A_671] : memref<32x16x128xf32, #tpu.memory_space<vmem>> -> memref<1x16x128xf32, #tpu.memory_space<vmem>>
      %dma_start3A_673 = tpu.memref_squeeze %dma_start3A_672 : memref<1x16x128xf32, #tpu.memory_space<vmem>> -> memref<16x128xf32, #tpu.memory_space<vmem>>
      %dma_start3A_674 = arith.constant 0 : i32
      %dma_start3A_675 = tpu.memref_slice %arg4[%dma_start3A_674, %multiple_of3A_668] : memref<16x1000000xf32, #tpu.memory_space<hbm>> -> memref<16x128xf32, #tpu.memory_space<hbm>>
      %dma_start3A_676 = arith.constant 0 : i32
      %dma_start3A_677 = arith.constant 0 : i32
      %dma_start3A_678 = tpu.memref_slice %arg7[%dma_start3A_669, %dma_start3A_676, %dma_start3A_677] : memref<32x16x128xf32, #tpu.memory_space<vmem>> -> memref<1x16x128xf32, #tpu.memory_space<vmem>>
      %dma_start3A_679 = tpu.memref_squeeze %dma_start3A_678 : memref<1x16x128xf32, #tpu.memory_space<vmem>> -> memref<16x128xf32, #tpu.memory_space<vmem>>
      %dma_start3A_680 = arith.constant 0 : i32
      %dma_start3A_681 = tpu.memref_slice %arg4[%dma_start3A_680, %multiple_of3A_668] : memref<16x1000000xf32, #tpu.memory_space<hbm>> -> memref<16x128xf32, #tpu.memory_space<hbm>>
      tpu.enqueue_dma source(%dma_start3A_681 : memref<16x128xf32, #tpu.memory_space<hbm>>) target(%dma_start3A_679 : memref<16x128xf32, #tpu.memory_space<vmem>>) target_semaphore(%arg10 : memref<!tpu.dma_semaphore, #tpu.memory_space<semaphore_mem>>)
      %slice3A_682 = vector.extract_strided_slice %get3A_21 {offsets = [0], sizes = [1], strides = [1]} : vector<16xi32> to vector<1xi32>
      %squeeze3A_683 = vector.extract %slice3A_682[0] : i32 from vector<1xi32>
      %jit3A_684 = arith.constant 128 : i32
      %div3A_685 = arith.divsi %squeeze3A_683, %jit3A_684 : i32
      %sign3A_686 = arith.constant 0 : i32
      %sign3A_687 = arith.cmpi sgt, %squeeze3A_683, %sign3A_686 : i32
      %sign3A_688 = arith.extui %sign3A_687 : i1 to i32
      %sign3A_689 = arith.constant 0 : i32
      %sign3A_690 = arith.cmpi slt, %squeeze3A_683, %sign3A_689 : i32
      %sign3A_691 = arith.extui %sign3A_690 : i1 to i32
      %sign3A_692 = arith.subi %sign3A_688, %sign3A_691 : i32
      %sign3A_693 = arith.constant 0 : i32
      %sign3A_694 = arith.cmpi sgt, %jit3A_684, %sign3A_693 : i32
      %sign3A_695 = arith.extui %sign3A_694 : i1 to i32
      %sign3A_696 = arith.constant 0 : i32
      %sign3A_697 = arith.cmpi slt, %jit3A_684, %sign3A_696 : i32
      %sign3A_698 = arith.extui %sign3A_697 : i1 to i32
      %sign3A_699 = arith.subi %sign3A_695, %sign3A_698 : i32
      %ne3A_700 = arith.cmpi ne, %sign3A_692, %sign3A_699 : i32
      %rem3A_701 = arith.remsi %squeeze3A_683, %jit3A_684 : i32
      %ne3A_702 = arith.constant 0 : i32
      %ne3A_703 = arith.cmpi ne, %rem3A_701, %ne3A_702 : i32
      %and3A_704 = arith.andi %ne3A_700, %ne3A_703 : i1
      %sub3A_705 = arith.constant 1 : i32
      %sub3A_706 = arith.subi %div3A_685, %sub3A_705 : i32
      %select_n3A_707 = arith.select %and3A_704, %sub3A_706, %div3A_685 : i32
      %mul3A_708 = arith.constant 128 : i32
      %mul3A_709 = arith.muli %select_n3A_707, %mul3A_708 : i32
      %multiple_of3A_710 = tpu.assume_multiple %mul3A_709, 128 : i32
      %dma_start3A_711 = arith.constant 16 : i32
      %dma_start3A_712 = arith.constant 0 : i32
      %dma_start3A_713 = arith.constant 0 : i32
      %dma_start3A_714 = tpu.memref_slice %arg7[%dma_start3A_711, %dma_start3A_712, %dma_start3A_713] : memref<32x16x128xf32, #tpu.memory_space<vmem>> -> memref<1x16x128xf32, #tpu.memory_space<vmem>>
      %dma_start3A_715 = tpu.memref_squeeze %dma_start3A_714 : memref<1x16x128xf32, #tpu.memory_space<vmem>> -> memref<16x128xf32, #tpu.memory_space<vmem>>
      %dma_start3A_716 = arith.constant 0 : i32
      %dma_start3A_717 = tpu.memref_slice %arg4[%dma_start3A_716, %multiple_of3A_710] : memref<16x1000000xf32, #tpu.memory_space<hbm>> -> memref<16x128xf32, #tpu.memory_space<hbm>>
      %dma_start3A_718 = arith.constant 0 : i32
      %dma_start3A_719 = arith.constant 0 : i32
      %dma_start3A_720 = tpu.memref_slice %arg7[%dma_start3A_711, %dma_start3A_718, %dma_start3A_719] : memref<32x16x128xf32, #tpu.memory_space<vmem>> -> memref<1x16x128xf32, #tpu.memory_space<vmem>>
      %dma_start3A_721 = tpu.memref_squeeze %dma_start3A_720 : memref<1x16x128xf32, #tpu.memory_space<vmem>> -> memref<16x128xf32, #tpu.memory_space<vmem>>
      %dma_start3A_722 = arith.constant 0 : i32
      %dma_start3A_723 = tpu.memref_slice %arg4[%dma_start3A_722, %multiple_of3A_710] : memref<16x1000000xf32, #tpu.memory_space<hbm>> -> memref<16x128xf32, #tpu.memory_space<hbm>>
      tpu.enqueue_dma source(%dma_start3A_723 : memref<16x128xf32, #tpu.memory_space<hbm>>) target(%dma_start3A_721 : memref<16x128xf32, #tpu.memory_space<vmem>>) target_semaphore(%arg10 : memref<!tpu.dma_semaphore, #tpu.memory_space<semaphore_mem>>)
      %slice3A_724 = vector.extract_strided_slice %get3A_21 {offsets = [1], sizes = [1], strides = [1]} : vector<16xi32> to vector<1xi32>
      %squeeze3A_725 = vector.extract %slice3A_724[0] : i32 from vector<1xi32>
      %jit3A_726 = arith.constant 128 : i32
      %div3A_727 = arith.divsi %squeeze3A_725, %jit3A_726 : i32
      %sign3A_728 = arith.constant 0 : i32
      %sign3A_729 = arith.cmpi sgt, %squeeze3A_725, %sign3A_728 : i32
      %sign3A_730 = arith.extui %sign3A_729 : i1 to i32
      %sign3A_731 = arith.constant 0 : i32
      %sign3A_732 = arith.cmpi slt, %squeeze3A_725, %sign3A_731 : i32
      %sign3A_733 = arith.extui %sign3A_732 : i1 to i32
      %sign3A_734 = arith.subi %sign3A_730, %sign3A_733 : i32
      %sign3A_735 = arith.constant 0 : i32
      %sign3A_736 = arith.cmpi sgt, %jit3A_726, %sign3A_735 : i32
      %sign3A_737 = arith.extui %sign3A_736 : i1 to i32
      %sign3A_738 = arith.constant 0 : i32
      %sign3A_739 = arith.cmpi slt, %jit3A_726, %sign3A_738 : i32
      %sign3A_740 = arith.extui %sign3A_739 : i1 to i32
      %sign3A_741 = arith.subi %sign3A_737, %sign3A_740 : i32
      %ne3A_742 = arith.cmpi ne, %sign3A_734, %sign3A_741 : i32
      %rem3A_743 = arith.remsi %squeeze3A_725, %jit3A_726 : i32
      %ne3A_744 = arith.constant 0 : i32
      %ne3A_745 = arith.cmpi ne, %rem3A_743, %ne3A_744 : i32
      %and3A_746 = arith.andi %ne3A_742, %ne3A_745 : i1
      %sub3A_747 = arith.constant 1 : i32
      %sub3A_748 = arith.subi %div3A_727, %sub3A_747 : i32
      %select_n3A_749 = arith.select %and3A_746, %sub3A_748, %div3A_727 : i32
      %mul3A_750 = arith.constant 128 : i32
      %mul3A_751 = arith.muli %select_n3A_749, %mul3A_750 : i32
      %multiple_of3A_752 = tpu.assume_multiple %mul3A_751, 128 : i32
      %dma_start3A_753 = arith.constant 17 : i32
      %dma_start3A_754 = arith.constant 0 : i32
      %dma_start3A_755 = arith.constant 0 : i32
      %dma_start3A_756 = tpu.memref_slice %arg7[%dma_start3A_753, %dma_start3A_754, %dma_start3A_755] : memref<32x16x128xf32, #tpu.memory_space<vmem>> -> memref<1x16x128xf32, #tpu.memory_space<vmem>>
      %dma_start3A_757 = tpu.memref_squeeze %dma_start3A_756 : memref<1x16x128xf32, #tpu.memory_space<vmem>> -> memref<16x128xf32, #tpu.memory_space<vmem>>
      %dma_start3A_758 = arith.constant 0 : i32
      %dma_start3A_759 = tpu.memref_slice %arg4[%dma_start3A_758, %multiple_of3A_752] : memref<16x1000000xf32, #tpu.memory_space<hbm>> -> memref<16x128xf32, #tpu.memory_space<hbm>>
      %dma_start3A_760 = arith.constant 0 : i32
      %dma_start3A_761 = arith.constant 0 : i32
      %dma_start3A_762 = tpu.memref_slice %arg7[%dma_start3A_753, %dma_start3A_760, %dma_start3A_761] : memref<32x16x128xf32, #tpu.memory_space<vmem>> -> memref<1x16x128xf32, #tpu.memory_space<vmem>>
      %dma_start3A_763 = tpu.memref_squeeze %dma_start3A_762 : memref<1x16x128xf32, #tpu.memory_space<vmem>> -> memref<16x128xf32, #tpu.memory_space<vmem>>
      %dma_start3A_764 = arith.constant 0 : i32
      %dma_start3A_765 = tpu.memref_slice %arg4[%dma_start3A_764, %multiple_of3A_752] : memref<16x1000000xf32, #tpu.memory_space<hbm>> -> memref<16x128xf32, #tpu.memory_space<hbm>>
      tpu.enqueue_dma source(%dma_start3A_765 : memref<16x128xf32, #tpu.memory_space<hbm>>) target(%dma_start3A_763 : memref<16x128xf32, #tpu.memory_space<vmem>>) target_semaphore(%arg10 : memref<!tpu.dma_semaphore, #tpu.memory_space<semaphore_mem>>)
      %slice3A_766 = vector.extract_strided_slice %get3A_21 {offsets = [2], sizes = [1], strides = [1]} : vector<16xi32> to vector<1xi32>
      %squeeze3A_767 = vector.extract %slice3A_766[0] : i32 from vector<1xi32>
      %jit3A_768 = arith.constant 128 : i32
      %div3A_769 = arith.divsi %squeeze3A_767, %jit3A_768 : i32
      %sign3A_770 = arith.constant 0 : i32
      %sign3A_771 = arith.cmpi sgt, %squeeze3A_767, %sign3A_770 : i32
      %sign3A_772 = arith.extui %sign3A_771 : i1 to i32
      %sign3A_773 = arith.constant 0 : i32
      %sign3A_774 = arith.cmpi slt, %squeeze3A_767, %sign3A_773 : i32
      %sign3A_775 = arith.extui %sign3A_774 : i1 to i32
      %sign3A_776 = arith.subi %sign3A_772, %sign3A_775 : i32
      %sign3A_777 = arith.constant 0 : i32
      %sign3A_778 = arith.cmpi sgt, %jit3A_768, %sign3A_777 : i32
      %sign3A_779 = arith.extui %sign3A_778 : i1 to i32
      %sign3A_780 = arith.constant 0 : i32
      %sign3A_781 = arith.cmpi slt, %jit3A_768, %sign3A_780 : i32
      %sign3A_782 = arith.extui %sign3A_781 : i1 to i32
      %sign3A_783 = arith.subi %sign3A_779, %sign3A_782 : i32
      %ne3A_784 = arith.cmpi ne, %sign3A_776, %sign3A_783 : i32
      %rem3A_785 = arith.remsi %squeeze3A_767, %jit3A_768 : i32
      %ne3A_786 = arith.constant 0 : i32
      %ne3A_787 = arith.cmpi ne, %rem3A_785, %ne3A_786 : i32
      %and3A_788 = arith.andi %ne3A_784, %ne3A_787 : i1
      %sub3A_789 = arith.constant 1 : i32
      %sub3A_790 = arith.subi %div3A_769, %sub3A_789 : i32
      %select_n3A_791 = arith.select %and3A_788, %sub3A_790, %div3A_769 : i32
      %mul3A_792 = arith.constant 128 : i32
      %mul3A_793 = arith.muli %select_n3A_791, %mul3A_792 : i32
      %multiple_of3A_794 = tpu.assume_multiple %mul3A_793, 128 : i32
      %dma_start3A_795 = arith.constant 18 : i32
      %dma_start3A_796 = arith.constant 0 : i32
      %dma_start3A_797 = arith.constant 0 : i32
      %dma_start3A_798 = tpu.memref_slice %arg7[%dma_start3A_795, %dma_start3A_796, %dma_start3A_797] : memref<32x16x128xf32, #tpu.memory_space<vmem>> -> memref<1x16x128xf32, #tpu.memory_space<vmem>>
      %dma_start3A_799 = tpu.memref_squeeze %dma_start3A_798 : memref<1x16x128xf32, #tpu.memory_space<vmem>> -> memref<16x128xf32, #tpu.memory_space<vmem>>
      %dma_start3A_800 = arith.constant 0 : i32
      %dma_start3A_801 = tpu.memref_slice %arg4[%dma_start3A_800, %multiple_of3A_794] : memref<16x1000000xf32, #tpu.memory_space<hbm>> -> memref<16x128xf32, #tpu.memory_space<hbm>>
      %dma_start3A_802 = arith.constant 0 : i32
      %dma_start3A_803 = arith.constant 0 : i32
      %dma_start3A_804 = tpu.memref_slice %arg7[%dma_start3A_795, %dma_start3A_802, %dma_start3A_803] : memref<32x16x128xf32, #tpu.memory_space<vmem>> -> memref<1x16x128xf32, #tpu.memory_space<vmem>>
      %dma_start3A_805 = tpu.memref_squeeze %dma_start3A_804 : memref<1x16x128xf32, #tpu.memory_space<vmem>> -> memref<16x128xf32, #tpu.memory_space<vmem>>
      %dma_start3A_806 = arith.constant 0 : i32
      %dma_start3A_807 = tpu.memref_slice %arg4[%dma_start3A_806, %multiple_of3A_794] : memref<16x1000000xf32, #tpu.memory_space<hbm>> -> memref<16x128xf32, #tpu.memory_space<hbm>>
      tpu.enqueue_dma source(%dma_start3A_807 : memref<16x128xf32, #tpu.memory_space<hbm>>) target(%dma_start3A_805 : memref<16x128xf32, #tpu.memory_space<vmem>>) target_semaphore(%arg10 : memref<!tpu.dma_semaphore, #tpu.memory_space<semaphore_mem>>)
      %slice3A_808 = vector.extract_strided_slice %get3A_21 {offsets = [3], sizes = [1], strides = [1]} : vector<16xi32> to vector<1xi32>
      %squeeze3A_809 = vector.extract %slice3A_808[0] : i32 from vector<1xi32>
      %jit3A_810 = arith.constant 128 : i32
      %div3A_811 = arith.divsi %squeeze3A_809, %jit3A_810 : i32
      %sign3A_812 = arith.constant 0 : i32
      %sign3A_813 = arith.cmpi sgt, %squeeze3A_809, %sign3A_812 : i32
      %sign3A_814 = arith.extui %sign3A_813 : i1 to i32
      %sign3A_815 = arith.constant 0 : i32
      %sign3A_816 = arith.cmpi slt, %squeeze3A_809, %sign3A_815 : i32
      %sign3A_817 = arith.extui %sign3A_816 : i1 to i32
      %sign3A_818 = arith.subi %sign3A_814, %sign3A_817 : i32
      %sign3A_819 = arith.constant 0 : i32
      %sign3A_820 = arith.cmpi sgt, %jit3A_810, %sign3A_819 : i32
      %sign3A_821 = arith.extui %sign3A_820 : i1 to i32
      %sign3A_822 = arith.constant 0 : i32
      %sign3A_823 = arith.cmpi slt, %jit3A_810, %sign3A_822 : i32
      %sign3A_824 = arith.extui %sign3A_823 : i1 to i32
      %sign3A_825 = arith.subi %sign3A_821, %sign3A_824 : i32
      %ne3A_826 = arith.cmpi ne, %sign3A_818, %sign3A_825 : i32
      %rem3A_827 = arith.remsi %squeeze3A_809, %jit3A_810 : i32
      %ne3A_828 = arith.constant 0 : i32
      %ne3A_829 = arith.cmpi ne, %rem3A_827, %ne3A_828 : i32
      %and3A_830 = arith.andi %ne3A_826, %ne3A_829 : i1
      %sub3A_831 = arith.constant 1 : i32
      %sub3A_832 = arith.subi %div3A_811, %sub3A_831 : i32
      %select_n3A_833 = arith.select %and3A_830, %sub3A_832, %div3A_811 : i32
      %mul3A_834 = arith.constant 128 : i32
      %mul3A_835 = arith.muli %select_n3A_833, %mul3A_834 : i32
      %multiple_of3A_836 = tpu.assume_multiple %mul3A_835, 128 : i32
      %dma_start3A_837 = arith.constant 19 : i32
      %dma_start3A_838 = arith.constant 0 : i32
      %dma_start3A_839 = arith.constant 0 : i32
      %dma_start3A_840 = tpu.memref_slice %arg7[%dma_start3A_837, %dma_start3A_838, %dma_start3A_839] : memref<32x16x128xf32, #tpu.memory_space<vmem>> -> memref<1x16x128xf32, #tpu.memory_space<vmem>>
      %dma_start3A_841 = tpu.memref_squeeze %dma_start3A_840 : memref<1x16x128xf32, #tpu.memory_space<vmem>> -> memref<16x128xf32, #tpu.memory_space<vmem>>
      %dma_start3A_842 = arith.constant 0 : i32
      %dma_start3A_843 = tpu.memref_slice %arg4[%dma_start3A_842, %multiple_of3A_836] : memref<16x1000000xf32, #tpu.memory_space<hbm>> -> memref<16x128xf32, #tpu.memory_space<hbm>>
      %dma_start3A_844 = arith.constant 0 : i32
      %dma_start3A_845 = arith.constant 0 : i32
      %dma_start3A_846 = tpu.memref_slice %arg7[%dma_start3A_837, %dma_start3A_844, %dma_start3A_845] : memref<32x16x128xf32, #tpu.memory_space<vmem>> -> memref<1x16x128xf32, #tpu.memory_space<vmem>>
      %dma_start3A_847 = tpu.memref_squeeze %dma_start3A_846 : memref<1x16x128xf32, #tpu.memory_space<vmem>> -> memref<16x128xf32, #tpu.memory_space<vmem>>
      %dma_start3A_848 = arith.constant 0 : i32
      %dma_start3A_849 = tpu.memref_slice %arg4[%dma_start3A_848, %multiple_of3A_836] : memref<16x1000000xf32, #tpu.memory_space<hbm>> -> memref<16x128xf32, #tpu.memory_space<hbm>>
      tpu.enqueue_dma source(%dma_start3A_849 : memref<16x128xf32, #tpu.memory_space<hbm>>) target(%dma_start3A_847 : memref<16x128xf32, #tpu.memory_space<vmem>>) target_semaphore(%arg10 : memref<!tpu.dma_semaphore, #tpu.memory_space<semaphore_mem>>)
      %slice3A_850 = vector.extract_strided_slice %get3A_21 {offsets = [4], sizes = [1], strides = [1]} : vector<16xi32> to vector<1xi32>
      %squeeze3A_851 = vector.extract %slice3A_850[0] : i32 from vector<1xi32>
      %jit3A_852 = arith.constant 128 : i32
      %div3A_853 = arith.divsi %squeeze3A_851, %jit3A_852 : i32
      %sign3A_854 = arith.constant 0 : i32
      %sign3A_855 = arith.cmpi sgt, %squeeze3A_851, %sign3A_854 : i32
      %sign3A_856 = arith.extui %sign3A_855 : i1 to i32
      %sign3A_857 = arith.constant 0 : i32
      %sign3A_858 = arith.cmpi slt, %squeeze3A_851, %sign3A_857 : i32
      %sign3A_859 = arith.extui %sign3A_858 : i1 to i32
      %sign3A_860 = arith.subi %sign3A_856, %sign3A_859 : i32
      %sign3A_861 = arith.constant 0 : i32
      %sign3A_862 = arith.cmpi sgt, %jit3A_852, %sign3A_861 : i32
      %sign3A_863 = arith.extui %sign3A_862 : i1 to i32
      %sign3A_864 = arith.constant 0 : i32
      %sign3A_865 = arith.cmpi slt, %jit3A_852, %sign3A_864 : i32
      %sign3A_866 = arith.extui %sign3A_865 : i1 to i32
      %sign3A_867 = arith.subi %sign3A_863, %sign3A_866 : i32
      %ne3A_868 = arith.cmpi ne, %sign3A_860, %sign3A_867 : i32
      %rem3A_869 = arith.remsi %squeeze3A_851, %jit3A_852 : i32
      %ne3A_870 = arith.constant 0 : i32
      %ne3A_871 = arith.cmpi ne, %rem3A_869, %ne3A_870 : i32
      %and3A_872 = arith.andi %ne3A_868, %ne3A_871 : i1
      %sub3A_873 = arith.constant 1 : i32
      %sub3A_874 = arith.subi %div3A_853, %sub3A_873 : i32
      %select_n3A_875 = arith.select %and3A_872, %sub3A_874, %div3A_853 : i32
      %mul3A_876 = arith.constant 128 : i32
      %mul3A_877 = arith.muli %select_n3A_875, %mul3A_876 : i32
      %multiple_of3A_878 = tpu.assume_multiple %mul3A_877, 128 : i32
      %dma_start3A_879 = arith.constant 20 : i32
      %dma_start3A_880 = arith.constant 0 : i32
      %dma_start3A_881 = arith.constant 0 : i32
      %dma_start3A_882 = tpu.memref_slice %arg7[%dma_start3A_879, %dma_start3A_880, %dma_start3A_881] : memref<32x16x128xf32, #tpu.memory_space<vmem>> -> memref<1x16x128xf32, #tpu.memory_space<vmem>>
      %dma_start3A_883 = tpu.memref_squeeze %dma_start3A_882 : memref<1x16x128xf32, #tpu.memory_space<vmem>> -> memref<16x128xf32, #tpu.memory_space<vmem>>
      %dma_start3A_884 = arith.constant 0 : i32
      %dma_start3A_885 = tpu.memref_slice %arg4[%dma_start3A_884, %multiple_of3A_878] : memref<16x1000000xf32, #tpu.memory_space<hbm>> -> memref<16x128xf32, #tpu.memory_space<hbm>>
      %dma_start3A_886 = arith.constant 0 : i32
      %dma_start3A_887 = arith.constant 0 : i32
      %dma_start3A_888 = tpu.memref_slice %arg7[%dma_start3A_879, %dma_start3A_886, %dma_start3A_887] : memref<32x16x128xf32, #tpu.memory_space<vmem>> -> memref<1x16x128xf32, #tpu.memory_space<vmem>>
      %dma_start3A_889 = tpu.memref_squeeze %dma_start3A_888 : memref<1x16x128xf32, #tpu.memory_space<vmem>> -> memref<16x128xf32, #tpu.memory_space<vmem>>
      %dma_start3A_890 = arith.constant 0 : i32
      %dma_start3A_891 = tpu.memref_slice %arg4[%dma_start3A_890, %multiple_of3A_878] : memref<16x1000000xf32, #tpu.memory_space<hbm>> -> memref<16x128xf32, #tpu.memory_space<hbm>>
      tpu.enqueue_dma source(%dma_start3A_891 : memref<16x128xf32, #tpu.memory_space<hbm>>) target(%dma_start3A_889 : memref<16x128xf32, #tpu.memory_space<vmem>>) target_semaphore(%arg10 : memref<!tpu.dma_semaphore, #tpu.memory_space<semaphore_mem>>)
      %slice3A_892 = vector.extract_strided_slice %get3A_21 {offsets = [5], sizes = [1], strides = [1]} : vector<16xi32> to vector<1xi32>
      %squeeze3A_893 = vector.extract %slice3A_892[0] : i32 from vector<1xi32>
      %jit3A_894 = arith.constant 128 : i32
      %div3A_895 = arith.divsi %squeeze3A_893, %jit3A_894 : i32
      %sign3A_896 = arith.constant 0 : i32
      %sign3A_897 = arith.cmpi sgt, %squeeze3A_893, %sign3A_896 : i32
      %sign3A_898 = arith.extui %sign3A_897 : i1 to i32
      %sign3A_899 = arith.constant 0 : i32
      %sign3A_900 = arith.cmpi slt, %squeeze3A_893, %sign3A_899 : i32
      %sign3A_901 = arith.extui %sign3A_900 : i1 to i32
      %sign3A_902 = arith.subi %sign3A_898, %sign3A_901 : i32
      %sign3A_903 = arith.constant 0 : i32
      %sign3A_904 = arith.cmpi sgt, %jit3A_894, %sign3A_903 : i32
      %sign3A_905 = arith.extui %sign3A_904 : i1 to i32
      %sign3A_906 = arith.constant 0 : i32
      %sign3A_907 = arith.cmpi slt, %jit3A_894, %sign3A_906 : i32
      %sign3A_908 = arith.extui %sign3A_907 : i1 to i32
      %sign3A_909 = arith.subi %sign3A_905, %sign3A_908 : i32
      %ne3A_910 = arith.cmpi ne, %sign3A_902, %sign3A_909 : i32
      %rem3A_911 = arith.remsi %squeeze3A_893, %jit3A_894 : i32
      %ne3A_912 = arith.constant 0 : i32
      %ne3A_913 = arith.cmpi ne, %rem3A_911, %ne3A_912 : i32
      %and3A_914 = arith.andi %ne3A_910, %ne3A_913 : i1
      %sub3A_915 = arith.constant 1 : i32
      %sub3A_916 = arith.subi %div3A_895, %sub3A_915 : i32
      %select_n3A_917 = arith.select %and3A_914, %sub3A_916, %div3A_895 : i32
      %mul3A_918 = arith.constant 128 : i32
      %mul3A_919 = arith.muli %select_n3A_917, %mul3A_918 : i32
      %multiple_of3A_920 = tpu.assume_multiple %mul3A_919, 128 : i32
      %dma_start3A_921 = arith.constant 21 : i32
      %dma_start3A_922 = arith.constant 0 : i32
      %dma_start3A_923 = arith.constant 0 : i32
      %dma_start3A_924 = tpu.memref_slice %arg7[%dma_start3A_921, %dma_start3A_922, %dma_start3A_923] : memref<32x16x128xf32, #tpu.memory_space<vmem>> -> memref<1x16x128xf32, #tpu.memory_space<vmem>>
      %dma_start3A_925 = tpu.memref_squeeze %dma_start3A_924 : memref<1x16x128xf32, #tpu.memory_space<vmem>> -> memref<16x128xf32, #tpu.memory_space<vmem>>
      %dma_start3A_926 = arith.constant 0 : i32
      %dma_start3A_927 = tpu.memref_slice %arg4[%dma_start3A_926, %multiple_of3A_920] : memref<16x1000000xf32, #tpu.memory_space<hbm>> -> memref<16x128xf32, #tpu.memory_space<hbm>>
      %dma_start3A_928 = arith.constant 0 : i32
      %dma_start3A_929 = arith.constant 0 : i32
      %dma_start3A_930 = tpu.memref_slice %arg7[%dma_start3A_921, %dma_start3A_928, %dma_start3A_929] : memref<32x16x128xf32, #tpu.memory_space<vmem>> -> memref<1x16x128xf32, #tpu.memory_space<vmem>>
      %dma_start3A_931 = tpu.memref_squeeze %dma_start3A_930 : memref<1x16x128xf32, #tpu.memory_space<vmem>> -> memref<16x128xf32, #tpu.memory_space<vmem>>
      %dma_start3A_932 = arith.constant 0 : i32
      %dma_start3A_933 = tpu.memref_slice %arg4[%dma_start3A_932, %multiple_of3A_920] : memref<16x1000000xf32, #tpu.memory_space<hbm>> -> memref<16x128xf32, #tpu.memory_space<hbm>>
      tpu.enqueue_dma source(%dma_start3A_933 : memref<16x128xf32, #tpu.memory_space<hbm>>) target(%dma_start3A_931 : memref<16x128xf32, #tpu.memory_space<vmem>>) target_semaphore(%arg10 : memref<!tpu.dma_semaphore, #tpu.memory_space<semaphore_mem>>)
      %slice3A_934 = vector.extract_strided_slice %get3A_21 {offsets = [6], sizes = [1], strides = [1]} : vector<16xi32> to vector<1xi32>
      %squeeze3A_935 = vector.extract %slice3A_934[0] : i32 from vector<1xi32>
      %jit3A_936 = arith.constant 128 : i32
      %div3A_937 = arith.divsi %squeeze3A_935, %jit3A_936 : i32
      %sign3A_938 = arith.constant 0 : i32
      %sign3A_939 = arith.cmpi sgt, %squeeze3A_935, %sign3A_938 : i32
      %sign3A_940 = arith.extui %sign3A_939 : i1 to i32
      %sign3A_941 = arith.constant 0 : i32
      %sign3A_942 = arith.cmpi slt, %squeeze3A_935, %sign3A_941 : i32
      %sign3A_943 = arith.extui %sign3A_942 : i1 to i32
      %sign3A_944 = arith.subi %sign3A_940, %sign3A_943 : i32
      %sign3A_945 = arith.constant 0 : i32
      %sign3A_946 = arith.cmpi sgt, %jit3A_936, %sign3A_945 : i32
      %sign3A_947 = arith.extui %sign3A_946 : i1 to i32
      %sign3A_948 = arith.constant 0 : i32
      %sign3A_949 = arith.cmpi slt, %jit3A_936, %sign3A_948 : i32
      %sign3A_950 = arith.extui %sign3A_949 : i1 to i32
      %sign3A_951 = arith.subi %sign3A_947, %sign3A_950 : i32
      %ne3A_952 = arith.cmpi ne, %sign3A_944, %sign3A_951 : i32
      %rem3A_953 = arith.remsi %squeeze3A_935, %jit3A_936 : i32
      %ne3A_954 = arith.constant 0 : i32
      %ne3A_955 = arith.cmpi ne, %rem3A_953, %ne3A_954 : i32
      %and3A_956 = arith.andi %ne3A_952, %ne3A_955 : i1
      %sub3A_957 = arith.constant 1 : i32
      %sub3A_958 = arith.subi %div3A_937, %sub3A_957 : i32
      %select_n3A_959 = arith.select %and3A_956, %sub3A_958, %div3A_937 : i32
      %mul3A_960 = arith.constant 128 : i32
      %mul3A_961 = arith.muli %select_n3A_959, %mul3A_960 : i32
      %multiple_of3A_962 = tpu.assume_multiple %mul3A_961, 128 : i32
      %dma_start3A_963 = arith.constant 22 : i32
      %dma_start3A_964 = arith.constant 0 : i32
      %dma_start3A_965 = arith.constant 0 : i32
      %dma_start3A_966 = tpu.memref_slice %arg7[%dma_start3A_963, %dma_start3A_964, %dma_start3A_965] : memref<32x16x128xf32, #tpu.memory_space<vmem>> -> memref<1x16x128xf32, #tpu.memory_space<vmem>>
      %dma_start3A_967 = tpu.memref_squeeze %dma_start3A_966 : memref<1x16x128xf32, #tpu.memory_space<vmem>> -> memref<16x128xf32, #tpu.memory_space<vmem>>
      %dma_start3A_968 = arith.constant 0 : i32
      %dma_start3A_969 = tpu.memref_slice %arg4[%dma_start3A_968, %multiple_of3A_962] : memref<16x1000000xf32, #tpu.memory_space<hbm>> -> memref<16x128xf32, #tpu.memory_space<hbm>>
      %dma_start3A_970 = arith.constant 0 : i32
      %dma_start3A_971 = arith.constant 0 : i32
      %dma_start3A_972 = tpu.memref_slice %arg7[%dma_start3A_963, %dma_start3A_970, %dma_start3A_971] : memref<32x16x128xf32, #tpu.memory_space<vmem>> -> memref<1x16x128xf32, #tpu.memory_space<vmem>>
      %dma_start3A_973 = tpu.memref_squeeze %dma_start3A_972 : memref<1x16x128xf32, #tpu.memory_space<vmem>> -> memref<16x128xf32, #tpu.memory_space<vmem>>
      %dma_start3A_974 = arith.constant 0 : i32
      %dma_start3A_975 = tpu.memref_slice %arg4[%dma_start3A_974, %multiple_of3A_962] : memref<16x1000000xf32, #tpu.memory_space<hbm>> -> memref<16x128xf32, #tpu.memory_space<hbm>>
      tpu.enqueue_dma source(%dma_start3A_975 : memref<16x128xf32, #tpu.memory_space<hbm>>) target(%dma_start3A_973 : memref<16x128xf32, #tpu.memory_space<vmem>>) target_semaphore(%arg10 : memref<!tpu.dma_semaphore, #tpu.memory_space<semaphore_mem>>)
      %slice3A_976 = vector.extract_strided_slice %get3A_21 {offsets = [7], sizes = [1], strides = [1]} : vector<16xi32> to vector<1xi32>
      %squeeze3A_977 = vector.extract %slice3A_976[0] : i32 from vector<1xi32>
      %jit3A_978 = arith.constant 128 : i32
      %div3A_979 = arith.divsi %squeeze3A_977, %jit3A_978 : i32
      %sign3A_980 = arith.constant 0 : i32
      %sign3A_981 = arith.cmpi sgt, %squeeze3A_977, %sign3A_980 : i32
      %sign3A_982 = arith.extui %sign3A_981 : i1 to i32
      %sign3A_983 = arith.constant 0 : i32
      %sign3A_984 = arith.cmpi slt, %squeeze3A_977, %sign3A_983 : i32
      %sign3A_985 = arith.extui %sign3A_984 : i1 to i32
      %sign3A_986 = arith.subi %sign3A_982, %sign3A_985 : i32
      %sign3A_987 = arith.constant 0 : i32
      %sign3A_988 = arith.cmpi sgt, %jit3A_978, %sign3A_987 : i32
      %sign3A_989 = arith.extui %sign3A_988 : i1 to i32
      %sign3A_990 = arith.constant 0 : i32
      %sign3A_991 = arith.cmpi slt, %jit3A_978, %sign3A_990 : i32
      %sign3A_992 = arith.extui %sign3A_991 : i1 to i32
      %sign3A_993 = arith.subi %sign3A_989, %sign3A_992 : i32
      %ne3A_994 = arith.cmpi ne, %sign3A_986, %sign3A_993 : i32
      %rem3A_995 = arith.remsi %squeeze3A_977, %jit3A_978 : i32
      %ne3A_996 = arith.constant 0 : i32
      %ne3A_997 = arith.cmpi ne, %rem3A_995, %ne3A_996 : i32
      %and3A_998 = arith.andi %ne3A_994, %ne3A_997 : i1
      %sub3A_999 = arith.constant 1 : i32
      %sub3A_1000 = arith.subi %div3A_979, %sub3A_999 : i32
      %select_n3A_1001 = arith.select %and3A_998, %sub3A_1000, %div3A_979 : i32
      %mul3A_1002 = arith.constant 128 : i32
      %mul3A_1003 = arith.muli %select_n3A_1001, %mul3A_1002 : i32
      %multiple_of3A_1004 = tpu.assume_multiple %mul3A_1003, 128 : i32
      %dma_start3A_1005 = arith.constant 23 : i32
      %dma_start3A_1006 = arith.constant 0 : i32
      %dma_start3A_1007 = arith.constant 0 : i32
      %dma_start3A_1008 = tpu.memref_slice %arg7[%dma_start3A_1005, %dma_start3A_1006, %dma_start3A_1007] : memref<32x16x128xf32, #tpu.memory_space<vmem>> -> memref<1x16x128xf32, #tpu.memory_space<vmem>>
      %dma_start3A_1009 = tpu.memref_squeeze %dma_start3A_1008 : memref<1x16x128xf32, #tpu.memory_space<vmem>> -> memref<16x128xf32, #tpu.memory_space<vmem>>
      %dma_start3A_1010 = arith.constant 0 : i32
      %dma_start3A_1011 = tpu.memref_slice %arg4[%dma_start3A_1010, %multiple_of3A_1004] : memref<16x1000000xf32, #tpu.memory_space<hbm>> -> memref<16x128xf32, #tpu.memory_space<hbm>>
      %dma_start3A_1012 = arith.constant 0 : i32
      %dma_start3A_1013 = arith.constant 0 : i32
      %dma_start3A_1014 = tpu.memref_slice %arg7[%dma_start3A_1005, %dma_start3A_1012, %dma_start3A_1013] : memref<32x16x128xf32, #tpu.memory_space<vmem>> -> memref<1x16x128xf32, #tpu.memory_space<vmem>>
      %dma_start3A_1015 = tpu.memref_squeeze %dma_start3A_1014 : memref<1x16x128xf32, #tpu.memory_space<vmem>> -> memref<16x128xf32, #tpu.memory_space<vmem>>
      %dma_start3A_1016 = arith.constant 0 : i32
      %dma_start3A_1017 = tpu.memref_slice %arg4[%dma_start3A_1016, %multiple_of3A_1004] : memref<16x1000000xf32, #tpu.memory_space<hbm>> -> memref<16x128xf32, #tpu.memory_space<hbm>>
      tpu.enqueue_dma source(%dma_start3A_1017 : memref<16x128xf32, #tpu.memory_space<hbm>>) target(%dma_start3A_1015 : memref<16x128xf32, #tpu.memory_space<vmem>>) target_semaphore(%arg10 : memref<!tpu.dma_semaphore, #tpu.memory_space<semaphore_mem>>)
      %slice3A_1018 = vector.extract_strided_slice %get3A_21 {offsets = [8], sizes = [1], strides = [1]} : vector<16xi32> to vector<1xi32>
      %squeeze3A_1019 = vector.extract %slice3A_1018[0] : i32 from vector<1xi32>
      %jit3A_1020 = arith.constant 128 : i32
      %div3A_1021 = arith.divsi %squeeze3A_1019, %jit3A_1020 : i32
      %sign3A_1022 = arith.constant 0 : i32
      %sign3A_1023 = arith.cmpi sgt, %squeeze3A_1019, %sign3A_1022 : i32
      %sign3A_1024 = arith.extui %sign3A_1023 : i1 to i32
      %sign3A_1025 = arith.constant 0 : i32
      %sign3A_1026 = arith.cmpi slt, %squeeze3A_1019, %sign3A_1025 : i32
      %sign3A_1027 = arith.extui %sign3A_1026 : i1 to i32
      %sign3A_1028 = arith.subi %sign3A_1024, %sign3A_1027 : i32
      %sign3A_1029 = arith.constant 0 : i32
      %sign3A_1030 = arith.cmpi sgt, %jit3A_1020, %sign3A_1029 : i32
      %sign3A_1031 = arith.extui %sign3A_1030 : i1 to i32
      %sign3A_1032 = arith.constant 0 : i32
      %sign3A_1033 = arith.cmpi slt, %jit3A_1020, %sign3A_1032 : i32
      %sign3A_1034 = arith.extui %sign3A_1033 : i1 to i32
      %sign3A_1035 = arith.subi %sign3A_1031, %sign3A_1034 : i32
      %ne3A_1036 = arith.cmpi ne, %sign3A_1028, %sign3A_1035 : i32
      %rem3A_1037 = arith.remsi %squeeze3A_1019, %jit3A_1020 : i32
      %ne3A_1038 = arith.constant 0 : i32
      %ne3A_1039 = arith.cmpi ne, %rem3A_1037, %ne3A_1038 : i32
      %and3A_1040 = arith.andi %ne3A_1036, %ne3A_1039 : i1
      %sub3A_1041 = arith.constant 1 : i32
      %sub3A_1042 = arith.subi %div3A_1021, %sub3A_1041 : i32
      %select_n3A_1043 = arith.select %and3A_1040, %sub3A_1042, %div3A_1021 : i32
      %mul3A_1044 = arith.constant 128 : i32
      %mul3A_1045 = arith.muli %select_n3A_1043, %mul3A_1044 : i32
      %multiple_of3A_1046 = tpu.assume_multiple %mul3A_1045, 128 : i32
      %dma_start3A_1047 = arith.constant 24 : i32
      %dma_start3A_1048 = arith.constant 0 : i32
      %dma_start3A_1049 = arith.constant 0 : i32
      %dma_start3A_1050 = tpu.memref_slice %arg7[%dma_start3A_1047, %dma_start3A_1048, %dma_start3A_1049] : memref<32x16x128xf32, #tpu.memory_space<vmem>> -> memref<1x16x128xf32, #tpu.memory_space<vmem>>
      %dma_start3A_1051 = tpu.memref_squeeze %dma_start3A_1050 : memref<1x16x128xf32, #tpu.memory_space<vmem>> -> memref<16x128xf32, #tpu.memory_space<vmem>>
      %dma_start3A_1052 = arith.constant 0 : i32
      %dma_start3A_1053 = tpu.memref_slice %arg4[%dma_start3A_1052, %multiple_of3A_1046] : memref<16x1000000xf32, #tpu.memory_space<hbm>> -> memref<16x128xf32, #tpu.memory_space<hbm>>
      %dma_start3A_1054 = arith.constant 0 : i32
      %dma_start3A_1055 = arith.constant 0 : i32
      %dma_start3A_1056 = tpu.memref_slice %arg7[%dma_start3A_1047, %dma_start3A_1054, %dma_start3A_1055] : memref<32x16x128xf32, #tpu.memory_space<vmem>> -> memref<1x16x128xf32, #tpu.memory_space<vmem>>
      %dma_start3A_1057 = tpu.memref_squeeze %dma_start3A_1056 : memref<1x16x128xf32, #tpu.memory_space<vmem>> -> memref<16x128xf32, #tpu.memory_space<vmem>>
      %dma_start3A_1058 = arith.constant 0 : i32
      %dma_start3A_1059 = tpu.memref_slice %arg4[%dma_start3A_1058, %multiple_of3A_1046] : memref<16x1000000xf32, #tpu.memory_space<hbm>> -> memref<16x128xf32, #tpu.memory_space<hbm>>
      tpu.enqueue_dma source(%dma_start3A_1059 : memref<16x128xf32, #tpu.memory_space<hbm>>) target(%dma_start3A_1057 : memref<16x128xf32, #tpu.memory_space<vmem>>) target_semaphore(%arg10 : memref<!tpu.dma_semaphore, #tpu.memory_space<semaphore_mem>>)
      %slice3A_1060 = vector.extract_strided_slice %get3A_21 {offsets = [9], sizes = [1], strides = [1]} : vector<16xi32> to vector<1xi32>
      %squeeze3A_1061 = vector.extract %slice3A_1060[0] : i32 from vector<1xi32>
      %jit3A_1062 = arith.constant 128 : i32
      %div3A_1063 = arith.divsi %squeeze3A_1061, %jit3A_1062 : i32
      %sign3A_1064 = arith.constant 0 : i32
      %sign3A_1065 = arith.cmpi sgt, %squeeze3A_1061, %sign3A_1064 : i32
      %sign3A_1066 = arith.extui %sign3A_1065 : i1 to i32
      %sign3A_1067 = arith.constant 0 : i32
      %sign3A_1068 = arith.cmpi slt, %squeeze3A_1061, %sign3A_1067 : i32
      %sign3A_1069 = arith.extui %sign3A_1068 : i1 to i32
      %sign3A_1070 = arith.subi %sign3A_1066, %sign3A_1069 : i32
      %sign3A_1071 = arith.constant 0 : i32
      %sign3A_1072 = arith.cmpi sgt, %jit3A_1062, %sign3A_1071 : i32
      %sign3A_1073 = arith.extui %sign3A_1072 : i1 to i32
      %sign3A_1074 = arith.constant 0 : i32
      %sign3A_1075 = arith.cmpi slt, %jit3A_1062, %sign3A_1074 : i32
      %sign3A_1076 = arith.extui %sign3A_1075 : i1 to i32
      %sign3A_1077 = arith.subi %sign3A_1073, %sign3A_1076 : i32
      %ne3A_1078 = arith.cmpi ne, %sign3A_1070, %sign3A_1077 : i32
      %rem3A_1079 = arith.remsi %squeeze3A_1061, %jit3A_1062 : i32
      %ne3A_1080 = arith.constant 0 : i32
      %ne3A_1081 = arith.cmpi ne, %rem3A_1079, %ne3A_1080 : i32
      %and3A_1082 = arith.andi %ne3A_1078, %ne3A_1081 : i1
      %sub3A_1083 = arith.constant 1 : i32
      %sub3A_1084 = arith.subi %div3A_1063, %sub3A_1083 : i32
      %select_n3A_1085 = arith.select %and3A_1082, %sub3A_1084, %div3A_1063 : i32
      %mul3A_1086 = arith.constant 128 : i32
      %mul3A_1087 = arith.muli %select_n3A_1085, %mul3A_1086 : i32
      %multiple_of3A_1088 = tpu.assume_multiple %mul3A_1087, 128 : i32
      %dma_start3A_1089 = arith.constant 25 : i32
      %dma_start3A_1090 = arith.constant 0 : i32
      %dma_start3A_1091 = arith.constant 0 : i32
      %dma_start3A_1092 = tpu.memref_slice %arg7[%dma_start3A_1089, %dma_start3A_1090, %dma_start3A_1091] : memref<32x16x128xf32, #tpu.memory_space<vmem>> -> memref<1x16x128xf32, #tpu.memory_space<vmem>>
      %dma_start3A_1093 = tpu.memref_squeeze %dma_start3A_1092 : memref<1x16x128xf32, #tpu.memory_space<vmem>> -> memref<16x128xf32, #tpu.memory_space<vmem>>
      %dma_start3A_1094 = arith.constant 0 : i32
      %dma_start3A_1095 = tpu.memref_slice %arg4[%dma_start3A_1094, %multiple_of3A_1088] : memref<16x1000000xf32, #tpu.memory_space<hbm>> -> memref<16x128xf32, #tpu.memory_space<hbm>>
      %dma_start3A_1096 = arith.constant 0 : i32
      %dma_start3A_1097 = arith.constant 0 : i32
      %dma_start3A_1098 = tpu.memref_slice %arg7[%dma_start3A_1089, %dma_start3A_1096, %dma_start3A_1097] : memref<32x16x128xf32, #tpu.memory_space<vmem>> -> memref<1x16x128xf32, #tpu.memory_space<vmem>>
      %dma_start3A_1099 = tpu.memref_squeeze %dma_start3A_1098 : memref<1x16x128xf32, #tpu.memory_space<vmem>> -> memref<16x128xf32, #tpu.memory_space<vmem>>
      %dma_start3A_1100 = arith.constant 0 : i32
      %dma_start3A_1101 = tpu.memref_slice %arg4[%dma_start3A_1100, %multiple_of3A_1088] : memref<16x1000000xf32, #tpu.memory_space<hbm>> -> memref<16x128xf32, #tpu.memory_space<hbm>>
      tpu.enqueue_dma source(%dma_start3A_1101 : memref<16x128xf32, #tpu.memory_space<hbm>>) target(%dma_start3A_1099 : memref<16x128xf32, #tpu.memory_space<vmem>>) target_semaphore(%arg10 : memref<!tpu.dma_semaphore, #tpu.memory_space<semaphore_mem>>)
      %slice3A_1102 = vector.extract_strided_slice %get3A_21 {offsets = [10], sizes = [1], strides = [1]} : vector<16xi32> to vector<1xi32>
      %squeeze3A_1103 = vector.extract %slice3A_1102[0] : i32 from vector<1xi32>
      %jit3A_1104 = arith.constant 128 : i32
      %div3A_1105 = arith.divsi %squeeze3A_1103, %jit3A_1104 : i32
      %sign3A_1106 = arith.constant 0 : i32
      %sign3A_1107 = arith.cmpi sgt, %squeeze3A_1103, %sign3A_1106 : i32
      %sign3A_1108 = arith.extui %sign3A_1107 : i1 to i32
      %sign3A_1109 = arith.constant 0 : i32
      %sign3A_1110 = arith.cmpi slt, %squeeze3A_1103, %sign3A_1109 : i32
      %sign3A_1111 = arith.extui %sign3A_1110 : i1 to i32
      %sign3A_1112 = arith.subi %sign3A_1108, %sign3A_1111 : i32
      %sign3A_1113 = arith.constant 0 : i32
      %sign3A_1114 = arith.cmpi sgt, %jit3A_1104, %sign3A_1113 : i32
      %sign3A_1115 = arith.extui %sign3A_1114 : i1 to i32
      %sign3A_1116 = arith.constant 0 : i32
      %sign3A_1117 = arith.cmpi slt, %jit3A_1104, %sign3A_1116 : i32
      %sign3A_1118 = arith.extui %sign3A_1117 : i1 to i32
      %sign3A_1119 = arith.subi %sign3A_1115, %sign3A_1118 : i32
      %ne3A_1120 = arith.cmpi ne, %sign3A_1112, %sign3A_1119 : i32
      %rem3A_1121 = arith.remsi %squeeze3A_1103, %jit3A_1104 : i32
      %ne3A_1122 = arith.constant 0 : i32
      %ne3A_1123 = arith.cmpi ne, %rem3A_1121, %ne3A_1122 : i32
      %and3A_1124 = arith.andi %ne3A_1120, %ne3A_1123 : i1
      %sub3A_1125 = arith.constant 1 : i32
      %sub3A_1126 = arith.subi %div3A_1105, %sub3A_1125 : i32
      %select_n3A_1127 = arith.select %and3A_1124, %sub3A_1126, %div3A_1105 : i32
      %mul3A_1128 = arith.constant 128 : i32
      %mul3A_1129 = arith.muli %select_n3A_1127, %mul3A_1128 : i32
      %multiple_of3A_1130 = tpu.assume_multiple %mul3A_1129, 128 : i32
      %dma_start3A_1131 = arith.constant 26 : i32
      %dma_start3A_1132 = arith.constant 0 : i32
      %dma_start3A_1133 = arith.constant 0 : i32
      %dma_start3A_1134 = tpu.memref_slice %arg7[%dma_start3A_1131, %dma_start3A_1132, %dma_start3A_1133] : memref<32x16x128xf32, #tpu.memory_space<vmem>> -> memref<1x16x128xf32, #tpu.memory_space<vmem>>
      %dma_start3A_1135 = tpu.memref_squeeze %dma_start3A_1134 : memref<1x16x128xf32, #tpu.memory_space<vmem>> -> memref<16x128xf32, #tpu.memory_space<vmem>>
      %dma_start3A_1136 = arith.constant 0 : i32
      %dma_start3A_1137 = tpu.memref_slice %arg4[%dma_start3A_1136, %multiple_of3A_1130] : memref<16x1000000xf32, #tpu.memory_space<hbm>> -> memref<16x128xf32, #tpu.memory_space<hbm>>
      %dma_start3A_1138 = arith.constant 0 : i32
      %dma_start3A_1139 = arith.constant 0 : i32
      %dma_start3A_1140 = tpu.memref_slice %arg7[%dma_start3A_1131, %dma_start3A_1138, %dma_start3A_1139] : memref<32x16x128xf32, #tpu.memory_space<vmem>> -> memref<1x16x128xf32, #tpu.memory_space<vmem>>
      %dma_start3A_1141 = tpu.memref_squeeze %dma_start3A_1140 : memref<1x16x128xf32, #tpu.memory_space<vmem>> -> memref<16x128xf32, #tpu.memory_space<vmem>>
      %dma_start3A_1142 = arith.constant 0 : i32
      %dma_start3A_1143 = tpu.memref_slice %arg4[%dma_start3A_1142, %multiple_of3A_1130] : memref<16x1000000xf32, #tpu.memory_space<hbm>> -> memref<16x128xf32, #tpu.memory_space<hbm>>
      tpu.enqueue_dma source(%dma_start3A_1143 : memref<16x128xf32, #tpu.memory_space<hbm>>) target(%dma_start3A_1141 : memref<16x128xf32, #tpu.memory_space<vmem>>) target_semaphore(%arg10 : memref<!tpu.dma_semaphore, #tpu.memory_space<semaphore_mem>>)
      %slice3A_1144 = vector.extract_strided_slice %get3A_21 {offsets = [11], sizes = [1], strides = [1]} : vector<16xi32> to vector<1xi32>
      %squeeze3A_1145 = vector.extract %slice3A_1144[0] : i32 from vector<1xi32>
      %jit3A_1146 = arith.constant 128 : i32
      %div3A_1147 = arith.divsi %squeeze3A_1145, %jit3A_1146 : i32
      %sign3A_1148 = arith.constant 0 : i32
      %sign3A_1149 = arith.cmpi sgt, %squeeze3A_1145, %sign3A_1148 : i32
      %sign3A_1150 = arith.extui %sign3A_1149 : i1 to i32
      %sign3A_1151 = arith.constant 0 : i32
      %sign3A_1152 = arith.cmpi slt, %squeeze3A_1145, %sign3A_1151 : i32
      %sign3A_1153 = arith.extui %sign3A_1152 : i1 to i32
      %sign3A_1154 = arith.subi %sign3A_1150, %sign3A_1153 : i32
      %sign3A_1155 = arith.constant 0 : i32
      %sign3A_1156 = arith.cmpi sgt, %jit3A_1146, %sign3A_1155 : i32
      %sign3A_1157 = arith.extui %sign3A_1156 : i1 to i32
      %sign3A_1158 = arith.constant 0 : i32
      %sign3A_1159 = arith.cmpi slt, %jit3A_1146, %sign3A_1158 : i32
      %sign3A_1160 = arith.extui %sign3A_1159 : i1 to i32
      %sign3A_1161 = arith.subi %sign3A_1157, %sign3A_1160 : i32
      %ne3A_1162 = arith.cmpi ne, %sign3A_1154, %sign3A_1161 : i32
      %rem3A_1163 = arith.remsi %squeeze3A_1145, %jit3A_1146 : i32
      %ne3A_1164 = arith.constant 0 : i32
      %ne3A_1165 = arith.cmpi ne, %rem3A_1163, %ne3A_1164 : i32
      %and3A_1166 = arith.andi %ne3A_1162, %ne3A_1165 : i1
      %sub3A_1167 = arith.constant 1 : i32
      %sub3A_1168 = arith.subi %div3A_1147, %sub3A_1167 : i32
      %select_n3A_1169 = arith.select %and3A_1166, %sub3A_1168, %div3A_1147 : i32
      %mul3A_1170 = arith.constant 128 : i32
      %mul3A_1171 = arith.muli %select_n3A_1169, %mul3A_1170 : i32
      %multiple_of3A_1172 = tpu.assume_multiple %mul3A_1171, 128 : i32
      %dma_start3A_1173 = arith.constant 27 : i32
      %dma_start3A_1174 = arith.constant 0 : i32
      %dma_start3A_1175 = arith.constant 0 : i32
      %dma_start3A_1176 = tpu.memref_slice %arg7[%dma_start3A_1173, %dma_start3A_1174, %dma_start3A_1175] : memref<32x16x128xf32, #tpu.memory_space<vmem>> -> memref<1x16x128xf32, #tpu.memory_space<vmem>>
      %dma_start3A_1177 = tpu.memref_squeeze %dma_start3A_1176 : memref<1x16x128xf32, #tpu.memory_space<vmem>> -> memref<16x128xf32, #tpu.memory_space<vmem>>
      %dma_start3A_1178 = arith.constant 0 : i32
      %dma_start3A_1179 = tpu.memref_slice %arg4[%dma_start3A_1178, %multiple_of3A_1172] : memref<16x1000000xf32, #tpu.memory_space<hbm>> -> memref<16x128xf32, #tpu.memory_space<hbm>>
      %dma_start3A_1180 = arith.constant 0 : i32
      %dma_start3A_1181 = arith.constant 0 : i32
      %dma_start3A_1182 = tpu.memref_slice %arg7[%dma_start3A_1173, %dma_start3A_1180, %dma_start3A_1181] : memref<32x16x128xf32, #tpu.memory_space<vmem>> -> memref<1x16x128xf32, #tpu.memory_space<vmem>>
      %dma_start3A_1183 = tpu.memref_squeeze %dma_start3A_1182 : memref<1x16x128xf32, #tpu.memory_space<vmem>> -> memref<16x128xf32, #tpu.memory_space<vmem>>
      %dma_start3A_1184 = arith.constant 0 : i32
      %dma_start3A_1185 = tpu.memref_slice %arg4[%dma_start3A_1184, %multiple_of3A_1172] : memref<16x1000000xf32, #tpu.memory_space<hbm>> -> memref<16x128xf32, #tpu.memory_space<hbm>>
      tpu.enqueue_dma source(%dma_start3A_1185 : memref<16x128xf32, #tpu.memory_space<hbm>>) target(%dma_start3A_1183 : memref<16x128xf32, #tpu.memory_space<vmem>>) target_semaphore(%arg10 : memref<!tpu.dma_semaphore, #tpu.memory_space<semaphore_mem>>)
      %slice3A_1186 = vector.extract_strided_slice %get3A_21 {offsets = [12], sizes = [1], strides = [1]} : vector<16xi32> to vector<1xi32>
      %squeeze3A_1187 = vector.extract %slice3A_1186[0] : i32 from vector<1xi32>
      %jit3A_1188 = arith.constant 128 : i32
      %div3A_1189 = arith.divsi %squeeze3A_1187, %jit3A_1188 : i32
      %sign3A_1190 = arith.constant 0 : i32
      %sign3A_1191 = arith.cmpi sgt, %squeeze3A_1187, %sign3A_1190 : i32
      %sign3A_1192 = arith.extui %sign3A_1191 : i1 to i32
      %sign3A_1193 = arith.constant 0 : i32
      %sign3A_1194 = arith.cmpi slt, %squeeze3A_1187, %sign3A_1193 : i32
      %sign3A_1195 = arith.extui %sign3A_1194 : i1 to i32
      %sign3A_1196 = arith.subi %sign3A_1192, %sign3A_1195 : i32
      %sign3A_1197 = arith.constant 0 : i32
      %sign3A_1198 = arith.cmpi sgt, %jit3A_1188, %sign3A_1197 : i32
      %sign3A_1199 = arith.extui %sign3A_1198 : i1 to i32
      %sign3A_1200 = arith.constant 0 : i32
      %sign3A_1201 = arith.cmpi slt, %jit3A_1188, %sign3A_1200 : i32
      %sign3A_1202 = arith.extui %sign3A_1201 : i1 to i32
      %sign3A_1203 = arith.subi %sign3A_1199, %sign3A_1202 : i32
      %ne3A_1204 = arith.cmpi ne, %sign3A_1196, %sign3A_1203 : i32
      %rem3A_1205 = arith.remsi %squeeze3A_1187, %jit3A_1188 : i32
      %ne3A_1206 = arith.constant 0 : i32
      %ne3A_1207 = arith.cmpi ne, %rem3A_1205, %ne3A_1206 : i32
      %and3A_1208 = arith.andi %ne3A_1204, %ne3A_1207 : i1
      %sub3A_1209 = arith.constant 1 : i32
      %sub3A_1210 = arith.subi %div3A_1189, %sub3A_1209 : i32
      %select_n3A_1211 = arith.select %and3A_1208, %sub3A_1210, %div3A_1189 : i32
      %mul3A_1212 = arith.constant 128 : i32
      %mul3A_1213 = arith.muli %select_n3A_1211, %mul3A_1212 : i32
      %multiple_of3A_1214 = tpu.assume_multiple %mul3A_1213, 128 : i32
      %dma_start3A_1215 = arith.constant 28 : i32
      %dma_start3A_1216 = arith.constant 0 : i32
      %dma_start3A_1217 = arith.constant 0 : i32
      %dma_start3A_1218 = tpu.memref_slice %arg7[%dma_start3A_1215, %dma_start3A_1216, %dma_start3A_1217] : memref<32x16x128xf32, #tpu.memory_space<vmem>> -> memref<1x16x128xf32, #tpu.memory_space<vmem>>
      %dma_start3A_1219 = tpu.memref_squeeze %dma_start3A_1218 : memref<1x16x128xf32, #tpu.memory_space<vmem>> -> memref<16x128xf32, #tpu.memory_space<vmem>>
      %dma_start3A_1220 = arith.constant 0 : i32
      %dma_start3A_1221 = tpu.memref_slice %arg4[%dma_start3A_1220, %multiple_of3A_1214] : memref<16x1000000xf32, #tpu.memory_space<hbm>> -> memref<16x128xf32, #tpu.memory_space<hbm>>
      %dma_start3A_1222 = arith.constant 0 : i32
      %dma_start3A_1223 = arith.constant 0 : i32
      %dma_start3A_1224 = tpu.memref_slice %arg7[%dma_start3A_1215, %dma_start3A_1222, %dma_start3A_1223] : memref<32x16x128xf32, #tpu.memory_space<vmem>> -> memref<1x16x128xf32, #tpu.memory_space<vmem>>
      %dma_start3A_1225 = tpu.memref_squeeze %dma_start3A_1224 : memref<1x16x128xf32, #tpu.memory_space<vmem>> -> memref<16x128xf32, #tpu.memory_space<vmem>>
      %dma_start3A_1226 = arith.constant 0 : i32
      %dma_start3A_1227 = tpu.memref_slice %arg4[%dma_start3A_1226, %multiple_of3A_1214] : memref<16x1000000xf32, #tpu.memory_space<hbm>> -> memref<16x128xf32, #tpu.memory_space<hbm>>
      tpu.enqueue_dma source(%dma_start3A_1227 : memref<16x128xf32, #tpu.memory_space<hbm>>) target(%dma_start3A_1225 : memref<16x128xf32, #tpu.memory_space<vmem>>) target_semaphore(%arg10 : memref<!tpu.dma_semaphore, #tpu.memory_space<semaphore_mem>>)
      %slice3A_1228 = vector.extract_strided_slice %get3A_21 {offsets = [13], sizes = [1], strides = [1]} : vector<16xi32> to vector<1xi32>
      %squeeze3A_1229 = vector.extract %slice3A_1228[0] : i32 from vector<1xi32>
      %jit3A_1230 = arith.constant 128 : i32
      %div3A_1231 = arith.divsi %squeeze3A_1229, %jit3A_1230 : i32
      %sign3A_1232 = arith.constant 0 : i32
      %sign3A_1233 = arith.cmpi sgt, %squeeze3A_1229, %sign3A_1232 : i32
      %sign3A_1234 = arith.extui %sign3A_1233 : i1 to i32
      %sign3A_1235 = arith.constant 0 : i32
      %sign3A_1236 = arith.cmpi slt, %squeeze3A_1229, %sign3A_1235 : i32
      %sign3A_1237 = arith.extui %sign3A_1236 : i1 to i32
      %sign3A_1238 = arith.subi %sign3A_1234, %sign3A_1237 : i32
      %sign3A_1239 = arith.constant 0 : i32
      %sign3A_1240 = arith.cmpi sgt, %jit3A_1230, %sign3A_1239 : i32
      %sign3A_1241 = arith.extui %sign3A_1240 : i1 to i32
      %sign3A_1242 = arith.constant 0 : i32
      %sign3A_1243 = arith.cmpi slt, %jit3A_1230, %sign3A_1242 : i32
      %sign3A_1244 = arith.extui %sign3A_1243 : i1 to i32
      %sign3A_1245 = arith.subi %sign3A_1241, %sign3A_1244 : i32
      %ne3A_1246 = arith.cmpi ne, %sign3A_1238, %sign3A_1245 : i32
      %rem3A_1247 = arith.remsi %squeeze3A_1229, %jit3A_1230 : i32
      %ne3A_1248 = arith.constant 0 : i32
      %ne3A_1249 = arith.cmpi ne, %rem3A_1247, %ne3A_1248 : i32
      %and3A_1250 = arith.andi %ne3A_1246, %ne3A_1249 : i1
      %sub3A_1251 = arith.constant 1 : i32
      %sub3A_1252 = arith.subi %div3A_1231, %sub3A_1251 : i32
      %select_n3A_1253 = arith.select %and3A_1250, %sub3A_1252, %div3A_1231 : i32
      %mul3A_1254 = arith.constant 128 : i32
      %mul3A_1255 = arith.muli %select_n3A_1253, %mul3A_1254 : i32
      %multiple_of3A_1256 = tpu.assume_multiple %mul3A_1255, 128 : i32
      %dma_start3A_1257 = arith.constant 29 : i32
      %dma_start3A_1258 = arith.constant 0 : i32
      %dma_start3A_1259 = arith.constant 0 : i32
      %dma_start3A_1260 = tpu.memref_slice %arg7[%dma_start3A_1257, %dma_start3A_1258, %dma_start3A_1259] : memref<32x16x128xf32, #tpu.memory_space<vmem>> -> memref<1x16x128xf32, #tpu.memory_space<vmem>>
      %dma_start3A_1261 = tpu.memref_squeeze %dma_start3A_1260 : memref<1x16x128xf32, #tpu.memory_space<vmem>> -> memref<16x128xf32, #tpu.memory_space<vmem>>
      %dma_start3A_1262 = arith.constant 0 : i32
      %dma_start3A_1263 = tpu.memref_slice %arg4[%dma_start3A_1262, %multiple_of3A_1256] : memref<16x1000000xf32, #tpu.memory_space<hbm>> -> memref<16x128xf32, #tpu.memory_space<hbm>>
      %dma_start3A_1264 = arith.constant 0 : i32
      %dma_start3A_1265 = arith.constant 0 : i32
      %dma_start3A_1266 = tpu.memref_slice %arg7[%dma_start3A_1257, %dma_start3A_1264, %dma_start3A_1265] : memref<32x16x128xf32, #tpu.memory_space<vmem>> -> memref<1x16x128xf32, #tpu.memory_space<vmem>>
      %dma_start3A_1267 = tpu.memref_squeeze %dma_start3A_1266 : memref<1x16x128xf32, #tpu.memory_space<vmem>> -> memref<16x128xf32, #tpu.memory_space<vmem>>
      %dma_start3A_1268 = arith.constant 0 : i32
      %dma_start3A_1269 = tpu.memref_slice %arg4[%dma_start3A_1268, %multiple_of3A_1256] : memref<16x1000000xf32, #tpu.memory_space<hbm>> -> memref<16x128xf32, #tpu.memory_space<hbm>>
      tpu.enqueue_dma source(%dma_start3A_1269 : memref<16x128xf32, #tpu.memory_space<hbm>>) target(%dma_start3A_1267 : memref<16x128xf32, #tpu.memory_space<vmem>>) target_semaphore(%arg10 : memref<!tpu.dma_semaphore, #tpu.memory_space<semaphore_mem>>)
      %slice3A_1270 = vector.extract_strided_slice %get3A_21 {offsets = [14], sizes = [1], strides = [1]} : vector<16xi32> to vector<1xi32>
      %squeeze3A_1271 = vector.extract %slice3A_1270[0] : i32 from vector<1xi32>
      %jit3A_1272 = arith.constant 128 : i32
      %div3A_1273 = arith.divsi %squeeze3A_1271, %jit3A_1272 : i32
      %sign3A_1274 = arith.constant 0 : i32
      %sign3A_1275 = arith.cmpi sgt, %squeeze3A_1271, %sign3A_1274 : i32
      %sign3A_1276 = arith.extui %sign3A_1275 : i1 to i32
      %sign3A_1277 = arith.constant 0 : i32
      %sign3A_1278 = arith.cmpi slt, %squeeze3A_1271, %sign3A_1277 : i32
      %sign3A_1279 = arith.extui %sign3A_1278 : i1 to i32
      %sign3A_1280 = arith.subi %sign3A_1276, %sign3A_1279 : i32
      %sign3A_1281 = arith.constant 0 : i32
      %sign3A_1282 = arith.cmpi sgt, %jit3A_1272, %sign3A_1281 : i32
      %sign3A_1283 = arith.extui %sign3A_1282 : i1 to i32
      %sign3A_1284 = arith.constant 0 : i32
      %sign3A_1285 = arith.cmpi slt, %jit3A_1272, %sign3A_1284 : i32
      %sign3A_1286 = arith.extui %sign3A_1285 : i1 to i32
      %sign3A_1287 = arith.subi %sign3A_1283, %sign3A_1286 : i32
      %ne3A_1288 = arith.cmpi ne, %sign3A_1280, %sign3A_1287 : i32
      %rem3A_1289 = arith.remsi %squeeze3A_1271, %jit3A_1272 : i32
      %ne3A_1290 = arith.constant 0 : i32
      %ne3A_1291 = arith.cmpi ne, %rem3A_1289, %ne3A_1290 : i32
      %and3A_1292 = arith.andi %ne3A_1288, %ne3A_1291 : i1
      %sub3A_1293 = arith.constant 1 : i32
      %sub3A_1294 = arith.subi %div3A_1273, %sub3A_1293 : i32
      %select_n3A_1295 = arith.select %and3A_1292, %sub3A_1294, %div3A_1273 : i32
      %mul3A_1296 = arith.constant 128 : i32
      %mul3A_1297 = arith.muli %select_n3A_1295, %mul3A_1296 : i32
      %multiple_of3A_1298 = tpu.assume_multiple %mul3A_1297, 128 : i32
      %dma_start3A_1299 = arith.constant 30 : i32
      %dma_start3A_1300 = arith.constant 0 : i32
      %dma_start3A_1301 = arith.constant 0 : i32
      %dma_start3A_1302 = tpu.memref_slice %arg7[%dma_start3A_1299, %dma_start3A_1300, %dma_start3A_1301] : memref<32x16x128xf32, #tpu.memory_space<vmem>> -> memref<1x16x128xf32, #tpu.memory_space<vmem>>
      %dma_start3A_1303 = tpu.memref_squeeze %dma_start3A_1302 : memref<1x16x128xf32, #tpu.memory_space<vmem>> -> memref<16x128xf32, #tpu.memory_space<vmem>>
      %dma_start3A_1304 = arith.constant 0 : i32
      %dma_start3A_1305 = tpu.memref_slice %arg4[%dma_start3A_1304, %multiple_of3A_1298] : memref<16x1000000xf32, #tpu.memory_space<hbm>> -> memref<16x128xf32, #tpu.memory_space<hbm>>
      %dma_start3A_1306 = arith.constant 0 : i32
      %dma_start3A_1307 = arith.constant 0 : i32
      %dma_start3A_1308 = tpu.memref_slice %arg7[%dma_start3A_1299, %dma_start3A_1306, %dma_start3A_1307] : memref<32x16x128xf32, #tpu.memory_space<vmem>> -> memref<1x16x128xf32, #tpu.memory_space<vmem>>
      %dma_start3A_1309 = tpu.memref_squeeze %dma_start3A_1308 : memref<1x16x128xf32, #tpu.memory_space<vmem>> -> memref<16x128xf32, #tpu.memory_space<vmem>>
      %dma_start3A_1310 = arith.constant 0 : i32
      %dma_start3A_1311 = tpu.memref_slice %arg4[%dma_start3A_1310, %multiple_of3A_1298] : memref<16x1000000xf32, #tpu.memory_space<hbm>> -> memref<16x128xf32, #tpu.memory_space<hbm>>
      tpu.enqueue_dma source(%dma_start3A_1311 : memref<16x128xf32, #tpu.memory_space<hbm>>) target(%dma_start3A_1309 : memref<16x128xf32, #tpu.memory_space<vmem>>) target_semaphore(%arg10 : memref<!tpu.dma_semaphore, #tpu.memory_space<semaphore_mem>>)
      %slice3A_1312 = vector.extract_strided_slice %get3A_21 {offsets = [15], sizes = [1], strides = [1]} : vector<16xi32> to vector<1xi32>
      %squeeze3A_1313 = vector.extract %slice3A_1312[0] : i32 from vector<1xi32>
      %jit3A_1314 = arith.constant 128 : i32
      %div3A_1315 = arith.divsi %squeeze3A_1313, %jit3A_1314 : i32
      %sign3A_1316 = arith.constant 0 : i32
      %sign3A_1317 = arith.cmpi sgt, %squeeze3A_1313, %sign3A_1316 : i32
      %sign3A_1318 = arith.extui %sign3A_1317 : i1 to i32
      %sign3A_1319 = arith.constant 0 : i32
      %sign3A_1320 = arith.cmpi slt, %squeeze3A_1313, %sign3A_1319 : i32
      %sign3A_1321 = arith.extui %sign3A_1320 : i1 to i32
      %sign3A_1322 = arith.subi %sign3A_1318, %sign3A_1321 : i32
      %sign3A_1323 = arith.constant 0 : i32
      %sign3A_1324 = arith.cmpi sgt, %jit3A_1314, %sign3A_1323 : i32
      %sign3A_1325 = arith.extui %sign3A_1324 : i1 to i32
      %sign3A_1326 = arith.constant 0 : i32
      %sign3A_1327 = arith.cmpi slt, %jit3A_1314, %sign3A_1326 : i32
      %sign3A_1328 = arith.extui %sign3A_1327 : i1 to i32
      %sign3A_1329 = arith.subi %sign3A_1325, %sign3A_1328 : i32
      %ne3A_1330 = arith.cmpi ne, %sign3A_1322, %sign3A_1329 : i32
      %rem3A_1331 = arith.remsi %squeeze3A_1313, %jit3A_1314 : i32
      %ne3A_1332 = arith.constant 0 : i32
      %ne3A_1333 = arith.cmpi ne, %rem3A_1331, %ne3A_1332 : i32
      %and3A_1334 = arith.andi %ne3A_1330, %ne3A_1333 : i1
      %sub3A_1335 = arith.constant 1 : i32
      %sub3A_1336 = arith.subi %div3A_1315, %sub3A_1335 : i32
      %select_n3A_1337 = arith.select %and3A_1334, %sub3A_1336, %div3A_1315 : i32
      %mul3A_1338 = arith.constant 128 : i32
      %mul3A_1339 = arith.muli %select_n3A_1337, %mul3A_1338 : i32
      %multiple_of3A_1340 = tpu.assume_multiple %mul3A_1339, 128 : i32
      %dma_start3A_1341 = arith.constant 31 : i32
      %dma_start3A_1342 = arith.constant 0 : i32
      %dma_start3A_1343 = arith.constant 0 : i32
      %dma_start3A_1344 = tpu.memref_slice %arg7[%dma_start3A_1341, %dma_start3A_1342, %dma_start3A_1343] : memref<32x16x128xf32, #tpu.memory_space<vmem>> -> memref<1x16x128xf32, #tpu.memory_space<vmem>>
      %dma_start3A_1345 = tpu.memref_squeeze %dma_start3A_1344 : memref<1x16x128xf32, #tpu.memory_space<vmem>> -> memref<16x128xf32, #tpu.memory_space<vmem>>
      %dma_start3A_1346 = arith.constant 0 : i32
      %dma_start3A_1347 = tpu.memref_slice %arg4[%dma_start3A_1346, %multiple_of3A_1340] : memref<16x1000000xf32, #tpu.memory_space<hbm>> -> memref<16x128xf32, #tpu.memory_space<hbm>>
      %dma_start3A_1348 = arith.constant 0 : i32
      %dma_start3A_1349 = arith.constant 0 : i32
      %dma_start3A_1350 = tpu.memref_slice %arg7[%dma_start3A_1341, %dma_start3A_1348, %dma_start3A_1349] : memref<32x16x128xf32, #tpu.memory_space<vmem>> -> memref<1x16x128xf32, #tpu.memory_space<vmem>>
      %dma_start3A_1351 = tpu.memref_squeeze %dma_start3A_1350 : memref<1x16x128xf32, #tpu.memory_space<vmem>> -> memref<16x128xf32, #tpu.memory_space<vmem>>
      %dma_start3A_1352 = arith.constant 0 : i32
      %dma_start3A_1353 = tpu.memref_slice %arg4[%dma_start3A_1352, %multiple_of3A_1340] : memref<16x1000000xf32, #tpu.memory_space<hbm>> -> memref<16x128xf32, #tpu.memory_space<hbm>>
      tpu.enqueue_dma source(%dma_start3A_1353 : memref<16x128xf32, #tpu.memory_space<hbm>>) target(%dma_start3A_1351 : memref<16x128xf32, #tpu.memory_space<vmem>>) target_semaphore(%arg10 : memref<!tpu.dma_semaphore, #tpu.memory_space<semaphore_mem>>)
      %dma_wait3A = arith.constant 0 : i32
      %dma_wait3A_1354 = arith.constant 0 : i32
      %dma_wait3A_1355 = arith.constant 0 : i32
      %dma_wait3A_1356 = tpu.memref_slice %arg7[%dma_wait3A, %dma_wait3A_1354, %dma_wait3A_1355] : memref<32x16x128xf32, #tpu.memory_space<vmem>> -> memref<1x16x128xf32, #tpu.memory_space<vmem>>
      %dma_wait3A_1357 = tpu.memref_squeeze %dma_wait3A_1356 : memref<1x16x128xf32, #tpu.memory_space<vmem>> -> memref<16x128xf32, #tpu.memory_space<vmem>>
      %dma_wait3A_1358 = arith.constant 0 : i32
      %dma_wait3A_1359 = tpu.memref_slice %arg4[%dma_wait3A_1358, %multiple_of3A] : memref<16x1000000xf32, #tpu.memory_space<hbm>> -> memref<16x128xf32, #tpu.memory_space<hbm>>
      %dma_wait3A_1360 = arith.constant 0 : i32
      %dma_wait3A_1361 = arith.constant 0 : i32
      %dma_wait3A_1362 = tpu.memref_slice %arg7[%dma_wait3A, %dma_wait3A_1360, %dma_wait3A_1361] : memref<32x16x128xf32, #tpu.memory_space<vmem>> -> memref<1x16x128xf32, #tpu.memory_space<vmem>>
      %dma_wait3A_1363 = tpu.memref_squeeze %dma_wait3A_1362 : memref<1x16x128xf32, #tpu.memory_space<vmem>> -> memref<16x128xf32, #tpu.memory_space<vmem>>
      %dma_wait3A_1364 = arith.constant 0 : i32
      %dma_wait3A_1365 = tpu.memref_slice %arg4[%dma_wait3A_1364, %multiple_of3A] : memref<16x1000000xf32, #tpu.memory_space<hbm>> -> memref<16x128xf32, #tpu.memory_space<hbm>>
      tpu.wait_dma2 semaphore(%arg10 : memref<!tpu.dma_semaphore, #tpu.memory_space<semaphore_mem>>) src(%dma_wait3A_1365 : memref<16x128xf32, #tpu.memory_space<hbm>>) dst(%dma_wait3A_1363 : memref<16x128xf32, #tpu.memory_space<vmem>>)
      %slice3A_1366 = vector.extract_strided_slice %get3A_15 {offsets = [0], sizes = [1], strides = [1]} : vector<16xi32> to vector<1xi32>
      %squeeze3A_1367 = vector.extract %slice3A_1366[0] : i32 from vector<1xi32>
      %jit3A_1368 = arith.constant 128 : i32
      %div3A_1369 = arith.divsi %squeeze3A_1367, %jit3A_1368 : i32
      %sign3A_1370 = arith.constant 0 : i32
      %sign3A_1371 = arith.cmpi sgt, %squeeze3A_1367, %sign3A_1370 : i32
      %sign3A_1372 = arith.extui %sign3A_1371 : i1 to i32
      %sign3A_1373 = arith.constant 0 : i32
      %sign3A_1374 = arith.cmpi slt, %squeeze3A_1367, %sign3A_1373 : i32
      %sign3A_1375 = arith.extui %sign3A_1374 : i1 to i32
      %sign3A_1376 = arith.subi %sign3A_1372, %sign3A_1375 : i32
      %sign3A_1377 = arith.constant 0 : i32
      %sign3A_1378 = arith.cmpi sgt, %jit3A_1368, %sign3A_1377 : i32
      %sign3A_1379 = arith.extui %sign3A_1378 : i1 to i32
      %sign3A_1380 = arith.constant 0 : i32
      %sign3A_1381 = arith.cmpi slt, %jit3A_1368, %sign3A_1380 : i32
      %sign3A_1382 = arith.extui %sign3A_1381 : i1 to i32
      %sign3A_1383 = arith.subi %sign3A_1379, %sign3A_1382 : i32
      %ne3A_1384 = arith.cmpi ne, %sign3A_1376, %sign3A_1383 : i32
      %rem3A_1385 = arith.remsi %squeeze3A_1367, %jit3A_1368 : i32
      %ne3A_1386 = arith.constant 0 : i32
      %ne3A_1387 = arith.cmpi ne, %rem3A_1385, %ne3A_1386 : i32
      %and3A_1388 = arith.andi %ne3A_1384, %ne3A_1387 : i1
      %sub3A_1389 = arith.constant 1 : i32
      %sub3A_1390 = arith.subi %div3A_1369, %sub3A_1389 : i32
      %select_n3A_1391 = arith.select %and3A_1388, %sub3A_1390, %div3A_1369 : i32
      %mul3A_1392 = arith.constant 128 : i32
      %mul3A_1393 = arith.muli %select_n3A_1391, %mul3A_1392 : i32
      %sub3A_1394 = arith.subi %squeeze3A_1367, %mul3A_1393 : i32
      %broadcast_in_dim3A = vector.broadcast %sub3A_1394 : i32 to vector<16xi32>
      %gather3A = arith.constant 0 : i32
      %gather3A_1395 = arith.constant 0 : i32
      %gather3A_1396 = arith.constant 0 : i32
      %gather3A_1397 = tpu.memref_slice %arg7[%gather3A, %gather3A_1395, %gather3A_1396] : memref<32x16x128xf32, #tpu.memory_space<vmem>> -> memref<1x16x128xf32, #tpu.memory_space<vmem>>
      %gather3A_1398 = tpu.memref_squeeze %gather3A_1397 : memref<1x16x128xf32, #tpu.memory_space<vmem>> -> memref<16x128xf32, #tpu.memory_space<vmem>>
      %gather3A_1399 = tpu.vector_load_idx %gather3A_1398[%iota3A, %broadcast_in_dim3A] : memref<16x128xf32, #tpu.memory_space<vmem>>[vector<16xi32>, vector<16xi32>], vector<16xf32>,
      %mul3A_1400 = arith.constant 32 : i32
      %mul3A_1401 = arith.muli %scan3A_9, %mul3A_1400 : i32
      %add3A_1402 = arith.constant 0 : i32
      %add3A_1403 = arith.addi %mul3A_1401, %add3A_1402 : i32
      %broadcast_in_dim3A_1404 = vector.broadcast %add3A_1403 : i32 to vector<16xi32>
      %mul3A_1405 = arith.mulf %gather3A_1399, %get3A_3 : vector<16xf32>
      tpu.vector_store_idx %arg8[%iota3A, %broadcast_in_dim3A_1404], %mul3A_1405 : memref<16x512xf32, #tpu.memory_space<vmem>>[vector<16xi32>, vector<16xi32>], vector<16xf32>,
      %dma_wait3A_1406 = arith.constant 1 : i32
      %dma_wait3A_1407 = arith.constant 0 : i32
      %dma_wait3A_1408 = arith.constant 0 : i32
      %dma_wait3A_1409 = tpu.memref_slice %arg7[%dma_wait3A_1406, %dma_wait3A_1407, %dma_wait3A_1408] : memref<32x16x128xf32, #tpu.memory_space<vmem>> -> memref<1x16x128xf32, #tpu.memory_space<vmem>>
      %dma_wait3A_1410 = tpu.memref_squeeze %dma_wait3A_1409 : memref<1x16x128xf32, #tpu.memory_space<vmem>> -> memref<16x128xf32, #tpu.memory_space<vmem>>
      %dma_wait3A_1411 = arith.constant 0 : i32
      %dma_wait3A_1412 = tpu.memref_slice %arg4[%dma_wait3A_1411, %multiple_of3A_80] : memref<16x1000000xf32, #tpu.memory_space<hbm>> -> memref<16x128xf32, #tpu.memory_space<hbm>>
      %dma_wait3A_1413 = arith.constant 0 : i32
      %dma_wait3A_1414 = arith.constant 0 : i32
      %dma_wait3A_1415 = tpu.memref_slice %arg7[%dma_wait3A_1406, %dma_wait3A_1413, %dma_wait3A_1414] : memref<32x16x128xf32, #tpu.memory_space<vmem>> -> memref<1x16x128xf32, #tpu.memory_space<vmem>>
      %dma_wait3A_1416 = tpu.memref_squeeze %dma_wait3A_1415 : memref<1x16x128xf32, #tpu.memory_space<vmem>> -> memref<16x128xf32, #tpu.memory_space<vmem>>
      %dma_wait3A_1417 = arith.constant 0 : i32
      %dma_wait3A_1418 = tpu.memref_slice %arg4[%dma_wait3A_1417, %multiple_of3A_80] : memref<16x1000000xf32, #tpu.memory_space<hbm>> -> memref<16x128xf32, #tpu.memory_space<hbm>>
      tpu.wait_dma2 semaphore(%arg10 : memref<!tpu.dma_semaphore, #tpu.memory_space<semaphore_mem>>) src(%dma_wait3A_1418 : memref<16x128xf32, #tpu.memory_space<hbm>>) dst(%dma_wait3A_1416 : memref<16x128xf32, #tpu.memory_space<vmem>>)
      %slice3A_1419 = vector.extract_strided_slice %get3A_15 {offsets = [1], sizes = [1], strides = [1]} : vector<16xi32> to vector<1xi32>
      %squeeze3A_1420 = vector.extract %slice3A_1419[0] : i32 from vector<1xi32>
      %jit3A_1421 = arith.constant 128 : i32
      %div3A_1422 = arith.divsi %squeeze3A_1420, %jit3A_1421 : i32
      %sign3A_1423 = arith.constant 0 : i32
      %sign3A_1424 = arith.cmpi sgt, %squeeze3A_1420, %sign3A_1423 : i32
      %sign3A_1425 = arith.extui %sign3A_1424 : i1 to i32
      %sign3A_1426 = arith.constant 0 : i32
      %sign3A_1427 = arith.cmpi slt, %squeeze3A_1420, %sign3A_1426 : i32
      %sign3A_1428 = arith.extui %sign3A_1427 : i1 to i32
      %sign3A_1429 = arith.subi %sign3A_1425, %sign3A_1428 : i32
      %sign3A_1430 = arith.constant 0 : i32
      %sign3A_1431 = arith.cmpi sgt, %jit3A_1421, %sign3A_1430 : i32
      %sign3A_1432 = arith.extui %sign3A_1431 : i1 to i32
      %sign3A_1433 = arith.constant 0 : i32
      %sign3A_1434 = arith.cmpi slt, %jit3A_1421, %sign3A_1433 : i32
      %sign3A_1435 = arith.extui %sign3A_1434 : i1 to i32
      %sign3A_1436 = arith.subi %sign3A_1432, %sign3A_1435 : i32
      %ne3A_1437 = arith.cmpi ne, %sign3A_1429, %sign3A_1436 : i32
      %rem3A_1438 = arith.remsi %squeeze3A_1420, %jit3A_1421 : i32
      %ne3A_1439 = arith.constant 0 : i32
      %ne3A_1440 = arith.cmpi ne, %rem3A_1438, %ne3A_1439 : i32
      %and3A_1441 = arith.andi %ne3A_1437, %ne3A_1440 : i1
      %sub3A_1442 = arith.constant 1 : i32
      %sub3A_1443 = arith.subi %div3A_1422, %sub3A_1442 : i32
      %select_n3A_1444 = arith.select %and3A_1441, %sub3A_1443, %div3A_1422 : i32
      %mul3A_1445 = arith.constant 128 : i32
      %mul3A_1446 = arith.muli %select_n3A_1444, %mul3A_1445 : i32
      %sub3A_1447 = arith.subi %squeeze3A_1420, %mul3A_1446 : i32
      %broadcast_in_dim3A_1448 = vector.broadcast %sub3A_1447 : i32 to vector<16xi32>
      %gather3A_1449 = arith.constant 1 : i32
      %gather3A_1450 = arith.constant 0 : i32
      %gather3A_1451 = arith.constant 0 : i32
      %gather3A_1452 = tpu.memref_slice %arg7[%gather3A_1449, %gather3A_1450, %gather3A_1451] : memref<32x16x128xf32, #tpu.memory_space<vmem>> -> memref<1x16x128xf32, #tpu.memory_space<vmem>>
      %gather3A_1453 = tpu.memref_squeeze %gather3A_1452 : memref<1x16x128xf32, #tpu.memory_space<vmem>> -> memref<16x128xf32, #tpu.memory_space<vmem>>
      %gather3A_1454 = tpu.vector_load_idx %gather3A_1453[%iota3A, %broadcast_in_dim3A_1448] : memref<16x128xf32, #tpu.memory_space<vmem>>[vector<16xi32>, vector<16xi32>], vector<16xf32>,
      %mul3A_1455 = arith.constant 32 : i32
      %mul3A_1456 = arith.muli %scan3A_9, %mul3A_1455 : i32
      %add3A_1457 = arith.constant 1 : i32
      %add3A_1458 = arith.addi %mul3A_1456, %add3A_1457 : i32
      %broadcast_in_dim3A_1459 = vector.broadcast %add3A_1458 : i32 to vector<16xi32>
      %mul3A_1460 = arith.mulf %gather3A_1454, %get3A_3 : vector<16xf32>
      tpu.vector_store_idx %arg8[%iota3A, %broadcast_in_dim3A_1459], %mul3A_1460 : memref<16x512xf32, #tpu.memory_space<vmem>>[vector<16xi32>, vector<16xi32>], vector<16xf32>,
      %dma_wait3A_1461 = arith.constant 2 : i32
      %dma_wait3A_1462 = arith.constant 0 : i32
      %dma_wait3A_1463 = arith.constant 0 : i32
      %dma_wait3A_1464 = tpu.memref_slice %arg7[%dma_wait3A_1461, %dma_wait3A_1462, %dma_wait3A_1463] : memref<32x16x128xf32, #tpu.memory_space<vmem>> -> memref<1x16x128xf32, #tpu.memory_space<vmem>>
      %dma_wait3A_1465 = tpu.memref_squeeze %dma_wait3A_1464 : memref<1x16x128xf32, #tpu.memory_space<vmem>> -> memref<16x128xf32, #tpu.memory_space<vmem>>
      %dma_wait3A_1466 = arith.constant 0 : i32
      %dma_wait3A_1467 = tpu.memref_slice %arg4[%dma_wait3A_1466, %multiple_of3A_122] : memref<16x1000000xf32, #tpu.memory_space<hbm>> -> memref<16x128xf32, #tpu.memory_space<hbm>>
      %dma_wait3A_1468 = arith.constant 0 : i32
      %dma_wait3A_1469 = arith.constant 0 : i32
      %dma_wait3A_1470 = tpu.memref_slice %arg7[%dma_wait3A_1461, %dma_wait3A_1468, %dma_wait3A_1469] : memref<32x16x128xf32, #tpu.memory_space<vmem>> -> memref<1x16x128xf32, #tpu.memory_space<vmem>>
      %dma_wait3A_1471 = tpu.memref_squeeze %dma_wait3A_1470 : memref<1x16x128xf32, #tpu.memory_space<vmem>> -> memref<16x128xf32, #tpu.memory_space<vmem>>
      %dma_wait3A_1472 = arith.constant 0 : i32
      %dma_wait3A_1473 = tpu.memref_slice %arg4[%dma_wait3A_1472, %multiple_of3A_122] : memref<16x1000000xf32, #tpu.memory_space<hbm>> -> memref<16x128xf32, #tpu.memory_space<hbm>>
      tpu.wait_dma2 semaphore(%arg10 : memref<!tpu.dma_semaphore, #tpu.memory_space<semaphore_mem>>) src(%dma_wait3A_1473 : memref<16x128xf32, #tpu.memory_space<hbm>>) dst(%dma_wait3A_1471 : memref<16x128xf32, #tpu.memory_space<vmem>>)
      %slice3A_1474 = vector.extract_strided_slice %get3A_15 {offsets = [2], sizes = [1], strides = [1]} : vector<16xi32> to vector<1xi32>
      %squeeze3A_1475 = vector.extract %slice3A_1474[0] : i32 from vector<1xi32>
      %jit3A_1476 = arith.constant 128 : i32
      %div3A_1477 = arith.divsi %squeeze3A_1475, %jit3A_1476 : i32
      %sign3A_1478 = arith.constant 0 : i32
      %sign3A_1479 = arith.cmpi sgt, %squeeze3A_1475, %sign3A_1478 : i32
      %sign3A_1480 = arith.extui %sign3A_1479 : i1 to i32
      %sign3A_1481 = arith.constant 0 : i32
      %sign3A_1482 = arith.cmpi slt, %squeeze3A_1475, %sign3A_1481 : i32
      %sign3A_1483 = arith.extui %sign3A_1482 : i1 to i32
      %sign3A_1484 = arith.subi %sign3A_1480, %sign3A_1483 : i32
      %sign3A_1485 = arith.constant 0 : i32
      %sign3A_1486 = arith.cmpi sgt, %jit3A_1476, %sign3A_1485 : i32
      %sign3A_1487 = arith.extui %sign3A_1486 : i1 to i32
      %sign3A_1488 = arith.constant 0 : i32
      %sign3A_1489 = arith.cmpi slt, %jit3A_1476, %sign3A_1488 : i32
      %sign3A_1490 = arith.extui %sign3A_1489 : i1 to i32
      %sign3A_1491 = arith.subi %sign3A_1487, %sign3A_1490 : i32
      %ne3A_1492 = arith.cmpi ne, %sign3A_1484, %sign3A_1491 : i32
      %rem3A_1493 = arith.remsi %squeeze3A_1475, %jit3A_1476 : i32
      %ne3A_1494 = arith.constant 0 : i32
      %ne3A_1495 = arith.cmpi ne, %rem3A_1493, %ne3A_1494 : i32
      %and3A_1496 = arith.andi %ne3A_1492, %ne3A_1495 : i1
      %sub3A_1497 = arith.constant 1 : i32
      %sub3A_1498 = arith.subi %div3A_1477, %sub3A_1497 : i32
      %select_n3A_1499 = arith.select %and3A_1496, %sub3A_1498, %div3A_1477 : i32
      %mul3A_1500 = arith.constant 128 : i32
      %mul3A_1501 = arith.muli %select_n3A_1499, %mul3A_1500 : i32
      %sub3A_1502 = arith.subi %squeeze3A_1475, %mul3A_1501 : i32
      %broadcast_in_dim3A_1503 = vector.broadcast %sub3A_1502 : i32 to vector<16xi32>
      %gather3A_1504 = arith.constant 2 : i32
      %gather3A_1505 = arith.constant 0 : i32
      %gather3A_1506 = arith.constant 0 : i32
      %gather3A_1507 = tpu.memref_slice %arg7[%gather3A_1504, %gather3A_1505, %gather3A_1506] : memref<32x16x128xf32, #tpu.memory_space<vmem>> -> memref<1x16x128xf32, #tpu.memory_space<vmem>>
      %gather3A_1508 = tpu.memref_squeeze %gather3A_1507 : memref<1x16x128xf32, #tpu.memory_space<vmem>> -> memref<16x128xf32, #tpu.memory_space<vmem>>
      %gather3A_1509 = tpu.vector_load_idx %gather3A_1508[%iota3A, %broadcast_in_dim3A_1503] : memref<16x128xf32, #tpu.memory_space<vmem>>[vector<16xi32>, vector<16xi32>], vector<16xf32>,
      %mul3A_1510 = arith.constant 32 : i32
      %mul3A_1511 = arith.muli %scan3A_9, %mul3A_1510 : i32
      %add3A_1512 = arith.constant 2 : i32
      %add3A_1513 = arith.addi %mul3A_1511, %add3A_1512 : i32
      %broadcast_in_dim3A_1514 = vector.broadcast %add3A_1513 : i32 to vector<16xi32>
      %mul3A_1515 = arith.mulf %gather3A_1509, %get3A_3 : vector<16xf32>
      tpu.vector_store_idx %arg8[%iota3A, %broadcast_in_dim3A_1514], %mul3A_1515 : memref<16x512xf32, #tpu.memory_space<vmem>>[vector<16xi32>, vector<16xi32>], vector<16xf32>,
      %dma_wait3A_1516 = arith.constant 3 : i32
      %dma_wait3A_1517 = arith.constant 0 : i32
      %dma_wait3A_1518 = arith.constant 0 : i32
      %dma_wait3A_1519 = tpu.memref_slice %arg7[%dma_wait3A_1516, %dma_wait3A_1517, %dma_wait3A_1518] : memref<32x16x128xf32, #tpu.memory_space<vmem>> -> memref<1x16x128xf32, #tpu.memory_space<vmem>>
      %dma_wait3A_1520 = tpu.memref_squeeze %dma_wait3A_1519 : memref<1x16x128xf32, #tpu.memory_space<vmem>> -> memref<16x128xf32, #tpu.memory_space<vmem>>
      %dma_wait3A_1521 = arith.constant 0 : i32
      %dma_wait3A_1522 = tpu.memref_slice %arg4[%dma_wait3A_1521, %multiple_of3A_164] : memref<16x1000000xf32, #tpu.memory_space<hbm>> -> memref<16x128xf32, #tpu.memory_space<hbm>>
      %dma_wait3A_1523 = arith.constant 0 : i32
      %dma_wait3A_1524 = arith.constant 0 : i32
      %dma_wait3A_1525 = tpu.memref_slice %arg7[%dma_wait3A_1516, %dma_wait3A_1523, %dma_wait3A_1524] : memref<32x16x128xf32, #tpu.memory_space<vmem>> -> memref<1x16x128xf32, #tpu.memory_space<vmem>>
      %dma_wait3A_1526 = tpu.memref_squeeze %dma_wait3A_1525 : memref<1x16x128xf32, #tpu.memory_space<vmem>> -> memref<16x128xf32, #tpu.memory_space<vmem>>
      %dma_wait3A_1527 = arith.constant 0 : i32
      %dma_wait3A_1528 = tpu.memref_slice %arg4[%dma_wait3A_1527, %multiple_of3A_164] : memref<16x1000000xf32, #tpu.memory_space<hbm>> -> memref<16x128xf32, #tpu.memory_space<hbm>>
      tpu.wait_dma2 semaphore(%arg10 : memref<!tpu.dma_semaphore, #tpu.memory_space<semaphore_mem>>) src(%dma_wait3A_1528 : memref<16x128xf32, #tpu.memory_space<hbm>>) dst(%dma_wait3A_1526 : memref<16x128xf32, #tpu.memory_space<vmem>>)
      %slice3A_1529 = vector.extract_strided_slice %get3A_15 {offsets = [3], sizes = [1], strides = [1]} : vector<16xi32> to vector<1xi32>
      %squeeze3A_1530 = vector.extract %slice3A_1529[0] : i32 from vector<1xi32>
      %jit3A_1531 = arith.constant 128 : i32
      %div3A_1532 = arith.divsi %squeeze3A_1530, %jit3A_1531 : i32
      %sign3A_1533 = arith.constant 0 : i32
      %sign3A_1534 = arith.cmpi sgt, %squeeze3A_1530, %sign3A_1533 : i32
      %sign3A_1535 = arith.extui %sign3A_1534 : i1 to i32
      %sign3A_1536 = arith.constant 0 : i32
      %sign3A_1537 = arith.cmpi slt, %squeeze3A_1530, %sign3A_1536 : i32
      %sign3A_1538 = arith.extui %sign3A_1537 : i1 to i32
      %sign3A_1539 = arith.subi %sign3A_1535, %sign3A_1538 : i32
      %sign3A_1540 = arith.constant 0 : i32
      %sign3A_1541 = arith.cmpi sgt, %jit3A_1531, %sign3A_1540 : i32
      %sign3A_1542 = arith.extui %sign3A_1541 : i1 to i32
      %sign3A_1543 = arith.constant 0 : i32
      %sign3A_1544 = arith.cmpi slt, %jit3A_1531, %sign3A_1543 : i32
      %sign3A_1545 = arith.extui %sign3A_1544 : i1 to i32
      %sign3A_1546 = arith.subi %sign3A_1542, %sign3A_1545 : i32
      %ne3A_1547 = arith.cmpi ne, %sign3A_1539, %sign3A_1546 : i32
      %rem3A_1548 = arith.remsi %squeeze3A_1530, %jit3A_1531 : i32
      %ne3A_1549 = arith.constant 0 : i32
      %ne3A_1550 = arith.cmpi ne, %rem3A_1548, %ne3A_1549 : i32
      %and3A_1551 = arith.andi %ne3A_1547, %ne3A_1550 : i1
      %sub3A_1552 = arith.constant 1 : i32
      %sub3A_1553 = arith.subi %div3A_1532, %sub3A_1552 : i32
      %select_n3A_1554 = arith.select %and3A_1551, %sub3A_1553, %div3A_1532 : i32
      %mul3A_1555 = arith.constant 128 : i32
      %mul3A_1556 = arith.muli %select_n3A_1554, %mul3A_1555 : i32
      %sub3A_1557 = arith.subi %squeeze3A_1530, %mul3A_1556 : i32
      %broadcast_in_dim3A_1558 = vector.broadcast %sub3A_1557 : i32 to vector<16xi32>
      %gather3A_1559 = arith.constant 3 : i32
      %gather3A_1560 = arith.constant 0 : i32
      %gather3A_1561 = arith.constant 0 : i32
      %gather3A_1562 = tpu.memref_slice %arg7[%gather3A_1559, %gather3A_1560, %gather3A_1561] : memref<32x16x128xf32, #tpu.memory_space<vmem>> -> memref<1x16x128xf32, #tpu.memory_space<vmem>>
      %gather3A_1563 = tpu.memref_squeeze %gather3A_1562 : memref<1x16x128xf32, #tpu.memory_space<vmem>> -> memref<16x128xf32, #tpu.memory_space<vmem>>
      %gather3A_1564 = tpu.vector_load_idx %gather3A_1563[%iota3A, %broadcast_in_dim3A_1558] : memref<16x128xf32, #tpu.memory_space<vmem>>[vector<16xi32>, vector<16xi32>], vector<16xf32>,
      %mul3A_1565 = arith.constant 32 : i32
      %mul3A_1566 = arith.muli %scan3A_9, %mul3A_1565 : i32
      %add3A_1567 = arith.constant 3 : i32
      %add3A_1568 = arith.addi %mul3A_1566, %add3A_1567 : i32
      %broadcast_in_dim3A_1569 = vector.broadcast %add3A_1568 : i32 to vector<16xi32>
      %mul3A_1570 = arith.mulf %gather3A_1564, %get3A_3 : vector<16xf32>
      tpu.vector_store_idx %arg8[%iota3A, %broadcast_in_dim3A_1569], %mul3A_1570 : memref<16x512xf32, #tpu.memory_space<vmem>>[vector<16xi32>, vector<16xi32>], vector<16xf32>,
      %dma_wait3A_1571 = arith.constant 4 : i32
      %dma_wait3A_1572 = arith.constant 0 : i32
      %dma_wait3A_1573 = arith.constant 0 : i32
      %dma_wait3A_1574 = tpu.memref_slice %arg7[%dma_wait3A_1571, %dma_wait3A_1572, %dma_wait3A_1573] : memref<32x16x128xf32, #tpu.memory_space<vmem>> -> memref<1x16x128xf32, #tpu.memory_space<vmem>>
      %dma_wait3A_1575 = tpu.memref_squeeze %dma_wait3A_1574 : memref<1x16x128xf32, #tpu.memory_space<vmem>> -> memref<16x128xf32, #tpu.memory_space<vmem>>
      %dma_wait3A_1576 = arith.constant 0 : i32
      %dma_wait3A_1577 = tpu.memref_slice %arg4[%dma_wait3A_1576, %multiple_of3A_206] : memref<16x1000000xf32, #tpu.memory_space<hbm>> -> memref<16x128xf32, #tpu.memory_space<hbm>>
      %dma_wait3A_1578 = arith.constant 0 : i32
      %dma_wait3A_1579 = arith.constant 0 : i32
      %dma_wait3A_1580 = tpu.memref_slice %arg7[%dma_wait3A_1571, %dma_wait3A_1578, %dma_wait3A_1579] : memref<32x16x128xf32, #tpu.memory_space<vmem>> -> memref<1x16x128xf32, #tpu.memory_space<vmem>>
      %dma_wait3A_1581 = tpu.memref_squeeze %dma_wait3A_1580 : memref<1x16x128xf32, #tpu.memory_space<vmem>> -> memref<16x128xf32, #tpu.memory_space<vmem>>
      %dma_wait3A_1582 = arith.constant 0 : i32
      %dma_wait3A_1583 = tpu.memref_slice %arg4[%dma_wait3A_1582, %multiple_of3A_206] : memref<16x1000000xf32, #tpu.memory_space<hbm>> -> memref<16x128xf32, #tpu.memory_space<hbm>>
      tpu.wait_dma2 semaphore(%arg10 : memref<!tpu.dma_semaphore, #tpu.memory_space<semaphore_mem>>) src(%dma_wait3A_1583 : memref<16x128xf32, #tpu.memory_space<hbm>>) dst(%dma_wait3A_1581 : memref<16x128xf32, #tpu.memory_space<vmem>>)
      %slice3A_1584 = vector.extract_strided_slice %get3A_15 {offsets = [4], sizes = [1], strides = [1]} : vector<16xi32> to vector<1xi32>
      %squeeze3A_1585 = vector.extract %slice3A_1584[0] : i32 from vector<1xi32>
      %jit3A_1586 = arith.constant 128 : i32
      %div3A_1587 = arith.divsi %squeeze3A_1585, %jit3A_1586 : i32
      %sign3A_1588 = arith.constant 0 : i32
      %sign3A_1589 = arith.cmpi sgt, %squeeze3A_1585, %sign3A_1588 : i32
      %sign3A_1590 = arith.extui %sign3A_1589 : i1 to i32
      %sign3A_1591 = arith.constant 0 : i32
      %sign3A_1592 = arith.cmpi slt, %squeeze3A_1585, %sign3A_1591 : i32
      %sign3A_1593 = arith.extui %sign3A_1592 : i1 to i32
      %sign3A_1594 = arith.subi %sign3A_1590, %sign3A_1593 : i32
      %sign3A_1595 = arith.constant 0 : i32
      %sign3A_1596 = arith.cmpi sgt, %jit3A_1586, %sign3A_1595 : i32
      %sign3A_1597 = arith.extui %sign3A_1596 : i1 to i32
      %sign3A_1598 = arith.constant 0 : i32
      %sign3A_1599 = arith.cmpi slt, %jit3A_1586, %sign3A_1598 : i32
      %sign3A_1600 = arith.extui %sign3A_1599 : i1 to i32
      %sign3A_1601 = arith.subi %sign3A_1597, %sign3A_1600 : i32
      %ne3A_1602 = arith.cmpi ne, %sign3A_1594, %sign3A_1601 : i32
      %rem3A_1603 = arith.remsi %squeeze3A_1585, %jit3A_1586 : i32
      %ne3A_1604 = arith.constant 0 : i32
      %ne3A_1605 = arith.cmpi ne, %rem3A_1603, %ne3A_1604 : i32
      %and3A_1606 = arith.andi %ne3A_1602, %ne3A_1605 : i1
      %sub3A_1607 = arith.constant 1 : i32
      %sub3A_1608 = arith.subi %div3A_1587, %sub3A_1607 : i32
      %select_n3A_1609 = arith.select %and3A_1606, %sub3A_1608, %div3A_1587 : i32
      %mul3A_1610 = arith.constant 128 : i32
      %mul3A_1611 = arith.muli %select_n3A_1609, %mul3A_1610 : i32
      %sub3A_1612 = arith.subi %squeeze3A_1585, %mul3A_1611 : i32
      %broadcast_in_dim3A_1613 = vector.broadcast %sub3A_1612 : i32 to vector<16xi32>
      %gather3A_1614 = arith.constant 4 : i32
      %gather3A_1615 = arith.constant 0 : i32
      %gather3A_1616 = arith.constant 0 : i32
      %gather3A_1617 = tpu.memref_slice %arg7[%gather3A_1614, %gather3A_1615, %gather3A_1616] : memref<32x16x128xf32, #tpu.memory_space<vmem>> -> memref<1x16x128xf32, #tpu.memory_space<vmem>>
      %gather3A_1618 = tpu.memref_squeeze %gather3A_1617 : memref<1x16x128xf32, #tpu.memory_space<vmem>> -> memref<16x128xf32, #tpu.memory_space<vmem>>
      %gather3A_1619 = tpu.vector_load_idx %gather3A_1618[%iota3A, %broadcast_in_dim3A_1613] : memref<16x128xf32, #tpu.memory_space<vmem>>[vector<16xi32>, vector<16xi32>], vector<16xf32>,
      %mul3A_1620 = arith.constant 32 : i32
      %mul3A_1621 = arith.muli %scan3A_9, %mul3A_1620 : i32
      %add3A_1622 = arith.constant 4 : i32
      %add3A_1623 = arith.addi %mul3A_1621, %add3A_1622 : i32
      %broadcast_in_dim3A_1624 = vector.broadcast %add3A_1623 : i32 to vector<16xi32>
      %mul3A_1625 = arith.mulf %gather3A_1619, %get3A_3 : vector<16xf32>
      tpu.vector_store_idx %arg8[%iota3A, %broadcast_in_dim3A_1624], %mul3A_1625 : memref<16x512xf32, #tpu.memory_space<vmem>>[vector<16xi32>, vector<16xi32>], vector<16xf32>,
      %dma_wait3A_1626 = arith.constant 5 : i32
      %dma_wait3A_1627 = arith.constant 0 : i32
      %dma_wait3A_1628 = arith.constant 0 : i32
      %dma_wait3A_1629 = tpu.memref_slice %arg7[%dma_wait3A_1626, %dma_wait3A_1627, %dma_wait3A_1628] : memref<32x16x128xf32, #tpu.memory_space<vmem>> -> memref<1x16x128xf32, #tpu.memory_space<vmem>>
      %dma_wait3A_1630 = tpu.memref_squeeze %dma_wait3A_1629 : memref<1x16x128xf32, #tpu.memory_space<vmem>> -> memref<16x128xf32, #tpu.memory_space<vmem>>
      %dma_wait3A_1631 = arith.constant 0 : i32
      %dma_wait3A_1632 = tpu.memref_slice %arg4[%dma_wait3A_1631, %multiple_of3A_248] : memref<16x1000000xf32, #tpu.memory_space<hbm>> -> memref<16x128xf32, #tpu.memory_space<hbm>>
      %dma_wait3A_1633 = arith.constant 0 : i32
      %dma_wait3A_1634 = arith.constant 0 : i32
      %dma_wait3A_1635 = tpu.memref_slice %arg7[%dma_wait3A_1626, %dma_wait3A_1633, %dma_wait3A_1634] : memref<32x16x128xf32, #tpu.memory_space<vmem>> -> memref<1x16x128xf32, #tpu.memory_space<vmem>>
      %dma_wait3A_1636 = tpu.memref_squeeze %dma_wait3A_1635 : memref<1x16x128xf32, #tpu.memory_space<vmem>> -> memref<16x128xf32, #tpu.memory_space<vmem>>
      %dma_wait3A_1637 = arith.constant 0 : i32
      %dma_wait3A_1638 = tpu.memref_slice %arg4[%dma_wait3A_1637, %multiple_of3A_248] : memref<16x1000000xf32, #tpu.memory_space<hbm>> -> memref<16x128xf32, #tpu.memory_space<hbm>>
      tpu.wait_dma2 semaphore(%arg10 : memref<!tpu.dma_semaphore, #tpu.memory_space<semaphore_mem>>) src(%dma_wait3A_1638 : memref<16x128xf32, #tpu.memory_space<hbm>>) dst(%dma_wait3A_1636 : memref<16x128xf32, #tpu.memory_space<vmem>>)
      %slice3A_1639 = vector.extract_strided_slice %get3A_15 {offsets = [5], sizes = [1], strides = [1]} : vector<16xi32> to vector<1xi32>
      %squeeze3A_1640 = vector.extract %slice3A_1639[0] : i32 from vector<1xi32>
      %jit3A_1641 = arith.constant 128 : i32
      %div3A_1642 = arith.divsi %squeeze3A_1640, %jit3A_1641 : i32
      %sign3A_1643 = arith.constant 0 : i32
      %sign3A_1644 = arith.cmpi sgt, %squeeze3A_1640, %sign3A_1643 : i32
      %sign3A_1645 = arith.extui %sign3A_1644 : i1 to i32
      %sign3A_1646 = arith.constant 0 : i32
      %sign3A_1647 = arith.cmpi slt, %squeeze3A_1640, %sign3A_1646 : i32
      %sign3A_1648 = arith.extui %sign3A_1647 : i1 to i32
      %sign3A_1649 = arith.subi %sign3A_1645, %sign3A_1648 : i32
      %sign3A_1650 = arith.constant 0 : i32
      %sign3A_1651 = arith.cmpi sgt, %jit3A_1641, %sign3A_1650 : i32
      %sign3A_1652 = arith.extui %sign3A_1651 : i1 to i32
      %sign3A_1653 = arith.constant 0 : i32
      %sign3A_1654 = arith.cmpi slt, %jit3A_1641, %sign3A_1653 : i32
      %sign3A_1655 = arith.extui %sign3A_1654 : i1 to i32
      %sign3A_1656 = arith.subi %sign3A_1652, %sign3A_1655 : i32
      %ne3A_1657 = arith.cmpi ne, %sign3A_1649, %sign3A_1656 : i32
      %rem3A_1658 = arith.remsi %squeeze3A_1640, %jit3A_1641 : i32
      %ne3A_1659 = arith.constant 0 : i32
      %ne3A_1660 = arith.cmpi ne, %rem3A_1658, %ne3A_1659 : i32
      %and3A_1661 = arith.andi %ne3A_1657, %ne3A_1660 : i1
      %sub3A_1662 = arith.constant 1 : i32
      %sub3A_1663 = arith.subi %div3A_1642, %sub3A_1662 : i32
      %select_n3A_1664 = arith.select %and3A_1661, %sub3A_1663, %div3A_1642 : i32
      %mul3A_1665 = arith.constant 128 : i32
      %mul3A_1666 = arith.muli %select_n3A_1664, %mul3A_1665 : i32
      %sub3A_1667 = arith.subi %squeeze3A_1640, %mul3A_1666 : i32
      %broadcast_in_dim3A_1668 = vector.broadcast %sub3A_1667 : i32 to vector<16xi32>
      %gather3A_1669 = arith.constant 5 : i32
      %gather3A_1670 = arith.constant 0 : i32
      %gather3A_1671 = arith.constant 0 : i32
      %gather3A_1672 = tpu.memref_slice %arg7[%gather3A_1669, %gather3A_1670, %gather3A_1671] : memref<32x16x128xf32, #tpu.memory_space<vmem>> -> memref<1x16x128xf32, #tpu.memory_space<vmem>>
      %gather3A_1673 = tpu.memref_squeeze %gather3A_1672 : memref<1x16x128xf32, #tpu.memory_space<vmem>> -> memref<16x128xf32, #tpu.memory_space<vmem>>
      %gather3A_1674 = tpu.vector_load_idx %gather3A_1673[%iota3A, %broadcast_in_dim3A_1668] : memref<16x128xf32, #tpu.memory_space<vmem>>[vector<16xi32>, vector<16xi32>], vector<16xf32>,
      %mul3A_1675 = arith.constant 32 : i32
      %mul3A_1676 = arith.muli %scan3A_9, %mul3A_1675 : i32
      %add3A_1677 = arith.constant 5 : i32
      %add3A_1678 = arith.addi %mul3A_1676, %add3A_1677 : i32
      %broadcast_in_dim3A_1679 = vector.broadcast %add3A_1678 : i32 to vector<16xi32>
      %mul3A_1680 = arith.mulf %gather3A_1674, %get3A_3 : vector<16xf32>
      tpu.vector_store_idx %arg8[%iota3A, %broadcast_in_dim3A_1679], %mul3A_1680 : memref<16x512xf32, #tpu.memory_space<vmem>>[vector<16xi32>, vector<16xi32>], vector<16xf32>,
      %dma_wait3A_1681 = arith.constant 6 : i32
      %dma_wait3A_1682 = arith.constant 0 : i32
      %dma_wait3A_1683 = arith.constant 0 : i32
      %dma_wait3A_1684 = tpu.memref_slice %arg7[%dma_wait3A_1681, %dma_wait3A_1682, %dma_wait3A_1683] : memref<32x16x128xf32, #tpu.memory_space<vmem>> -> memref<1x16x128xf32, #tpu.memory_space<vmem>>
      %dma_wait3A_1685 = tpu.memref_squeeze %dma_wait3A_1684 : memref<1x16x128xf32, #tpu.memory_space<vmem>> -> memref<16x128xf32, #tpu.memory_space<vmem>>
      %dma_wait3A_1686 = arith.constant 0 : i32
      %dma_wait3A_1687 = tpu.memref_slice %arg4[%dma_wait3A_1686, %multiple_of3A_290] : memref<16x1000000xf32, #tpu.memory_space<hbm>> -> memref<16x128xf32, #tpu.memory_space<hbm>>
      %dma_wait3A_1688 = arith.constant 0 : i32
      %dma_wait3A_1689 = arith.constant 0 : i32
      %dma_wait3A_1690 = tpu.memref_slice %arg7[%dma_wait3A_1681, %dma_wait3A_1688, %dma_wait3A_1689] : memref<32x16x128xf32, #tpu.memory_space<vmem>> -> memref<1x16x128xf32, #tpu.memory_space<vmem>>
      %dma_wait3A_1691 = tpu.memref_squeeze %dma_wait3A_1690 : memref<1x16x128xf32, #tpu.memory_space<vmem>> -> memref<16x128xf32, #tpu.memory_space<vmem>>
      %dma_wait3A_1692 = arith.constant 0 : i32
      %dma_wait3A_1693 = tpu.memref_slice %arg4[%dma_wait3A_1692, %multiple_of3A_290] : memref<16x1000000xf32, #tpu.memory_space<hbm>> -> memref<16x128xf32, #tpu.memory_space<hbm>>
      tpu.wait_dma2 semaphore(%arg10 : memref<!tpu.dma_semaphore, #tpu.memory_space<semaphore_mem>>) src(%dma_wait3A_1693 : memref<16x128xf32, #tpu.memory_space<hbm>>) dst(%dma_wait3A_1691 : memref<16x128xf32, #tpu.memory_space<vmem>>)
      %slice3A_1694 = vector.extract_strided_slice %get3A_15 {offsets = [6], sizes = [1], strides = [1]} : vector<16xi32> to vector<1xi32>
      %squeeze3A_1695 = vector.extract %slice3A_1694[0] : i32 from vector<1xi32>
      %jit3A_1696 = arith.constant 128 : i32
      %div3A_1697 = arith.divsi %squeeze3A_1695, %jit3A_1696 : i32
      %sign3A_1698 = arith.constant 0 : i32
      %sign3A_1699 = arith.cmpi sgt, %squeeze3A_1695, %sign3A_1698 : i32
      %sign3A_1700 = arith.extui %sign3A_1699 : i1 to i32
      %sign3A_1701 = arith.constant 0 : i32
      %sign3A_1702 = arith.cmpi slt, %squeeze3A_1695, %sign3A_1701 : i32
      %sign3A_1703 = arith.extui %sign3A_1702 : i1 to i32
      %sign3A_1704 = arith.subi %sign3A_1700, %sign3A_1703 : i32
      %sign3A_1705 = arith.constant 0 : i32
      %sign3A_1706 = arith.cmpi sgt, %jit3A_1696, %sign3A_1705 : i32
      %sign3A_1707 = arith.extui %sign3A_1706 : i1 to i32
      %sign3A_1708 = arith.constant 0 : i32
      %sign3A_1709 = arith.cmpi slt, %jit3A_1696, %sign3A_1708 : i32
      %sign3A_1710 = arith.extui %sign3A_1709 : i1 to i32
      %sign3A_1711 = arith.subi %sign3A_1707, %sign3A_1710 : i32
      %ne3A_1712 = arith.cmpi ne, %sign3A_1704, %sign3A_1711 : i32
      %rem3A_1713 = arith.remsi %squeeze3A_1695, %jit3A_1696 : i32
      %ne3A_1714 = arith.constant 0 : i32
      %ne3A_1715 = arith.cmpi ne, %rem3A_1713, %ne3A_1714 : i32
      %and3A_1716 = arith.andi %ne3A_1712, %ne3A_1715 : i1
      %sub3A_1717 = arith.constant 1 : i32
      %sub3A_1718 = arith.subi %div3A_1697, %sub3A_1717 : i32
      %select_n3A_1719 = arith.select %and3A_1716, %sub3A_1718, %div3A_1697 : i32
      %mul3A_1720 = arith.constant 128 : i32
      %mul3A_1721 = arith.muli %select_n3A_1719, %mul3A_1720 : i32
      %sub3A_1722 = arith.subi %squeeze3A_1695, %mul3A_1721 : i32
      %broadcast_in_dim3A_1723 = vector.broadcast %sub3A_1722 : i32 to vector<16xi32>
      %gather3A_1724 = arith.constant 6 : i32
      %gather3A_1725 = arith.constant 0 : i32
      %gather3A_1726 = arith.constant 0 : i32
      %gather3A_1727 = tpu.memref_slice %arg7[%gather3A_1724, %gather3A_1725, %gather3A_1726] : memref<32x16x128xf32, #tpu.memory_space<vmem>> -> memref<1x16x128xf32, #tpu.memory_space<vmem>>
      %gather3A_1728 = tpu.memref_squeeze %gather3A_1727 : memref<1x16x128xf32, #tpu.memory_space<vmem>> -> memref<16x128xf32, #tpu.memory_space<vmem>>
      %gather3A_1729 = tpu.vector_load_idx %gather3A_1728[%iota3A, %broadcast_in_dim3A_1723] : memref<16x128xf32, #tpu.memory_space<vmem>>[vector<16xi32>, vector<16xi32>], vector<16xf32>,
      %mul3A_1730 = arith.constant 32 : i32
      %mul3A_1731 = arith.muli %scan3A_9, %mul3A_1730 : i32
      %add3A_1732 = arith.constant 6 : i32
      %add3A_1733 = arith.addi %mul3A_1731, %add3A_1732 : i32
      %broadcast_in_dim3A_1734 = vector.broadcast %add3A_1733 : i32 to vector<16xi32>
      %mul3A_1735 = arith.mulf %gather3A_1729, %get3A_3 : vector<16xf32>
      tpu.vector_store_idx %arg8[%iota3A, %broadcast_in_dim3A_1734], %mul3A_1735 : memref<16x512xf32, #tpu.memory_space<vmem>>[vector<16xi32>, vector<16xi32>], vector<16xf32>,
      %dma_wait3A_1736 = arith.constant 7 : i32
      %dma_wait3A_1737 = arith.constant 0 : i32
      %dma_wait3A_1738 = arith.constant 0 : i32
      %dma_wait3A_1739 = tpu.memref_slice %arg7[%dma_wait3A_1736, %dma_wait3A_1737, %dma_wait3A_1738] : memref<32x16x128xf32, #tpu.memory_space<vmem>> -> memref<1x16x128xf32, #tpu.memory_space<vmem>>
      %dma_wait3A_1740 = tpu.memref_squeeze %dma_wait3A_1739 : memref<1x16x128xf32, #tpu.memory_space<vmem>> -> memref<16x128xf32, #tpu.memory_space<vmem>>
      %dma_wait3A_1741 = arith.constant 0 : i32
      %dma_wait3A_1742 = tpu.memref_slice %arg4[%dma_wait3A_1741, %multiple_of3A_332] : memref<16x1000000xf32, #tpu.memory_space<hbm>> -> memref<16x128xf32, #tpu.memory_space<hbm>>
      %dma_wait3A_1743 = arith.constant 0 : i32
      %dma_wait3A_1744 = arith.constant 0 : i32
      %dma_wait3A_1745 = tpu.memref_slice %arg7[%dma_wait3A_1736, %dma_wait3A_1743, %dma_wait3A_1744] : memref<32x16x128xf32, #tpu.memory_space<vmem>> -> memref<1x16x128xf32, #tpu.memory_space<vmem>>
      %dma_wait3A_1746 = tpu.memref_squeeze %dma_wait3A_1745 : memref<1x16x128xf32, #tpu.memory_space<vmem>> -> memref<16x128xf32, #tpu.memory_space<vmem>>
      %dma_wait3A_1747 = arith.constant 0 : i32
      %dma_wait3A_1748 = tpu.memref_slice %arg4[%dma_wait3A_1747, %multiple_of3A_332] : memref<16x1000000xf32, #tpu.memory_space<hbm>> -> memref<16x128xf32, #tpu.memory_space<hbm>>
      tpu.wait_dma2 semaphore(%arg10 : memref<!tpu.dma_semaphore, #tpu.memory_space<semaphore_mem>>) src(%dma_wait3A_1748 : memref<16x128xf32, #tpu.memory_space<hbm>>) dst(%dma_wait3A_1746 : memref<16x128xf32, #tpu.memory_space<vmem>>)
      %slice3A_1749 = vector.extract_strided_slice %get3A_15 {offsets = [7], sizes = [1], strides = [1]} : vector<16xi32> to vector<1xi32>
      %squeeze3A_1750 = vector.extract %slice3A_1749[0] : i32 from vector<1xi32>
      %jit3A_1751 = arith.constant 128 : i32
      %div3A_1752 = arith.divsi %squeeze3A_1750, %jit3A_1751 : i32
      %sign3A_1753 = arith.constant 0 : i32
      %sign3A_1754 = arith.cmpi sgt, %squeeze3A_1750, %sign3A_1753 : i32
      %sign3A_1755 = arith.extui %sign3A_1754 : i1 to i32
      %sign3A_1756 = arith.constant 0 : i32
      %sign3A_1757 = arith.cmpi slt, %squeeze3A_1750, %sign3A_1756 : i32
      %sign3A_1758 = arith.extui %sign3A_1757 : i1 to i32
      %sign3A_1759 = arith.subi %sign3A_1755, %sign3A_1758 : i32
      %sign3A_1760 = arith.constant 0 : i32
      %sign3A_1761 = arith.cmpi sgt, %jit3A_1751, %sign3A_1760 : i32
      %sign3A_1762 = arith.extui %sign3A_1761 : i1 to i32
      %sign3A_1763 = arith.constant 0 : i32
      %sign3A_1764 = arith.cmpi slt, %jit3A_1751, %sign3A_1763 : i32
      %sign3A_1765 = arith.extui %sign3A_1764 : i1 to i32
      %sign3A_1766 = arith.subi %sign3A_1762, %sign3A_1765 : i32
      %ne3A_1767 = arith.cmpi ne, %sign3A_1759, %sign3A_1766 : i32
      %rem3A_1768 = arith.remsi %squeeze3A_1750, %jit3A_1751 : i32
      %ne3A_1769 = arith.constant 0 : i32
      %ne3A_1770 = arith.cmpi ne, %rem3A_1768, %ne3A_1769 : i32
      %and3A_1771 = arith.andi %ne3A_1767, %ne3A_1770 : i1
      %sub3A_1772 = arith.constant 1 : i32
      %sub3A_1773 = arith.subi %div3A_1752, %sub3A_1772 : i32
      %select_n3A_1774 = arith.select %and3A_1771, %sub3A_1773, %div3A_1752 : i32
      %mul3A_1775 = arith.constant 128 : i32
      %mul3A_1776 = arith.muli %select_n3A_1774, %mul3A_1775 : i32
      %sub3A_1777 = arith.subi %squeeze3A_1750, %mul3A_1776 : i32
      %broadcast_in_dim3A_1778 = vector.broadcast %sub3A_1777 : i32 to vector<16xi32>
      %gather3A_1779 = arith.constant 7 : i32
      %gather3A_1780 = arith.constant 0 : i32
      %gather3A_1781 = arith.constant 0 : i32
      %gather3A_1782 = tpu.memref_slice %arg7[%gather3A_1779, %gather3A_1780, %gather3A_1781] : memref<32x16x128xf32, #tpu.memory_space<vmem>> -> memref<1x16x128xf32, #tpu.memory_space<vmem>>
      %gather3A_1783 = tpu.memref_squeeze %gather3A_1782 : memref<1x16x128xf32, #tpu.memory_space<vmem>> -> memref<16x128xf32, #tpu.memory_space<vmem>>
      %gather3A_1784 = tpu.vector_load_idx %gather3A_1783[%iota3A, %broadcast_in_dim3A_1778] : memref<16x128xf32, #tpu.memory_space<vmem>>[vector<16xi32>, vector<16xi32>], vector<16xf32>,
      %mul3A_1785 = arith.constant 32 : i32
      %mul3A_1786 = arith.muli %scan3A_9, %mul3A_1785 : i32
      %add3A_1787 = arith.constant 7 : i32
      %add3A_1788 = arith.addi %mul3A_1786, %add3A_1787 : i32
      %broadcast_in_dim3A_1789 = vector.broadcast %add3A_1788 : i32 to vector<16xi32>
      %mul3A_1790 = arith.mulf %gather3A_1784, %get3A_3 : vector<16xf32>
      tpu.vector_store_idx %arg8[%iota3A, %broadcast_in_dim3A_1789], %mul3A_1790 : memref<16x512xf32, #tpu.memory_space<vmem>>[vector<16xi32>, vector<16xi32>], vector<16xf32>,
      %dma_wait3A_1791 = arith.constant 8 : i32
      %dma_wait3A_1792 = arith.constant 0 : i32
      %dma_wait3A_1793 = arith.constant 0 : i32
      %dma_wait3A_1794 = tpu.memref_slice %arg7[%dma_wait3A_1791, %dma_wait3A_1792, %dma_wait3A_1793] : memref<32x16x128xf32, #tpu.memory_space<vmem>> -> memref<1x16x128xf32, #tpu.memory_space<vmem>>
      %dma_wait3A_1795 = tpu.memref_squeeze %dma_wait3A_1794 : memref<1x16x128xf32, #tpu.memory_space<vmem>> -> memref<16x128xf32, #tpu.memory_space<vmem>>
      %dma_wait3A_1796 = arith.constant 0 : i32
      %dma_wait3A_1797 = tpu.memref_slice %arg4[%dma_wait3A_1796, %multiple_of3A_374] : memref<16x1000000xf32, #tpu.memory_space<hbm>> -> memref<16x128xf32, #tpu.memory_space<hbm>>
      %dma_wait3A_1798 = arith.constant 0 : i32
      %dma_wait3A_1799 = arith.constant 0 : i32
      %dma_wait3A_1800 = tpu.memref_slice %arg7[%dma_wait3A_1791, %dma_wait3A_1798, %dma_wait3A_1799] : memref<32x16x128xf32, #tpu.memory_space<vmem>> -> memref<1x16x128xf32, #tpu.memory_space<vmem>>
      %dma_wait3A_1801 = tpu.memref_squeeze %dma_wait3A_1800 : memref<1x16x128xf32, #tpu.memory_space<vmem>> -> memref<16x128xf32, #tpu.memory_space<vmem>>
      %dma_wait3A_1802 = arith.constant 0 : i32
      %dma_wait3A_1803 = tpu.memref_slice %arg4[%dma_wait3A_1802, %multiple_of3A_374] : memref<16x1000000xf32, #tpu.memory_space<hbm>> -> memref<16x128xf32, #tpu.memory_space<hbm>>
      tpu.wait_dma2 semaphore(%arg10 : memref<!tpu.dma_semaphore, #tpu.memory_space<semaphore_mem>>) src(%dma_wait3A_1803 : memref<16x128xf32, #tpu.memory_space<hbm>>) dst(%dma_wait3A_1801 : memref<16x128xf32, #tpu.memory_space<vmem>>)
      %slice3A_1804 = vector.extract_strided_slice %get3A_15 {offsets = [8], sizes = [1], strides = [1]} : vector<16xi32> to vector<1xi32>
      %squeeze3A_1805 = vector.extract %slice3A_1804[0] : i32 from vector<1xi32>
      %jit3A_1806 = arith.constant 128 : i32
      %div3A_1807 = arith.divsi %squeeze3A_1805, %jit3A_1806 : i32
      %sign3A_1808 = arith.constant 0 : i32
      %sign3A_1809 = arith.cmpi sgt, %squeeze3A_1805, %sign3A_1808 : i32
      %sign3A_1810 = arith.extui %sign3A_1809 : i1 to i32
      %sign3A_1811 = arith.constant 0 : i32
      %sign3A_1812 = arith.cmpi slt, %squeeze3A_1805, %sign3A_1811 : i32
      %sign3A_1813 = arith.extui %sign3A_1812 : i1 to i32
      %sign3A_1814 = arith.subi %sign3A_1810, %sign3A_1813 : i32
      %sign3A_1815 = arith.constant 0 : i32
      %sign3A_1816 = arith.cmpi sgt, %jit3A_1806, %sign3A_1815 : i32
      %sign3A_1817 = arith.extui %sign3A_1816 : i1 to i32
      %sign3A_1818 = arith.constant 0 : i32
      %sign3A_1819 = arith.cmpi slt, %jit3A_1806, %sign3A_1818 : i32
      %sign3A_1820 = arith.extui %sign3A_1819 : i1 to i32
      %sign3A_1821 = arith.subi %sign3A_1817, %sign3A_1820 : i32
      %ne3A_1822 = arith.cmpi ne, %sign3A_1814, %sign3A_1821 : i32
      %rem3A_1823 = arith.remsi %squeeze3A_1805, %jit3A_1806 : i32
      %ne3A_1824 = arith.constant 0 : i32
      %ne3A_1825 = arith.cmpi ne, %rem3A_1823, %ne3A_1824 : i32
      %and3A_1826 = arith.andi %ne3A_1822, %ne3A_1825 : i1
      %sub3A_1827 = arith.constant 1 : i32
      %sub3A_1828 = arith.subi %div3A_1807, %sub3A_1827 : i32
      %select_n3A_1829 = arith.select %and3A_1826, %sub3A_1828, %div3A_1807 : i32
      %mul3A_1830 = arith.constant 128 : i32
      %mul3A_1831 = arith.muli %select_n3A_1829, %mul3A_1830 : i32
      %sub3A_1832 = arith.subi %squeeze3A_1805, %mul3A_1831 : i32
      %broadcast_in_dim3A_1833 = vector.broadcast %sub3A_1832 : i32 to vector<16xi32>
      %gather3A_1834 = arith.constant 8 : i32
      %gather3A_1835 = arith.constant 0 : i32
      %gather3A_1836 = arith.constant 0 : i32
      %gather3A_1837 = tpu.memref_slice %arg7[%gather3A_1834, %gather3A_1835, %gather3A_1836] : memref<32x16x128xf32, #tpu.memory_space<vmem>> -> memref<1x16x128xf32, #tpu.memory_space<vmem>>
      %gather3A_1838 = tpu.memref_squeeze %gather3A_1837 : memref<1x16x128xf32, #tpu.memory_space<vmem>> -> memref<16x128xf32, #tpu.memory_space<vmem>>
      %gather3A_1839 = tpu.vector_load_idx %gather3A_1838[%iota3A, %broadcast_in_dim3A_1833] : memref<16x128xf32, #tpu.memory_space<vmem>>[vector<16xi32>, vector<16xi32>], vector<16xf32>,
      %mul3A_1840 = arith.constant 32 : i32
      %mul3A_1841 = arith.muli %scan3A_9, %mul3A_1840 : i32
      %add3A_1842 = arith.constant 8 : i32
      %add3A_1843 = arith.addi %mul3A_1841, %add3A_1842 : i32
      %broadcast_in_dim3A_1844 = vector.broadcast %add3A_1843 : i32 to vector<16xi32>
      %mul3A_1845 = arith.mulf %gather3A_1839, %get3A_3 : vector<16xf32>
      tpu.vector_store_idx %arg8[%iota3A, %broadcast_in_dim3A_1844], %mul3A_1845 : memref<16x512xf32, #tpu.memory_space<vmem>>[vector<16xi32>, vector<16xi32>], vector<16xf32>,
      %dma_wait3A_1846 = arith.constant 9 : i32
      %dma_wait3A_1847 = arith.constant 0 : i32
      %dma_wait3A_1848 = arith.constant 0 : i32
      %dma_wait3A_1849 = tpu.memref_slice %arg7[%dma_wait3A_1846, %dma_wait3A_1847, %dma_wait3A_1848] : memref<32x16x128xf32, #tpu.memory_space<vmem>> -> memref<1x16x128xf32, #tpu.memory_space<vmem>>
      %dma_wait3A_1850 = tpu.memref_squeeze %dma_wait3A_1849 : memref<1x16x128xf32, #tpu.memory_space<vmem>> -> memref<16x128xf32, #tpu.memory_space<vmem>>
      %dma_wait3A_1851 = arith.constant 0 : i32
      %dma_wait3A_1852 = tpu.memref_slice %arg4[%dma_wait3A_1851, %multiple_of3A_416] : memref<16x1000000xf32, #tpu.memory_space<hbm>> -> memref<16x128xf32, #tpu.memory_space<hbm>>
      %dma_wait3A_1853 = arith.constant 0 : i32
      %dma_wait3A_1854 = arith.constant 0 : i32
      %dma_wait3A_1855 = tpu.memref_slice %arg7[%dma_wait3A_1846, %dma_wait3A_1853, %dma_wait3A_1854] : memref<32x16x128xf32, #tpu.memory_space<vmem>> -> memref<1x16x128xf32, #tpu.memory_space<vmem>>
      %dma_wait3A_1856 = tpu.memref_squeeze %dma_wait3A_1855 : memref<1x16x128xf32, #tpu.memory_space<vmem>> -> memref<16x128xf32, #tpu.memory_space<vmem>>
      %dma_wait3A_1857 = arith.constant 0 : i32
      %dma_wait3A_1858 = tpu.memref_slice %arg4[%dma_wait3A_1857, %multiple_of3A_416] : memref<16x1000000xf32, #tpu.memory_space<hbm>> -> memref<16x128xf32, #tpu.memory_space<hbm>>
      tpu.wait_dma2 semaphore(%arg10 : memref<!tpu.dma_semaphore, #tpu.memory_space<semaphore_mem>>) src(%dma_wait3A_1858 : memref<16x128xf32, #tpu.memory_space<hbm>>) dst(%dma_wait3A_1856 : memref<16x128xf32, #tpu.memory_space<vmem>>)
      %slice3A_1859 = vector.extract_strided_slice %get3A_15 {offsets = [9], sizes = [1], strides = [1]} : vector<16xi32> to vector<1xi32>
      %squeeze3A_1860 = vector.extract %slice3A_1859[0] : i32 from vector<1xi32>
      %jit3A_1861 = arith.constant 128 : i32
      %div3A_1862 = arith.divsi %squeeze3A_1860, %jit3A_1861 : i32
      %sign3A_1863 = arith.constant 0 : i32
      %sign3A_1864 = arith.cmpi sgt, %squeeze3A_1860, %sign3A_1863 : i32
      %sign3A_1865 = arith.extui %sign3A_1864 : i1 to i32
      %sign3A_1866 = arith.constant 0 : i32
      %sign3A_1867 = arith.cmpi slt, %squeeze3A_1860, %sign3A_1866 : i32
      %sign3A_1868 = arith.extui %sign3A_1867 : i1 to i32
      %sign3A_1869 = arith.subi %sign3A_1865, %sign3A_1868 : i32
      %sign3A_1870 = arith.constant 0 : i32
      %sign3A_1871 = arith.cmpi sgt, %jit3A_1861, %sign3A_1870 : i32
      %sign3A_1872 = arith.extui %sign3A_1871 : i1 to i32
      %sign3A_1873 = arith.constant 0 : i32
      %sign3A_1874 = arith.cmpi slt, %jit3A_1861, %sign3A_1873 : i32
      %sign3A_1875 = arith.extui %sign3A_1874 : i1 to i32
      %sign3A_1876 = arith.subi %sign3A_1872, %sign3A_1875 : i32
      %ne3A_1877 = arith.cmpi ne, %sign3A_1869, %sign3A_1876 : i32
      %rem3A_1878 = arith.remsi %squeeze3A_1860, %jit3A_1861 : i32
      %ne3A_1879 = arith.constant 0 : i32
      %ne3A_1880 = arith.cmpi ne, %rem3A_1878, %ne3A_1879 : i32
      %and3A_1881 = arith.andi %ne3A_1877, %ne3A_1880 : i1
      %sub3A_1882 = arith.constant 1 : i32
      %sub3A_1883 = arith.subi %div3A_1862, %sub3A_1882 : i32
      %select_n3A_1884 = arith.select %and3A_1881, %sub3A_1883, %div3A_1862 : i32
      %mul3A_1885 = arith.constant 128 : i32
      %mul3A_1886 = arith.muli %select_n3A_1884, %mul3A_1885 : i32
      %sub3A_1887 = arith.subi %squeeze3A_1860, %mul3A_1886 : i32
      %broadcast_in_dim3A_1888 = vector.broadcast %sub3A_1887 : i32 to vector<16xi32>
      %gather3A_1889 = arith.constant 9 : i32
      %gather3A_1890 = arith.constant 0 : i32
      %gather3A_1891 = arith.constant 0 : i32
      %gather3A_1892 = tpu.memref_slice %arg7[%gather3A_1889, %gather3A_1890, %gather3A_1891] : memref<32x16x128xf32, #tpu.memory_space<vmem>> -> memref<1x16x128xf32, #tpu.memory_space<vmem>>
      %gather3A_1893 = tpu.memref_squeeze %gather3A_1892 : memref<1x16x128xf32, #tpu.memory_space<vmem>> -> memref<16x128xf32, #tpu.memory_space<vmem>>
      %gather3A_1894 = tpu.vector_load_idx %gather3A_1893[%iota3A, %broadcast_in_dim3A_1888] : memref<16x128xf32, #tpu.memory_space<vmem>>[vector<16xi32>, vector<16xi32>], vector<16xf32>,
      %mul3A_1895 = arith.constant 32 : i32
      %mul3A_1896 = arith.muli %scan3A_9, %mul3A_1895 : i32
      %add3A_1897 = arith.constant 9 : i32
      %add3A_1898 = arith.addi %mul3A_1896, %add3A_1897 : i32
      %broadcast_in_dim3A_1899 = vector.broadcast %add3A_1898 : i32 to vector<16xi32>
      %mul3A_1900 = arith.mulf %gather3A_1894, %get3A_3 : vector<16xf32>
      tpu.vector_store_idx %arg8[%iota3A, %broadcast_in_dim3A_1899], %mul3A_1900 : memref<16x512xf32, #tpu.memory_space<vmem>>[vector<16xi32>, vector<16xi32>], vector<16xf32>,
      %dma_wait3A_1901 = arith.constant 10 : i32
      %dma_wait3A_1902 = arith.constant 0 : i32
      %dma_wait3A_1903 = arith.constant 0 : i32
      %dma_wait3A_1904 = tpu.memref_slice %arg7[%dma_wait3A_1901, %dma_wait3A_1902, %dma_wait3A_1903] : memref<32x16x128xf32, #tpu.memory_space<vmem>> -> memref<1x16x128xf32, #tpu.memory_space<vmem>>
      %dma_wait3A_1905 = tpu.memref_squeeze %dma_wait3A_1904 : memref<1x16x128xf32, #tpu.memory_space<vmem>> -> memref<16x128xf32, #tpu.memory_space<vmem>>
      %dma_wait3A_1906 = arith.constant 0 : i32
      %dma_wait3A_1907 = tpu.memref_slice %arg4[%dma_wait3A_1906, %multiple_of3A_458] : memref<16x1000000xf32, #tpu.memory_space<hbm>> -> memref<16x128xf32, #tpu.memory_space<hbm>>
      %dma_wait3A_1908 = arith.constant 0 : i32
      %dma_wait3A_1909 = arith.constant 0 : i32
      %dma_wait3A_1910 = tpu.memref_slice %arg7[%dma_wait3A_1901, %dma_wait3A_1908, %dma_wait3A_1909] : memref<32x16x128xf32, #tpu.memory_space<vmem>> -> memref<1x16x128xf32, #tpu.memory_space<vmem>>
      %dma_wait3A_1911 = tpu.memref_squeeze %dma_wait3A_1910 : memref<1x16x128xf32, #tpu.memory_space<vmem>> -> memref<16x128xf32, #tpu.memory_space<vmem>>
      %dma_wait3A_1912 = arith.constant 0 : i32
      %dma_wait3A_1913 = tpu.memref_slice %arg4[%dma_wait3A_1912, %multiple_of3A_458] : memref<16x1000000xf32, #tpu.memory_space<hbm>> -> memref<16x128xf32, #tpu.memory_space<hbm>>
      tpu.wait_dma2 semaphore(%arg10 : memref<!tpu.dma_semaphore, #tpu.memory_space<semaphore_mem>>) src(%dma_wait3A_1913 : memref<16x128xf32, #tpu.memory_space<hbm>>) dst(%dma_wait3A_1911 : memref<16x128xf32, #tpu.memory_space<vmem>>)
      %slice3A_1914 = vector.extract_strided_slice %get3A_15 {offsets = [10], sizes = [1], strides = [1]} : vector<16xi32> to vector<1xi32>
      %squeeze3A_1915 = vector.extract %slice3A_1914[0] : i32 from vector<1xi32>
      %jit3A_1916 = arith.constant 128 : i32
      %div3A_1917 = arith.divsi %squeeze3A_1915, %jit3A_1916 : i32
      %sign3A_1918 = arith.constant 0 : i32
      %sign3A_1919 = arith.cmpi sgt, %squeeze3A_1915, %sign3A_1918 : i32
      %sign3A_1920 = arith.extui %sign3A_1919 : i1 to i32
      %sign3A_1921 = arith.constant 0 : i32
      %sign3A_1922 = arith.cmpi slt, %squeeze3A_1915, %sign3A_1921 : i32
      %sign3A_1923 = arith.extui %sign3A_1922 : i1 to i32
      %sign3A_1924 = arith.subi %sign3A_1920, %sign3A_1923 : i32
      %sign3A_1925 = arith.constant 0 : i32
      %sign3A_1926 = arith.cmpi sgt, %jit3A_1916, %sign3A_1925 : i32
      %sign3A_1927 = arith.extui %sign3A_1926 : i1 to i32
      %sign3A_1928 = arith.constant 0 : i32
      %sign3A_1929 = arith.cmpi slt, %jit3A_1916, %sign3A_1928 : i32
      %sign3A_1930 = arith.extui %sign3A_1929 : i1 to i32
      %sign3A_1931 = arith.subi %sign3A_1927, %sign3A_1930 : i32
      %ne3A_1932 = arith.cmpi ne, %sign3A_1924, %sign3A_1931 : i32
      %rem3A_1933 = arith.remsi %squeeze3A_1915, %jit3A_1916 : i32
      %ne3A_1934 = arith.constant 0 : i32
      %ne3A_1935 = arith.cmpi ne, %rem3A_1933, %ne3A_1934 : i32
      %and3A_1936 = arith.andi %ne3A_1932, %ne3A_1935 : i1
      %sub3A_1937 = arith.constant 1 : i32
      %sub3A_1938 = arith.subi %div3A_1917, %sub3A_1937 : i32
      %select_n3A_1939 = arith.select %and3A_1936, %sub3A_1938, %div3A_1917 : i32
      %mul3A_1940 = arith.constant 128 : i32
      %mul3A_1941 = arith.muli %select_n3A_1939, %mul3A_1940 : i32
      %sub3A_1942 = arith.subi %squeeze3A_1915, %mul3A_1941 : i32
      %broadcast_in_dim3A_1943 = vector.broadcast %sub3A_1942 : i32 to vector<16xi32>
      %gather3A_1944 = arith.constant 10 : i32
      %gather3A_1945 = arith.constant 0 : i32
      %gather3A_1946 = arith.constant 0 : i32
      %gather3A_1947 = tpu.memref_slice %arg7[%gather3A_1944, %gather3A_1945, %gather3A_1946] : memref<32x16x128xf32, #tpu.memory_space<vmem>> -> memref<1x16x128xf32, #tpu.memory_space<vmem>>
      %gather3A_1948 = tpu.memref_squeeze %gather3A_1947 : memref<1x16x128xf32, #tpu.memory_space<vmem>> -> memref<16x128xf32, #tpu.memory_space<vmem>>
      %gather3A_1949 = tpu.vector_load_idx %gather3A_1948[%iota3A, %broadcast_in_dim3A_1943] : memref<16x128xf32, #tpu.memory_space<vmem>>[vector<16xi32>, vector<16xi32>], vector<16xf32>,
      %mul3A_1950 = arith.constant 32 : i32
      %mul3A_1951 = arith.muli %scan3A_9, %mul3A_1950 : i32
      %add3A_1952 = arith.constant 10 : i32
      %add3A_1953 = arith.addi %mul3A_1951, %add3A_1952 : i32
      %broadcast_in_dim3A_1954 = vector.broadcast %add3A_1953 : i32 to vector<16xi32>
      %mul3A_1955 = arith.mulf %gather3A_1949, %get3A_3 : vector<16xf32>
      tpu.vector_store_idx %arg8[%iota3A, %broadcast_in_dim3A_1954], %mul3A_1955 : memref<16x512xf32, #tpu.memory_space<vmem>>[vector<16xi32>, vector<16xi32>], vector<16xf32>,
      %dma_wait3A_1956 = arith.constant 11 : i32
      %dma_wait3A_1957 = arith.constant 0 : i32
      %dma_wait3A_1958 = arith.constant 0 : i32
      %dma_wait3A_1959 = tpu.memref_slice %arg7[%dma_wait3A_1956, %dma_wait3A_1957, %dma_wait3A_1958] : memref<32x16x128xf32, #tpu.memory_space<vmem>> -> memref<1x16x128xf32, #tpu.memory_space<vmem>>
      %dma_wait3A_1960 = tpu.memref_squeeze %dma_wait3A_1959 : memref<1x16x128xf32, #tpu.memory_space<vmem>> -> memref<16x128xf32, #tpu.memory_space<vmem>>
      %dma_wait3A_1961 = arith.constant 0 : i32
      %dma_wait3A_1962 = tpu.memref_slice %arg4[%dma_wait3A_1961, %multiple_of3A_500] : memref<16x1000000xf32, #tpu.memory_space<hbm>> -> memref<16x128xf32, #tpu.memory_space<hbm>>
      %dma_wait3A_1963 = arith.constant 0 : i32
      %dma_wait3A_1964 = arith.constant 0 : i32
      %dma_wait3A_1965 = tpu.memref_slice %arg7[%dma_wait3A_1956, %dma_wait3A_1963, %dma_wait3A_1964] : memref<32x16x128xf32, #tpu.memory_space<vmem>> -> memref<1x16x128xf32, #tpu.memory_space<vmem>>
      %dma_wait3A_1966 = tpu.memref_squeeze %dma_wait3A_1965 : memref<1x16x128xf32, #tpu.memory_space<vmem>> -> memref<16x128xf32, #tpu.memory_space<vmem>>
      %dma_wait3A_1967 = arith.constant 0 : i32
      %dma_wait3A_1968 = tpu.memref_slice %arg4[%dma_wait3A_1967, %multiple_of3A_500] : memref<16x1000000xf32, #tpu.memory_space<hbm>> -> memref<16x128xf32, #tpu.memory_space<hbm>>
      tpu.wait_dma2 semaphore(%arg10 : memref<!tpu.dma_semaphore, #tpu.memory_space<semaphore_mem>>) src(%dma_wait3A_1968 : memref<16x128xf32, #tpu.memory_space<hbm>>) dst(%dma_wait3A_1966 : memref<16x128xf32, #tpu.memory_space<vmem>>)
      %slice3A_1969 = vector.extract_strided_slice %get3A_15 {offsets = [11], sizes = [1], strides = [1]} : vector<16xi32> to vector<1xi32>
      %squeeze3A_1970 = vector.extract %slice3A_1969[0] : i32 from vector<1xi32>
      %jit3A_1971 = arith.constant 128 : i32
      %div3A_1972 = arith.divsi %squeeze3A_1970, %jit3A_1971 : i32
      %sign3A_1973 = arith.constant 0 : i32
      %sign3A_1974 = arith.cmpi sgt, %squeeze3A_1970, %sign3A_1973 : i32
      %sign3A_1975 = arith.extui %sign3A_1974 : i1 to i32
      %sign3A_1976 = arith.constant 0 : i32
      %sign3A_1977 = arith.cmpi slt, %squeeze3A_1970, %sign3A_1976 : i32
      %sign3A_1978 = arith.extui %sign3A_1977 : i1 to i32
      %sign3A_1979 = arith.subi %sign3A_1975, %sign3A_1978 : i32
      %sign3A_1980 = arith.constant 0 : i32
      %sign3A_1981 = arith.cmpi sgt, %jit3A_1971, %sign3A_1980 : i32
      %sign3A_1982 = arith.extui %sign3A_1981 : i1 to i32
      %sign3A_1983 = arith.constant 0 : i32
      %sign3A_1984 = arith.cmpi slt, %jit3A_1971, %sign3A_1983 : i32
      %sign3A_1985 = arith.extui %sign3A_1984 : i1 to i32
      %sign3A_1986 = arith.subi %sign3A_1982, %sign3A_1985 : i32
      %ne3A_1987 = arith.cmpi ne, %sign3A_1979, %sign3A_1986 : i32
      %rem3A_1988 = arith.remsi %squeeze3A_1970, %jit3A_1971 : i32
      %ne3A_1989 = arith.constant 0 : i32
      %ne3A_1990 = arith.cmpi ne, %rem3A_1988, %ne3A_1989 : i32
      %and3A_1991 = arith.andi %ne3A_1987, %ne3A_1990 : i1
      %sub3A_1992 = arith.constant 1 : i32
      %sub3A_1993 = arith.subi %div3A_1972, %sub3A_1992 : i32
      %select_n3A_1994 = arith.select %and3A_1991, %sub3A_1993, %div3A_1972 : i32
      %mul3A_1995 = arith.constant 128 : i32
      %mul3A_1996 = arith.muli %select_n3A_1994, %mul3A_1995 : i32
      %sub3A_1997 = arith.subi %squeeze3A_1970, %mul3A_1996 : i32
      %broadcast_in_dim3A_1998 = vector.broadcast %sub3A_1997 : i32 to vector<16xi32>
      %gather3A_1999 = arith.constant 11 : i32
      %gather3A_2000 = arith.constant 0 : i32
      %gather3A_2001 = arith.constant 0 : i32
      %gather3A_2002 = tpu.memref_slice %arg7[%gather3A_1999, %gather3A_2000, %gather3A_2001] : memref<32x16x128xf32, #tpu.memory_space<vmem>> -> memref<1x16x128xf32, #tpu.memory_space<vmem>>
      %gather3A_2003 = tpu.memref_squeeze %gather3A_2002 : memref<1x16x128xf32, #tpu.memory_space<vmem>> -> memref<16x128xf32, #tpu.memory_space<vmem>>
      %gather3A_2004 = tpu.vector_load_idx %gather3A_2003[%iota3A, %broadcast_in_dim3A_1998] : memref<16x128xf32, #tpu.memory_space<vmem>>[vector<16xi32>, vector<16xi32>], vector<16xf32>,
      %mul3A_2005 = arith.constant 32 : i32
      %mul3A_2006 = arith.muli %scan3A_9, %mul3A_2005 : i32
      %add3A_2007 = arith.constant 11 : i32
      %add3A_2008 = arith.addi %mul3A_2006, %add3A_2007 : i32
      %broadcast_in_dim3A_2009 = vector.broadcast %add3A_2008 : i32 to vector<16xi32>
      %mul3A_2010 = arith.mulf %gather3A_2004, %get3A_3 : vector<16xf32>
      tpu.vector_store_idx %arg8[%iota3A, %broadcast_in_dim3A_2009], %mul3A_2010 : memref<16x512xf32, #tpu.memory_space<vmem>>[vector<16xi32>, vector<16xi32>], vector<16xf32>,
      %dma_wait3A_2011 = arith.constant 12 : i32
      %dma_wait3A_2012 = arith.constant 0 : i32
      %dma_wait3A_2013 = arith.constant 0 : i32
      %dma_wait3A_2014 = tpu.memref_slice %arg7[%dma_wait3A_2011, %dma_wait3A_2012, %dma_wait3A_2013] : memref<32x16x128xf32, #tpu.memory_space<vmem>> -> memref<1x16x128xf32, #tpu.memory_space<vmem>>
      %dma_wait3A_2015 = tpu.memref_squeeze %dma_wait3A_2014 : memref<1x16x128xf32, #tpu.memory_space<vmem>> -> memref<16x128xf32, #tpu.memory_space<vmem>>
      %dma_wait3A_2016 = arith.constant 0 : i32
      %dma_wait3A_2017 = tpu.memref_slice %arg4[%dma_wait3A_2016, %multiple_of3A_542] : memref<16x1000000xf32, #tpu.memory_space<hbm>> -> memref<16x128xf32, #tpu.memory_space<hbm>>
      %dma_wait3A_2018 = arith.constant 0 : i32
      %dma_wait3A_2019 = arith.constant 0 : i32
      %dma_wait3A_2020 = tpu.memref_slice %arg7[%dma_wait3A_2011, %dma_wait3A_2018, %dma_wait3A_2019] : memref<32x16x128xf32, #tpu.memory_space<vmem>> -> memref<1x16x128xf32, #tpu.memory_space<vmem>>
      %dma_wait3A_2021 = tpu.memref_squeeze %dma_wait3A_2020 : memref<1x16x128xf32, #tpu.memory_space<vmem>> -> memref<16x128xf32, #tpu.memory_space<vmem>>
      %dma_wait3A_2022 = arith.constant 0 : i32
      %dma_wait3A_2023 = tpu.memref_slice %arg4[%dma_wait3A_2022, %multiple_of3A_542] : memref<16x1000000xf32, #tpu.memory_space<hbm>> -> memref<16x128xf32, #tpu.memory_space<hbm>>
      tpu.wait_dma2 semaphore(%arg10 : memref<!tpu.dma_semaphore, #tpu.memory_space<semaphore_mem>>) src(%dma_wait3A_2023 : memref<16x128xf32, #tpu.memory_space<hbm>>) dst(%dma_wait3A_2021 : memref<16x128xf32, #tpu.memory_space<vmem>>)
      %slice3A_2024 = vector.extract_strided_slice %get3A_15 {offsets = [12], sizes = [1], strides = [1]} : vector<16xi32> to vector<1xi32>
      %squeeze3A_2025 = vector.extract %slice3A_2024[0] : i32 from vector<1xi32>
      %jit3A_2026 = arith.constant 128 : i32
      %div3A_2027 = arith.divsi %squeeze3A_2025, %jit3A_2026 : i32
      %sign3A_2028 = arith.constant 0 : i32
      %sign3A_2029 = arith.cmpi sgt, %squeeze3A_2025, %sign3A_2028 : i32
      %sign3A_2030 = arith.extui %sign3A_2029 : i1 to i32
      %sign3A_2031 = arith.constant 0 : i32
      %sign3A_2032 = arith.cmpi slt, %squeeze3A_2025, %sign3A_2031 : i32
      %sign3A_2033 = arith.extui %sign3A_2032 : i1 to i32
      %sign3A_2034 = arith.subi %sign3A_2030, %sign3A_2033 : i32
      %sign3A_2035 = arith.constant 0 : i32
      %sign3A_2036 = arith.cmpi sgt, %jit3A_2026, %sign3A_2035 : i32
      %sign3A_2037 = arith.extui %sign3A_2036 : i1 to i32
      %sign3A_2038 = arith.constant 0 : i32
      %sign3A_2039 = arith.cmpi slt, %jit3A_2026, %sign3A_2038 : i32
      %sign3A_2040 = arith.extui %sign3A_2039 : i1 to i32
      %sign3A_2041 = arith.subi %sign3A_2037, %sign3A_2040 : i32
      %ne3A_2042 = arith.cmpi ne, %sign3A_2034, %sign3A_2041 : i32
      %rem3A_2043 = arith.remsi %squeeze3A_2025, %jit3A_2026 : i32
      %ne3A_2044 = arith.constant 0 : i32
      %ne3A_2045 = arith.cmpi ne, %rem3A_2043, %ne3A_2044 : i32
      %and3A_2046 = arith.andi %ne3A_2042, %ne3A_2045 : i1
      %sub3A_2047 = arith.constant 1 : i32
      %sub3A_2048 = arith.subi %div3A_2027, %sub3A_2047 : i32
      %select_n3A_2049 = arith.select %and3A_2046, %sub3A_2048, %div3A_2027 : i32
      %mul3A_2050 = arith.constant 128 : i32
      %mul3A_2051 = arith.muli %select_n3A_2049, %mul3A_2050 : i32
      %sub3A_2052 = arith.subi %squeeze3A_2025, %mul3A_2051 : i32
      %broadcast_in_dim3A_2053 = vector.broadcast %sub3A_2052 : i32 to vector<16xi32>
      %gather3A_2054 = arith.constant 12 : i32
      %gather3A_2055 = arith.constant 0 : i32
      %gather3A_2056 = arith.constant 0 : i32
      %gather3A_2057 = tpu.memref_slice %arg7[%gather3A_2054, %gather3A_2055, %gather3A_2056] : memref<32x16x128xf32, #tpu.memory_space<vmem>> -> memref<1x16x128xf32, #tpu.memory_space<vmem>>
      %gather3A_2058 = tpu.memref_squeeze %gather3A_2057 : memref<1x16x128xf32, #tpu.memory_space<vmem>> -> memref<16x128xf32, #tpu.memory_space<vmem>>
      %gather3A_2059 = tpu.vector_load_idx %gather3A_2058[%iota3A, %broadcast_in_dim3A_2053] : memref<16x128xf32, #tpu.memory_space<vmem>>[vector<16xi32>, vector<16xi32>], vector<16xf32>,
      %mul3A_2060 = arith.constant 32 : i32
      %mul3A_2061 = arith.muli %scan3A_9, %mul3A_2060 : i32
      %add3A_2062 = arith.constant 12 : i32
      %add3A_2063 = arith.addi %mul3A_2061, %add3A_2062 : i32
      %broadcast_in_dim3A_2064 = vector.broadcast %add3A_2063 : i32 to vector<16xi32>
      %mul3A_2065 = arith.mulf %gather3A_2059, %get3A_3 : vector<16xf32>
      tpu.vector_store_idx %arg8[%iota3A, %broadcast_in_dim3A_2064], %mul3A_2065 : memref<16x512xf32, #tpu.memory_space<vmem>>[vector<16xi32>, vector<16xi32>], vector<16xf32>,
      %dma_wait3A_2066 = arith.constant 13 : i32
      %dma_wait3A_2067 = arith.constant 0 : i32
      %dma_wait3A_2068 = arith.constant 0 : i32
      %dma_wait3A_2069 = tpu.memref_slice %arg7[%dma_wait3A_2066, %dma_wait3A_2067, %dma_wait3A_2068] : memref<32x16x128xf32, #tpu.memory_space<vmem>> -> memref<1x16x128xf32, #tpu.memory_space<vmem>>
      %dma_wait3A_2070 = tpu.memref_squeeze %dma_wait3A_2069 : memref<1x16x128xf32, #tpu.memory_space<vmem>> -> memref<16x128xf32, #tpu.memory_space<vmem>>
      %dma_wait3A_2071 = arith.constant 0 : i32
      %dma_wait3A_2072 = tpu.memref_slice %arg4[%dma_wait3A_2071, %multiple_of3A_584] : memref<16x1000000xf32, #tpu.memory_space<hbm>> -> memref<16x128xf32, #tpu.memory_space<hbm>>
      %dma_wait3A_2073 = arith.constant 0 : i32
      %dma_wait3A_2074 = arith.constant 0 : i32
      %dma_wait3A_2075 = tpu.memref_slice %arg7[%dma_wait3A_2066, %dma_wait3A_2073, %dma_wait3A_2074] : memref<32x16x128xf32, #tpu.memory_space<vmem>> -> memref<1x16x128xf32, #tpu.memory_space<vmem>>
      %dma_wait3A_2076 = tpu.memref_squeeze %dma_wait3A_2075 : memref<1x16x128xf32, #tpu.memory_space<vmem>> -> memref<16x128xf32, #tpu.memory_space<vmem>>
      %dma_wait3A_2077 = arith.constant 0 : i32
      %dma_wait3A_2078 = tpu.memref_slice %arg4[%dma_wait3A_2077, %multiple_of3A_584] : memref<16x1000000xf32, #tpu.memory_space<hbm>> -> memref<16x128xf32, #tpu.memory_space<hbm>>
      tpu.wait_dma2 semaphore(%arg10 : memref<!tpu.dma_semaphore, #tpu.memory_space<semaphore_mem>>) src(%dma_wait3A_2078 : memref<16x128xf32, #tpu.memory_space<hbm>>) dst(%dma_wait3A_2076 : memref<16x128xf32, #tpu.memory_space<vmem>>)
      %slice3A_2079 = vector.extract_strided_slice %get3A_15 {offsets = [13], sizes = [1], strides = [1]} : vector<16xi32> to vector<1xi32>
      %squeeze3A_2080 = vector.extract %slice3A_2079[0] : i32 from vector<1xi32>
      %jit3A_2081 = arith.constant 128 : i32
      %div3A_2082 = arith.divsi %squeeze3A_2080, %jit3A_2081 : i32
      %sign3A_2083 = arith.constant 0 : i32
      %sign3A_2084 = arith.cmpi sgt, %squeeze3A_2080, %sign3A_2083 : i32
      %sign3A_2085 = arith.extui %sign3A_2084 : i1 to i32
      %sign3A_2086 = arith.constant 0 : i32
      %sign3A_2087 = arith.cmpi slt, %squeeze3A_2080, %sign3A_2086 : i32
      %sign3A_2088 = arith.extui %sign3A_2087 : i1 to i32
      %sign3A_2089 = arith.subi %sign3A_2085, %sign3A_2088 : i32
      %sign3A_2090 = arith.constant 0 : i32
      %sign3A_2091 = arith.cmpi sgt, %jit3A_2081, %sign3A_2090 : i32
      %sign3A_2092 = arith.extui %sign3A_2091 : i1 to i32
      %sign3A_2093 = arith.constant 0 : i32
      %sign3A_2094 = arith.cmpi slt, %jit3A_2081, %sign3A_2093 : i32
      %sign3A_2095 = arith.extui %sign3A_2094 : i1 to i32
      %sign3A_2096 = arith.subi %sign3A_2092, %sign3A_2095 : i32
      %ne3A_2097 = arith.cmpi ne, %sign3A_2089, %sign3A_2096 : i32
      %rem3A_2098 = arith.remsi %squeeze3A_2080, %jit3A_2081 : i32
      %ne3A_2099 = arith.constant 0 : i32
      %ne3A_2100 = arith.cmpi ne, %rem3A_2098, %ne3A_2099 : i32
      %and3A_2101 = arith.andi %ne3A_2097, %ne3A_2100 : i1
      %sub3A_2102 = arith.constant 1 : i32
      %sub3A_2103 = arith.subi %div3A_2082, %sub3A_2102 : i32
      %select_n3A_2104 = arith.select %and3A_2101, %sub3A_2103, %div3A_2082 : i32
      %mul3A_2105 = arith.constant 128 : i32
      %mul3A_2106 = arith.muli %select_n3A_2104, %mul3A_2105 : i32
      %sub3A_2107 = arith.subi %squeeze3A_2080, %mul3A_2106 : i32
      %broadcast_in_dim3A_2108 = vector.broadcast %sub3A_2107 : i32 to vector<16xi32>
      %gather3A_2109 = arith.constant 13 : i32
      %gather3A_2110 = arith.constant 0 : i32
      %gather3A_2111 = arith.constant 0 : i32
      %gather3A_2112 = tpu.memref_slice %arg7[%gather3A_2109, %gather3A_2110, %gather3A_2111] : memref<32x16x128xf32, #tpu.memory_space<vmem>> -> memref<1x16x128xf32, #tpu.memory_space<vmem>>
      %gather3A_2113 = tpu.memref_squeeze %gather3A_2112 : memref<1x16x128xf32, #tpu.memory_space<vmem>> -> memref<16x128xf32, #tpu.memory_space<vmem>>
      %gather3A_2114 = tpu.vector_load_idx %gather3A_2113[%iota3A, %broadcast_in_dim3A_2108] : memref<16x128xf32, #tpu.memory_space<vmem>>[vector<16xi32>, vector<16xi32>], vector<16xf32>,
      %mul3A_2115 = arith.constant 32 : i32
      %mul3A_2116 = arith.muli %scan3A_9, %mul3A_2115 : i32
      %add3A_2117 = arith.constant 13 : i32
      %add3A_2118 = arith.addi %mul3A_2116, %add3A_2117 : i32
      %broadcast_in_dim3A_2119 = vector.broadcast %add3A_2118 : i32 to vector<16xi32>
      %mul3A_2120 = arith.mulf %gather3A_2114, %get3A_3 : vector<16xf32>
      tpu.vector_store_idx %arg8[%iota3A, %broadcast_in_dim3A_2119], %mul3A_2120 : memref<16x512xf32, #tpu.memory_space<vmem>>[vector<16xi32>, vector<16xi32>], vector<16xf32>,
      %dma_wait3A_2121 = arith.constant 14 : i32
      %dma_wait3A_2122 = arith.constant 0 : i32
      %dma_wait3A_2123 = arith.constant 0 : i32
      %dma_wait3A_2124 = tpu.memref_slice %arg7[%dma_wait3A_2121, %dma_wait3A_2122, %dma_wait3A_2123] : memref<32x16x128xf32, #tpu.memory_space<vmem>> -> memref<1x16x128xf32, #tpu.memory_space<vmem>>
      %dma_wait3A_2125 = tpu.memref_squeeze %dma_wait3A_2124 : memref<1x16x128xf32, #tpu.memory_space<vmem>> -> memref<16x128xf32, #tpu.memory_space<vmem>>
      %dma_wait3A_2126 = arith.constant 0 : i32
      %dma_wait3A_2127 = tpu.memref_slice %arg4[%dma_wait3A_2126, %multiple_of3A_626] : memref<16x1000000xf32, #tpu.memory_space<hbm>> -> memref<16x128xf32, #tpu.memory_space<hbm>>
      %dma_wait3A_2128 = arith.constant 0 : i32
      %dma_wait3A_2129 = arith.constant 0 : i32
      %dma_wait3A_2130 = tpu.memref_slice %arg7[%dma_wait3A_2121, %dma_wait3A_2128, %dma_wait3A_2129] : memref<32x16x128xf32, #tpu.memory_space<vmem>> -> memref<1x16x128xf32, #tpu.memory_space<vmem>>
      %dma_wait3A_2131 = tpu.memref_squeeze %dma_wait3A_2130 : memref<1x16x128xf32, #tpu.memory_space<vmem>> -> memref<16x128xf32, #tpu.memory_space<vmem>>
      %dma_wait3A_2132 = arith.constant 0 : i32
      %dma_wait3A_2133 = tpu.memref_slice %arg4[%dma_wait3A_2132, %multiple_of3A_626] : memref<16x1000000xf32, #tpu.memory_space<hbm>> -> memref<16x128xf32, #tpu.memory_space<hbm>>
      tpu.wait_dma2 semaphore(%arg10 : memref<!tpu.dma_semaphore, #tpu.memory_space<semaphore_mem>>) src(%dma_wait3A_2133 : memref<16x128xf32, #tpu.memory_space<hbm>>) dst(%dma_wait3A_2131 : memref<16x128xf32, #tpu.memory_space<vmem>>)
      %slice3A_2134 = vector.extract_strided_slice %get3A_15 {offsets = [14], sizes = [1], strides = [1]} : vector<16xi32> to vector<1xi32>
      %squeeze3A_2135 = vector.extract %slice3A_2134[0] : i32 from vector<1xi32>
      %jit3A_2136 = arith.constant 128 : i32
      %div3A_2137 = arith.divsi %squeeze3A_2135, %jit3A_2136 : i32
      %sign3A_2138 = arith.constant 0 : i32
      %sign3A_2139 = arith.cmpi sgt, %squeeze3A_2135, %sign3A_2138 : i32
      %sign3A_2140 = arith.extui %sign3A_2139 : i1 to i32
      %sign3A_2141 = arith.constant 0 : i32
      %sign3A_2142 = arith.cmpi slt, %squeeze3A_2135, %sign3A_2141 : i32
      %sign3A_2143 = arith.extui %sign3A_2142 : i1 to i32
      %sign3A_2144 = arith.subi %sign3A_2140, %sign3A_2143 : i32
      %sign3A_2145 = arith.constant 0 : i32
      %sign3A_2146 = arith.cmpi sgt, %jit3A_2136, %sign3A_2145 : i32
      %sign3A_2147 = arith.extui %sign3A_2146 : i1 to i32
      %sign3A_2148 = arith.constant 0 : i32
      %sign3A_2149 = arith.cmpi slt, %jit3A_2136, %sign3A_2148 : i32
      %sign3A_2150 = arith.extui %sign3A_2149 : i1 to i32
      %sign3A_2151 = arith.subi %sign3A_2147, %sign3A_2150 : i32
      %ne3A_2152 = arith.cmpi ne, %sign3A_2144, %sign3A_2151 : i32
      %rem3A_2153 = arith.remsi %squeeze3A_2135, %jit3A_2136 : i32
      %ne3A_2154 = arith.constant 0 : i32
      %ne3A_2155 = arith.cmpi ne, %rem3A_2153, %ne3A_2154 : i32
      %and3A_2156 = arith.andi %ne3A_2152, %ne3A_2155 : i1
      %sub3A_2157 = arith.constant 1 : i32
      %sub3A_2158 = arith.subi %div3A_2137, %sub3A_2157 : i32
      %select_n3A_2159 = arith.select %and3A_2156, %sub3A_2158, %div3A_2137 : i32
      %mul3A_2160 = arith.constant 128 : i32
      %mul3A_2161 = arith.muli %select_n3A_2159, %mul3A_2160 : i32
      %sub3A_2162 = arith.subi %squeeze3A_2135, %mul3A_2161 : i32
      %broadcast_in_dim3A_2163 = vector.broadcast %sub3A_2162 : i32 to vector<16xi32>
      %gather3A_2164 = arith.constant 14 : i32
      %gather3A_2165 = arith.constant 0 : i32
      %gather3A_2166 = arith.constant 0 : i32
      %gather3A_2167 = tpu.memref_slice %arg7[%gather3A_2164, %gather3A_2165, %gather3A_2166] : memref<32x16x128xf32, #tpu.memory_space<vmem>> -> memref<1x16x128xf32, #tpu.memory_space<vmem>>
      %gather3A_2168 = tpu.memref_squeeze %gather3A_2167 : memref<1x16x128xf32, #tpu.memory_space<vmem>> -> memref<16x128xf32, #tpu.memory_space<vmem>>
      %gather3A_2169 = tpu.vector_load_idx %gather3A_2168[%iota3A, %broadcast_in_dim3A_2163] : memref<16x128xf32, #tpu.memory_space<vmem>>[vector<16xi32>, vector<16xi32>], vector<16xf32>,
      %mul3A_2170 = arith.constant 32 : i32
      %mul3A_2171 = arith.muli %scan3A_9, %mul3A_2170 : i32
      %add3A_2172 = arith.constant 14 : i32
      %add3A_2173 = arith.addi %mul3A_2171, %add3A_2172 : i32
      %broadcast_in_dim3A_2174 = vector.broadcast %add3A_2173 : i32 to vector<16xi32>
      %mul3A_2175 = arith.mulf %gather3A_2169, %get3A_3 : vector<16xf32>
      tpu.vector_store_idx %arg8[%iota3A, %broadcast_in_dim3A_2174], %mul3A_2175 : memref<16x512xf32, #tpu.memory_space<vmem>>[vector<16xi32>, vector<16xi32>], vector<16xf32>,
      %dma_wait3A_2176 = arith.constant 15 : i32
      %dma_wait3A_2177 = arith.constant 0 : i32
      %dma_wait3A_2178 = arith.constant 0 : i32
      %dma_wait3A_2179 = tpu.memref_slice %arg7[%dma_wait3A_2176, %dma_wait3A_2177, %dma_wait3A_2178] : memref<32x16x128xf32, #tpu.memory_space<vmem>> -> memref<1x16x128xf32, #tpu.memory_space<vmem>>
      %dma_wait3A_2180 = tpu.memref_squeeze %dma_wait3A_2179 : memref<1x16x128xf32, #tpu.memory_space<vmem>> -> memref<16x128xf32, #tpu.memory_space<vmem>>
      %dma_wait3A_2181 = arith.constant 0 : i32
      %dma_wait3A_2182 = tpu.memref_slice %arg4[%dma_wait3A_2181, %multiple_of3A_668] : memref<16x1000000xf32, #tpu.memory_space<hbm>> -> memref<16x128xf32, #tpu.memory_space<hbm>>
      %dma_wait3A_2183 = arith.constant 0 : i32
      %dma_wait3A_2184 = arith.constant 0 : i32
      %dma_wait3A_2185 = tpu.memref_slice %arg7[%dma_wait3A_2176, %dma_wait3A_2183, %dma_wait3A_2184] : memref<32x16x128xf32, #tpu.memory_space<vmem>> -> memref<1x16x128xf32, #tpu.memory_space<vmem>>
      %dma_wait3A_2186 = tpu.memref_squeeze %dma_wait3A_2185 : memref<1x16x128xf32, #tpu.memory_space<vmem>> -> memref<16x128xf32, #tpu.memory_space<vmem>>
      %dma_wait3A_2187 = arith.constant 0 : i32
      %dma_wait3A_2188 = tpu.memref_slice %arg4[%dma_wait3A_2187, %multiple_of3A_668] : memref<16x1000000xf32, #tpu.memory_space<hbm>> -> memref<16x128xf32, #tpu.memory_space<hbm>>
      tpu.wait_dma2 semaphore(%arg10 : memref<!tpu.dma_semaphore, #tpu.memory_space<semaphore_mem>>) src(%dma_wait3A_2188 : memref<16x128xf32, #tpu.memory_space<hbm>>) dst(%dma_wait3A_2186 : memref<16x128xf32, #tpu.memory_space<vmem>>)
      %slice3A_2189 = vector.extract_strided_slice %get3A_15 {offsets = [15], sizes = [1], strides = [1]} : vector<16xi32> to vector<1xi32>
      %squeeze3A_2190 = vector.extract %slice3A_2189[0] : i32 from vector<1xi32>
      %jit3A_2191 = arith.constant 128 : i32
      %div3A_2192 = arith.divsi %squeeze3A_2190, %jit3A_2191 : i32
      %sign3A_2193 = arith.constant 0 : i32
      %sign3A_2194 = arith.cmpi sgt, %squeeze3A_2190, %sign3A_2193 : i32
      %sign3A_2195 = arith.extui %sign3A_2194 : i1 to i32
      %sign3A_2196 = arith.constant 0 : i32
      %sign3A_2197 = arith.cmpi slt, %squeeze3A_2190, %sign3A_2196 : i32
      %sign3A_2198 = arith.extui %sign3A_2197 : i1 to i32
      %sign3A_2199 = arith.subi %sign3A_2195, %sign3A_2198 : i32
      %sign3A_2200 = arith.constant 0 : i32
      %sign3A_2201 = arith.cmpi sgt, %jit3A_2191, %sign3A_2200 : i32
      %sign3A_2202 = arith.extui %sign3A_2201 : i1 to i32
      %sign3A_2203 = arith.constant 0 : i32
      %sign3A_2204 = arith.cmpi slt, %jit3A_2191, %sign3A_2203 : i32
      %sign3A_2205 = arith.extui %sign3A_2204 : i1 to i32
      %sign3A_2206 = arith.subi %sign3A_2202, %sign3A_2205 : i32
      %ne3A_2207 = arith.cmpi ne, %sign3A_2199, %sign3A_2206 : i32
      %rem3A_2208 = arith.remsi %squeeze3A_2190, %jit3A_2191 : i32
      %ne3A_2209 = arith.constant 0 : i32
      %ne3A_2210 = arith.cmpi ne, %rem3A_2208, %ne3A_2209 : i32
      %and3A_2211 = arith.andi %ne3A_2207, %ne3A_2210 : i1
      %sub3A_2212 = arith.constant 1 : i32
      %sub3A_2213 = arith.subi %div3A_2192, %sub3A_2212 : i32
      %select_n3A_2214 = arith.select %and3A_2211, %sub3A_2213, %div3A_2192 : i32
      %mul3A_2215 = arith.constant 128 : i32
      %mul3A_2216 = arith.muli %select_n3A_2214, %mul3A_2215 : i32
      %sub3A_2217 = arith.subi %squeeze3A_2190, %mul3A_2216 : i32
      %broadcast_in_dim3A_2218 = vector.broadcast %sub3A_2217 : i32 to vector<16xi32>
      %gather3A_2219 = arith.constant 15 : i32
      %gather3A_2220 = arith.constant 0 : i32
      %gather3A_2221 = arith.constant 0 : i32
      %gather3A_2222 = tpu.memref_slice %arg7[%gather3A_2219, %gather3A_2220, %gather3A_2221] : memref<32x16x128xf32, #tpu.memory_space<vmem>> -> memref<1x16x128xf32, #tpu.memory_space<vmem>>
      %gather3A_2223 = tpu.memref_squeeze %gather3A_2222 : memref<1x16x128xf32, #tpu.memory_space<vmem>> -> memref<16x128xf32, #tpu.memory_space<vmem>>
      %gather3A_2224 = tpu.vector_load_idx %gather3A_2223[%iota3A, %broadcast_in_dim3A_2218] : memref<16x128xf32, #tpu.memory_space<vmem>>[vector<16xi32>, vector<16xi32>], vector<16xf32>,
      %mul3A_2225 = arith.constant 32 : i32
      %mul3A_2226 = arith.muli %scan3A_9, %mul3A_2225 : i32
      %add3A_2227 = arith.constant 15 : i32
      %add3A_2228 = arith.addi %mul3A_2226, %add3A_2227 : i32
      %broadcast_in_dim3A_2229 = vector.broadcast %add3A_2228 : i32 to vector<16xi32>
      %mul3A_2230 = arith.mulf %gather3A_2224, %get3A_3 : vector<16xf32>
      tpu.vector_store_idx %arg8[%iota3A, %broadcast_in_dim3A_2229], %mul3A_2230 : memref<16x512xf32, #tpu.memory_space<vmem>>[vector<16xi32>, vector<16xi32>], vector<16xf32>,
      %dma_wait3A_2231 = arith.constant 16 : i32
      %dma_wait3A_2232 = arith.constant 0 : i32
      %dma_wait3A_2233 = arith.constant 0 : i32
      %dma_wait3A_2234 = tpu.memref_slice %arg7[%dma_wait3A_2231, %dma_wait3A_2232, %dma_wait3A_2233] : memref<32x16x128xf32, #tpu.memory_space<vmem>> -> memref<1x16x128xf32, #tpu.memory_space<vmem>>
      %dma_wait3A_2235 = tpu.memref_squeeze %dma_wait3A_2234 : memref<1x16x128xf32, #tpu.memory_space<vmem>> -> memref<16x128xf32, #tpu.memory_space<vmem>>
      %dma_wait3A_2236 = arith.constant 0 : i32
      %dma_wait3A_2237 = tpu.memref_slice %arg4[%dma_wait3A_2236, %multiple_of3A_710] : memref<16x1000000xf32, #tpu.memory_space<hbm>> -> memref<16x128xf32, #tpu.memory_space<hbm>>
      %dma_wait3A_2238 = arith.constant 0 : i32
      %dma_wait3A_2239 = arith.constant 0 : i32
      %dma_wait3A_2240 = tpu.memref_slice %arg7[%dma_wait3A_2231, %dma_wait3A_2238, %dma_wait3A_2239] : memref<32x16x128xf32, #tpu.memory_space<vmem>> -> memref<1x16x128xf32, #tpu.memory_space<vmem>>
      %dma_wait3A_2241 = tpu.memref_squeeze %dma_wait3A_2240 : memref<1x16x128xf32, #tpu.memory_space<vmem>> -> memref<16x128xf32, #tpu.memory_space<vmem>>
      %dma_wait3A_2242 = arith.constant 0 : i32
      %dma_wait3A_2243 = tpu.memref_slice %arg4[%dma_wait3A_2242, %multiple_of3A_710] : memref<16x1000000xf32, #tpu.memory_space<hbm>> -> memref<16x128xf32, #tpu.memory_space<hbm>>
      tpu.wait_dma2 semaphore(%arg10 : memref<!tpu.dma_semaphore, #tpu.memory_space<semaphore_mem>>) src(%dma_wait3A_2243 : memref<16x128xf32, #tpu.memory_space<hbm>>) dst(%dma_wait3A_2241 : memref<16x128xf32, #tpu.memory_space<vmem>>)
      %slice3A_2244 = vector.extract_strided_slice %get3A_21 {offsets = [0], sizes = [1], strides = [1]} : vector<16xi32> to vector<1xi32>
      %squeeze3A_2245 = vector.extract %slice3A_2244[0] : i32 from vector<1xi32>
      %jit3A_2246 = arith.constant 128 : i32
      %div3A_2247 = arith.divsi %squeeze3A_2245, %jit3A_2246 : i32
      %sign3A_2248 = arith.constant 0 : i32
      %sign3A_2249 = arith.cmpi sgt, %squeeze3A_2245, %sign3A_2248 : i32
      %sign3A_2250 = arith.extui %sign3A_2249 : i1 to i32
      %sign3A_2251 = arith.constant 0 : i32
      %sign3A_2252 = arith.cmpi slt, %squeeze3A_2245, %sign3A_2251 : i32
      %sign3A_2253 = arith.extui %sign3A_2252 : i1 to i32
      %sign3A_2254 = arith.subi %sign3A_2250, %sign3A_2253 : i32
      %sign3A_2255 = arith.constant 0 : i32
      %sign3A_2256 = arith.cmpi sgt, %jit3A_2246, %sign3A_2255 : i32
      %sign3A_2257 = arith.extui %sign3A_2256 : i1 to i32
      %sign3A_2258 = arith.constant 0 : i32
      %sign3A_2259 = arith.cmpi slt, %jit3A_2246, %sign3A_2258 : i32
      %sign3A_2260 = arith.extui %sign3A_2259 : i1 to i32
      %sign3A_2261 = arith.subi %sign3A_2257, %sign3A_2260 : i32
      %ne3A_2262 = arith.cmpi ne, %sign3A_2254, %sign3A_2261 : i32
      %rem3A_2263 = arith.remsi %squeeze3A_2245, %jit3A_2246 : i32
      %ne3A_2264 = arith.constant 0 : i32
      %ne3A_2265 = arith.cmpi ne, %rem3A_2263, %ne3A_2264 : i32
      %and3A_2266 = arith.andi %ne3A_2262, %ne3A_2265 : i1
      %sub3A_2267 = arith.constant 1 : i32
      %sub3A_2268 = arith.subi %div3A_2247, %sub3A_2267 : i32
      %select_n3A_2269 = arith.select %and3A_2266, %sub3A_2268, %div3A_2247 : i32
      %mul3A_2270 = arith.constant 128 : i32
      %mul3A_2271 = arith.muli %select_n3A_2269, %mul3A_2270 : i32
      %sub3A_2272 = arith.subi %squeeze3A_2245, %mul3A_2271 : i32
      %broadcast_in_dim3A_2273 = vector.broadcast %sub3A_2272 : i32 to vector<16xi32>
      %gather3A_2274 = arith.constant 16 : i32
      %gather3A_2275 = arith.constant 0 : i32
      %gather3A_2276 = arith.constant 0 : i32
      %gather3A_2277 = tpu.memref_slice %arg7[%gather3A_2274, %gather3A_2275, %gather3A_2276] : memref<32x16x128xf32, #tpu.memory_space<vmem>> -> memref<1x16x128xf32, #tpu.memory_space<vmem>>
      %gather3A_2278 = tpu.memref_squeeze %gather3A_2277 : memref<1x16x128xf32, #tpu.memory_space<vmem>> -> memref<16x128xf32, #tpu.memory_space<vmem>>
      %gather3A_2279 = tpu.vector_load_idx %gather3A_2278[%iota3A, %broadcast_in_dim3A_2273] : memref<16x128xf32, #tpu.memory_space<vmem>>[vector<16xi32>, vector<16xi32>], vector<16xf32>,
      %mul3A_2280 = arith.constant 32 : i32
      %mul3A_2281 = arith.muli %scan3A_9, %mul3A_2280 : i32
      %add3A_2282 = arith.constant 16 : i32
      %add3A_2283 = arith.addi %mul3A_2281, %add3A_2282 : i32
      %broadcast_in_dim3A_2284 = vector.broadcast %add3A_2283 : i32 to vector<16xi32>
      %mul3A_2285 = arith.mulf %gather3A_2279, %get3A_3 : vector<16xf32>
      tpu.vector_store_idx %arg8[%iota3A, %broadcast_in_dim3A_2284], %mul3A_2285 : memref<16x512xf32, #tpu.memory_space<vmem>>[vector<16xi32>, vector<16xi32>], vector<16xf32>,
      %dma_wait3A_2286 = arith.constant 17 : i32
      %dma_wait3A_2287 = arith.constant 0 : i32
      %dma_wait3A_2288 = arith.constant 0 : i32
      %dma_wait3A_2289 = tpu.memref_slice %arg7[%dma_wait3A_2286, %dma_wait3A_2287, %dma_wait3A_2288] : memref<32x16x128xf32, #tpu.memory_space<vmem>> -> memref<1x16x128xf32, #tpu.memory_space<vmem>>
      %dma_wait3A_2290 = tpu.memref_squeeze %dma_wait3A_2289 : memref<1x16x128xf32, #tpu.memory_space<vmem>> -> memref<16x128xf32, #tpu.memory_space<vmem>>
      %dma_wait3A_2291 = arith.constant 0 : i32
      %dma_wait3A_2292 = tpu.memref_slice %arg4[%dma_wait3A_2291, %multiple_of3A_752] : memref<16x1000000xf32, #tpu.memory_space<hbm>> -> memref<16x128xf32, #tpu.memory_space<hbm>>
      %dma_wait3A_2293 = arith.constant 0 : i32
      %dma_wait3A_2294 = arith.constant 0 : i32
      %dma_wait3A_2295 = tpu.memref_slice %arg7[%dma_wait3A_2286, %dma_wait3A_2293, %dma_wait3A_2294] : memref<32x16x128xf32, #tpu.memory_space<vmem>> -> memref<1x16x128xf32, #tpu.memory_space<vmem>>
      %dma_wait3A_2296 = tpu.memref_squeeze %dma_wait3A_2295 : memref<1x16x128xf32, #tpu.memory_space<vmem>> -> memref<16x128xf32, #tpu.memory_space<vmem>>
      %dma_wait3A_2297 = arith.constant 0 : i32
      %dma_wait3A_2298 = tpu.memref_slice %arg4[%dma_wait3A_2297, %multiple_of3A_752] : memref<16x1000000xf32, #tpu.memory_space<hbm>> -> memref<16x128xf32, #tpu.memory_space<hbm>>
      tpu.wait_dma2 semaphore(%arg10 : memref<!tpu.dma_semaphore, #tpu.memory_space<semaphore_mem>>) src(%dma_wait3A_2298 : memref<16x128xf32, #tpu.memory_space<hbm>>) dst(%dma_wait3A_2296 : memref<16x128xf32, #tpu.memory_space<vmem>>)
      %slice3A_2299 = vector.extract_strided_slice %get3A_21 {offsets = [1], sizes = [1], strides = [1]} : vector<16xi32> to vector<1xi32>
      %squeeze3A_2300 = vector.extract %slice3A_2299[0] : i32 from vector<1xi32>
      %jit3A_2301 = arith.constant 128 : i32
      %div3A_2302 = arith.divsi %squeeze3A_2300, %jit3A_2301 : i32
      %sign3A_2303 = arith.constant 0 : i32
      %sign3A_2304 = arith.cmpi sgt, %squeeze3A_2300, %sign3A_2303 : i32
      %sign3A_2305 = arith.extui %sign3A_2304 : i1 to i32
      %sign3A_2306 = arith.constant 0 : i32
      %sign3A_2307 = arith.cmpi slt, %squeeze3A_2300, %sign3A_2306 : i32
      %sign3A_2308 = arith.extui %sign3A_2307 : i1 to i32
      %sign3A_2309 = arith.subi %sign3A_2305, %sign3A_2308 : i32
      %sign3A_2310 = arith.constant 0 : i32
      %sign3A_2311 = arith.cmpi sgt, %jit3A_2301, %sign3A_2310 : i32
      %sign3A_2312 = arith.extui %sign3A_2311 : i1 to i32
      %sign3A_2313 = arith.constant 0 : i32
      %sign3A_2314 = arith.cmpi slt, %jit3A_2301, %sign3A_2313 : i32
      %sign3A_2315 = arith.extui %sign3A_2314 : i1 to i32
      %sign3A_2316 = arith.subi %sign3A_2312, %sign3A_2315 : i32
      %ne3A_2317 = arith.cmpi ne, %sign3A_2309, %sign3A_2316 : i32
      %rem3A_2318 = arith.remsi %squeeze3A_2300, %jit3A_2301 : i32
      %ne3A_2319 = arith.constant 0 : i32
      %ne3A_2320 = arith.cmpi ne, %rem3A_2318, %ne3A_2319 : i32
      %and3A_2321 = arith.andi %ne3A_2317, %ne3A_2320 : i1
      %sub3A_2322 = arith.constant 1 : i32
      %sub3A_2323 = arith.subi %div3A_2302, %sub3A_2322 : i32
      %select_n3A_2324 = arith.select %and3A_2321, %sub3A_2323, %div3A_2302 : i32
      %mul3A_2325 = arith.constant 128 : i32
      %mul3A_2326 = arith.muli %select_n3A_2324, %mul3A_2325 : i32
      %sub3A_2327 = arith.subi %squeeze3A_2300, %mul3A_2326 : i32
      %broadcast_in_dim3A_2328 = vector.broadcast %sub3A_2327 : i32 to vector<16xi32>
      %gather3A_2329 = arith.constant 17 : i32
      %gather3A_2330 = arith.constant 0 : i32
      %gather3A_2331 = arith.constant 0 : i32
      %gather3A_2332 = tpu.memref_slice %arg7[%gather3A_2329, %gather3A_2330, %gather3A_2331] : memref<32x16x128xf32, #tpu.memory_space<vmem>> -> memref<1x16x128xf32, #tpu.memory_space<vmem>>
      %gather3A_2333 = tpu.memref_squeeze %gather3A_2332 : memref<1x16x128xf32, #tpu.memory_space<vmem>> -> memref<16x128xf32, #tpu.memory_space<vmem>>
      %gather3A_2334 = tpu.vector_load_idx %gather3A_2333[%iota3A, %broadcast_in_dim3A_2328] : memref<16x128xf32, #tpu.memory_space<vmem>>[vector<16xi32>, vector<16xi32>], vector<16xf32>,
      %mul3A_2335 = arith.constant 32 : i32
      %mul3A_2336 = arith.muli %scan3A_9, %mul3A_2335 : i32
      %add3A_2337 = arith.constant 17 : i32
      %add3A_2338 = arith.addi %mul3A_2336, %add3A_2337 : i32
      %broadcast_in_dim3A_2339 = vector.broadcast %add3A_2338 : i32 to vector<16xi32>
      %mul3A_2340 = arith.mulf %gather3A_2334, %get3A_3 : vector<16xf32>
      tpu.vector_store_idx %arg8[%iota3A, %broadcast_in_dim3A_2339], %mul3A_2340 : memref<16x512xf32, #tpu.memory_space<vmem>>[vector<16xi32>, vector<16xi32>], vector<16xf32>,
      %dma_wait3A_2341 = arith.constant 18 : i32
      %dma_wait3A_2342 = arith.constant 0 : i32
      %dma_wait3A_2343 = arith.constant 0 : i32
      %dma_wait3A_2344 = tpu.memref_slice %arg7[%dma_wait3A_2341, %dma_wait3A_2342, %dma_wait3A_2343] : memref<32x16x128xf32, #tpu.memory_space<vmem>> -> memref<1x16x128xf32, #tpu.memory_space<vmem>>
      %dma_wait3A_2345 = tpu.memref_squeeze %dma_wait3A_2344 : memref<1x16x128xf32, #tpu.memory_space<vmem>> -> memref<16x128xf32, #tpu.memory_space<vmem>>
      %dma_wait3A_2346 = arith.constant 0 : i32
      %dma_wait3A_2347 = tpu.memref_slice %arg4[%dma_wait3A_2346, %multiple_of3A_794] : memref<16x1000000xf32, #tpu.memory_space<hbm>> -> memref<16x128xf32, #tpu.memory_space<hbm>>
      %dma_wait3A_2348 = arith.constant 0 : i32
      %dma_wait3A_2349 = arith.constant 0 : i32
      %dma_wait3A_2350 = tpu.memref_slice %arg7[%dma_wait3A_2341, %dma_wait3A_2348, %dma_wait3A_2349] : memref<32x16x128xf32, #tpu.memory_space<vmem>> -> memref<1x16x128xf32, #tpu.memory_space<vmem>>
      %dma_wait3A_2351 = tpu.memref_squeeze %dma_wait3A_2350 : memref<1x16x128xf32, #tpu.memory_space<vmem>> -> memref<16x128xf32, #tpu.memory_space<vmem>>
      %dma_wait3A_2352 = arith.constant 0 : i32
      %dma_wait3A_2353 = tpu.memref_slice %arg4[%dma_wait3A_2352, %multiple_of3A_794] : memref<16x1000000xf32, #tpu.memory_space<hbm>> -> memref<16x128xf32, #tpu.memory_space<hbm>>
      tpu.wait_dma2 semaphore(%arg10 : memref<!tpu.dma_semaphore, #tpu.memory_space<semaphore_mem>>) src(%dma_wait3A_2353 : memref<16x128xf32, #tpu.memory_space<hbm>>) dst(%dma_wait3A_2351 : memref<16x128xf32, #tpu.memory_space<vmem>>)
      %slice3A_2354 = vector.extract_strided_slice %get3A_21 {offsets = [2], sizes = [1], strides = [1]} : vector<16xi32> to vector<1xi32>
      %squeeze3A_2355 = vector.extract %slice3A_2354[0] : i32 from vector<1xi32>
      %jit3A_2356 = arith.constant 128 : i32
      %div3A_2357 = arith.divsi %squeeze3A_2355, %jit3A_2356 : i32
      %sign3A_2358 = arith.constant 0 : i32
      %sign3A_2359 = arith.cmpi sgt, %squeeze3A_2355, %sign3A_2358 : i32
      %sign3A_2360 = arith.extui %sign3A_2359 : i1 to i32
      %sign3A_2361 = arith.constant 0 : i32
      %sign3A_2362 = arith.cmpi slt, %squeeze3A_2355, %sign3A_2361 : i32
      %sign3A_2363 = arith.extui %sign3A_2362 : i1 to i32
      %sign3A_2364 = arith.subi %sign3A_2360, %sign3A_2363 : i32
      %sign3A_2365 = arith.constant 0 : i32
      %sign3A_2366 = arith.cmpi sgt, %jit3A_2356, %sign3A_2365 : i32
      %sign3A_2367 = arith.extui %sign3A_2366 : i1 to i32
      %sign3A_2368 = arith.constant 0 : i32
      %sign3A_2369 = arith.cmpi slt, %jit3A_2356, %sign3A_2368 : i32
      %sign3A_2370 = arith.extui %sign3A_2369 : i1 to i32
      %sign3A_2371 = arith.subi %sign3A_2367, %sign3A_2370 : i32
      %ne3A_2372 = arith.cmpi ne, %sign3A_2364, %sign3A_2371 : i32
      %rem3A_2373 = arith.remsi %squeeze3A_2355, %jit3A_2356 : i32
      %ne3A_2374 = arith.constant 0 : i32
      %ne3A_2375 = arith.cmpi ne, %rem3A_2373, %ne3A_2374 : i32
      %and3A_2376 = arith.andi %ne3A_2372, %ne3A_2375 : i1
      %sub3A_2377 = arith.constant 1 : i32
      %sub3A_2378 = arith.subi %div3A_2357, %sub3A_2377 : i32
      %select_n3A_2379 = arith.select %and3A_2376, %sub3A_2378, %div3A_2357 : i32
      %mul3A_2380 = arith.constant 128 : i32
      %mul3A_2381 = arith.muli %select_n3A_2379, %mul3A_2380 : i32
      %sub3A_2382 = arith.subi %squeeze3A_2355, %mul3A_2381 : i32
      %broadcast_in_dim3A_2383 = vector.broadcast %sub3A_2382 : i32 to vector<16xi32>
      %gather3A_2384 = arith.constant 18 : i32
      %gather3A_2385 = arith.constant 0 : i32
      %gather3A_2386 = arith.constant 0 : i32
      %gather3A_2387 = tpu.memref_slice %arg7[%gather3A_2384, %gather3A_2385, %gather3A_2386] : memref<32x16x128xf32, #tpu.memory_space<vmem>> -> memref<1x16x128xf32, #tpu.memory_space<vmem>>
      %gather3A_2388 = tpu.memref_squeeze %gather3A_2387 : memref<1x16x128xf32, #tpu.memory_space<vmem>> -> memref<16x128xf32, #tpu.memory_space<vmem>>
      %gather3A_2389 = tpu.vector_load_idx %gather3A_2388[%iota3A, %broadcast_in_dim3A_2383] : memref<16x128xf32, #tpu.memory_space<vmem>>[vector<16xi32>, vector<16xi32>], vector<16xf32>,
      %mul3A_2390 = arith.constant 32 : i32
      %mul3A_2391 = arith.muli %scan3A_9, %mul3A_2390 : i32
      %add3A_2392 = arith.constant 18 : i32
      %add3A_2393 = arith.addi %mul3A_2391, %add3A_2392 : i32
      %broadcast_in_dim3A_2394 = vector.broadcast %add3A_2393 : i32 to vector<16xi32>
      %mul3A_2395 = arith.mulf %gather3A_2389, %get3A_3 : vector<16xf32>
      tpu.vector_store_idx %arg8[%iota3A, %broadcast_in_dim3A_2394], %mul3A_2395 : memref<16x512xf32, #tpu.memory_space<vmem>>[vector<16xi32>, vector<16xi32>], vector<16xf32>,
      %dma_wait3A_2396 = arith.constant 19 : i32
      %dma_wait3A_2397 = arith.constant 0 : i32
      %dma_wait3A_2398 = arith.constant 0 : i32
      %dma_wait3A_2399 = tpu.memref_slice %arg7[%dma_wait3A_2396, %dma_wait3A_2397, %dma_wait3A_2398] : memref<32x16x128xf32, #tpu.memory_space<vmem>> -> memref<1x16x128xf32, #tpu.memory_space<vmem>>
      %dma_wait3A_2400 = tpu.memref_squeeze %dma_wait3A_2399 : memref<1x16x128xf32, #tpu.memory_space<vmem>> -> memref<16x128xf32, #tpu.memory_space<vmem>>
      %dma_wait3A_2401 = arith.constant 0 : i32
      %dma_wait3A_2402 = tpu.memref_slice %arg4[%dma_wait3A_2401, %multiple_of3A_836] : memref<16x1000000xf32, #tpu.memory_space<hbm>> -> memref<16x128xf32, #tpu.memory_space<hbm>>
      %dma_wait3A_2403 = arith.constant 0 : i32
      %dma_wait3A_2404 = arith.constant 0 : i32
      %dma_wait3A_2405 = tpu.memref_slice %arg7[%dma_wait3A_2396, %dma_wait3A_2403, %dma_wait3A_2404] : memref<32x16x128xf32, #tpu.memory_space<vmem>> -> memref<1x16x128xf32, #tpu.memory_space<vmem>>
      %dma_wait3A_2406 = tpu.memref_squeeze %dma_wait3A_2405 : memref<1x16x128xf32, #tpu.memory_space<vmem>> -> memref<16x128xf32, #tpu.memory_space<vmem>>
      %dma_wait3A_2407 = arith.constant 0 : i32
      %dma_wait3A_2408 = tpu.memref_slice %arg4[%dma_wait3A_2407, %multiple_of3A_836] : memref<16x1000000xf32, #tpu.memory_space<hbm>> -> memref<16x128xf32, #tpu.memory_space<hbm>>
      tpu.wait_dma2 semaphore(%arg10 : memref<!tpu.dma_semaphore, #tpu.memory_space<semaphore_mem>>) src(%dma_wait3A_2408 : memref<16x128xf32, #tpu.memory_space<hbm>>) dst(%dma_wait3A_2406 : memref<16x128xf32, #tpu.memory_space<vmem>>)
      %slice3A_2409 = vector.extract_strided_slice %get3A_21 {offsets = [3], sizes = [1], strides = [1]} : vector<16xi32> to vector<1xi32>
      %squeeze3A_2410 = vector.extract %slice3A_2409[0] : i32 from vector<1xi32>
      %jit3A_2411 = arith.constant 128 : i32
      %div3A_2412 = arith.divsi %squeeze3A_2410, %jit3A_2411 : i32
      %sign3A_2413 = arith.constant 0 : i32
      %sign3A_2414 = arith.cmpi sgt, %squeeze3A_2410, %sign3A_2413 : i32
      %sign3A_2415 = arith.extui %sign3A_2414 : i1 to i32
      %sign3A_2416 = arith.constant 0 : i32
      %sign3A_2417 = arith.cmpi slt, %squeeze3A_2410, %sign3A_2416 : i32
      %sign3A_2418 = arith.extui %sign3A_2417 : i1 to i32
      %sign3A_2419 = arith.subi %sign3A_2415, %sign3A_2418 : i32
      %sign3A_2420 = arith.constant 0 : i32
      %sign3A_2421 = arith.cmpi sgt, %jit3A_2411, %sign3A_2420 : i32
      %sign3A_2422 = arith.extui %sign3A_2421 : i1 to i32
      %sign3A_2423 = arith.constant 0 : i32
      %sign3A_2424 = arith.cmpi slt, %jit3A_2411, %sign3A_2423 : i32
      %sign3A_2425 = arith.extui %sign3A_2424 : i1 to i32
      %sign3A_2426 = arith.subi %sign3A_2422, %sign3A_2425 : i32
      %ne3A_2427 = arith.cmpi ne, %sign3A_2419, %sign3A_2426 : i32
      %rem3A_2428 = arith.remsi %squeeze3A_2410, %jit3A_2411 : i32
      %ne3A_2429 = arith.constant 0 : i32
      %ne3A_2430 = arith.cmpi ne, %rem3A_2428, %ne3A_2429 : i32
      %and3A_2431 = arith.andi %ne3A_2427, %ne3A_2430 : i1
      %sub3A_2432 = arith.constant 1 : i32
      %sub3A_2433 = arith.subi %div3A_2412, %sub3A_2432 : i32
      %select_n3A_2434 = arith.select %and3A_2431, %sub3A_2433, %div3A_2412 : i32
      %mul3A_2435 = arith.constant 128 : i32
      %mul3A_2436 = arith.muli %select_n3A_2434, %mul3A_2435 : i32
      %sub3A_2437 = arith.subi %squeeze3A_2410, %mul3A_2436 : i32
      %broadcast_in_dim3A_2438 = vector.broadcast %sub3A_2437 : i32 to vector<16xi32>
      %gather3A_2439 = arith.constant 19 : i32
      %gather3A_2440 = arith.constant 0 : i32
      %gather3A_2441 = arith.constant 0 : i32
      %gather3A_2442 = tpu.memref_slice %arg7[%gather3A_2439, %gather3A_2440, %gather3A_2441] : memref<32x16x128xf32, #tpu.memory_space<vmem>> -> memref<1x16x128xf32, #tpu.memory_space<vmem>>
      %gather3A_2443 = tpu.memref_squeeze %gather3A_2442 : memref<1x16x128xf32, #tpu.memory_space<vmem>> -> memref<16x128xf32, #tpu.memory_space<vmem>>
      %gather3A_2444 = tpu.vector_load_idx %gather3A_2443[%iota3A, %broadcast_in_dim3A_2438] : memref<16x128xf32, #tpu.memory_space<vmem>>[vector<16xi32>, vector<16xi32>], vector<16xf32>,
      %mul3A_2445 = arith.constant 32 : i32
      %mul3A_2446 = arith.muli %scan3A_9, %mul3A_2445 : i32
      %add3A_2447 = arith.constant 19 : i32
      %add3A_2448 = arith.addi %mul3A_2446, %add3A_2447 : i32
      %broadcast_in_dim3A_2449 = vector.broadcast %add3A_2448 : i32 to vector<16xi32>
      %mul3A_2450 = arith.mulf %gather3A_2444, %get3A_3 : vector<16xf32>
      tpu.vector_store_idx %arg8[%iota3A, %broadcast_in_dim3A_2449], %mul3A_2450 : memref<16x512xf32, #tpu.memory_space<vmem>>[vector<16xi32>, vector<16xi32>], vector<16xf32>,
      %dma_wait3A_2451 = arith.constant 20 : i32
      %dma_wait3A_2452 = arith.constant 0 : i32
      %dma_wait3A_2453 = arith.constant 0 : i32
      %dma_wait3A_2454 = tpu.memref_slice %arg7[%dma_wait3A_2451, %dma_wait3A_2452, %dma_wait3A_2453] : memref<32x16x128xf32, #tpu.memory_space<vmem>> -> memref<1x16x128xf32, #tpu.memory_space<vmem>>
      %dma_wait3A_2455 = tpu.memref_squeeze %dma_wait3A_2454 : memref<1x16x128xf32, #tpu.memory_space<vmem>> -> memref<16x128xf32, #tpu.memory_space<vmem>>
      %dma_wait3A_2456 = arith.constant 0 : i32
      %dma_wait3A_2457 = tpu.memref_slice %arg4[%dma_wait3A_2456, %multiple_of3A_878] : memref<16x1000000xf32, #tpu.memory_space<hbm>> -> memref<16x128xf32, #tpu.memory_space<hbm>>
      %dma_wait3A_2458 = arith.constant 0 : i32
      %dma_wait3A_2459 = arith.constant 0 : i32
      %dma_wait3A_2460 = tpu.memref_slice %arg7[%dma_wait3A_2451, %dma_wait3A_2458, %dma_wait3A_2459] : memref<32x16x128xf32, #tpu.memory_space<vmem>> -> memref<1x16x128xf32, #tpu.memory_space<vmem>>
      %dma_wait3A_2461 = tpu.memref_squeeze %dma_wait3A_2460 : memref<1x16x128xf32, #tpu.memory_space<vmem>> -> memref<16x128xf32, #tpu.memory_space<vmem>>
      %dma_wait3A_2462 = arith.constant 0 : i32
      %dma_wait3A_2463 = tpu.memref_slice %arg4[%dma_wait3A_2462, %multiple_of3A_878] : memref<16x1000000xf32, #tpu.memory_space<hbm>> -> memref<16x128xf32, #tpu.memory_space<hbm>>
      tpu.wait_dma2 semaphore(%arg10 : memref<!tpu.dma_semaphore, #tpu.memory_space<semaphore_mem>>) src(%dma_wait3A_2463 : memref<16x128xf32, #tpu.memory_space<hbm>>) dst(%dma_wait3A_2461 : memref<16x128xf32, #tpu.memory_space<vmem>>)
      %slice3A_2464 = vector.extract_strided_slice %get3A_21 {offsets = [4], sizes = [1], strides = [1]} : vector<16xi32> to vector<1xi32>
      %squeeze3A_2465 = vector.extract %slice3A_2464[0] : i32 from vector<1xi32>
      %jit3A_2466 = arith.constant 128 : i32
      %div3A_2467 = arith.divsi %squeeze3A_2465, %jit3A_2466 : i32
      %sign3A_2468 = arith.constant 0 : i32
      %sign3A_2469 = arith.cmpi sgt, %squeeze3A_2465, %sign3A_2468 : i32
      %sign3A_2470 = arith.extui %sign3A_2469 : i1 to i32
      %sign3A_2471 = arith.constant 0 : i32
      %sign3A_2472 = arith.cmpi slt, %squeeze3A_2465, %sign3A_2471 : i32
      %sign3A_2473 = arith.extui %sign3A_2472 : i1 to i32
      %sign3A_2474 = arith.subi %sign3A_2470, %sign3A_2473 : i32
      %sign3A_2475 = arith.constant 0 : i32
      %sign3A_2476 = arith.cmpi sgt, %jit3A_2466, %sign3A_2475 : i32
      %sign3A_2477 = arith.extui %sign3A_2476 : i1 to i32
      %sign3A_2478 = arith.constant 0 : i32
      %sign3A_2479 = arith.cmpi slt, %jit3A_2466, %sign3A_2478 : i32
      %sign3A_2480 = arith.extui %sign3A_2479 : i1 to i32
      %sign3A_2481 = arith.subi %sign3A_2477, %sign3A_2480 : i32
      %ne3A_2482 = arith.cmpi ne, %sign3A_2474, %sign3A_2481 : i32
      %rem3A_2483 = arith.remsi %squeeze3A_2465, %jit3A_2466 : i32
      %ne3A_2484 = arith.constant 0 : i32
      %ne3A_2485 = arith.cmpi ne, %rem3A_2483, %ne3A_2484 : i32
      %and3A_2486 = arith.andi %ne3A_2482, %ne3A_2485 : i1
      %sub3A_2487 = arith.constant 1 : i32
      %sub3A_2488 = arith.subi %div3A_2467, %sub3A_2487 : i32
      %select_n3A_2489 = arith.select %and3A_2486, %sub3A_2488, %div3A_2467 : i32
      %mul3A_2490 = arith.constant 128 : i32
      %mul3A_2491 = arith.muli %select_n3A_2489, %mul3A_2490 : i32
      %sub3A_2492 = arith.subi %squeeze3A_2465, %mul3A_2491 : i32
      %broadcast_in_dim3A_2493 = vector.broadcast %sub3A_2492 : i32 to vector<16xi32>
      %gather3A_2494 = arith.constant 20 : i32
      %gather3A_2495 = arith.constant 0 : i32
      %gather3A_2496 = arith.constant 0 : i32
      %gather3A_2497 = tpu.memref_slice %arg7[%gather3A_2494, %gather3A_2495, %gather3A_2496] : memref<32x16x128xf32, #tpu.memory_space<vmem>> -> memref<1x16x128xf32, #tpu.memory_space<vmem>>
      %gather3A_2498 = tpu.memref_squeeze %gather3A_2497 : memref<1x16x128xf32, #tpu.memory_space<vmem>> -> memref<16x128xf32, #tpu.memory_space<vmem>>
      %gather3A_2499 = tpu.vector_load_idx %gather3A_2498[%iota3A, %broadcast_in_dim3A_2493] : memref<16x128xf32, #tpu.memory_space<vmem>>[vector<16xi32>, vector<16xi32>], vector<16xf32>,
      %mul3A_2500 = arith.constant 32 : i32
      %mul3A_2501 = arith.muli %scan3A_9, %mul3A_2500 : i32
      %add3A_2502 = arith.constant 20 : i32
      %add3A_2503 = arith.addi %mul3A_2501, %add3A_2502 : i32
      %broadcast_in_dim3A_2504 = vector.broadcast %add3A_2503 : i32 to vector<16xi32>
      %mul3A_2505 = arith.mulf %gather3A_2499, %get3A_3 : vector<16xf32>
      tpu.vector_store_idx %arg8[%iota3A, %broadcast_in_dim3A_2504], %mul3A_2505 : memref<16x512xf32, #tpu.memory_space<vmem>>[vector<16xi32>, vector<16xi32>], vector<16xf32>,
      %dma_wait3A_2506 = arith.constant 21 : i32
      %dma_wait3A_2507 = arith.constant 0 : i32
      %dma_wait3A_2508 = arith.constant 0 : i32
      %dma_wait3A_2509 = tpu.memref_slice %arg7[%dma_wait3A_2506, %dma_wait3A_2507, %dma_wait3A_2508] : memref<32x16x128xf32, #tpu.memory_space<vmem>> -> memref<1x16x128xf32, #tpu.memory_space<vmem>>
      %dma_wait3A_2510 = tpu.memref_squeeze %dma_wait3A_2509 : memref<1x16x128xf32, #tpu.memory_space<vmem>> -> memref<16x128xf32, #tpu.memory_space<vmem>>
      %dma_wait3A_2511 = arith.constant 0 : i32
      %dma_wait3A_2512 = tpu.memref_slice %arg4[%dma_wait3A_2511, %multiple_of3A_920] : memref<16x1000000xf32, #tpu.memory_space<hbm>> -> memref<16x128xf32, #tpu.memory_space<hbm>>
      %dma_wait3A_2513 = arith.constant 0 : i32
      %dma_wait3A_2514 = arith.constant 0 : i32
      %dma_wait3A_2515 = tpu.memref_slice %arg7[%dma_wait3A_2506, %dma_wait3A_2513, %dma_wait3A_2514] : memref<32x16x128xf32, #tpu.memory_space<vmem>> -> memref<1x16x128xf32, #tpu.memory_space<vmem>>
      %dma_wait3A_2516 = tpu.memref_squeeze %dma_wait3A_2515 : memref<1x16x128xf32, #tpu.memory_space<vmem>> -> memref<16x128xf32, #tpu.memory_space<vmem>>
      %dma_wait3A_2517 = arith.constant 0 : i32
      %dma_wait3A_2518 = tpu.memref_slice %arg4[%dma_wait3A_2517, %multiple_of3A_920] : memref<16x1000000xf32, #tpu.memory_space<hbm>> -> memref<16x128xf32, #tpu.memory_space<hbm>>
      tpu.wait_dma2 semaphore(%arg10 : memref<!tpu.dma_semaphore, #tpu.memory_space<semaphore_mem>>) src(%dma_wait3A_2518 : memref<16x128xf32, #tpu.memory_space<hbm>>) dst(%dma_wait3A_2516 : memref<16x128xf32, #tpu.memory_space<vmem>>)
      %slice3A_2519 = vector.extract_strided_slice %get3A_21 {offsets = [5], sizes = [1], strides = [1]} : vector<16xi32> to vector<1xi32>
      %squeeze3A_2520 = vector.extract %slice3A_2519[0] : i32 from vector<1xi32>
      %jit3A_2521 = arith.constant 128 : i32
      %div3A_2522 = arith.divsi %squeeze3A_2520, %jit3A_2521 : i32
      %sign3A_2523 = arith.constant 0 : i32
      %sign3A_2524 = arith.cmpi sgt, %squeeze3A_2520, %sign3A_2523 : i32
      %sign3A_2525 = arith.extui %sign3A_2524 : i1 to i32
      %sign3A_2526 = arith.constant 0 : i32
      %sign3A_2527 = arith.cmpi slt, %squeeze3A_2520, %sign3A_2526 : i32
      %sign3A_2528 = arith.extui %sign3A_2527 : i1 to i32
      %sign3A_2529 = arith.subi %sign3A_2525, %sign3A_2528 : i32
      %sign3A_2530 = arith.constant 0 : i32
      %sign3A_2531 = arith.cmpi sgt, %jit3A_2521, %sign3A_2530 : i32
      %sign3A_2532 = arith.extui %sign3A_2531 : i1 to i32
      %sign3A_2533 = arith.constant 0 : i32
      %sign3A_2534 = arith.cmpi slt, %jit3A_2521, %sign3A_2533 : i32
      %sign3A_2535 = arith.extui %sign3A_2534 : i1 to i32
      %sign3A_2536 = arith.subi %sign3A_2532, %sign3A_2535 : i32
      %ne3A_2537 = arith.cmpi ne, %sign3A_2529, %sign3A_2536 : i32
      %rem3A_2538 = arith.remsi %squeeze3A_2520, %jit3A_2521 : i32
      %ne3A_2539 = arith.constant 0 : i32
      %ne3A_2540 = arith.cmpi ne, %rem3A_2538, %ne3A_2539 : i32
      %and3A_2541 = arith.andi %ne3A_2537, %ne3A_2540 : i1
      %sub3A_2542 = arith.constant 1 : i32
      %sub3A_2543 = arith.subi %div3A_2522, %sub3A_2542 : i32
      %select_n3A_2544 = arith.select %and3A_2541, %sub3A_2543, %div3A_2522 : i32
      %mul3A_2545 = arith.constant 128 : i32
      %mul3A_2546 = arith.muli %select_n3A_2544, %mul3A_2545 : i32
      %sub3A_2547 = arith.subi %squeeze3A_2520, %mul3A_2546 : i32
      %broadcast_in_dim3A_2548 = vector.broadcast %sub3A_2547 : i32 to vector<16xi32>
      %gather3A_2549 = arith.constant 21 : i32
      %gather3A_2550 = arith.constant 0 : i32
      %gather3A_2551 = arith.constant 0 : i32
      %gather3A_2552 = tpu.memref_slice %arg7[%gather3A_2549, %gather3A_2550, %gather3A_2551] : memref<32x16x128xf32, #tpu.memory_space<vmem>> -> memref<1x16x128xf32, #tpu.memory_space<vmem>>
      %gather3A_2553 = tpu.memref_squeeze %gather3A_2552 : memref<1x16x128xf32, #tpu.memory_space<vmem>> -> memref<16x128xf32, #tpu.memory_space<vmem>>
      %gather3A_2554 = tpu.vector_load_idx %gather3A_2553[%iota3A, %broadcast_in_dim3A_2548] : memref<16x128xf32, #tpu.memory_space<vmem>>[vector<16xi32>, vector<16xi32>], vector<16xf32>,
      %mul3A_2555 = arith.constant 32 : i32
      %mul3A_2556 = arith.muli %scan3A_9, %mul3A_2555 : i32
      %add3A_2557 = arith.constant 21 : i32
      %add3A_2558 = arith.addi %mul3A_2556, %add3A_2557 : i32
      %broadcast_in_dim3A_2559 = vector.broadcast %add3A_2558 : i32 to vector<16xi32>
      %mul3A_2560 = arith.mulf %gather3A_2554, %get3A_3 : vector<16xf32>
      tpu.vector_store_idx %arg8[%iota3A, %broadcast_in_dim3A_2559], %mul3A_2560 : memref<16x512xf32, #tpu.memory_space<vmem>>[vector<16xi32>, vector<16xi32>], vector<16xf32>,
      %dma_wait3A_2561 = arith.constant 22 : i32
      %dma_wait3A_2562 = arith.constant 0 : i32
      %dma_wait3A_2563 = arith.constant 0 : i32
      %dma_wait3A_2564 = tpu.memref_slice %arg7[%dma_wait3A_2561, %dma_wait3A_2562, %dma_wait3A_2563] : memref<32x16x128xf32, #tpu.memory_space<vmem>> -> memref<1x16x128xf32, #tpu.memory_space<vmem>>
      %dma_wait3A_2565 = tpu.memref_squeeze %dma_wait3A_2564 : memref<1x16x128xf32, #tpu.memory_space<vmem>> -> memref<16x128xf32, #tpu.memory_space<vmem>>
      %dma_wait3A_2566 = arith.constant 0 : i32
      %dma_wait3A_2567 = tpu.memref_slice %arg4[%dma_wait3A_2566, %multiple_of3A_962] : memref<16x1000000xf32, #tpu.memory_space<hbm>> -> memref<16x128xf32, #tpu.memory_space<hbm>>
      %dma_wait3A_2568 = arith.constant 0 : i32
      %dma_wait3A_2569 = arith.constant 0 : i32
      %dma_wait3A_2570 = tpu.memref_slice %arg7[%dma_wait3A_2561, %dma_wait3A_2568, %dma_wait3A_2569] : memref<32x16x128xf32, #tpu.memory_space<vmem>> -> memref<1x16x128xf32, #tpu.memory_space<vmem>>
      %dma_wait3A_2571 = tpu.memref_squeeze %dma_wait3A_2570 : memref<1x16x128xf32, #tpu.memory_space<vmem>> -> memref<16x128xf32, #tpu.memory_space<vmem>>
      %dma_wait3A_2572 = arith.constant 0 : i32
      %dma_wait3A_2573 = tpu.memref_slice %arg4[%dma_wait3A_2572, %multiple_of3A_962] : memref<16x1000000xf32, #tpu.memory_space<hbm>> -> memref<16x128xf32, #tpu.memory_space<hbm>>
      tpu.wait_dma2 semaphore(%arg10 : memref<!tpu.dma_semaphore, #tpu.memory_space<semaphore_mem>>) src(%dma_wait3A_2573 : memref<16x128xf32, #tpu.memory_space<hbm>>) dst(%dma_wait3A_2571 : memref<16x128xf32, #tpu.memory_space<vmem>>)
      %slice3A_2574 = vector.extract_strided_slice %get3A_21 {offsets = [6], sizes = [1], strides = [1]} : vector<16xi32> to vector<1xi32>
      %squeeze3A_2575 = vector.extract %slice3A_2574[0] : i32 from vector<1xi32>
      %jit3A_2576 = arith.constant 128 : i32
      %div3A_2577 = arith.divsi %squeeze3A_2575, %jit3A_2576 : i32
      %sign3A_2578 = arith.constant 0 : i32
      %sign3A_2579 = arith.cmpi sgt, %squeeze3A_2575, %sign3A_2578 : i32
      %sign3A_2580 = arith.extui %sign3A_2579 : i1 to i32
      %sign3A_2581 = arith.constant 0 : i32
      %sign3A_2582 = arith.cmpi slt, %squeeze3A_2575, %sign3A_2581 : i32
      %sign3A_2583 = arith.extui %sign3A_2582 : i1 to i32
      %sign3A_2584 = arith.subi %sign3A_2580, %sign3A_2583 : i32
      %sign3A_2585 = arith.constant 0 : i32
      %sign3A_2586 = arith.cmpi sgt, %jit3A_2576, %sign3A_2585 : i32
      %sign3A_2587 = arith.extui %sign3A_2586 : i1 to i32
      %sign3A_2588 = arith.constant 0 : i32
      %sign3A_2589 = arith.cmpi slt, %jit3A_2576, %sign3A_2588 : i32
      %sign3A_2590 = arith.extui %sign3A_2589 : i1 to i32
      %sign3A_2591 = arith.subi %sign3A_2587, %sign3A_2590 : i32
      %ne3A_2592 = arith.cmpi ne, %sign3A_2584, %sign3A_2591 : i32
      %rem3A_2593 = arith.remsi %squeeze3A_2575, %jit3A_2576 : i32
      %ne3A_2594 = arith.constant 0 : i32
      %ne3A_2595 = arith.cmpi ne, %rem3A_2593, %ne3A_2594 : i32
      %and3A_2596 = arith.andi %ne3A_2592, %ne3A_2595 : i1
      %sub3A_2597 = arith.constant 1 : i32
      %sub3A_2598 = arith.subi %div3A_2577, %sub3A_2597 : i32
      %select_n3A_2599 = arith.select %and3A_2596, %sub3A_2598, %div3A_2577 : i32
      %mul3A_2600 = arith.constant 128 : i32
      %mul3A_2601 = arith.muli %select_n3A_2599, %mul3A_2600 : i32
      %sub3A_2602 = arith.subi %squeeze3A_2575, %mul3A_2601 : i32
      %broadcast_in_dim3A_2603 = vector.broadcast %sub3A_2602 : i32 to vector<16xi32>
      %gather3A_2604 = arith.constant 22 : i32
      %gather3A_2605 = arith.constant 0 : i32
      %gather3A_2606 = arith.constant 0 : i32
      %gather3A_2607 = tpu.memref_slice %arg7[%gather3A_2604, %gather3A_2605, %gather3A_2606] : memref<32x16x128xf32, #tpu.memory_space<vmem>> -> memref<1x16x128xf32, #tpu.memory_space<vmem>>
      %gather3A_2608 = tpu.memref_squeeze %gather3A_2607 : memref<1x16x128xf32, #tpu.memory_space<vmem>> -> memref<16x128xf32, #tpu.memory_space<vmem>>
      %gather3A_2609 = tpu.vector_load_idx %gather3A_2608[%iota3A, %broadcast_in_dim3A_2603] : memref<16x128xf32, #tpu.memory_space<vmem>>[vector<16xi32>, vector<16xi32>], vector<16xf32>,
      %mul3A_2610 = arith.constant 32 : i32
      %mul3A_2611 = arith.muli %scan3A_9, %mul3A_2610 : i32
      %add3A_2612 = arith.constant 22 : i32
      %add3A_2613 = arith.addi %mul3A_2611, %add3A_2612 : i32
      %broadcast_in_dim3A_2614 = vector.broadcast %add3A_2613 : i32 to vector<16xi32>
      %mul3A_2615 = arith.mulf %gather3A_2609, %get3A_3 : vector<16xf32>
      tpu.vector_store_idx %arg8[%iota3A, %broadcast_in_dim3A_2614], %mul3A_2615 : memref<16x512xf32, #tpu.memory_space<vmem>>[vector<16xi32>, vector<16xi32>], vector<16xf32>,
      %dma_wait3A_2616 = arith.constant 23 : i32
      %dma_wait3A_2617 = arith.constant 0 : i32
      %dma_wait3A_2618 = arith.constant 0 : i32
      %dma_wait3A_2619 = tpu.memref_slice %arg7[%dma_wait3A_2616, %dma_wait3A_2617, %dma_wait3A_2618] : memref<32x16x128xf32, #tpu.memory_space<vmem>> -> memref<1x16x128xf32, #tpu.memory_space<vmem>>
      %dma_wait3A_2620 = tpu.memref_squeeze %dma_wait3A_2619 : memref<1x16x128xf32, #tpu.memory_space<vmem>> -> memref<16x128xf32, #tpu.memory_space<vmem>>
      %dma_wait3A_2621 = arith.constant 0 : i32
      %dma_wait3A_2622 = tpu.memref_slice %arg4[%dma_wait3A_2621, %multiple_of3A_1004] : memref<16x1000000xf32, #tpu.memory_space<hbm>> -> memref<16x128xf32, #tpu.memory_space<hbm>>
      %dma_wait3A_2623 = arith.constant 0 : i32
      %dma_wait3A_2624 = arith.constant 0 : i32
      %dma_wait3A_2625 = tpu.memref_slice %arg7[%dma_wait3A_2616, %dma_wait3A_2623, %dma_wait3A_2624] : memref<32x16x128xf32, #tpu.memory_space<vmem>> -> memref<1x16x128xf32, #tpu.memory_space<vmem>>
      %dma_wait3A_2626 = tpu.memref_squeeze %dma_wait3A_2625 : memref<1x16x128xf32, #tpu.memory_space<vmem>> -> memref<16x128xf32, #tpu.memory_space<vmem>>
      %dma_wait3A_2627 = arith.constant 0 : i32
      %dma_wait3A_2628 = tpu.memref_slice %arg4[%dma_wait3A_2627, %multiple_of3A_1004] : memref<16x1000000xf32, #tpu.memory_space<hbm>> -> memref<16x128xf32, #tpu.memory_space<hbm>>
      tpu.wait_dma2 semaphore(%arg10 : memref<!tpu.dma_semaphore, #tpu.memory_space<semaphore_mem>>) src(%dma_wait3A_2628 : memref<16x128xf32, #tpu.memory_space<hbm>>) dst(%dma_wait3A_2626 : memref<16x128xf32, #tpu.memory_space<vmem>>)
      %slice3A_2629 = vector.extract_strided_slice %get3A_21 {offsets = [7], sizes = [1], strides = [1]} : vector<16xi32> to vector<1xi32>
      %squeeze3A_2630 = vector.extract %slice3A_2629[0] : i32 from vector<1xi32>
      %jit3A_2631 = arith.constant 128 : i32
      %div3A_2632 = arith.divsi %squeeze3A_2630, %jit3A_2631 : i32
      %sign3A_2633 = arith.constant 0 : i32
      %sign3A_2634 = arith.cmpi sgt, %squeeze3A_2630, %sign3A_2633 : i32
      %sign3A_2635 = arith.extui %sign3A_2634 : i1 to i32
      %sign3A_2636 = arith.constant 0 : i32
      %sign3A_2637 = arith.cmpi slt, %squeeze3A_2630, %sign3A_2636 : i32
      %sign3A_2638 = arith.extui %sign3A_2637 : i1 to i32
      %sign3A_2639 = arith.subi %sign3A_2635, %sign3A_2638 : i32
      %sign3A_2640 = arith.constant 0 : i32
      %sign3A_2641 = arith.cmpi sgt, %jit3A_2631, %sign3A_2640 : i32
      %sign3A_2642 = arith.extui %sign3A_2641 : i1 to i32
      %sign3A_2643 = arith.constant 0 : i32
      %sign3A_2644 = arith.cmpi slt, %jit3A_2631, %sign3A_2643 : i32
      %sign3A_2645 = arith.extui %sign3A_2644 : i1 to i32
      %sign3A_2646 = arith.subi %sign3A_2642, %sign3A_2645 : i32
      %ne3A_2647 = arith.cmpi ne, %sign3A_2639, %sign3A_2646 : i32
      %rem3A_2648 = arith.remsi %squeeze3A_2630, %jit3A_2631 : i32
      %ne3A_2649 = arith.constant 0 : i32
      %ne3A_2650 = arith.cmpi ne, %rem3A_2648, %ne3A_2649 : i32
      %and3A_2651 = arith.andi %ne3A_2647, %ne3A_2650 : i1
      %sub3A_2652 = arith.constant 1 : i32
      %sub3A_2653 = arith.subi %div3A_2632, %sub3A_2652 : i32
      %select_n3A_2654 = arith.select %and3A_2651, %sub3A_2653, %div3A_2632 : i32
      %mul3A_2655 = arith.constant 128 : i32
      %mul3A_2656 = arith.muli %select_n3A_2654, %mul3A_2655 : i32
      %sub3A_2657 = arith.subi %squeeze3A_2630, %mul3A_2656 : i32
      %broadcast_in_dim3A_2658 = vector.broadcast %sub3A_2657 : i32 to vector<16xi32>
      %gather3A_2659 = arith.constant 23 : i32
      %gather3A_2660 = arith.constant 0 : i32
      %gather3A_2661 = arith.constant 0 : i32
      %gather3A_2662 = tpu.memref_slice %arg7[%gather3A_2659, %gather3A_2660, %gather3A_2661] : memref<32x16x128xf32, #tpu.memory_space<vmem>> -> memref<1x16x128xf32, #tpu.memory_space<vmem>>
      %gather3A_2663 = tpu.memref_squeeze %gather3A_2662 : memref<1x16x128xf32, #tpu.memory_space<vmem>> -> memref<16x128xf32, #tpu.memory_space<vmem>>
      %gather3A_2664 = tpu.vector_load_idx %gather3A_2663[%iota3A, %broadcast_in_dim3A_2658] : memref<16x128xf32, #tpu.memory_space<vmem>>[vector<16xi32>, vector<16xi32>], vector<16xf32>,
      %mul3A_2665 = arith.constant 32 : i32
      %mul3A_2666 = arith.muli %scan3A_9, %mul3A_2665 : i32
      %add3A_2667 = arith.constant 23 : i32
      %add3A_2668 = arith.addi %mul3A_2666, %add3A_2667 : i32
      %broadcast_in_dim3A_2669 = vector.broadcast %add3A_2668 : i32 to vector<16xi32>
      %mul3A_2670 = arith.mulf %gather3A_2664, %get3A_3 : vector<16xf32>
      tpu.vector_store_idx %arg8[%iota3A, %broadcast_in_dim3A_2669], %mul3A_2670 : memref<16x512xf32, #tpu.memory_space<vmem>>[vector<16xi32>, vector<16xi32>], vector<16xf32>,
      %dma_wait3A_2671 = arith.constant 24 : i32
      %dma_wait3A_2672 = arith.constant 0 : i32
      %dma_wait3A_2673 = arith.constant 0 : i32
      %dma_wait3A_2674 = tpu.memref_slice %arg7[%dma_wait3A_2671, %dma_wait3A_2672, %dma_wait3A_2673] : memref<32x16x128xf32, #tpu.memory_space<vmem>> -> memref<1x16x128xf32, #tpu.memory_space<vmem>>
      %dma_wait3A_2675 = tpu.memref_squeeze %dma_wait3A_2674 : memref<1x16x128xf32, #tpu.memory_space<vmem>> -> memref<16x128xf32, #tpu.memory_space<vmem>>
      %dma_wait3A_2676 = arith.constant 0 : i32
      %dma_wait3A_2677 = tpu.memref_slice %arg4[%dma_wait3A_2676, %multiple_of3A_1046] : memref<16x1000000xf32, #tpu.memory_space<hbm>> -> memref<16x128xf32, #tpu.memory_space<hbm>>
      %dma_wait3A_2678 = arith.constant 0 : i32
      %dma_wait3A_2679 = arith.constant 0 : i32
      %dma_wait3A_2680 = tpu.memref_slice %arg7[%dma_wait3A_2671, %dma_wait3A_2678, %dma_wait3A_2679] : memref<32x16x128xf32, #tpu.memory_space<vmem>> -> memref<1x16x128xf32, #tpu.memory_space<vmem>>
      %dma_wait3A_2681 = tpu.memref_squeeze %dma_wait3A_2680 : memref<1x16x128xf32, #tpu.memory_space<vmem>> -> memref<16x128xf32, #tpu.memory_space<vmem>>
      %dma_wait3A_2682 = arith.constant 0 : i32
      %dma_wait3A_2683 = tpu.memref_slice %arg4[%dma_wait3A_2682, %multiple_of3A_1046] : memref<16x1000000xf32, #tpu.memory_space<hbm>> -> memref<16x128xf32, #tpu.memory_space<hbm>>
      tpu.wait_dma2 semaphore(%arg10 : memref<!tpu.dma_semaphore, #tpu.memory_space<semaphore_mem>>) src(%dma_wait3A_2683 : memref<16x128xf32, #tpu.memory_space<hbm>>) dst(%dma_wait3A_2681 : memref<16x128xf32, #tpu.memory_space<vmem>>)
      %slice3A_2684 = vector.extract_strided_slice %get3A_21 {offsets = [8], sizes = [1], strides = [1]} : vector<16xi32> to vector<1xi32>
      %squeeze3A_2685 = vector.extract %slice3A_2684[0] : i32 from vector<1xi32>
      %jit3A_2686 = arith.constant 128 : i32
      %div3A_2687 = arith.divsi %squeeze3A_2685, %jit3A_2686 : i32
      %sign3A_2688 = arith.constant 0 : i32
      %sign3A_2689 = arith.cmpi sgt, %squeeze3A_2685, %sign3A_2688 : i32
      %sign3A_2690 = arith.extui %sign3A_2689 : i1 to i32
      %sign3A_2691 = arith.constant 0 : i32
      %sign3A_2692 = arith.cmpi slt, %squeeze3A_2685, %sign3A_2691 : i32
      %sign3A_2693 = arith.extui %sign3A_2692 : i1 to i32
      %sign3A_2694 = arith.subi %sign3A_2690, %sign3A_2693 : i32
      %sign3A_2695 = arith.constant 0 : i32
      %sign3A_2696 = arith.cmpi sgt, %jit3A_2686, %sign3A_2695 : i32
      %sign3A_2697 = arith.extui %sign3A_2696 : i1 to i32
      %sign3A_2698 = arith.constant 0 : i32
      %sign3A_2699 = arith.cmpi slt, %jit3A_2686, %sign3A_2698 : i32
      %sign3A_2700 = arith.extui %sign3A_2699 : i1 to i32
      %sign3A_2701 = arith.subi %sign3A_2697, %sign3A_2700 : i32
      %ne3A_2702 = arith.cmpi ne, %sign3A_2694, %sign3A_2701 : i32
      %rem3A_2703 = arith.remsi %squeeze3A_2685, %jit3A_2686 : i32
      %ne3A_2704 = arith.constant 0 : i32
      %ne3A_2705 = arith.cmpi ne, %rem3A_2703, %ne3A_2704 : i32
      %and3A_2706 = arith.andi %ne3A_2702, %ne3A_2705 : i1
      %sub3A_2707 = arith.constant 1 : i32
      %sub3A_2708 = arith.subi %div3A_2687, %sub3A_2707 : i32
      %select_n3A_2709 = arith.select %and3A_2706, %sub3A_2708, %div3A_2687 : i32
      %mul3A_2710 = arith.constant 128 : i32
      %mul3A_2711 = arith.muli %select_n3A_2709, %mul3A_2710 : i32
      %sub3A_2712 = arith.subi %squeeze3A_2685, %mul3A_2711 : i32
      %broadcast_in_dim3A_2713 = vector.broadcast %sub3A_2712 : i32 to vector<16xi32>
      %gather3A_2714 = arith.constant 24 : i32
      %gather3A_2715 = arith.constant 0 : i32
      %gather3A_2716 = arith.constant 0 : i32
      %gather3A_2717 = tpu.memref_slice %arg7[%gather3A_2714, %gather3A_2715, %gather3A_2716] : memref<32x16x128xf32, #tpu.memory_space<vmem>> -> memref<1x16x128xf32, #tpu.memory_space<vmem>>
      %gather3A_2718 = tpu.memref_squeeze %gather3A_2717 : memref<1x16x128xf32, #tpu.memory_space<vmem>> -> memref<16x128xf32, #tpu.memory_space<vmem>>
      %gather3A_2719 = tpu.vector_load_idx %gather3A_2718[%iota3A, %broadcast_in_dim3A_2713] : memref<16x128xf32, #tpu.memory_space<vmem>>[vector<16xi32>, vector<16xi32>], vector<16xf32>,
      %mul3A_2720 = arith.constant 32 : i32
      %mul3A_2721 = arith.muli %scan3A_9, %mul3A_2720 : i32
      %add3A_2722 = arith.constant 24 : i32
      %add3A_2723 = arith.addi %mul3A_2721, %add3A_2722 : i32
      %broadcast_in_dim3A_2724 = vector.broadcast %add3A_2723 : i32 to vector<16xi32>
      %mul3A_2725 = arith.mulf %gather3A_2719, %get3A_3 : vector<16xf32>
      tpu.vector_store_idx %arg8[%iota3A, %broadcast_in_dim3A_2724], %mul3A_2725 : memref<16x512xf32, #tpu.memory_space<vmem>>[vector<16xi32>, vector<16xi32>], vector<16xf32>,
      %dma_wait3A_2726 = arith.constant 25 : i32
      %dma_wait3A_2727 = arith.constant 0 : i32
      %dma_wait3A_2728 = arith.constant 0 : i32
      %dma_wait3A_2729 = tpu.memref_slice %arg7[%dma_wait3A_2726, %dma_wait3A_2727, %dma_wait3A_2728] : memref<32x16x128xf32, #tpu.memory_space<vmem>> -> memref<1x16x128xf32, #tpu.memory_space<vmem>>
      %dma_wait3A_2730 = tpu.memref_squeeze %dma_wait3A_2729 : memref<1x16x128xf32, #tpu.memory_space<vmem>> -> memref<16x128xf32, #tpu.memory_space<vmem>>
      %dma_wait3A_2731 = arith.constant 0 : i32
      %dma_wait3A_2732 = tpu.memref_slice %arg4[%dma_wait3A_2731, %multiple_of3A_1088] : memref<16x1000000xf32, #tpu.memory_space<hbm>> -> memref<16x128xf32, #tpu.memory_space<hbm>>
      %dma_wait3A_2733 = arith.constant 0 : i32
      %dma_wait3A_2734 = arith.constant 0 : i32
      %dma_wait3A_2735 = tpu.memref_slice %arg7[%dma_wait3A_2726, %dma_wait3A_2733, %dma_wait3A_2734] : memref<32x16x128xf32, #tpu.memory_space<vmem>> -> memref<1x16x128xf32, #tpu.memory_space<vmem>>
      %dma_wait3A_2736 = tpu.memref_squeeze %dma_wait3A_2735 : memref<1x16x128xf32, #tpu.memory_space<vmem>> -> memref<16x128xf32, #tpu.memory_space<vmem>>
      %dma_wait3A_2737 = arith.constant 0 : i32
      %dma_wait3A_2738 = tpu.memref_slice %arg4[%dma_wait3A_2737, %multiple_of3A_1088] : memref<16x1000000xf32, #tpu.memory_space<hbm>> -> memref<16x128xf32, #tpu.memory_space<hbm>>
      tpu.wait_dma2 semaphore(%arg10 : memref<!tpu.dma_semaphore, #tpu.memory_space<semaphore_mem>>) src(%dma_wait3A_2738 : memref<16x128xf32, #tpu.memory_space<hbm>>) dst(%dma_wait3A_2736 : memref<16x128xf32, #tpu.memory_space<vmem>>)
      %slice3A_2739 = vector.extract_strided_slice %get3A_21 {offsets = [9], sizes = [1], strides = [1]} : vector<16xi32> to vector<1xi32>
      %squeeze3A_2740 = vector.extract %slice3A_2739[0] : i32 from vector<1xi32>
      %jit3A_2741 = arith.constant 128 : i32
      %div3A_2742 = arith.divsi %squeeze3A_2740, %jit3A_2741 : i32
      %sign3A_2743 = arith.constant 0 : i32
      %sign3A_2744 = arith.cmpi sgt, %squeeze3A_2740, %sign3A_2743 : i32
      %sign3A_2745 = arith.extui %sign3A_2744 : i1 to i32
      %sign3A_2746 = arith.constant 0 : i32
      %sign3A_2747 = arith.cmpi slt, %squeeze3A_2740, %sign3A_2746 : i32
      %sign3A_2748 = arith.extui %sign3A_2747 : i1 to i32
      %sign3A_2749 = arith.subi %sign3A_2745, %sign3A_2748 : i32
      %sign3A_2750 = arith.constant 0 : i32
      %sign3A_2751 = arith.cmpi sgt, %jit3A_2741, %sign3A_2750 : i32
      %sign3A_2752 = arith.extui %sign3A_2751 : i1 to i32
      %sign3A_2753 = arith.constant 0 : i32
      %sign3A_2754 = arith.cmpi slt, %jit3A_2741, %sign3A_2753 : i32
      %sign3A_2755 = arith.extui %sign3A_2754 : i1 to i32
      %sign3A_2756 = arith.subi %sign3A_2752, %sign3A_2755 : i32
      %ne3A_2757 = arith.cmpi ne, %sign3A_2749, %sign3A_2756 : i32
      %rem3A_2758 = arith.remsi %squeeze3A_2740, %jit3A_2741 : i32
      %ne3A_2759 = arith.constant 0 : i32
      %ne3A_2760 = arith.cmpi ne, %rem3A_2758, %ne3A_2759 : i32
      %and3A_2761 = arith.andi %ne3A_2757, %ne3A_2760 : i1
      %sub3A_2762 = arith.constant 1 : i32
      %sub3A_2763 = arith.subi %div3A_2742, %sub3A_2762 : i32
      %select_n3A_2764 = arith.select %and3A_2761, %sub3A_2763, %div3A_2742 : i32
      %mul3A_2765 = arith.constant 128 : i32
      %mul3A_2766 = arith.muli %select_n3A_2764, %mul3A_2765 : i32
      %sub3A_2767 = arith.subi %squeeze3A_2740, %mul3A_2766 : i32
      %broadcast_in_dim3A_2768 = vector.broadcast %sub3A_2767 : i32 to vector<16xi32>
      %gather3A_2769 = arith.constant 25 : i32
      %gather3A_2770 = arith.constant 0 : i32
      %gather3A_2771 = arith.constant 0 : i32
      %gather3A_2772 = tpu.memref_slice %arg7[%gather3A_2769, %gather3A_2770, %gather3A_2771] : memref<32x16x128xf32, #tpu.memory_space<vmem>> -> memref<1x16x128xf32, #tpu.memory_space<vmem>>
      %gather3A_2773 = tpu.memref_squeeze %gather3A_2772 : memref<1x16x128xf32, #tpu.memory_space<vmem>> -> memref<16x128xf32, #tpu.memory_space<vmem>>
      %gather3A_2774 = tpu.vector_load_idx %gather3A_2773[%iota3A, %broadcast_in_dim3A_2768] : memref<16x128xf32, #tpu.memory_space<vmem>>[vector<16xi32>, vector<16xi32>], vector<16xf32>,
      %mul3A_2775 = arith.constant 32 : i32
      %mul3A_2776 = arith.muli %scan3A_9, %mul3A_2775 : i32
      %add3A_2777 = arith.constant 25 : i32
      %add3A_2778 = arith.addi %mul3A_2776, %add3A_2777 : i32
      %broadcast_in_dim3A_2779 = vector.broadcast %add3A_2778 : i32 to vector<16xi32>
      %mul3A_2780 = arith.mulf %gather3A_2774, %get3A_3 : vector<16xf32>
      tpu.vector_store_idx %arg8[%iota3A, %broadcast_in_dim3A_2779], %mul3A_2780 : memref<16x512xf32, #tpu.memory_space<vmem>>[vector<16xi32>, vector<16xi32>], vector<16xf32>,
      %dma_wait3A_2781 = arith.constant 26 : i32
      %dma_wait3A_2782 = arith.constant 0 : i32
      %dma_wait3A_2783 = arith.constant 0 : i32
      %dma_wait3A_2784 = tpu.memref_slice %arg7[%dma_wait3A_2781, %dma_wait3A_2782, %dma_wait3A_2783] : memref<32x16x128xf32, #tpu.memory_space<vmem>> -> memref<1x16x128xf32, #tpu.memory_space<vmem>>
      %dma_wait3A_2785 = tpu.memref_squeeze %dma_wait3A_2784 : memref<1x16x128xf32, #tpu.memory_space<vmem>> -> memref<16x128xf32, #tpu.memory_space<vmem>>
      %dma_wait3A_2786 = arith.constant 0 : i32
      %dma_wait3A_2787 = tpu.memref_slice %arg4[%dma_wait3A_2786, %multiple_of3A_1130] : memref<16x1000000xf32, #tpu.memory_space<hbm>> -> memref<16x128xf32, #tpu.memory_space<hbm>>
      %dma_wait3A_2788 = arith.constant 0 : i32
      %dma_wait3A_2789 = arith.constant 0 : i32
      %dma_wait3A_2790 = tpu.memref_slice %arg7[%dma_wait3A_2781, %dma_wait3A_2788, %dma_wait3A_2789] : memref<32x16x128xf32, #tpu.memory_space<vmem>> -> memref<1x16x128xf32, #tpu.memory_space<vmem>>
      %dma_wait3A_2791 = tpu.memref_squeeze %dma_wait3A_2790 : memref<1x16x128xf32, #tpu.memory_space<vmem>> -> memref<16x128xf32, #tpu.memory_space<vmem>>
      %dma_wait3A_2792 = arith.constant 0 : i32
      %dma_wait3A_2793 = tpu.memref_slice %arg4[%dma_wait3A_2792, %multiple_of3A_1130] : memref<16x1000000xf32, #tpu.memory_space<hbm>> -> memref<16x128xf32, #tpu.memory_space<hbm>>
      tpu.wait_dma2 semaphore(%arg10 : memref<!tpu.dma_semaphore, #tpu.memory_space<semaphore_mem>>) src(%dma_wait3A_2793 : memref<16x128xf32, #tpu.memory_space<hbm>>) dst(%dma_wait3A_2791 : memref<16x128xf32, #tpu.memory_space<vmem>>)
      %slice3A_2794 = vector.extract_strided_slice %get3A_21 {offsets = [10], sizes = [1], strides = [1]} : vector<16xi32> to vector<1xi32>
      %squeeze3A_2795 = vector.extract %slice3A_2794[0] : i32 from vector<1xi32>
      %jit3A_2796 = arith.constant 128 : i32
      %div3A_2797 = arith.divsi %squeeze3A_2795, %jit3A_2796 : i32
      %sign3A_2798 = arith.constant 0 : i32
      %sign3A_2799 = arith.cmpi sgt, %squeeze3A_2795, %sign3A_2798 : i32
      %sign3A_2800 = arith.extui %sign3A_2799 : i1 to i32
      %sign3A_2801 = arith.constant 0 : i32
      %sign3A_2802 = arith.cmpi slt, %squeeze3A_2795, %sign3A_2801 : i32
      %sign3A_2803 = arith.extui %sign3A_2802 : i1 to i32
      %sign3A_2804 = arith.subi %sign3A_2800, %sign3A_2803 : i32
      %sign3A_2805 = arith.constant 0 : i32
      %sign3A_2806 = arith.cmpi sgt, %jit3A_2796, %sign3A_2805 : i32
      %sign3A_2807 = arith.extui %sign3A_2806 : i1 to i32
      %sign3A_2808 = arith.constant 0 : i32
      %sign3A_2809 = arith.cmpi slt, %jit3A_2796, %sign3A_2808 : i32
      %sign3A_2810 = arith.extui %sign3A_2809 : i1 to i32
      %sign3A_2811 = arith.subi %sign3A_2807, %sign3A_2810 : i32
      %ne3A_2812 = arith.cmpi ne, %sign3A_2804, %sign3A_2811 : i32
      %rem3A_2813 = arith.remsi %squeeze3A_2795, %jit3A_2796 : i32
      %ne3A_2814 = arith.constant 0 : i32
      %ne3A_2815 = arith.cmpi ne, %rem3A_2813, %ne3A_2814 : i32
      %and3A_2816 = arith.andi %ne3A_2812, %ne3A_2815 : i1
      %sub3A_2817 = arith.constant 1 : i32
      %sub3A_2818 = arith.subi %div3A_2797, %sub3A_2817 : i32
      %select_n3A_2819 = arith.select %and3A_2816, %sub3A_2818, %div3A_2797 : i32
      %mul3A_2820 = arith.constant 128 : i32
      %mul3A_2821 = arith.muli %select_n3A_2819, %mul3A_2820 : i32
      %sub3A_2822 = arith.subi %squeeze3A_2795, %mul3A_2821 : i32
      %broadcast_in_dim3A_2823 = vector.broadcast %sub3A_2822 : i32 to vector<16xi32>
      %gather3A_2824 = arith.constant 26 : i32
      %gather3A_2825 = arith.constant 0 : i32
      %gather3A_2826 = arith.constant 0 : i32
      %gather3A_2827 = tpu.memref_slice %arg7[%gather3A_2824, %gather3A_2825, %gather3A_2826] : memref<32x16x128xf32, #tpu.memory_space<vmem>> -> memref<1x16x128xf32, #tpu.memory_space<vmem>>
      %gather3A_2828 = tpu.memref_squeeze %gather3A_2827 : memref<1x16x128xf32, #tpu.memory_space<vmem>> -> memref<16x128xf32, #tpu.memory_space<vmem>>
      %gather3A_2829 = tpu.vector_load_idx %gather3A_2828[%iota3A, %broadcast_in_dim3A_2823] : memref<16x128xf32, #tpu.memory_space<vmem>>[vector<16xi32>, vector<16xi32>], vector<16xf32>,
      %mul3A_2830 = arith.constant 32 : i32
      %mul3A_2831 = arith.muli %scan3A_9, %mul3A_2830 : i32
      %add3A_2832 = arith.constant 26 : i32
      %add3A_2833 = arith.addi %mul3A_2831, %add3A_2832 : i32
      %broadcast_in_dim3A_2834 = vector.broadcast %add3A_2833 : i32 to vector<16xi32>
      %mul3A_2835 = arith.mulf %gather3A_2829, %get3A_3 : vector<16xf32>
      tpu.vector_store_idx %arg8[%iota3A, %broadcast_in_dim3A_2834], %mul3A_2835 : memref<16x512xf32, #tpu.memory_space<vmem>>[vector<16xi32>, vector<16xi32>], vector<16xf32>,
      %dma_wait3A_2836 = arith.constant 27 : i32
      %dma_wait3A_2837 = arith.constant 0 : i32
      %dma_wait3A_2838 = arith.constant 0 : i32
      %dma_wait3A_2839 = tpu.memref_slice %arg7[%dma_wait3A_2836, %dma_wait3A_2837, %dma_wait3A_2838] : memref<32x16x128xf32, #tpu.memory_space<vmem>> -> memref<1x16x128xf32, #tpu.memory_space<vmem>>
      %dma_wait3A_2840 = tpu.memref_squeeze %dma_wait3A_2839 : memref<1x16x128xf32, #tpu.memory_space<vmem>> -> memref<16x128xf32, #tpu.memory_space<vmem>>
      %dma_wait3A_2841 = arith.constant 0 : i32
      %dma_wait3A_2842 = tpu.memref_slice %arg4[%dma_wait3A_2841, %multiple_of3A_1172] : memref<16x1000000xf32, #tpu.memory_space<hbm>> -> memref<16x128xf32, #tpu.memory_space<hbm>>
      %dma_wait3A_2843 = arith.constant 0 : i32
      %dma_wait3A_2844 = arith.constant 0 : i32
      %dma_wait3A_2845 = tpu.memref_slice %arg7[%dma_wait3A_2836, %dma_wait3A_2843, %dma_wait3A_2844] : memref<32x16x128xf32, #tpu.memory_space<vmem>> -> memref<1x16x128xf32, #tpu.memory_space<vmem>>
      %dma_wait3A_2846 = tpu.memref_squeeze %dma_wait3A_2845 : memref<1x16x128xf32, #tpu.memory_space<vmem>> -> memref<16x128xf32, #tpu.memory_space<vmem>>
      %dma_wait3A_2847 = arith.constant 0 : i32
      %dma_wait3A_2848 = tpu.memref_slice %arg4[%dma_wait3A_2847, %multiple_of3A_1172] : memref<16x1000000xf32, #tpu.memory_space<hbm>> -> memref<16x128xf32, #tpu.memory_space<hbm>>
      tpu.wait_dma2 semaphore(%arg10 : memref<!tpu.dma_semaphore, #tpu.memory_space<semaphore_mem>>) src(%dma_wait3A_2848 : memref<16x128xf32, #tpu.memory_space<hbm>>) dst(%dma_wait3A_2846 : memref<16x128xf32, #tpu.memory_space<vmem>>)
      %slice3A_2849 = vector.extract_strided_slice %get3A_21 {offsets = [11], sizes = [1], strides = [1]} : vector<16xi32> to vector<1xi32>
      %squeeze3A_2850 = vector.extract %slice3A_2849[0] : i32 from vector<1xi32>
      %jit3A_2851 = arith.constant 128 : i32
      %div3A_2852 = arith.divsi %squeeze3A_2850, %jit3A_2851 : i32
      %sign3A_2853 = arith.constant 0 : i32
      %sign3A_2854 = arith.cmpi sgt, %squeeze3A_2850, %sign3A_2853 : i32
      %sign3A_2855 = arith.extui %sign3A_2854 : i1 to i32
      %sign3A_2856 = arith.constant 0 : i32
      %sign3A_2857 = arith.cmpi slt, %squeeze3A_2850, %sign3A_2856 : i32
      %sign3A_2858 = arith.extui %sign3A_2857 : i1 to i32
      %sign3A_2859 = arith.subi %sign3A_2855, %sign3A_2858 : i32
      %sign3A_2860 = arith.constant 0 : i32
      %sign3A_2861 = arith.cmpi sgt, %jit3A_2851, %sign3A_2860 : i32
      %sign3A_2862 = arith.extui %sign3A_2861 : i1 to i32
      %sign3A_2863 = arith.constant 0 : i32
      %sign3A_2864 = arith.cmpi slt, %jit3A_2851, %sign3A_2863 : i32
      %sign3A_2865 = arith.extui %sign3A_2864 : i1 to i32
      %sign3A_2866 = arith.subi %sign3A_2862, %sign3A_2865 : i32
      %ne3A_2867 = arith.cmpi ne, %sign3A_2859, %sign3A_2866 : i32
      %rem3A_2868 = arith.remsi %squeeze3A_2850, %jit3A_2851 : i32
      %ne3A_2869 = arith.constant 0 : i32
      %ne3A_2870 = arith.cmpi ne, %rem3A_2868, %ne3A_2869 : i32
      %and3A_2871 = arith.andi %ne3A_2867, %ne3A_2870 : i1
      %sub3A_2872 = arith.constant 1 : i32
      %sub3A_2873 = arith.subi %div3A_2852, %sub3A_2872 : i32
      %select_n3A_2874 = arith.select %and3A_2871, %sub3A_2873, %div3A_2852 : i32
      %mul3A_2875 = arith.constant 128 : i32
      %mul3A_2876 = arith.muli %select_n3A_2874, %mul3A_2875 : i32
      %sub3A_2877 = arith.subi %squeeze3A_2850, %mul3A_2876 : i32
      %broadcast_in_dim3A_2878 = vector.broadcast %sub3A_2877 : i32 to vector<16xi32>
      %gather3A_2879 = arith.constant 27 : i32
      %gather3A_2880 = arith.constant 0 : i32
      %gather3A_2881 = arith.constant 0 : i32
      %gather3A_2882 = tpu.memref_slice %arg7[%gather3A_2879, %gather3A_2880, %gather3A_2881] : memref<32x16x128xf32, #tpu.memory_space<vmem>> -> memref<1x16x128xf32, #tpu.memory_space<vmem>>
      %gather3A_2883 = tpu.memref_squeeze %gather3A_2882 : memref<1x16x128xf32, #tpu.memory_space<vmem>> -> memref<16x128xf32, #tpu.memory_space<vmem>>
      %gather3A_2884 = tpu.vector_load_idx %gather3A_2883[%iota3A, %broadcast_in_dim3A_2878] : memref<16x128xf32, #tpu.memory_space<vmem>>[vector<16xi32>, vector<16xi32>], vector<16xf32>,
      %mul3A_2885 = arith.constant 32 : i32
      %mul3A_2886 = arith.muli %scan3A_9, %mul3A_2885 : i32
      %add3A_2887 = arith.constant 27 : i32
      %add3A_2888 = arith.addi %mul3A_2886, %add3A_2887 : i32
      %broadcast_in_dim3A_2889 = vector.broadcast %add3A_2888 : i32 to vector<16xi32>
      %mul3A_2890 = arith.mulf %gather3A_2884, %get3A_3 : vector<16xf32>
      tpu.vector_store_idx %arg8[%iota3A, %broadcast_in_dim3A_2889], %mul3A_2890 : memref<16x512xf32, #tpu.memory_space<vmem>>[vector<16xi32>, vector<16xi32>], vector<16xf32>,
      %dma_wait3A_2891 = arith.constant 28 : i32
      %dma_wait3A_2892 = arith.constant 0 : i32
      %dma_wait3A_2893 = arith.constant 0 : i32
      %dma_wait3A_2894 = tpu.memref_slice %arg7[%dma_wait3A_2891, %dma_wait3A_2892, %dma_wait3A_2893] : memref<32x16x128xf32, #tpu.memory_space<vmem>> -> memref<1x16x128xf32, #tpu.memory_space<vmem>>
      %dma_wait3A_2895 = tpu.memref_squeeze %dma_wait3A_2894 : memref<1x16x128xf32, #tpu.memory_space<vmem>> -> memref<16x128xf32, #tpu.memory_space<vmem>>
      %dma_wait3A_2896 = arith.constant 0 : i32
      %dma_wait3A_2897 = tpu.memref_slice %arg4[%dma_wait3A_2896, %multiple_of3A_1214] : memref<16x1000000xf32, #tpu.memory_space<hbm>> -> memref<16x128xf32, #tpu.memory_space<hbm>>
      %dma_wait3A_2898 = arith.constant 0 : i32
      %dma_wait3A_2899 = arith.constant 0 : i32
      %dma_wait3A_2900 = tpu.memref_slice %arg7[%dma_wait3A_2891, %dma_wait3A_2898, %dma_wait3A_2899] : memref<32x16x128xf32, #tpu.memory_space<vmem>> -> memref<1x16x128xf32, #tpu.memory_space<vmem>>
      %dma_wait3A_2901 = tpu.memref_squeeze %dma_wait3A_2900 : memref<1x16x128xf32, #tpu.memory_space<vmem>> -> memref<16x128xf32, #tpu.memory_space<vmem>>
      %dma_wait3A_2902 = arith.constant 0 : i32
      %dma_wait3A_2903 = tpu.memref_slice %arg4[%dma_wait3A_2902, %multiple_of3A_1214] : memref<16x1000000xf32, #tpu.memory_space<hbm>> -> memref<16x128xf32, #tpu.memory_space<hbm>>
      tpu.wait_dma2 semaphore(%arg10 : memref<!tpu.dma_semaphore, #tpu.memory_space<semaphore_mem>>) src(%dma_wait3A_2903 : memref<16x128xf32, #tpu.memory_space<hbm>>) dst(%dma_wait3A_2901 : memref<16x128xf32, #tpu.memory_space<vmem>>)
      %slice3A_2904 = vector.extract_strided_slice %get3A_21 {offsets = [12], sizes = [1], strides = [1]} : vector<16xi32> to vector<1xi32>
      %squeeze3A_2905 = vector.extract %slice3A_2904[0] : i32 from vector<1xi32>
      %jit3A_2906 = arith.constant 128 : i32
      %div3A_2907 = arith.divsi %squeeze3A_2905, %jit3A_2906 : i32
      %sign3A_2908 = arith.constant 0 : i32
      %sign3A_2909 = arith.cmpi sgt, %squeeze3A_2905, %sign3A_2908 : i32
      %sign3A_2910 = arith.extui %sign3A_2909 : i1 to i32
      %sign3A_2911 = arith.constant 0 : i32
      %sign3A_2912 = arith.cmpi slt, %squeeze3A_2905, %sign3A_2911 : i32
      %sign3A_2913 = arith.extui %sign3A_2912 : i1 to i32
      %sign3A_2914 = arith.subi %sign3A_2910, %sign3A_2913 : i32
      %sign3A_2915 = arith.constant 0 : i32
      %sign3A_2916 = arith.cmpi sgt, %jit3A_2906, %sign3A_2915 : i32
      %sign3A_2917 = arith.extui %sign3A_2916 : i1 to i32
      %sign3A_2918 = arith.constant 0 : i32
      %sign3A_2919 = arith.cmpi slt, %jit3A_2906, %sign3A_2918 : i32
      %sign3A_2920 = arith.extui %sign3A_2919 : i1 to i32
      %sign3A_2921 = arith.subi %sign3A_2917, %sign3A_2920 : i32
      %ne3A_2922 = arith.cmpi ne, %sign3A_2914, %sign3A_2921 : i32
      %rem3A_2923 = arith.remsi %squeeze3A_2905, %jit3A_2906 : i32
      %ne3A_2924 = arith.constant 0 : i32
      %ne3A_2925 = arith.cmpi ne, %rem3A_2923, %ne3A_2924 : i32
      %and3A_2926 = arith.andi %ne3A_2922, %ne3A_2925 : i1
      %sub3A_2927 = arith.constant 1 : i32
      %sub3A_2928 = arith.subi %div3A_2907, %sub3A_2927 : i32
      %select_n3A_2929 = arith.select %and3A_2926, %sub3A_2928, %div3A_2907 : i32
      %mul3A_2930 = arith.constant 128 : i32
      %mul3A_2931 = arith.muli %select_n3A_2929, %mul3A_2930 : i32
      %sub3A_2932 = arith.subi %squeeze3A_2905, %mul3A_2931 : i32
      %broadcast_in_dim3A_2933 = vector.broadcast %sub3A_2932 : i32 to vector<16xi32>
      %gather3A_2934 = arith.constant 28 : i32
      %gather3A_2935 = arith.constant 0 : i32
      %gather3A_2936 = arith.constant 0 : i32
      %gather3A_2937 = tpu.memref_slice %arg7[%gather3A_2934, %gather3A_2935, %gather3A_2936] : memref<32x16x128xf32, #tpu.memory_space<vmem>> -> memref<1x16x128xf32, #tpu.memory_space<vmem>>
      %gather3A_2938 = tpu.memref_squeeze %gather3A_2937 : memref<1x16x128xf32, #tpu.memory_space<vmem>> -> memref<16x128xf32, #tpu.memory_space<vmem>>
      %gather3A_2939 = tpu.vector_load_idx %gather3A_2938[%iota3A, %broadcast_in_dim3A_2933] : memref<16x128xf32, #tpu.memory_space<vmem>>[vector<16xi32>, vector<16xi32>], vector<16xf32>,
      %mul3A_2940 = arith.constant 32 : i32
      %mul3A_2941 = arith.muli %scan3A_9, %mul3A_2940 : i32
      %add3A_2942 = arith.constant 28 : i32
      %add3A_2943 = arith.addi %mul3A_2941, %add3A_2942 : i32
      %broadcast_in_dim3A_2944 = vector.broadcast %add3A_2943 : i32 to vector<16xi32>
      %mul3A_2945 = arith.mulf %gather3A_2939, %get3A_3 : vector<16xf32>
      tpu.vector_store_idx %arg8[%iota3A, %broadcast_in_dim3A_2944], %mul3A_2945 : memref<16x512xf32, #tpu.memory_space<vmem>>[vector<16xi32>, vector<16xi32>], vector<16xf32>,
      %dma_wait3A_2946 = arith.constant 29 : i32
      %dma_wait3A_2947 = arith.constant 0 : i32
      %dma_wait3A_2948 = arith.constant 0 : i32
      %dma_wait3A_2949 = tpu.memref_slice %arg7[%dma_wait3A_2946, %dma_wait3A_2947, %dma_wait3A_2948] : memref<32x16x128xf32, #tpu.memory_space<vmem>> -> memref<1x16x128xf32, #tpu.memory_space<vmem>>
      %dma_wait3A_2950 = tpu.memref_squeeze %dma_wait3A_2949 : memref<1x16x128xf32, #tpu.memory_space<vmem>> -> memref<16x128xf32, #tpu.memory_space<vmem>>
      %dma_wait3A_2951 = arith.constant 0 : i32
      %dma_wait3A_2952 = tpu.memref_slice %arg4[%dma_wait3A_2951, %multiple_of3A_1256] : memref<16x1000000xf32, #tpu.memory_space<hbm>> -> memref<16x128xf32, #tpu.memory_space<hbm>>
      %dma_wait3A_2953 = arith.constant 0 : i32
      %dma_wait3A_2954 = arith.constant 0 : i32
      %dma_wait3A_2955 = tpu.memref_slice %arg7[%dma_wait3A_2946, %dma_wait3A_2953, %dma_wait3A_2954] : memref<32x16x128xf32, #tpu.memory_space<vmem>> -> memref<1x16x128xf32, #tpu.memory_space<vmem>>
      %dma_wait3A_2956 = tpu.memref_squeeze %dma_wait3A_2955 : memref<1x16x128xf32, #tpu.memory_space<vmem>> -> memref<16x128xf32, #tpu.memory_space<vmem>>
      %dma_wait3A_2957 = arith.constant 0 : i32
      %dma_wait3A_2958 = tpu.memref_slice %arg4[%dma_wait3A_2957, %multiple_of3A_1256] : memref<16x1000000xf32, #tpu.memory_space<hbm>> -> memref<16x128xf32, #tpu.memory_space<hbm>>
      tpu.wait_dma2 semaphore(%arg10 : memref<!tpu.dma_semaphore, #tpu.memory_space<semaphore_mem>>) src(%dma_wait3A_2958 : memref<16x128xf32, #tpu.memory_space<hbm>>) dst(%dma_wait3A_2956 : memref<16x128xf32, #tpu.memory_space<vmem>>)
      %slice3A_2959 = vector.extract_strided_slice %get3A_21 {offsets = [13], sizes = [1], strides = [1]} : vector<16xi32> to vector<1xi32>
      %squeeze3A_2960 = vector.extract %slice3A_2959[0] : i32 from vector<1xi32>
      %jit3A_2961 = arith.constant 128 : i32
      %div3A_2962 = arith.divsi %squeeze3A_2960, %jit3A_2961 : i32
      %sign3A_2963 = arith.constant 0 : i32
      %sign3A_2964 = arith.cmpi sgt, %squeeze3A_2960, %sign3A_2963 : i32
      %sign3A_2965 = arith.extui %sign3A_2964 : i1 to i32
      %sign3A_2966 = arith.constant 0 : i32
      %sign3A_2967 = arith.cmpi slt, %squeeze3A_2960, %sign3A_2966 : i32
      %sign3A_2968 = arith.extui %sign3A_2967 : i1 to i32
      %sign3A_2969 = arith.subi %sign3A_2965, %sign3A_2968 : i32
      %sign3A_2970 = arith.constant 0 : i32
      %sign3A_2971 = arith.cmpi sgt, %jit3A_2961, %sign3A_2970 : i32
      %sign3A_2972 = arith.extui %sign3A_2971 : i1 to i32
      %sign3A_2973 = arith.constant 0 : i32
      %sign3A_2974 = arith.cmpi slt, %jit3A_2961, %sign3A_2973 : i32
      %sign3A_2975 = arith.extui %sign3A_2974 : i1 to i32
      %sign3A_2976 = arith.subi %sign3A_2972, %sign3A_2975 : i32
      %ne3A_2977 = arith.cmpi ne, %sign3A_2969, %sign3A_2976 : i32
      %rem3A_2978 = arith.remsi %squeeze3A_2960, %jit3A_2961 : i32
      %ne3A_2979 = arith.constant 0 : i32
      %ne3A_2980 = arith.cmpi ne, %rem3A_2978, %ne3A_2979 : i32
      %and3A_2981 = arith.andi %ne3A_2977, %ne3A_2980 : i1
      %sub3A_2982 = arith.constant 1 : i32
      %sub3A_2983 = arith.subi %div3A_2962, %sub3A_2982 : i32
      %select_n3A_2984 = arith.select %and3A_2981, %sub3A_2983, %div3A_2962 : i32
      %mul3A_2985 = arith.constant 128 : i32
      %mul3A_2986 = arith.muli %select_n3A_2984, %mul3A_2985 : i32
      %sub3A_2987 = arith.subi %squeeze3A_2960, %mul3A_2986 : i32
      %broadcast_in_dim3A_2988 = vector.broadcast %sub3A_2987 : i32 to vector<16xi32>
      %gather3A_2989 = arith.constant 29 : i32
      %gather3A_2990 = arith.constant 0 : i32
      %gather3A_2991 = arith.constant 0 : i32
      %gather3A_2992 = tpu.memref_slice %arg7[%gather3A_2989, %gather3A_2990, %gather3A_2991] : memref<32x16x128xf32, #tpu.memory_space<vmem>> -> memref<1x16x128xf32, #tpu.memory_space<vmem>>
      %gather3A_2993 = tpu.memref_squeeze %gather3A_2992 : memref<1x16x128xf32, #tpu.memory_space<vmem>> -> memref<16x128xf32, #tpu.memory_space<vmem>>
      %gather3A_2994 = tpu.vector_load_idx %gather3A_2993[%iota3A, %broadcast_in_dim3A_2988] : memref<16x128xf32, #tpu.memory_space<vmem>>[vector<16xi32>, vector<16xi32>], vector<16xf32>,
      %mul3A_2995 = arith.constant 32 : i32
      %mul3A_2996 = arith.muli %scan3A_9, %mul3A_2995 : i32
      %add3A_2997 = arith.constant 29 : i32
      %add3A_2998 = arith.addi %mul3A_2996, %add3A_2997 : i32
      %broadcast_in_dim3A_2999 = vector.broadcast %add3A_2998 : i32 to vector<16xi32>
      %mul3A_3000 = arith.mulf %gather3A_2994, %get3A_3 : vector<16xf32>
      tpu.vector_store_idx %arg8[%iota3A, %broadcast_in_dim3A_2999], %mul3A_3000 : memref<16x512xf32, #tpu.memory_space<vmem>>[vector<16xi32>, vector<16xi32>], vector<16xf32>,
      %dma_wait3A_3001 = arith.constant 30 : i32
      %dma_wait3A_3002 = arith.constant 0 : i32
      %dma_wait3A_3003 = arith.constant 0 : i32
      %dma_wait3A_3004 = tpu.memref_slice %arg7[%dma_wait3A_3001, %dma_wait3A_3002, %dma_wait3A_3003] : memref<32x16x128xf32, #tpu.memory_space<vmem>> -> memref<1x16x128xf32, #tpu.memory_space<vmem>>
      %dma_wait3A_3005 = tpu.memref_squeeze %dma_wait3A_3004 : memref<1x16x128xf32, #tpu.memory_space<vmem>> -> memref<16x128xf32, #tpu.memory_space<vmem>>
      %dma_wait3A_3006 = arith.constant 0 : i32
      %dma_wait3A_3007 = tpu.memref_slice %arg4[%dma_wait3A_3006, %multiple_of3A_1298] : memref<16x1000000xf32, #tpu.memory_space<hbm>> -> memref<16x128xf32, #tpu.memory_space<hbm>>
      %dma_wait3A_3008 = arith.constant 0 : i32
      %dma_wait3A_3009 = arith.constant 0 : i32
      %dma_wait3A_3010 = tpu.memref_slice %arg7[%dma_wait3A_3001, %dma_wait3A_3008, %dma_wait3A_3009] : memref<32x16x128xf32, #tpu.memory_space<vmem>> -> memref<1x16x128xf32, #tpu.memory_space<vmem>>
      %dma_wait3A_3011 = tpu.memref_squeeze %dma_wait3A_3010 : memref<1x16x128xf32, #tpu.memory_space<vmem>> -> memref<16x128xf32, #tpu.memory_space<vmem>>
      %dma_wait3A_3012 = arith.constant 0 : i32
      %dma_wait3A_3013 = tpu.memref_slice %arg4[%dma_wait3A_3012, %multiple_of3A_1298] : memref<16x1000000xf32, #tpu.memory_space<hbm>> -> memref<16x128xf32, #tpu.memory_space<hbm>>
      tpu.wait_dma2 semaphore(%arg10 : memref<!tpu.dma_semaphore, #tpu.memory_space<semaphore_mem>>) src(%dma_wait3A_3013 : memref<16x128xf32, #tpu.memory_space<hbm>>) dst(%dma_wait3A_3011 : memref<16x128xf32, #tpu.memory_space<vmem>>)
      %slice3A_3014 = vector.extract_strided_slice %get3A_21 {offsets = [14], sizes = [1], strides = [1]} : vector<16xi32> to vector<1xi32>
      %squeeze3A_3015 = vector.extract %slice3A_3014[0] : i32 from vector<1xi32>
      %jit3A_3016 = arith.constant 128 : i32
      %div3A_3017 = arith.divsi %squeeze3A_3015, %jit3A_3016 : i32
      %sign3A_3018 = arith.constant 0 : i32
      %sign3A_3019 = arith.cmpi sgt, %squeeze3A_3015, %sign3A_3018 : i32
      %sign3A_3020 = arith.extui %sign3A_3019 : i1 to i32
      %sign3A_3021 = arith.constant 0 : i32
      %sign3A_3022 = arith.cmpi slt, %squeeze3A_3015, %sign3A_3021 : i32
      %sign3A_3023 = arith.extui %sign3A_3022 : i1 to i32
      %sign3A_3024 = arith.subi %sign3A_3020, %sign3A_3023 : i32
      %sign3A_3025 = arith.constant 0 : i32
      %sign3A_3026 = arith.cmpi sgt, %jit3A_3016, %sign3A_3025 : i32
      %sign3A_3027 = arith.extui %sign3A_3026 : i1 to i32
      %sign3A_3028 = arith.constant 0 : i32
      %sign3A_3029 = arith.cmpi slt, %jit3A_3016, %sign3A_3028 : i32
      %sign3A_3030 = arith.extui %sign3A_3029 : i1 to i32
      %sign3A_3031 = arith.subi %sign3A_3027, %sign3A_3030 : i32
      %ne3A_3032 = arith.cmpi ne, %sign3A_3024, %sign3A_3031 : i32
      %rem3A_3033 = arith.remsi %squeeze3A_3015, %jit3A_3016 : i32
      %ne3A_3034 = arith.constant 0 : i32
      %ne3A_3035 = arith.cmpi ne, %rem3A_3033, %ne3A_3034 : i32
      %and3A_3036 = arith.andi %ne3A_3032, %ne3A_3035 : i1
      %sub3A_3037 = arith.constant 1 : i32
      %sub3A_3038 = arith.subi %div3A_3017, %sub3A_3037 : i32
      %select_n3A_3039 = arith.select %and3A_3036, %sub3A_3038, %div3A_3017 : i32
      %mul3A_3040 = arith.constant 128 : i32
      %mul3A_3041 = arith.muli %select_n3A_3039, %mul3A_3040 : i32
      %sub3A_3042 = arith.subi %squeeze3A_3015, %mul3A_3041 : i32
      %broadcast_in_dim3A_3043 = vector.broadcast %sub3A_3042 : i32 to vector<16xi32>
      %gather3A_3044 = arith.constant 30 : i32
      %gather3A_3045 = arith.constant 0 : i32
      %gather3A_3046 = arith.constant 0 : i32
      %gather3A_3047 = tpu.memref_slice %arg7[%gather3A_3044, %gather3A_3045, %gather3A_3046] : memref<32x16x128xf32, #tpu.memory_space<vmem>> -> memref<1x16x128xf32, #tpu.memory_space<vmem>>
      %gather3A_3048 = tpu.memref_squeeze %gather3A_3047 : memref<1x16x128xf32, #tpu.memory_space<vmem>> -> memref<16x128xf32, #tpu.memory_space<vmem>>
      %gather3A_3049 = tpu.vector_load_idx %gather3A_3048[%iota3A, %broadcast_in_dim3A_3043] : memref<16x128xf32, #tpu.memory_space<vmem>>[vector<16xi32>, vector<16xi32>], vector<16xf32>,
      %mul3A_3050 = arith.constant 32 : i32
      %mul3A_3051 = arith.muli %scan3A_9, %mul3A_3050 : i32
      %add3A_3052 = arith.constant 30 : i32
      %add3A_3053 = arith.addi %mul3A_3051, %add3A_3052 : i32
      %broadcast_in_dim3A_3054 = vector.broadcast %add3A_3053 : i32 to vector<16xi32>
      %mul3A_3055 = arith.mulf %gather3A_3049, %get3A_3 : vector<16xf32>
      tpu.vector_store_idx %arg8[%iota3A, %broadcast_in_dim3A_3054], %mul3A_3055 : memref<16x512xf32, #tpu.memory_space<vmem>>[vector<16xi32>, vector<16xi32>], vector<16xf32>,
      %dma_wait3A_3056 = arith.constant 31 : i32
      %dma_wait3A_3057 = arith.constant 0 : i32
      %dma_wait3A_3058 = arith.constant 0 : i32
      %dma_wait3A_3059 = tpu.memref_slice %arg7[%dma_wait3A_3056, %dma_wait3A_3057, %dma_wait3A_3058] : memref<32x16x128xf32, #tpu.memory_space<vmem>> -> memref<1x16x128xf32, #tpu.memory_space<vmem>>
      %dma_wait3A_3060 = tpu.memref_squeeze %dma_wait3A_3059 : memref<1x16x128xf32, #tpu.memory_space<vmem>> -> memref<16x128xf32, #tpu.memory_space<vmem>>
      %dma_wait3A_3061 = arith.constant 0 : i32
      %dma_wait3A_3062 = tpu.memref_slice %arg4[%dma_wait3A_3061, %multiple_of3A_1340] : memref<16x1000000xf32, #tpu.memory_space<hbm>> -> memref<16x128xf32, #tpu.memory_space<hbm>>
      %dma_wait3A_3063 = arith.constant 0 : i32
      %dma_wait3A_3064 = arith.constant 0 : i32
      %dma_wait3A_3065 = tpu.memref_slice %arg7[%dma_wait3A_3056, %dma_wait3A_3063, %dma_wait3A_3064] : memref<32x16x128xf32, #tpu.memory_space<vmem>> -> memref<1x16x128xf32, #tpu.memory_space<vmem>>
      %dma_wait3A_3066 = tpu.memref_squeeze %dma_wait3A_3065 : memref<1x16x128xf32, #tpu.memory_space<vmem>> -> memref<16x128xf32, #tpu.memory_space<vmem>>
      %dma_wait3A_3067 = arith.constant 0 : i32
      %dma_wait3A_3068 = tpu.memref_slice %arg4[%dma_wait3A_3067, %multiple_of3A_1340] : memref<16x1000000xf32, #tpu.memory_space<hbm>> -> memref<16x128xf32, #tpu.memory_space<hbm>>
      tpu.wait_dma2 semaphore(%arg10 : memref<!tpu.dma_semaphore, #tpu.memory_space<semaphore_mem>>) src(%dma_wait3A_3068 : memref<16x128xf32, #tpu.memory_space<hbm>>) dst(%dma_wait3A_3066 : memref<16x128xf32, #tpu.memory_space<vmem>>)
      %slice3A_3069 = vector.extract_strided_slice %get3A_21 {offsets = [15], sizes = [1], strides = [1]} : vector<16xi32> to vector<1xi32>
      %squeeze3A_3070 = vector.extract %slice3A_3069[0] : i32 from vector<1xi32>
      %jit3A_3071 = arith.constant 128 : i32
      %div3A_3072 = arith.divsi %squeeze3A_3070, %jit3A_3071 : i32
      %sign3A_3073 = arith.constant 0 : i32
      %sign3A_3074 = arith.cmpi sgt, %squeeze3A_3070, %sign3A_3073 : i32
      %sign3A_3075 = arith.extui %sign3A_3074 : i1 to i32
      %sign3A_3076 = arith.constant 0 : i32
      %sign3A_3077 = arith.cmpi slt, %squeeze3A_3070, %sign3A_3076 : i32
      %sign3A_3078 = arith.extui %sign3A_3077 : i1 to i32
      %sign3A_3079 = arith.subi %sign3A_3075, %sign3A_3078 : i32
      %sign3A_3080 = arith.constant 0 : i32
      %sign3A_3081 = arith.cmpi sgt, %jit3A_3071, %sign3A_3080 : i32
      %sign3A_3082 = arith.extui %sign3A_3081 : i1 to i32
      %sign3A_3083 = arith.constant 0 : i32
      %sign3A_3084 = arith.cmpi slt, %jit3A_3071, %sign3A_3083 : i32
      %sign3A_3085 = arith.extui %sign3A_3084 : i1 to i32
      %sign3A_3086 = arith.subi %sign3A_3082, %sign3A_3085 : i32
      %ne3A_3087 = arith.cmpi ne, %sign3A_3079, %sign3A_3086 : i32
      %rem3A_3088 = arith.remsi %squeeze3A_3070, %jit3A_3071 : i32
      %ne3A_3089 = arith.constant 0 : i32
      %ne3A_3090 = arith.cmpi ne, %rem3A_3088, %ne3A_3089 : i32
      %and3A_3091 = arith.andi %ne3A_3087, %ne3A_3090 : i1
      %sub3A_3092 = arith.constant 1 : i32
      %sub3A_3093 = arith.subi %div3A_3072, %sub3A_3092 : i32
      %select_n3A_3094 = arith.select %and3A_3091, %sub3A_3093, %div3A_3072 : i32
      %mul3A_3095 = arith.constant 128 : i32
      %mul3A_3096 = arith.muli %select_n3A_3094, %mul3A_3095 : i32
      %sub3A_3097 = arith.subi %squeeze3A_3070, %mul3A_3096 : i32
      %broadcast_in_dim3A_3098 = vector.broadcast %sub3A_3097 : i32 to vector<16xi32>
      %gather3A_3099 = arith.constant 31 : i32
      %gather3A_3100 = arith.constant 0 : i32
      %gather3A_3101 = arith.constant 0 : i32
      %gather3A_3102 = tpu.memref_slice %arg7[%gather3A_3099, %gather3A_3100, %gather3A_3101] : memref<32x16x128xf32, #tpu.memory_space<vmem>> -> memref<1x16x128xf32, #tpu.memory_space<vmem>>
      %gather3A_3103 = tpu.memref_squeeze %gather3A_3102 : memref<1x16x128xf32, #tpu.memory_space<vmem>> -> memref<16x128xf32, #tpu.memory_space<vmem>>
      %gather3A_3104 = tpu.vector_load_idx %gather3A_3103[%iota3A, %broadcast_in_dim3A_3098] : memref<16x128xf32, #tpu.memory_space<vmem>>[vector<16xi32>, vector<16xi32>], vector<16xf32>,
      %mul3A_3105 = arith.constant 32 : i32
      %mul3A_3106 = arith.muli %scan3A_9, %mul3A_3105 : i32
      %add3A_3107 = arith.constant 31 : i32
      %add3A_3108 = arith.addi %mul3A_3106, %add3A_3107 : i32
      %broadcast_in_dim3A_3109 = vector.broadcast %add3A_3108 : i32 to vector<16xi32>
      %mul3A_3110 = arith.mulf %gather3A_3104, %get3A_3 : vector<16xf32>
      tpu.vector_store_idx %arg8[%iota3A, %broadcast_in_dim3A_3109], %mul3A_3110 : memref<16x512xf32, #tpu.memory_space<vmem>>[vector<16xi32>, vector<16xi32>], vector<16xf32>,
    }
    %scan3A_8 = arith.constant 16 : i32
    "tpu.region"() ({
      %run_scoped3A = tpu.sem_alloc : memref<!tpu.dma_semaphore, #tpu.memory_space<semaphore_mem>>
      %dma_start3A = arith.constant 0 : i32
      %dma_start3A_9 = tpu.memref_slice %arg5[%dma_start3A, %mul3A_2] : memref<16x16384xf32, #tpu.memory_space<hbm>> -> memref<16x512xf32, #tpu.memory_space<hbm>>
      %dma_start3A_10 = arith.constant 0 : i32
      %dma_start3A_11 = tpu.memref_slice %arg5[%dma_start3A_10, %mul3A_2] : memref<16x16384xf32, #tpu.memory_space<hbm>> -> memref<16x512xf32, #tpu.memory_space<hbm>>
      tpu.enqueue_dma source(%arg8 : memref<16x512xf32, #tpu.memory_space<vmem>>) target(%dma_start3A_11 : memref<16x512xf32, #tpu.memory_space<hbm>>) target_semaphore(%run_scoped3A : memref<!tpu.dma_semaphore, #tpu.memory_space<semaphore_mem>>)
      %dma_wait3A = arith.constant 0 : i32
      %dma_wait3A_12 = tpu.memref_slice %arg5[%dma_wait3A, %mul3A_2] : memref<16x16384xf32, #tpu.memory_space<hbm>> -> memref<16x512xf32, #tpu.memory_space<hbm>>
      %dma_wait3A_13 = arith.constant 0 : i32
      %dma_wait3A_14 = tpu.memref_slice %arg5[%dma_wait3A_13, %mul3A_2] : memref<16x16384xf32, #tpu.memory_space<hbm>> -> memref<16x512xf32, #tpu.memory_space<hbm>>
      tpu.wait_dma2 semaphore(%run_scoped3A : memref<!tpu.dma_semaphore, #tpu.memory_space<semaphore_mem>>) src(%arg8 : memref<16x512xf32, #tpu.memory_space<vmem>>) dst(%dma_wait3A_14 : memref<16x512xf32, #tpu.memory_space<hbm>>)
      tpu.yield
    }) : () -> ()
    return
  }
}

module attributes {stable_mosaic.version = 14 : i64} {
  func.func @_overall_body(%arg0: i32, %arg1: memref<16x1xf32, #tpu.memory_space<vmem>>, %arg2: memref<1x131072xf32, #tpu.memory_space<vmem>>, %arg3: memref<16x131072xf32, #tpu.memory_space<vmem>>) attributes {dimension_semantics = [#tpu.dimension_semantics<arbitrary>], iteration_bounds = array<i64: 8>, scalar_prefetch = 0 : i64, scratch_operands = 0 : i64, tpu.core_type = #tpu.core_type<tc>, window_params = [{pipeline_mode = #tpu.pipeline_mode<synchronous>, transform_indices = @transform_0, window_bounds = array<i64: 16, 1>}, {transform_indices = @transform_1, window_bounds = array<i64: 1, 131072>}, {transform_indices = @transform_2, window_bounds = array<i64: 16, 131072>}]} {
    %get3A = arith.constant 0 : index
    %get3A_0 = arith.constant 0 : index
    %get3A_1 = vector.load %arg1[%get3A, %get3A_0] : memref<16x1xf32, #tpu.memory_space<vmem>>, vector<16x1xf32>
    %get3A_2 = arith.constant 0 : index
    %get3A_3 = arith.constant 0 : index
    %get3A_4 = vector.load %arg2[%get3A_2, %get3A_3] : memref<1x131072xf32, #tpu.memory_space<vmem>>, vector<1x131072xf32>
    %mul3A = vector.broadcast %get3A_1 : vector<16x1xf32> to vector<16x131072xf32>
    %mul3A_5 = vector.broadcast %get3A_4 : vector<1x131072xf32> to vector<16x131072xf32>
    %mul3A_6 = arith.mulf %mul3A, %mul3A_5 : vector<16x131072xf32>
    %swap3A = arith.constant 0 : index
    %swap3A_7 = arith.constant 0 : index
    %swap3A_8 = vector.load %arg3[%swap3A, %swap3A_7] : memref<16x131072xf32, #tpu.memory_space<vmem>>, vector<16x131072xf32>
    tpu.vector_store %arg3[%swap3A, %swap3A_7], %mul3A_6 {strides = array<i32>} : memref<16x131072xf32, #tpu.memory_space<vmem>>, vector<16x131072xf32>,
    return
  }
  func.func @transform_0(%arg0: i32) -> (i32, i32) {
    %c0_i32 = arith.constant 0 : i32
    %c0_i32_0 = arith.constant 0 : i32
    %c0_i32_1 = arith.constant 0 : i32
    return %c0_i32, %c0_i32_0 : i32, i32
  }
  func.func @transform_1(%arg0: i32) -> (i32, i32) {
    %c0_i32 = arith.constant 0 : i32
    %c0_i32_0 = arith.constant 0 : i32
    return %c0_i32, %arg0 : i32, i32
  }
  func.func @transform_2(%arg0: i32) -> (i32, i32) {
    %c0_i32 = arith.constant 0 : i32
    %c0_i32_0 = arith.constant 0 : i32
    return %c0_i32, %arg0 : i32, i32
  }
}

</mosaic_0001>

<sc_bundles>
// kernel: kernel.4.cloned.1.call-start
scs
__scs_entry_jumppad:
0x0: {  	(pc) =	sbr.rel $0x88, $3  }
0x1: {  	(tag) =	ssettag $0x0;
	lr =	simm.s32 $0x1  }
0x2: {  	[smem:$0x3F9D] =	sst lr;
	_ =	strace $0xD0000000  }
0x3: {  	_ = 	snop  }
0x4: {  	_ = 	snop  }
0x5: {  	_ = 	snop  }
0x6: {  	_ = 	snop  }
0x7: {  	_ = 	snop  }
__scs_overlays_trampoline_lowered:
0x8: {  	[smem:$0x3FAC] =	sst s0  }
0x9: {  	[smem:$0x3FAD] =	sst s1  }
0xa: {  	[smem:$0x3FAE] =	sst s2  }
0xb: {  	[smem:$0x3FAF] =	sst s3  }
0xc: {  	[smem:$0x3FB0] =	sst s4  }
0xd: {  	[smem:$0x3FB1] =	sst s5  }
0xe: {  	[smem:$0x3FB2] =	sst s6  }
0xf: {  	[smem:$0x3FB3] =	sst s7  }
0x10: {  	[smem:$0x3FB4] =	sst s8  }
0x11: {  	[smem:$0x3FB5] =	sst s9;
	s0 =	simm.s32 @!p0 $0x0  }
0x12: {  	s1 =	sld [smem:$0x3F9B];
	s0 =	simm.s32 @p0 $0x1  }
0x13: {  	[smem:$0x3FB6] =	sst s0;
	s0 =	simm.s32 @!p1 $0x0  }
0x14: {  	s2 =	sld [smem:$0x3F9A];
	s0 =	simm.s32 @p1 $0x1  }
0x15: {  	[smem:$0x3FB7] =	sst s0;
	s0 =	simm.s32 @!p2 $0x0  }
0x16: {  	s3 =	sld [smem:$0x3FDB];
	s0 =	simm.s32 @p2 $0x1  }
0x17: {  	s4 =	simm.s32 $0x1BF5;
	[smem:$0x3FB9] =	sst s0  }
0x18: {  	s0 =	sld [smem:$0x3F9C];
	_ =	swait.ge [sflag:s4], $0x0  }
0x19: {  	s7 =	sld [smem:$0x3F9D]  }
0x1a: {  	s8 =	sadd.s32 $0xFFFFE003, lr  }
0x1b: {  	s9 =	sadd.s32 $0xFFFFFEF7, lr;
	s5 =	simm.s32 $0xFFFFFFFF;
	p2 =	slt.u32 s8, $0xFFFFF086  }
0x1c: {  	p1 =	slt.u32 s9, $0xF7A;
	s5 =	simm.s32 @!p2 $0x0  }
0x1d: {  	s5 =	simm.s32 @p1 $0x1;
	p0 =	seq.s32 s7, s2  }
0x1e: {  	s7 =	smul.u32 @!p0 $0xF7A, s2;
	p2 =	seq.s32 @!p0 s5, $0x0  }
0x1f: {  	s9 =	smul.u32 $0xF7A, s1;
	s8 =	simm.s32 @!p0 $0x1BF5;
	p2 =	por !p2, p0  }
0x20: {  	[sflag:s8] =	ssyncset.s32 @!p0 $0xFFFFF086;
	s6 =	sadd.s32 @!p0 s3, s7;
	s7 =	simm.s32 @!p0 $0x108  }
0x21: {  	s3 =	sadd.s32 s3, s9;
	s6 =	sadd.s32 @!p0 $0x88, s6;
	s7 =	simm.s32 @p2 $0x1082  }
0x22: {  	[simem:s7], [sflag:s8] =	dma.local @!p0 [hbm:s6], $0xF7A  }
0x23: {  	s9 =	sor.u32 $0xD0000000, s2;
	s6 =	simm.s32 $0x108;
	_ =	swait.ge @!p0 [sflag:s8], $0x0  }
0x24: {  	s3 =	sadd.s32 $0x88, s3;
	s6 =	simm.s32 @!p1 $0x1082;
	[sflag:s4] =	ssyncset.s32 $0xFFFFF086  }
0x25: {  	[simem:s6], [sflag:s4] =	dma.local [hbm:s3], $0xF7A  }
0x26: {  	[smem:$0x3F9D] =	sst s1;
	(tag) =	ssettag s2;
	_ =	strace s9  }
0x27: {  	s1 =	sld [smem:$0x3FAD]  }
0x28: {  	s2 =	sld [smem:$0x3FAE]  }
0x29: {  	s4 =	sld [smem:$0x3FB0]  }
0x2a: {  	p0 =	seq.s32 s5, $0x0;
	s5 =	sld [smem:$0x3FB1]  }
0x2b: {  	s6 =	sld [smem:$0x3FB2]  }
0x2c: {  	s7 =	sld [smem:$0x3FB3]  }
0x2d: {  	s3 =	simm.s32 $0x108;
	s8 =	sld [smem:$0x3FB4]  }
0x2e: {  	s3 =	simm.s32 @!p0 $0x1082;
	s9 =	sld [smem:$0x3FB5]  }
0x2f: {  	lr =	sadd.s32 s0, s3;
	s0 =	sld [smem:$0x3FAC]  }
0x30: {  	s3 =	sld [smem:$0x3FAF]  }
0x31: {  	[smem:$0x3FB8] =	sst s10  }
0x32: {  	s10 =	sld [smem:$0x3FB6];
	_ =	sdelay $0x3  }
0x33: {  	p0 =	seq.s32 s10, $0x1;
	s10 =	sld [smem:$0x3FB8];
	_ =	sdelay $0x3  }
0x34: {  	[smem:$0x3FB8] =	sst s10  }
0x35: {  	s10 =	sld [smem:$0x3FB7];
	_ =	sdelay $0x3  }
0x36: {  	p1 =	seq.s32 s10, $0x1;
	s10 =	sld [smem:$0x3FB8];
	_ =	sdelay $0x3  }
0x37: {  	[smem:$0x3FB8] =	sst s10  }
0x38: {  	s10 =	sld [smem:$0x3FB9]  }
0x39: {  	_ = 	snop;
	(pc) =	sbr.ind lr, $3  }
0x3a: {  	_ = 	snop  }
0x3b: {  	_ = 	snop  }
0x3c: {  	p2 =	seq.s32 s10, $0x1;
	s10 =	sld [smem:$0x3FB8]  }
0x3d: {  	_ =	shalt  }
0x3e: {  	_ =	shalt  }
0x3f: {  	_ =	shalt  }
0x40: {  	_ =	shalt  }
0x41: {  	_ =	shalt  }
0x42: {  	_ =	shalt  }
0x43: {  	_ =	shalt  }
0x44: {  	_ =	shalt  }
0x45: {  	_ =	shalt  }
0x46: {  	_ =	shalt  }
0x47: {  	_ =	shalt  }
0x48: {  	_ =	shalt  }
0x49: {  	_ =	shalt  }
0x4a: {  	_ =	shalt  }
0x4b: {  	_ =	shalt  }
0x4c: {  	_ =	shalt  }
0x4d: {  	_ =	shalt  }
0x4e: {  	_ =	shalt  }
0x4f: {  	_ =	shalt  }
0x50: {  	_ =	shalt  }
0x51: {  	_ =	shalt  }
0x52: {  	_ =	shalt  }
0x53: {  	_ =	shalt  }
0x54: {  	_ =	shalt  }
0x55: {  	_ =	shalt  }
0x56: {  	_ =	shalt  }
0x57: {  	_ =	shalt  }
0x58: {  	_ =	shalt  }
0x59: {  	_ =	shalt  }
0x5a: {  	_ =	shalt  }
0x5b: {  	_ =	shalt  }
0x5c: {  	_ =	shalt  }
0x5d: {  	_ =	shalt  }
0x5e: {  	_ =	shalt  }
0x5f: {  	_ =	shalt  }
0x60: {  	_ =	shalt  }
0x61: {  	_ =	shalt  }
0x62: {  	_ =	shalt  }
0x63: {  	_ =	shalt  }
0x64: {  	_ =	shalt  }
0x65: {  	_ =	shalt  }
0x66: {  	_ =	shalt  }
0x67: {  	_ =	shalt  }
0x68: {  	_ =	shalt  }
0x69: {  	_ =	shalt  }
0x6a: {  	_ =	shalt  }
0x6b: {  	_ =	shalt  }
0x6c: {  	_ =	shalt  }
0x6d: {  	_ =	shalt  }
0x6e: {  	_ =	shalt  }
0x6f: {  	_ =	shalt  }
0x70: {  	_ =	shalt  }
0x71: {  	_ =	shalt  }
0x72: {  	_ =	shalt  }
0x73: {  	_ =	shalt  }
0x74: {  	_ =	shalt  }
0x75: {  	_ =	shalt  }
0x76: {  	_ =	shalt  }
0x77: {  	_ =	shalt  }
0x78: {  	_ =	shalt  }
0x79: {  	_ =	shalt  }
0x7a: {  	_ =	shalt  }
0x7b: {  	_ =	shalt  }
0x7c: {  	_ =	shalt  }
0x7d: {  	_ =	shalt  }
0x7e: {  	_ =	shalt  }
0x7f: {  	_ =	shalt  }
0x80: {  	_ =	shalt  }
0x81: {  	_ =	shalt  }
0x82: {  	_ =	shalt  }
0x83: {  	_ =	shalt  }
0x84: {  	_ =	shalt  }
0x85: {  	_ =	shalt  }
0x86: {  	_ =	shalt  }
0x87: {  	_ =	shalt  }
.Lfunc_end0:
.L_simem_size_0:
called_computation_lowered:
.L_overlay_start_0:
0x88: {  	s2 =	sld [smem:$0x3FD9]  }
0x89: {  	s3 =	sld [smem:$0x3FFE];
	_ =	sdelay $0x1  }
0x8a: {  	s1 =	srdreg.scid  }
0x8b: {  	s0 =	sand.u32 $0x1, s1  }
0x8c: {  	s15 =	sshll.u32 s0, $0xA;
	s2 =	sadd.s32 s3, s2  }
0x8d: {  	s2 =	sadd.s32 s2, s15  }
0x8e: {  	[smem:$0x3FC4] =	sst s2  }
0x8f: {  	_ = 	snop  }
0x90: {  	s2 =	sld [smem:$0x3FD0]  }
0x91: {  	s16 =	sld [smem:$0x3FC9]  }
0x92: {  	s4 =	sld [smem:$0x3FC8]  }
0x93: {  	s6 =	simm.s32 $0xA;
	s7 =	simm.s32 $0x10;
	s5 =	sld [smem:$0x3FC7]  }
0x94: {  	[smem:s7], [sflag:s6] =	dma.local [hbm:s2], $0x1  }
0x95: {  	_ =	swait.eq [sflag:s6], $0x1  }
0x96: {  	[sflag:s6] =	ssyncset.done $0x0  }
0x97: {  	[sflag:s6] =	ssyncadd.s32 $0xFFFFFFFF  }
0x98: {  	s17 =	sld [smem:$0x10];
	(tm) =	ssettm $0x1  }
0x99: {  	s18 =	sld [smem:$0x3FFB];
	_ =	sdelay $0x3  }
0x9a: {  	_ =	strace s18  }
0x9b: {  	s6 =	sld [smem:$0x3FFC];
	_ =	sdelay $0x3  }
0x9c: {  	_ =	strace s6  }
0x9d: {  	s6 =	sld [smem:$0x3FFD];
	_ =	sdelay $0x3  }
0x9e: {  	_ =	strace s6  }
0x9f: {  	_ =	strace $0x8FFFFFFF  }
0xa0: {  	s19 =	sld [smem:$0x3FDB];
	_ =	sdelay $0x1  }
0xa1: {  	s20 =	simm.s32 $_scs_section_size  }
0xa2: {  	s8 =	simm.s32 $_size__tile_overlayer_lowered;
	s9 =	simm.s32 $_tile_overlayer_lowered  }
0xa3: {  	s23 =	simm.s32 $0x1BFF;
	s22 =	sshll.u32 s9, $0x1;
	s6 =	sadd.s32 s20, s19  }
0xa4: {  	s10 =	simm.s32 $0x0;
	s21 =	sshll.u32 s8, $0x1;
	s8 =	sadd.s32 s22, s6  }
0xa5: {  	[timem:s10], [sflag:s23] =	dma.local [hbm:s8], s21  }
0xa6: {  	_ =	swait.ge [sflag:s23], s21  }
0xa7: {  	s7 =	ssub.s32 $0x0, s21;
	[sflag:s23] =	ssyncset.done $0x0  }
0xa8: {  	[sflag:s23] =	ssyncadd.s32 s7;
	_ =	sdelay $0x1  }
0xa9: {  	s24 =	simm.s32 $0x1B8B  }
0xaa: {  	_ =	swait.ge [sflag:s24], $0x1  }
0xab: {  	[sflag:s24] =	ssyncset.done $0x0  }
0xac: {  	s25 =	simm.s32 $0x1B8E;
	[sflag:s24] =	ssyncadd.s32 $0xFFFFFFFF  }
0xad: {  	s26 =	simm.s32 $execute0_lowered;
	[smem:$0x3FD2] =	sst s25  }
0xae: {  	s7 =	sshll.u32 s26, $0x1;
	_ =	strace $0x80000046;
	[dreg:$0x1] =	wrdreg $0xFFFFFFFF  }
0xaf: {  	s28 =	simm.s32 $_size_execute0_lowered;
	s6 =	sadd.s32 s6, s7;
	[dreg:$0x0] =	wrdreg $0x0  }
0xb0: {  	s7 =	sshll.u32 s28, $0x1;
	[dreg:$0x2] =	wrdreg s6  }
0xb1: {  	[dreg:$0x3] =	wrdreg s7  }
0xb2: {  	[dreg:$0x4] =	wrdreg $0xC0  }
0xb3: {  	_ =	task [dreg:s10], $0x5FFFF  }
0xb4: {  	[dreg:$0x1] =	wrdreg $0xFFFFFFFF  }
0xb5: {  	[dreg:$0x0] =	wrdreg $0x60  }
0xb6: {  	[dreg:$0x2] =	wrdreg s16  }
0xb7: {  	[dreg:$0x3] =	wrdreg s4  }
0xb8: {  	[dreg:$0x4] =	wrdreg s5  }
0xb9: {  	[dreg:$0x5] =	wrdreg s17  }
0xba: {  	[dreg:$0x6] =	wrdreg $0x9  }
0xbb: {  	_ =	task.clear_ibuf [dreg:s10], $0x7FFFF;
	_ =	strace $0x90000046  }
0xbc: {  	s29 =	simm.s32 $0x9;
	_ =	strace $0x80000048  }
0xbd: {  	_ =	swait.ge [sflag:s29], $0x1  }
0xbe: {  	[sflag:s29] =	ssyncadd.s32 $0xFFFFFFFF  }
0xbf: {  	_ =	strace $0x90000048  }
0xc0: {  	_ =	sfence  }
0xc1: {  	s30 =	sld [smem:$0x0];
	_ =	sdelay $0x2  }
0xc2: {  	s31 =	sshll.u32 s1, $0xD;
	s1 =	sshrl.u32 s1, $0x2  }
0xc3: {  	s3 =	sand.u32 $0x4000, s31;
	s1 =	sadd.s32 s1, s30  }
0xc4: {  	s0 =	sor.u32 s3, s0;
	s1 =	sshll.u32 s1, $0x11  }
0xc5: {  	s0 =	sor.u32 s1, s0  }
0xc6: {  	s0 =	sadd.s32 $0x8F2B, s0  }
0xc7: {  	[sflag:s0] =	ssyncadd.remote.s32 $0x1  }
0xc8: {  	_ =	sfence.sel $0xFFFF  }
0xc9: {  	[dreg:$0x0] =	wrdreg $0xFFFFFFFF;
	(pc) =	sbr.abs _section_cstart, $3  }
0xca: {  	[dreg:$0x1] =	wrdreg $0xFFFFFFFF  }
0xcb: {  	_ =	task.clear_ibuf [dreg:s10], $0x2FFFF;
	_ =	strace $0x9FFFFFFF  }
0xcc: {  	(tm) =	ssettm $0x7FFFFFFF  }
0xcd: {  	_ =	shalt  }
tec
execute0_lowered:
.L_overlay_start_1:
0x0: {  	(tag) =	ssettag $0x1  }
0x1: {  	v0 =	vimm.s32 $0x1380;
	vm0 =	vcmask $0x300  }
0x2: {  	s0 =	rddreg [dreg:$0x1];
	vm14 =	vcmask $0x704;
	v0 =	vsel vm0, $0x0, v0  }
0x3: {  	s30 =	rddreg [dreg:$0x2];
	vm15 =	vcmask $0xB08;
	v0 =	vsel vm14, $0x80, v0  }
0x4: {  	s1 =	rddreg [dreg:$0x3];
	s2 =	srdreg.scid;
	vm4 =	vcmask $0xF0C;
	v0 =	vsel vm15, $0x100, v0  }
0x5: {  	s3 =	stileid.u32;
	s6 =	simm.s32 $0x0;
	s10 =	simm.s32 $0x1;
	vm5 =	vcmask $0x1310;
	v0 =	vsel vm4, $0x180, v0  }
0x6: {  	s11 =	simm.s32 $0x400;
	s12 =	simm.s32 $0x7A1400;
	s7 =	simm.s32 $0x2200;
	vm6 =	vcmask $0x1714;
	v0 =	vsel vm5, $0x200, v0  }
0x7: {  	s8 =	simm.s32 $0x2A00;
	s13 =	simm.s32 $0x3200;
	s14 =	simm.s32 $0x3A00;
	vm7 =	vcmask $0x1B18;
	v0 =	vsel vm6, $0x280, v0  }
0x8: {  	s15 =	simm.s32 $0x4200;
	s16 =	simm.s32 $0x4A00;
	s20 =	simm.s32 $0x5200;
	vm8 =	vcmask $0x1F1C;
	v0 =	vsel vm7, $0x300, v0  }
0x9: {  	s17 =	simm.s32 $0x5A00;
	s21 =	simm.s32 $0x6200;
	vm9 =	vcmask $0x2320;
	s18 =	simm.s32 $0x10200;
	v0 =	vsel vm8, $0x380, v0  }
0xa: {  	vm10 =	vcmask $0x2724;
	s2 =	sand.u32 $0x1, s2;
	s4 =	sshll.u32 s3, $0xA;
	[smem:$0x7FF] =	sst s6;
	v0 =	vsel vm9, $0x1000, v0  }
0xb: {  	vm11 =	vcmask $0x2B28;
	s6 =	simm.s32 $0x1A00;
	s5 =	sshll.u32 s2, $0x9;
	s2 =	ssub.s32 $0x2, s2;
	v0 =	vsel vm10, $0x1080, v0  }
0xc: {  	vm12 =	vcmask $0x2F2C;
	_ =	strace $0x80000047;
	s4 =	sor.u32 s5, s4;
	s26 =	sshrl.u32 s2, $0x1;
	v0 =	vsel vm11, $0x1100, v0  }
0xd: {  	vm13 =	vcmask $0x3330;
	s5 =	simm.s32 $0x1200;
	s28 =	sshrl.u32 s4, $0x3;
	s29 =	sadd.s32 s1, s4;
	v0 =	vsel vm12, $0x1180, v0  }
0xe: {  	vm14 =	vcmask $0x3734;
	s2 =	ssub.s32 s2, s26;
	s0 =	sadd.s32 s0, s28;
	[dreg:$0x6] =	wrdreg s29;
	v0 =	vsel vm13, $0x1200, v0  }
0xf: {  	v1 =	vlaneseq.u32;
	vm15 =	vcmask $0x3B38;
	s4 =	simm.s32 $0xA00;
	s31 =	smax.u32 s2, $0x1;
	[dreg:$0x5] =	wrdreg s0;
	v2 =	vsel vm14, $0x1280, v0  }
0x10: {  	s1 =	simm.s32 $0x0;
	s2 =	simm.s32 $0x2;
	[dreg:$0x7] =	wrdreg s31;
	v0 =	vmul.u32 $0x80, v1;
	v1 =	vsel vm15, $0x1300, v2  }
.LBB2_1:
0x11: {  	[dreg:$0x8] =	wrdreg s1  }
0x12: {  	s29 =	simm.s32 $0x0;
	s0 =	rddreg [dreg:$0x5]  }
0x13: {  	[tilespmem:s29], [sflag:$0x2] =	stream.linear.gather [hbm4b:s0+s29], $0x200, $0x38;
	[tilespmem:$0x12280] =	vst v63  }
0x14: {  	_ =	swait.ge [sflag:s2], $0x200  }
0x15: {  	[sflag:s2] =	ssyncset.done $0x0  }
0x16: {  	[sflag:s2] =	ssyncadd.s32 $0xFFFFFE00  }
0x17: {  	s3 =	simm.s32 $0x12200;
	s31 =	rddreg [dreg:$0x0]  }
0x18: {  	[tilespmem:s3], [sflag:$0x2] =	stream.linear.gather [hbm4b:s31+s29], $0x80, $0x38;
	[tilespmem:$0x12280] =	vst v63  }
0x19: {  	_ =	swait.ge [sflag:s2], $0x80  }
0x1a: {  	[sflag:s2] =	ssyncset.done $0x0  }
0x1b: {  	[sflag:s2] =	ssyncadd.s32 $0xFFFFFF80  }
0x1c: {  	s19 =	simm.s32 $0x1F;
	s0 =	simm.s32 $0x10;
	s3 =	simm.s32 $0x200;
	v2 =	vld [tilespmem:$0x12200]  }
.LBB2_2:
0x1d: {  	v4 =	vld [tilespmem:s0+$0xFFFFFFF0];
	_ =	sdelay $0x4  }
0x1e: {  	(v2sf) =	vpush v4, $0x0;
	_ =	sdelay $0x4  }
0x1f: {  	(v2sf) =	vpush v4, $0x1;
	_ =	sdelay $0x9  }
0x20: {  	s2 =	spop (v2sf)  }
0x21: {  	(v2sf) =	vpush v4, $0x2;
	s24 =	sand.u32 $0x7F, s2  }
0x22: {  	s1 =	sshra.s32 s2, $0x1F;
	p0 =	slt.s32 s2, $0x1;
	p1 =	sne.s32 s24, $0x0  }
0x23: {  	[dreg:$0x9] =	wrdreg s0;
	s25 =	sshrl.u32 s1, $0x19;
	p0 =	por !p0, !p1  }
0x24: {  	s1 =	simm.s32 $0x1;
	s0 =	sadd.s32 s25, s2;
	p0 =	por !p0, !p0  }
0x25: {  	s28 =	spop (v2sf);
	s0 =	sshrl.u32 s0, $0x7;
	s1 =	simm.s32 @!p0 $0x0  }
0x26: {  	s26 =	rddreg [dreg:$0x9];
	s29 =	sand.u32 $0x7F, s28;
	s0 =	ssub.s32 s0, s1  }
0x27: {  	(v2sf) =	vpush v4, $0x3;
	s31 =	sshra.s32 s28, $0x1F;
	p5 =	slt.s32 s28, $0x1;
	s0 =	sshll.u32 s0, $0x7  }
0x28: {  	p6 =	sne.s32 s29, $0x0;
	[dreg:$0xd] =	wrdreg s0;
	s0 =	sand.u32 $0x1FFFFF80, s0  }
0x29: {  	p0 =	por !p5, !p6;
	s1 =	sshrl.u32 s31, $0x19;
	s0 =	sadd.s32 s30, s0  }
0x2a: {  	v3 =	vld [tilespmem:s26+$0x0];
	[tilespmem:s3], [sflag:$0x1] =	stream.strided.gather [hbm4b:s0+s11], $0x800, s12, s11, $0x38  }
0x2b: {  	p0 =	por !p0, !p0;
	s0 =	sadd.s32 s1, s28;
	s1 =	simm.s32 $0x1  }
0x2c: {  	s0 =	sshrl.u32 s0, $0x7;
	s1 =	simm.s32 @!p0 $0x0  }
0x2d: {  	s0 =	ssub.s32 s0, s1  }
0x2e: {  	s0 =	sshll.u32 s0, $0x7  }
0x2f: {  	[dreg:$0xf] =	wrdreg s0;
	s0 =	sand.u32 $0x1FFFFF80, s0  }
0x30: {  	s0 =	sadd.s32 s30, s0;
	s3 =	spop (v2sf)  }
0x31: {  	[tilespmem:s4], [sflag:$0x1] =	stream.strided.gather [hbm4b:s0+s11], $0x800, s12, s11, $0x38;
	[tilespmem:$0x12280] =	vst v63  }
0x32: {  	(v2sf) =	vpush v4, $0x4;
	s4 =	sand.u32 $0x7F, s3  }
0x33: {  	s9 =	sshra.s32 s3, $0x1F;
	p1 =	slt.s32 s3, $0x1;
	p2 =	sne.s32 s4, $0x0  }
0x34: {  	s22 =	sshrl.u32 s9, $0x19;
	p0 =	por !p1, !p2  }
0x35: {  	s1 =	simm.s32 $0x1;
	s0 =	sadd.s32 s22, s3;
	p0 =	por !p0, !p0  }
0x36: {  	s23 =	spop (v2sf);
	s0 =	sshrl.u32 s0, $0x7;
	s1 =	simm.s32 @!p0 $0x0  }
0x37: {  	s24 =	sand.u32 $0x7F, s23;
	s0 =	ssub.s32 s0, s1  }
0x38: {  	s25 =	sshra.s32 s23, $0x1F;
	p3 =	slt.s32 s23, $0x1;
	s0 =	sshll.u32 s0, $0x7  }
0x39: {  	(v2sf) =	vpush v4, $0x5;
	p4 =	sne.s32 s24, $0x0;
	[dreg:$0x11] =	wrdreg s0;
	s0 =	sand.u32 $0x1FFFFF80, s0  }
0x3a: {  	s26 =	sshrl.u32 s25, $0x19;
	p0 =	por !p3, !p4;
	s0 =	sadd.s32 s30, s0  }
0x3b: {  	[tilespmem:s5], [sflag:$0x1] =	stream.strided.gather [hbm4b:s0+s11], $0x800, s12, s11, $0x38;
	[tilespmem:$0x12280] =	vst v63  }
0x3c: {  	p0 =	por !p0, !p0;
	s1 =	simm.s32 $0x1;
	s0 =	sadd.s32 s26, s23  }
0x3d: {  	s1 =	simm.s32 @!p0 $0x0;
	s0 =	sshrl.u32 s0, $0x7  }
0x3e: {  	s0 =	ssub.s32 s0, s1  }
0x3f: {  	s0 =	sshll.u32 s0, $0x7  }
0x40: {  	[dreg:$0x13] =	wrdreg s0;
	s0 =	sand.u32 $0x1FFFFF80, s0  }
0x41: {  	[dreg:$0xb] =	wrdreg s28;
	s0 =	sadd.s32 s30, s0;
	s28 =	spop (v2sf)  }
0x42: {  	[tilespmem:s6], [sflag:$0x1] =	stream.strided.gather [hbm4b:s0+s11], $0x800, s12, s11, $0x38;
	[tilespmem:$0x12280] =	vst v63  }
0x43: {  	(v2sf) =	vpush v4, $0x6;
	s29 =	sand.u32 $0x7F, s28  }
0x44: {  	s31 =	sshra.s32 s28, $0x1F;
	p5 =	slt.s32 s28, $0x1;
	p6 =	sne.s32 s29, $0x0  }
0x45: {  	[dreg:$0xc] =	wrdreg s3;
	s3 =	sshrl.u32 s31, $0x19;
	p0 =	por !p5, !p6  }
0x46: {  	s1 =	simm.s32 $0x1;
	s0 =	sadd.s32 s3, s28;
	p0 =	por !p0, !p0  }
0x47: {  	s0 =	sshrl.u32 s0, $0x7;
	s1 =	simm.s32 @!p0 $0x0  }
0x48: {  	s4 =	spop (v2sf);
	s0 =	ssub.s32 s0, s1  }
0x49: {  	(v2sf) =	vpush v4, $0x7;
	s5 =	sand.u32 $0x7F, s4;
	s0 =	sshll.u32 s0, $0x7  }
0x4a: {  	s6 =	sshra.s32 s4, $0x1F;
	[dreg:$0x15] =	wrdreg s0;
	s0 =	sand.u32 $0x1FFFFF80, s0  }
0x4b: {  	p1 =	slt.s32 s4, $0x1;
	p2 =	sne.s32 s5, $0x0;
	s0 =	sadd.s32 s30, s0  }
0x4c: {  	[tilespmem:s7], [sflag:$0x1] =	stream.strided.gather [hbm4b:s0+s11], $0x800, s12, s11, $0x38;
	[tilespmem:$0x12280] =	vst v63  }
0x4d: {  	p0 =	por !p1, !p2;
	s7 =	sshrl.u32 s6, $0x19  }
0x4e: {  	p0 =	por !p0, !p0;
	s1 =	simm.s32 $0x1;
	s0 =	sadd.s32 s7, s4  }
0x4f: {  	s1 =	simm.s32 @!p0 $0x0;
	s0 =	sshrl.u32 s0, $0x7  }
0x50: {  	s0 =	ssub.s32 s0, s1  }
0x51: {  	s0 =	sshll.u32 s0, $0x7  }
0x52: {  	[dreg:$0x17] =	wrdreg s0;
	s0 =	sand.u32 $0x1FFFFF80, s0;
	s9 =	spop (v2sf)  }
0x53: {  	[dreg:$0xe] =	wrdreg s23;
	s0 =	sadd.s32 s30, s0;
	s22 =	sand.u32 $0x7F, s9  }
0x54: {  	(v2sf) =	vpush v4, $0x8;
	[tilespmem:s8], [sflag:$0x1] =	stream.strided.gather [hbm4b:s0+s11], $0x800, s12, s11, $0x38;
	[tilespmem:$0x12280] =	vst v63  }
0x55: {  	s23 =	sshra.s32 s9, $0x1F;
	p3 =	slt.s32 s9, $0x1;
	p4 =	sne.s32 s22, $0x0  }
0x56: {  	s24 =	sshrl.u32 s23, $0x19;
	p0 =	por !p3, !p4  }
0x57: {  	s1 =	simm.s32 $0x1;
	s0 =	sadd.s32 s24, s9;
	p0 =	por !p0, !p0  }
0x58: {  	s25 =	spop (v2sf);
	s0 =	sshrl.u32 s0, $0x7;
	s1 =	simm.s32 @!p0 $0x0  }
0x59: {  	[dreg:$0x10] =	wrdreg s28;
	s26 =	sand.u32 $0x7F, s25;
	s0 =	ssub.s32 s0, s1  }
0x5a: {  	(v2sf) =	vpush v4, $0x9;
	s28 =	sshra.s32 s25, $0x1F;
	p5 =	slt.s32 s25, $0x1;
	s0 =	sshll.u32 s0, $0x7  }
0x5b: {  	p6 =	sne.s32 s26, $0x0;
	[dreg:$0x19] =	wrdreg s0;
	s0 =	sand.u32 $0x1FFFFF80, s0  }
0x5c: {  	s29 =	sshrl.u32 s28, $0x19;
	p0 =	por !p5, !p6;
	s0 =	sadd.s32 s30, s0  }
0x5d: {  	[tilespmem:s13], [sflag:$0x1] =	stream.strided.gather [hbm4b:s0+s11], $0x800, s12, s11, $0x38;
	[tilespmem:$0x12280] =	vst v63  }
0x5e: {  	p0 =	por !p0, !p0;
	s1 =	simm.s32 $0x1;
	s0 =	sadd.s32 s29, s25  }
0x5f: {  	s1 =	simm.s32 @!p0 $0x0;
	s0 =	sshrl.u32 s0, $0x7  }
0x60: {  	s0 =	ssub.s32 s0, s1  }
0x61: {  	s0 =	sshll.u32 s0, $0x7  }
0x62: {  	[dreg:$0x1a] =	wrdreg s0;
	s0 =	sand.u32 $0x1FFFFF80, s0  }
0x63: {  	s0 =	sadd.s32 s30, s0;
	s31 =	spop (v2sf)  }
0x64: {  	[tilespmem:s14], [sflag:$0x1] =	stream.strided.gather [hbm4b:s0+s11], $0x800, s12, s11, $0x38;
	[tilespmem:$0x12280] =	vst v63  }
0x65: {  	(v2sf) =	vpush v4, $0xA;
	s1 =	sand.u32 $0x7F, s31  }
0x66: {  	s3 =	sshra.s32 s31, $0x1F;
	p1 =	slt.s32 s31, $0x1;
	p2 =	sne.s32 s1, $0x0  }
0x67: {  	[dreg:$0x12] =	wrdreg s4;
	s4 =	sshrl.u32 s3, $0x19;
	p0 =	por !p1, !p2  }
0x68: {  	s1 =	simm.s32 $0x1;
	s0 =	sadd.s32 s4, s31;
	p0 =	por !p0, !p0  }
0x69: {  	s5 =	spop (v2sf);
	s0 =	sshrl.u32 s0, $0x7;
	s1 =	simm.s32 @!p0 $0x0  }
0x6a: {  	s6 =	sand.u32 $0x7F, s5;
	s0 =	ssub.s32 s0, s1  }
0x6b: {  	s7 =	sshra.s32 s5, $0x1F;
	p3 =	slt.s32 s5, $0x1;
	s0 =	sshll.u32 s0, $0x7  }
0x6c: {  	(v2sf) =	vpush v4, $0xB;
	p4 =	sne.s32 s6, $0x0;
	[dreg:$0x1b] =	wrdreg s0;
	s0 =	sand.u32 $0x1FFFFF80, s0  }
0x6d: {  	s8 =	sshrl.u32 s7, $0x19;
	p0 =	por !p3, !p4;
	s0 =	sadd.s32 s30, s0  }
0x6e: {  	[tilespmem:s15], [sflag:$0x1] =	stream.strided.gather [hbm4b:s0+s11], $0x800, s12, s11, $0x38;
	[tilespmem:$0x12280] =	vst v63  }
0x6f: {  	p0 =	por !p0, !p0;
	s1 =	simm.s32 $0x1;
	s0 =	sadd.s32 s8, s5  }
0x70: {  	s1 =	simm.s32 @!p0 $0x0;
	s0 =	sshrl.u32 s0, $0x7  }
0x71: {  	s0 =	ssub.s32 s0, s1  }
0x72: {  	s0 =	sshll.u32 s0, $0x7  }
0x73: {  	[dreg:$0x1c] =	wrdreg s0;
	s0 =	sand.u32 $0x1FFFFF80, s0  }
0x74: {  	s0 =	sadd.s32 s30, s0;
	s28 =	spop (v2sf)  }
0x75: {  	[tilespmem:s16], [sflag:$0x1] =	stream.strided.gather [hbm4b:s0+s11], $0x800, s12, s11, $0x38;
	[tilespmem:$0x12280] =	vst v63  }
0x76: {  	[dreg:$0x14] =	wrdreg s9;
	(v2sf) =	vpush v4, $0xC;
	s9 =	sand.u32 $0x7F, s28  }
0x77: {  	s13 =	sshra.s32 s28, $0x1F;
	p5 =	slt.s32 s28, $0x1;
	p6 =	sne.s32 s9, $0x0  }
0x78: {  	s14 =	sshrl.u32 s13, $0x19;
	p0 =	por !p5, !p6  }
0x79: {  	s1 =	simm.s32 $0x1;
	s0 =	sadd.s32 s14, s28;
	p0 =	por !p0, !p0  }
0x7a: {  	s0 =	sshrl.u32 s0, $0x7;
	s1 =	simm.s32 @!p0 $0x0  }
0x7b: {  	[dreg:$0x16] =	wrdreg s25;
	s25 =	spop (v2sf);
	s0 =	ssub.s32 s0, s1  }
0x7c: {  	s15 =	sand.u32 $0x7F, s25;
	s0 =	sshll.u32 s0, $0x7  }
0x7d: {  	(v2sf) =	vpush v4, $0xD;
	s16 =	sshra.s32 s25, $0x1F;
	[dreg:$0x1d] =	wrdreg s0;
	s0 =	sand.u32 $0x1FFFFF80, s0  }
0x7e: {  	p1 =	slt.s32 s25, $0x1;
	p2 =	sne.s32 s15, $0x0;
	s0 =	sadd.s32 s30, s0  }
0x7f: {  	[tilespmem:s20], [sflag:$0x1] =	stream.strided.gather [hbm4b:s0+s11], $0x800, s12, s11, $0x38;
	[tilespmem:$0x12280] =	vst v63  }
0x80: {  	p0 =	por !p1, !p2;
	s20 =	sshrl.u32 s16, $0x19  }
0x81: {  	p0 =	por !p0, !p0;
	s1 =	simm.s32 $0x1;
	s0 =	sadd.s32 s20, s25  }
0x82: {  	s1 =	simm.s32 @!p0 $0x0;
	s0 =	sshrl.u32 s0, $0x7  }
0x83: {  	s0 =	ssub.s32 s0, s1  }
0x84: {  	s0 =	sshll.u32 s0, $0x7  }
0x85: {  	[dreg:$0x1e] =	wrdreg s0;
	s0 =	sand.u32 $0x1FFFFF80, s0;
	s24 =	spop (v2sf)  }
0x86: {  	s0 =	sadd.s32 s30, s0;
	s22 =	sand.u32 $0x7F, s24  }
0x87: {  	(v2sf) =	vpush v4, $0xE;
	[tilespmem:s17], [sflag:$0x1] =	stream.strided.gather [hbm4b:s0+s11], $0x800, s12, s11, $0x38;
	[tilespmem:$0x12280] =	vst v63  }
0x88: {  	s23 =	sshra.s32 s24, $0x1F;
	p4 =	slt.s32 s24, $0x1;
	p3 =	sne.s32 s22, $0x0  }
0x89: {  	s0 =	sshrl.u32 s23, $0x19;
	p0 =	por !p4, !p3  }
0x8a: {  	s1 =	simm.s32 $0x1;
	s0 =	sadd.s32 s0, s24;
	p0 =	por !p0, !p0  }
0x8b: {  	s0 =	sshrl.u32 s0, $0x7;
	s1 =	simm.s32 @!p0 $0x0  }
0x8c: {  	s22 =	spop (v2sf);
	s0 =	ssub.s32 s0, s1  }
0x8d: {  	[dreg:$0x18] =	wrdreg s31;
	s31 =	sand.u32 $0x7F, s22;
	s0 =	sshll.u32 s0, $0x7  }
0x8e: {  	p6 =	slt.s32 s22, $0x1;
	[dreg:$0x1f] =	wrdreg s0;
	s0 =	sand.u32 $0x1FFFFF80, s0  }
0x8f: {  	p5 =	sne.s32 s31, $0x0;
	s1 =	sshra.s32 s22, $0x1F;
	s0 =	sadd.s32 s30, s0  }
0x90: {  	[tilespmem:s21], [sflag:$0x1] =	stream.strided.gather [hbm4b:s0+s11], $0x800, s12, s11, $0x38;
	[tilespmem:$0x12280] =	vst v63  }
0x91: {  	p0 =	por !p6, !p5;
	s0 =	sshrl.u32 s1, $0x19  }
0x92: {  	p0 =	por !p0, !p0;
	s1 =	simm.s32 $0x1;
	s0 =	sadd.s32 s0, s22  }
0x93: {  	(v2sf) =	vpush v4, $0xF;
	s1 =	simm.s32 @!p0 $0x0;
	s0 =	sshrl.u32 s0, $0x7  }
0x94: {  	s0 =	ssub.s32 s0, s1  }
0x95: {  	s0 =	sshll.u32 s0, $0x7  }
0x96: {  	[smem:$0x7EB] =	sst s0;
	s0 =	sand.u32 $0x1FFFFF80, s0;
	s23 =	spop (v2sf)  }
0x97: {  	s14 =	simm.s32 $0x6A00;
	s0 =	sadd.s32 s30, s0;
	s15 =	sand.u32 $0x7F, s23  }
0x98: {  	[tilespmem:s14], [sflag:$0x1] =	stream.strided.gather [hbm4b:s0+s11], $0x800, s12, s11, $0x38;
	[tilespmem:$0x12280] =	vst v63  }
0x99: {  	p2 =	slt.s32 s23, $0x1;
	s16 =	sshra.s32 s23, $0x1F;
	p1 =	sne.s32 s15, $0x0  }
0x9a: {  	s0 =	sshrl.u32 s16, $0x19;
	p0 =	por !p2, !p1  }
0x9b: {  	s1 =	simm.s32 $0x1;
	(v2sf) =	vpush v3, $0x0;
	s0 =	sadd.s32 s0, s23;
	p0 =	por !p0, !p0  }
0x9c: {  	s0 =	sshrl.u32 s0, $0x7;
	s1 =	simm.s32 @!p0 $0x0  }
0x9d: {  	s0 =	ssub.s32 s0, s1  }
0x9e: {  	s0 =	sshll.u32 s0, $0x7  }
0x9f: {  	[smem:$0x7EC] =	sst s0;
	s0 =	sand.u32 $0x1FFFFF80, s0  }
0xa0: {  	s26 =	simm.s32 $0x7200;
	s0 =	sadd.s32 s30, s0  }
0xa1: {  	[tilespmem:s26], [sflag:$0x1] =	stream.strided.gather [hbm4b:s0+s11], $0x800, s12, s11, $0x38;
	[tilespmem:$0x12280] =	vst v63  }
0xa2: {  	s26 =	spop (v2sf)  }
0xa3: {  	s17 =	sand.u32 $0x7F, s26  }
0xa4: {  	(v2sf) =	vpush v3, $0x1;
	p4 =	slt.s32 s26, $0x1;
	s20 =	sshra.s32 s26, $0x1F;
	p3 =	sne.s32 s17, $0x0  }
0xa5: {  	s0 =	sshrl.u32 s20, $0x19;
	p0 =	por !p4, !p3  }
0xa6: {  	s1 =	simm.s32 $0x1;
	s0 =	sadd.s32 s0, s26;
	p0 =	por !p0, !p0  }
0xa7: {  	s0 =	sshrl.u32 s0, $0x7;
	s1 =	simm.s32 @!p0 $0x0  }
0xa8: {  	s0 =	ssub.s32 s0, s1  }
0xa9: {  	s0 =	sshll.u32 s0, $0x7  }
0xaa: {  	s31 =	spop (v2sf);
	[smem:$0x7ED] =	sst s0;
	s0 =	sand.u32 $0x1FFFFF80, s0  }
0xab: {  	s29 =	simm.s32 $0x7A00;
	(v2sf) =	vpush v3, $0x2;
	s21 =	sand.u32 $0x7F, s31;
	s0 =	sadd.s32 s30, s0  }
0xac: {  	[tilespmem:s29], [sflag:$0x1] =	stream.strided.gather [hbm4b:s0+s11], $0x800, s12, s11, $0x38;
	[tilespmem:$0x12280] =	vst v63  }
0xad: {  	p6 =	slt.s32 s31, $0x1;
	p5 =	sne.s32 s21, $0x0;
	s29 =	sshra.s32 s31, $0x1F  }
0xae: {  	p0 =	por !p6, !p5;
	s0 =	sshrl.u32 s29, $0x19  }
0xaf: {  	s1 =	simm.s32 $0x1;
	p0 =	por !p0, !p0;
	s0 =	sadd.s32 s0, s31  }
0xb0: {  	s1 =	simm.s32 @!p0 $0x0;
	s0 =	sshrl.u32 s0, $0x7  }
0xb1: {  	s0 =	ssub.s32 s0, s1  }
0xb2: {  	[dreg:$0xa] =	wrdreg s2;
	s0 =	sshll.u32 s0, $0x7  }
0xb3: {  	s4 =	simm.s32 $0x8200;
	s29 =	spop (v2sf);
	[smem:$0x7EE] =	sst s0  }
0xb4: {  	s0 =	sand.u32 $0x1FFFFF80, s0;
	s1 =	sand.u32 $0x7F, s29;
	p2 =	slt.s32 s29, $0x1  }
0xb5: {  	(v2sf) =	vpush v3, $0x3;
	s2 =	sshra.s32 s29, $0x1F;
	s0 =	sadd.s32 s30, s0;
	p1 =	sne.s32 s1, $0x0  }
0xb6: {  	[tilespmem:s4], [sflag:$0x1] =	stream.strided.gather [hbm4b:s0+s11], $0x800, s12, s11, $0x38;
	[tilespmem:$0x12280] =	vst v63  }
0xb7: {  	s0 =	sshrl.u32 s2, $0x19;
	p0 =	por !p2, !p1  }
0xb8: {  	s1 =	simm.s32 $0x1;
	s0 =	sadd.s32 s0, s29;
	p0 =	por !p0, !p0  }
0xb9: {  	s0 =	sshrl.u32 s0, $0x7;
	s1 =	simm.s32 @!p0 $0x0  }
0xba: {  	[smem:$0x7EA] =	sst s5;
	s21 =	spop (v2sf);
	s0 =	ssub.s32 s0, s1  }
0xbb: {  	s5 =	simm.s32 $0x8A00;
	s3 =	sand.u32 $0x7F, s21;
	s0 =	sshll.u32 s0, $0x7  }
0xbc: {  	p4 =	slt.s32 s21, $0x1;
	[smem:$0x7EF] =	sst s0;
	s0 =	sand.u32 $0x1FFFFF80, s0  }
0xbd: {  	s4 =	sshra.s32 s21, $0x1F;
	p3 =	sne.s32 s3, $0x0;
	s0 =	sadd.s32 s30, s0  }
0xbe: {  	[tilespmem:s5], [sflag:$0x1] =	stream.strided.gather [hbm4b:s0+s11], $0x800, s12, s11, $0x38;
	[tilespmem:$0x12280] =	vst v63  }
0xbf: {  	(v2sf) =	vpush v3, $0x4;
	p0 =	por !p4, !p3;
	s0 =	sshrl.u32 s4, $0x19  }
0xc0: {  	s1 =	simm.s32 $0x1;
	p0 =	por !p0, !p0;
	s0 =	sadd.s32 s0, s21  }
0xc1: {  	s1 =	simm.s32 @!p0 $0x0;
	s0 =	sshrl.u32 s0, $0x7  }
0xc2: {  	s0 =	ssub.s32 s0, s1  }
0xc3: {  	s0 =	sshll.u32 s0, $0x7  }
0xc4: {  	[smem:$0x7F0] =	sst s0;
	s0 =	sand.u32 $0x1FFFFF80, s0;
	s20 =	spop (v2sf)  }
0xc5: {  	s6 =	simm.s32 $0x9200;
	s0 =	sadd.s32 s30, s0;
	s5 =	sand.u32 $0x7F, s20  }
0xc6: {  	(v2sf) =	vpush v3, $0x5;
	[tilespmem:s6], [sflag:$0x1] =	stream.strided.gather [hbm4b:s0+s11], $0x800, s12, s11, $0x38;
	[tilespmem:$0x12280] =	vst v63  }
0xc7: {  	p6 =	slt.s32 s20, $0x1;
	p5 =	sne.s32 s5, $0x0;
	s6 =	sshra.s32 s20, $0x1F  }
0xc8: {  	s0 =	sshrl.u32 s6, $0x19;
	p0 =	por !p6, !p5  }
0xc9: {  	s1 =	simm.s32 $0x1;
	s0 =	sadd.s32 s0, s20;
	p0 =	por !p0, !p0  }
0xca: {  	s0 =	sshrl.u32 s0, $0x7;
	s1 =	simm.s32 @!p0 $0x0  }
0xcb: {  	s0 =	ssub.s32 s0, s1  }
0xcc: {  	s0 =	sshll.u32 s0, $0x7  }
0xcd: {  	[smem:$0x7F1] =	sst s0;
	s0 =	sand.u32 $0x1FFFFF80, s0  }
0xce: {  	s7 =	simm.s32 $0x9A00;
	s17 =	spop (v2sf);
	(v2sf) =	vpush v3, $0x6;
	s0 =	sadd.s32 s30, s0  }
0xcf: {  	[tilespmem:s7], [sflag:$0x1] =	stream.strided.gather [hbm4b:s0+s11], $0x800, s12, s11, $0x38;
	[tilespmem:$0x12280] =	vst v63  }
0xd0: {  	s7 =	sand.u32 $0x7F, s17  }
0xd1: {  	p2 =	slt.s32 s17, $0x1;
	s14 =	sshra.s32 s17, $0x1F;
	p1 =	sne.s32 s7, $0x0  }
0xd2: {  	s0 =	sshrl.u32 s14, $0x19;
	p0 =	por !p2, !p1  }
0xd3: {  	s1 =	simm.s32 $0x1;
	s0 =	sadd.s32 s0, s17;
	p0 =	por !p0, !p0  }
0xd4: {  	s0 =	sshrl.u32 s0, $0x7;
	s1 =	simm.s32 @!p0 $0x0  }
0xd5: {  	s0 =	ssub.s32 s0, s1;
	s16 =	spop (v2sf)  }
0xd6: {  	s8 =	simm.s32 $0xA200;
	s0 =	sshll.u32 s0, $0x7;
	s15 =	sand.u32 $0x7F, s16  }
0xd7: {  	p4 =	slt.s32 s16, $0x1;
	[smem:$0x7F2] =	sst s0;
	s0 =	sand.u32 $0x1FFFFF80, s0  }
0xd8: {  	(v2sf) =	vpush v3, $0x7;
	s1 =	sshra.s32 s16, $0x1F;
	p3 =	sne.s32 s15, $0x0;
	s0 =	sadd.s32 s30, s0  }
0xd9: {  	[tilespmem:s8], [sflag:$0x1] =	stream.strided.gather [hbm4b:s0+s11], $0x800, s12, s11, $0x38;
	[tilespmem:$0x12280] =	vst v63  }
0xda: {  	p0 =	por !p4, !p3;
	s0 =	sshrl.u32 s1, $0x19  }
0xdb: {  	p0 =	por !p0, !p0;
	s1 =	simm.s32 $0x1;
	s0 =	sadd.s32 s0, s16  }
0xdc: {  	s1 =	simm.s32 @!p0 $0x0;
	s0 =	sshrl.u32 s0, $0x7  }
0xdd: {  	s15 =	spop (v2sf);
	s0 =	ssub.s32 s0, s1  }
0xde: {  	s9 =	simm.s32 $0xAA00;
	s2 =	sand.u32 $0x7F, s15;
	s0 =	sshll.u32 s0, $0x7  }
0xdf: {  	(v2sf) =	vpush v3, $0x8;
	p6 =	slt.s32 s15, $0x1;
	[smem:$0x7F3] =	sst s0;
	s0 =	sand.u32 $0x1FFFFF80, s0  }
0xe0: {  	s3 =	sshra.s32 s15, $0x1F;
	p5 =	sne.s32 s2, $0x0;
	s0 =	sadd.s32 s30, s0  }
0xe1: {  	[tilespmem:s9], [sflag:$0x1] =	stream.strided.gather [hbm4b:s0+s11], $0x800, s12, s11, $0x38;
	[tilespmem:$0x12280] =	vst v63  }
0xe2: {  	p0 =	por !p6, !p5;
	s0 =	sshrl.u32 s3, $0x19  }
0xe3: {  	s1 =	simm.s32 $0x1;
	p0 =	por !p0, !p0;
	s0 =	sadd.s32 s0, s15  }
0xe4: {  	s1 =	simm.s32 @!p0 $0x0;
	s0 =	sshrl.u32 s0, $0x7  }
0xe5: {  	s0 =	ssub.s32 s0, s1  }
0xe6: {  	s0 =	sshll.u32 s0, $0x7  }
0xe7: {  	s13 =	simm.s32 $0xB200;
	s14 =	spop (v2sf);
	[smem:$0x7F4] =	sst s0  }
0xe8: {  	s0 =	sand.u32 $0x1FFFFF80, s0;
	s4 =	sand.u32 $0x7F, s14;
	p2 =	slt.s32 s14, $0x1  }
0xe9: {  	(v2sf) =	vpush v3, $0x9;
	s5 =	sshra.s32 s14, $0x1F;
	s0 =	sadd.s32 s30, s0;
	p1 =	sne.s32 s4, $0x0  }
0xea: {  	[tilespmem:s13], [sflag:$0x1] =	stream.strided.gather [hbm4b:s0+s11], $0x800, s12, s11, $0x38;
	[tilespmem:$0x12280] =	vst v63  }
0xeb: {  	s0 =	sshrl.u32 s5, $0x19;
	p0 =	por !p2, !p1  }
0xec: {  	s1 =	simm.s32 $0x1;
	s0 =	sadd.s32 s0, s14;
	p0 =	por !p0, !p0  }
0xed: {  	s0 =	sshrl.u32 s0, $0x7;
	s1 =	simm.s32 @!p0 $0x0  }
0xee: {  	s13 =	spop (v2sf);
	s0 =	ssub.s32 s0, s1  }
0xef: {  	s6 =	simm.s32 $0xBA00;
	s7 =	sand.u32 $0x7F, s13;
	s0 =	sshll.u32 s0, $0x7  }
0xf0: {  	(v2sf) =	vpush v3, $0xA;
	p4 =	slt.s32 s13, $0x1;
	[smem:$0x7F5] =	sst s0;
	s0 =	sand.u32 $0x1FFFFF80, s0  }
0xf1: {  	s8 =	sshra.s32 s13, $0x1F;
	p3 =	sne.s32 s7, $0x0;
	s0 =	sadd.s32 s30, s0  }
0xf2: {  	[tilespmem:s6], [sflag:$0x1] =	stream.strided.gather [hbm4b:s0+s11], $0x800, s12, s11, $0x38;
	[tilespmem:$0x12280] =	vst v63  }
0xf3: {  	p0 =	por !p4, !p3;
	s0 =	sshrl.u32 s8, $0x19  }
0xf4: {  	s1 =	simm.s32 $0x1;
	p0 =	por !p0, !p0;
	s0 =	sadd.s32 s0, s13  }
0xf5: {  	s1 =	simm.s32 @!p0 $0x0;
	s0 =	sshrl.u32 s0, $0x7  }
0xf6: {  	s0 =	ssub.s32 s0, s1  }
0xf7: {  	s0 =	sshll.u32 s0, $0x7  }
0xf8: {  	[smem:$0x7F6] =	sst s0;
	s0 =	sand.u32 $0x1FFFFF80, s0;
	s8 =	spop (v2sf)  }
0xf9: {  	s9 =	simm.s32 $0xC200;
	s0 =	sadd.s32 s30, s0;
	s1 =	sand.u32 $0x7F, s8  }
0xfa: {  	[tilespmem:s9], [sflag:$0x1] =	stream.strided.gather [hbm4b:s0+s11], $0x800, s12, s11, $0x38;
	[tilespmem:$0x12280] =	vst v63  }
0xfb: {  	p6 =	slt.s32 s8, $0x1;
	s2 =	sshra.s32 s8, $0x1F;
	p5 =	sne.s32 s1, $0x0  }
0xfc: {  	s0 =	sshrl.u32 s2, $0x19;
	p0 =	por !p6, !p5  }
0xfd: {  	(v2sf) =	vpush v3, $0xB;
	s1 =	simm.s32 $0x1;
	s0 =	sadd.s32 s0, s8;
	p0 =	por !p0, !p0  }
0xfe: {  	s0 =	sshrl.u32 s0, $0x7;
	s1 =	simm.s32 @!p0 $0x0  }
0xff: {  	s7 =	spop (v2sf);
	s0 =	ssub.s32 s0, s1  }
0x100: {  	s3 =	simm.s32 $0xCA00;
	s4 =	sand.u32 $0x7F, s7;
	s0 =	sshll.u32 s0, $0x7  }
0x101: {  	p2 =	slt.s32 s7, $0x1;
	[smem:$0x7F7] =	sst s0;
	s0 =	sand.u32 $0x1FFFFF80, s0  }
0x102: {  	s5 =	sshra.s32 s7, $0x1F;
	p1 =	sne.s32 s4, $0x0;
	s0 =	sadd.s32 s30, s0  }
0x103: {  	(v2sf) =	vpush v3, $0xC;
	[tilespmem:s3], [sflag:$0x1] =	stream.strided.gather [hbm4b:s0+s11], $0x800, s12, s11, $0x38;
	[tilespmem:$0x12280] =	vst v63  }
0x104: {  	p0 =	por !p2, !p1;
	s0 =	sshrl.u32 s5, $0x19  }
0x105: {  	s1 =	simm.s32 $0x1;
	p0 =	por !p0, !p0;
	s0 =	sadd.s32 s0, s7  }
0x106: {  	s1 =	simm.s32 @!p0 $0x0;
	s0 =	sshrl.u32 s0, $0x7  }
0x107: {  	s0 =	ssub.s32 s0, s1  }
0x108: {  	s0 =	sshll.u32 s0, $0x7  }
0x109: {  	[smem:$0x7F8] =	sst s0;
	s0 =	sand.u32 $0x1FFFFF80, s0  }
0x10a: {  	s6 =	simm.s32 $0xD200;
	s0 =	sadd.s32 s30, s0  }
0x10b: {  	[tilespmem:s6], [sflag:$0x1] =	stream.strided.gather [hbm4b:s0+s11], $0x800, s12, s11, $0x38;
	[tilespmem:$0x12280] =	vst v63  }
0x10c: {  	s6 =	spop (v2sf)  }
0x10d: {  	(v2sf) =	vpush v3, $0xD;
	s9 =	sand.u32 $0x7F, s6  }
0x10e: {  	p4 =	slt.s32 s6, $0x1;
	s1 =	sshra.s32 s6, $0x1F;
	p3 =	sne.s32 s9, $0x0  }
0x10f: {  	s0 =	sshrl.u32 s1, $0x19;
	p0 =	por !p4, !p3  }
0x110: {  	s1 =	simm.s32 $0x1;
	s0 =	sadd.s32 s0, s6;
	p0 =	por !p0, !p0  }
0x111: {  	s0 =	sshrl.u32 s0, $0x7;
	s1 =	simm.s32 @!p0 $0x0  }
0x112: {  	s5 =	spop (v2sf);
	s0 =	ssub.s32 s0, s1  }
0x113: {  	s2 =	simm.s32 $0xDA00;
	s3 =	sand.u32 $0x7F, s5;
	s0 =	sshll.u32 s0, $0x7  }
0x114: {  	(v2sf) =	vpush v3, $0xE;
	p6 =	slt.s32 s5, $0x1;
	[smem:$0x7F9] =	sst s0;
	s0 =	sand.u32 $0x1FFFFF80, s0  }
0x115: {  	s4 =	sshra.s32 s5, $0x1F;
	p5 =	sne.s32 s3, $0x0;
	s0 =	sadd.s32 s30, s0  }
0x116: {  	[tilespmem:s2], [sflag:$0x1] =	stream.strided.gather [hbm4b:s0+s11], $0x800, s12, s11, $0x38;
	[tilespmem:$0x12280] =	vst v63  }
0x117: {  	p0 =	por !p6, !p5;
	s0 =	sshrl.u32 s4, $0x19  }
0x118: {  	s1 =	simm.s32 $0x1;
	p0 =	por !p0, !p0;
	s0 =	sadd.s32 s0, s5  }
0x119: {  	s1 =	simm.s32 @!p0 $0x0;
	s0 =	sshrl.u32 s0, $0x7  }
0x11a: {  	s0 =	ssub.s32 s0, s1  }
0x11b: {  	s0 =	sshll.u32 s0, $0x7  }
0x11c: {  	[smem:$0x7FA] =	sst s0;
	s0 =	sand.u32 $0x1FFFFF80, s0;
	s4 =	spop (v2sf)  }
0x11d: {  	s9 =	simm.s32 $0xE200;
	s0 =	sadd.s32 s30, s0;
	s2 =	sand.u32 $0x7F, s4  }
0x11e: {  	[tilespmem:s9], [sflag:$0x1] =	stream.strided.gather [hbm4b:s0+s11], $0x800, s12, s11, $0x38;
	[tilespmem:$0x12280] =	vst v63  }
0x11f: {  	p2 =	slt.s32 s4, $0x1;
	s3 =	sshra.s32 s4, $0x1F;
	p1 =	sne.s32 s2, $0x0  }
0x120: {  	s0 =	sshrl.u32 s3, $0x19;
	p0 =	por !p2, !p1  }
0x121: {  	s1 =	simm.s32 $0x1;
	(v2sf) =	vpush v3, $0xF;
	s0 =	sadd.s32 s0, s4;
	p0 =	por !p0, !p0  }
0x122: {  	s0 =	sshrl.u32 s0, $0x7;
	s1 =	simm.s32 @!p0 $0x0  }
0x123: {  	s2 =	spop (v2sf);
	s0 =	ssub.s32 s0, s1  }
0x124: {  	s9 =	simm.s32 $0xEA00;
	p4 =	slt.s32 s2, $0x1;
	s0 =	sshll.u32 s0, $0x7  }
0x125: {  	s1 =	sand.u32 $0x7F, s2;
	[smem:$0x7FB] =	sst s0;
	s0 =	sand.u32 $0x1FFFFF80, s0  }
0x126: {  	s3 =	sshra.s32 s2, $0x1F;
	p3 =	sne.s32 s1, $0x0;
	s0 =	sadd.s32 s30, s0  }
0x127: {  	[tilespmem:s9], [sflag:$0x1] =	stream.strided.gather [hbm4b:s0+s11], $0x800, s12, s11, $0x38;
	[tilespmem:$0x12280] =	vst v63  }
0x128: {  	p0 =	por !p4, !p3;
	s0 =	sshrl.u32 s3, $0x19  }
0x129: {  	p0 =	por !p0, !p0;
	s3 =	simm.s32 $0x1;
	s0 =	sadd.s32 s0, s2  }
0x12a: {  	s3 =	simm.s32 @!p0 $0x0;
	s0 =	sshrl.u32 s0, $0x7  }
0x12b: {  	s0 =	ssub.s32 s0, s3  }
0x12c: {  	s0 =	sshll.u32 s0, $0x7  }
0x12d: {  	[smem:$0x7FC] =	sst s0;
	s0 =	sand.u32 $0x1FFFFF80, s0  }
0x12e: {  	s9 =	simm.s32 $0xF200;
	s0 =	sadd.s32 s30, s0  }
0x12f: {  	[tilespmem:s9], [sflag:$0x1] =	stream.strided.gather [hbm4b:s0+s11], $0x800, s12, s11, $0x38;
	[tilespmem:$0x12280] =	vst v63  }
0x130: {  	s9 =	spop (v2sf)  }
0x131: {  	s1 =	sand.u32 $0x7F, s9  }
0x132: {  	p6 =	slt.s32 s9, $0x1;
	s0 =	sshra.s32 s9, $0x1F;
	p5 =	sne.s32 s1, $0x0  }
0x133: {  	s3 =	sshrl.u32 s0, $0x19;
	p0 =	por !p6, !p5  }
0x134: {  	s0 =	simm.s32 $0x1;
	s3 =	sadd.s32 s3, s9;
	p0 =	por !p0, !p0  }
0x135: {  	s3 =	sshrl.u32 s3, $0x7;
	s0 =	simm.s32 @!p0 $0x0  }
0x136: {  	s0 =	ssub.s32 s3, s0;
	s3 =	rddreg [dreg:$0xd]  }
0x137: {  	s1 =	sshll.u32 s0, $0x7;
	s0 =	rddreg [dreg:$0xa]  }
0x138: {  	[smem:$0x7FD] =	sst s1;
	s0 =	ssub.s32 s0, s3;
	s1 =	sand.u32 $0x1FFFFF80, s1  }
0x139: {  	s3 =	simm.s32 $0xFA00;
	v3 =	vadd.s32 s0, v0;
	s0 =	sadd.s32 s30, s1  }
0x13a: {  	[tilespmem:s3], [sflag:$0x1] =	stream.strided.gather [hbm4b:s0+s11], $0x800, s12, s11, $0x38;
	[tilespmem:$0x12280] =	vst v63  }
0x13b: {  	s3 =	sadd.s32 $0xFFFFFFE1, s19;
	_ =	swait.ge [sflag:s10], $0x800  }
0x13c: {  	v26 =	vmov s3;
	[sflag:s10] =	ssyncset.done $0x0  }
0x13d: {  	s1 =	simm.s32 $0x200;
	v5 =	vshll.u32 v26, $0x3;
	[sflag:s10] =	ssyncadd.s32 $0xFFFFF800  }
0x13e: {  	v4 =	vand.u32 $0x60, v26;
	v5 =	vand.u32 $0xC00, v5;
	v3 =	vld.idx.msk [tilespmem:v3+s1+$0x0], $0xffff  }
0x13f: {  	v4 =	vor.u32 v5, v4  }
0x140: {  	v4 =	vor.u32 v1, v4  }
0x141: {  	s3 =	rddreg [dreg:$0xb]  }
0x142: {  	s1 =	rddreg [dreg:$0xf]  }
0x143: {  	s0 =	ssub.s32 s3, s1;
	v3 =	vmul.f32 v3, v2  }
0x144: {  	v27 =	vadd.s32 s0, v0  }
0x145: {  	[tilespmem:v4+s18+$0x0] =	vst.idx.msk $0xffff, v3  }
0x146: {  	s3 =	sadd.s32 $0xFFFFFFE2, s19;
	_ =	swait.ge [sflag:s10], $0x800  }
0x147: {  	v3 =	vmov s3;
	[sflag:s10] =	ssyncset.done $0x0  }
0x148: {  	s1 =	simm.s32 $0xA00;
	v28 =	vshll.u32 v3, $0x3;
	[sflag:s10] =	ssyncadd.s32 $0xFFFFF800  }
0x149: {  	v3 =	vand.u32 $0x61, v3;
	v4 =	vand.u32 $0xC00, v28;
	v5 =	vld.idx.msk [tilespmem:v27+s1+$0x0], $0xffff  }
0x14a: {  	v3 =	vor.u32 v4, v3  }
0x14b: {  	v3 =	vor.u32 v1, v3  }
0x14c: {  	s3 =	rddreg [dreg:$0xc]  }
0x14d: {  	s1 =	rddreg [dreg:$0x11]  }
0x14e: {  	s0 =	ssub.s32 s3, s1;
	v29 =	vmul.f32 v5, v2  }
0x14f: {  	v30 =	vadd.s32 s0, v0  }
0x150: {  	[tilespmem:v3+s18+$0x0] =	vst.idx.msk $0xffff, v29  }
0x151: {  	s3 =	sadd.s32 $0xFFFFFFE3, s19;
	_ =	swait.ge [sflag:s10], $0x800  }
0x152: {  	v3 =	vmov s3;
	[sflag:s10] =	ssyncset.done $0x0  }
0x153: {  	s1 =	simm.s32 $0x1200;
	v31 =	vshll.u32 v3, $0x3;
	[sflag:s10] =	ssyncadd.s32 $0xFFFFF800  }
0x154: {  	v3 =	vand.u32 $0x62, v3;
	v4 =	vand.u32 $0xC00, v31;
	v5 =	vld.idx.msk [tilespmem:v30+s1+$0x0], $0xffff  }
0x155: {  	v3 =	vor.u32 v4, v3  }
0x156: {  	v3 =	vor.u32 v1, v3  }
0x157: {  	s3 =	rddreg [dreg:$0xe]  }
0x158: {  	s1 =	rddreg [dreg:$0x13]  }
0x159: {  	s0 =	ssub.s32 s3, s1;
	v32 =	vmul.f32 v5, v2  }
0x15a: {  	v33 =	vadd.s32 s0, v0  }
0x15b: {  	[tilespmem:v3+s18+$0x0] =	vst.idx.msk $0xffff, v32  }
0x15c: {  	s3 =	sadd.s32 $0xFFFFFFE4, s19;
	_ =	swait.ge [sflag:s10], $0x800  }
0x15d: {  	v3 =	vmov s3;
	[sflag:s10] =	ssyncset.done $0x0  }
0x15e: {  	s1 =	simm.s32 $0x1A00;
	v34 =	vshll.u32 v3, $0x3;
	[sflag:s10] =	ssyncadd.s32 $0xFFFFF800  }
0x15f: {  	v3 =	vand.u32 $0x63, v3;
	v4 =	vand.u32 $0xC00, v34;
	v5 =	vld.idx.msk [tilespmem:v33+s1+$0x0], $0xffff  }
0x160: {  	v3 =	vor.u32 v4, v3  }
0x161: {  	v3 =	vor.u32 v1, v3  }
0x162: {  	s3 =	rddreg [dreg:$0x10]  }
0x163: {  	s1 =	rddreg [dreg:$0x15]  }
0x164: {  	s0 =	ssub.s32 s3, s1;
	v35 =	vmul.f32 v5, v2  }
0x165: {  	v36 =	vadd.s32 s0, v0  }
0x166: {  	[tilespmem:v3+s18+$0x0] =	vst.idx.msk $0xffff, v35  }
0x167: {  	s3 =	sadd.s32 $0xFFFFFFE5, s19;
	_ =	swait.ge [sflag:s10], $0x800  }
0x168: {  	v3 =	vmov s3;
	[sflag:s10] =	ssyncset.done $0x0  }
0x169: {  	s1 =	simm.s32 $0x2200;
	v37 =	vshll.u32 v3, $0x3;
	[sflag:s10] =	ssyncadd.s32 $0xFFFFF800  }
0x16a: {  	v3 =	vand.u32 $0x64, v3;
	v4 =	vand.u32 $0xC00, v37;
	v5 =	vld.idx.msk [tilespmem:v36+s1+$0x0], $0xffff  }
0x16b: {  	v3 =	vor.u32 v4, v3  }
0x16c: {  	v3 =	vor.u32 v1, v3  }
0x16d: {  	s3 =	rddreg [dreg:$0x12]  }
0x16e: {  	s1 =	rddreg [dreg:$0x17]  }
0x16f: {  	s0 =	ssub.s32 s3, s1;
	v38 =	vmul.f32 v5, v2  }
0x170: {  	v39 =	vadd.s32 s0, v0  }
0x171: {  	[tilespmem:v3+s18+$0x0] =	vst.idx.msk $0xffff, v38  }
0x172: {  	s3 =	sadd.s32 $0xFFFFFFE6, s19;
	_ =	swait.ge [sflag:s10], $0x800  }
0x173: {  	v3 =	vmov s3;
	[sflag:s10] =	ssyncset.done $0x0  }
0x174: {  	s1 =	simm.s32 $0x2A00;
	v40 =	vshll.u32 v3, $0x3;
	[sflag:s10] =	ssyncadd.s32 $0xFFFFF800  }
0x175: {  	v3 =	vand.u32 $0x65, v3;
	v4 =	vand.u32 $0xC00, v40;
	v5 =	vld.idx.msk [tilespmem:v39+s1+$0x0], $0xffff  }
0x176: {  	v3 =	vor.u32 v4, v3  }
0x177: {  	v3 =	vor.u32 v1, v3  }
0x178: {  	s3 =	rddreg [dreg:$0x14]  }
0x179: {  	s1 =	rddreg [dreg:$0x19]  }
0x17a: {  	s0 =	ssub.s32 s3, s1;
	v41 =	vmul.f32 v5, v2  }
0x17b: {  	v42 =	vadd.s32 s0, v0  }
0x17c: {  	[tilespmem:v3+s18+$0x0] =	vst.idx.msk $0xffff, v41  }
0x17d: {  	s3 =	sadd.s32 $0xFFFFFFE7, s19;
	_ =	swait.ge [sflag:s10], $0x800  }
0x17e: {  	v3 =	vmov s3;
	[sflag:s10] =	ssyncset.done $0x0  }
0x17f: {  	s1 =	simm.s32 $0x3200;
	v43 =	vshll.u32 v3, $0x3;
	[sflag:s10] =	ssyncadd.s32 $0xFFFFF800  }
0x180: {  	v3 =	vand.u32 $0x66, v3;
	v4 =	vand.u32 $0xC00, v43;
	v5 =	vld.idx.msk [tilespmem:v42+s1+$0x0], $0xffff  }
0x181: {  	v3 =	vor.u32 v4, v3  }
0x182: {  	v3 =	vor.u32 v1, v3  }
0x183: {  	s3 =	rddreg [dreg:$0x16]  }
0x184: {  	s1 =	rddreg [dreg:$0x1a]  }
0x185: {  	s0 =	ssub.s32 s3, s1;
	v44 =	vmul.f32 v5, v2  }
0x186: {  	v45 =	vadd.s32 s0, v0  }
0x187: {  	[tilespmem:v3+s18+$0x0] =	vst.idx.msk $0xffff, v44  }
0x188: {  	s3 =	sadd.s32 $0xFFFFFFE8, s19;
	_ =	swait.ge [sflag:s10], $0x800  }
0x189: {  	v3 =	vmov s3;
	[sflag:s10] =	ssyncset.done $0x0  }
0x18a: {  	s1 =	simm.s32 $0x3A00;
	v46 =	vshll.u32 v3, $0x3;
	[sflag:s10] =	ssyncadd.s32 $0xFFFFF800  }
0x18b: {  	v3 =	vand.u32 $0x67, v3;
	v4 =	vand.u32 $0xC00, v46;
	v5 =	vld.idx.msk [tilespmem:v45+s1+$0x0], $0xffff  }
0x18c: {  	v3 =	vor.u32 v4, v3  }
0x18d: {  	v3 =	vor.u32 v1, v3  }
0x18e: {  	s3 =	rddreg [dreg:$0x18]  }
0x18f: {  	s1 =	rddreg [dreg:$0x1b]  }
0x190: {  	s0 =	ssub.s32 s3, s1;
	v47 =	vmul.f32 v5, v2  }
0x191: {  	v48 =	vadd.s32 s0, v0  }
0x192: {  	[tilespmem:v3+s18+$0x0] =	vst.idx.msk $0xffff, v47  }
0x193: {  	s1 =	sadd.s32 $0xFFFFFFE9, s19;
	_ =	swait.ge [sflag:s10], $0x800  }
0x194: {  	v3 =	vmov s1;
	[sflag:s10] =	ssyncset.done $0x0  }
0x195: {  	s1 =	simm.s32 $0x4200;
	v49 =	vshll.u32 v3, $0x3;
	[sflag:s10] =	ssyncadd.s32 $0xFFFFF800  }
0x196: {  	v3 =	vand.u32 $0x68, v3;
	v4 =	vand.u32 $0xC00, v49;
	v5 =	vld.idx.msk [tilespmem:v48+s1+$0x0], $0xffff  }
0x197: {  	v3 =	vor.u32 v4, v3  }
0x198: {  	v3 =	vor.u32 v1, v3;
	s1 =	sld [smem:$0x7EA];
	_ =	sdelay $0x1  }
0x199: {  	s0 =	rddreg [dreg:$0x1c]  }
0x19a: {  	s0 =	ssub.s32 s1, s0;
	v50 =	vmul.f32 v5, v2  }
0x19b: {  	v51 =	vadd.s32 s0, v0  }
0x19c: {  	[tilespmem:v3+s18+$0x0] =	vst.idx.msk $0xffff, v50  }
0x19d: {  	s1 =	sadd.s32 $0xFFFFFFEA, s19;
	_ =	swait.ge [sflag:s10], $0x800  }
0x19e: {  	v3 =	vmov s1;
	[sflag:s10] =	ssyncset.done $0x0  }
0x19f: {  	s1 =	simm.s32 $0x4A00;
	v52 =	vshll.u32 v3, $0x3;
	[sflag:s10] =	ssyncadd.s32 $0xFFFFF800  }
0x1a0: {  	v3 =	vand.u32 $0x69, v3;
	v4 =	vand.u32 $0xC00, v52;
	v5 =	vld.idx.msk [tilespmem:v51+s1+$0x0], $0xffff  }
0x1a1: {  	v3 =	vor.u32 v4, v3  }
0x1a2: {  	v3 =	vor.u32 v1, v3;
	_ =	sdelay $0x1  }
0x1a3: {  	s1 =	rddreg [dreg:$0x1d]  }
0x1a4: {  	s0 =	ssub.s32 s28, s1;
	v53 =	vmul.f32 v5, v2  }
0x1a5: {  	v54 =	vadd.s32 s0, v0  }
0x1a6: {  	[tilespmem:v3+s18+$0x0] =	vst.idx.msk $0xffff, v53  }
0x1a7: {  	s1 =	sadd.s32 $0xFFFFFFEB, s19;
	_ =	swait.ge [sflag:s10], $0x800  }
0x1a8: {  	v3 =	vmov s1;
	[sflag:s10] =	ssyncset.done $0x0  }
0x1a9: {  	s28 =	simm.s32 $0x5200;
	v55 =	vshll.u32 v3, $0x3;
	[sflag:s10] =	ssyncadd.s32 $0xFFFFF800  }
0x1aa: {  	v3 =	vand.u32 $0x6A, v3;
	v4 =	vand.u32 $0xC00, v55;
	v5 =	vld.idx.msk [tilespmem:v54+s28+$0x0], $0xffff  }
0x1ab: {  	v3 =	vor.u32 v4, v3  }
0x1ac: {  	v3 =	vor.u32 v1, v3;
	_ =	sdelay $0x1  }
0x1ad: {  	s1 =	rddreg [dreg:$0x1e]  }
0x1ae: {  	s0 =	ssub.s32 s25, s1;
	v56 =	vmul.f32 v5, v2  }
0x1af: {  	v57 =	vadd.s32 s0, v0  }
0x1b0: {  	[tilespmem:v3+s18+$0x0] =	vst.idx.msk $0xffff, v56  }
0x1b1: {  	s25 =	sadd.s32 $0xFFFFFFEC, s19;
	_ =	swait.ge [sflag:s10], $0x800  }
0x1b2: {  	v3 =	vmov s25;
	[sflag:s10] =	ssyncset.done $0x0  }
0x1b3: {  	s28 =	simm.s32 $0x5A00;
	v58 =	vshll.u32 v3, $0x3;
	[sflag:s10] =	ssyncadd.s32 $0xFFFFF800  }
0x1b4: {  	v3 =	vand.u32 $0x6B, v3;
	v4 =	vand.u32 $0xC00, v58;
	v5 =	vld.idx.msk [tilespmem:v57+s28+$0x0], $0xffff  }
0x1b5: {  	v3 =	vor.u32 v4, v3  }
0x1b6: {  	v3 =	vor.u32 v1, v3;
	_ =	sdelay $0x1  }
0x1b7: {  	s1 =	rddreg [dreg:$0x1f]  }
0x1b8: {  	s0 =	ssub.s32 s24, s1;
	v59 =	vmul.f32 v5, v2  }
0x1b9: {  	v60 =	vadd.s32 s0, v0  }
0x1ba: {  	[tilespmem:v3+s18+$0x0] =	vst.idx.msk $0xffff, v59  }
0x1bb: {  	s25 =	sadd.s32 $0xFFFFFFED, s19;
	_ =	swait.ge [sflag:s10], $0x800  }
0x1bc: {  	v3 =	vmov s25;
	[sflag:s10] =	ssyncset.done $0x0  }
0x1bd: {  	s28 =	simm.s32 $0x6200;
	v61 =	vshll.u32 v3, $0x3;
	[sflag:s10] =	ssyncadd.s32 $0xFFFFF800  }
0x1be: {  	v3 =	vand.u32 $0x6C, v3;
	v4 =	vand.u32 $0xC00, v61;
	v5 =	vld.idx.msk [tilespmem:v60+s28+$0x0], $0xffff  }
0x1bf: {  	v3 =	vor.u32 v4, v3  }
0x1c0: {  	s1 =	sld [smem:$0x7EB];
	v3 =	vor.u32 v1, v3;
	_ =	sdelay $0x2  }
0x1c1: {  	s0 =	ssub.s32 s22, s1;
	v62 =	vmul.f32 v5, v2  }
0x1c2: {  	v63 =	vadd.s32 s0, v0  }
0x1c3: {  	[tilespmem:v3+s18+$0x0] =	vst.idx.msk $0xffff, v62  }
0x1c4: {  	s25 =	sadd.s32 $0xFFFFFFEE, s19;
	_ =	swait.ge [sflag:s10], $0x800  }
0x1c5: {  	v3 =	vmov s25;
	[sflag:s10] =	ssyncset.done $0x0  }
0x1c6: {  	s28 =	simm.s32 $0x6A00;
	v8 =	vshll.u32 v3, $0x3;
	[sflag:s10] =	ssyncadd.s32 $0xFFFFF800  }
0x1c7: {  	v3 =	vand.u32 $0x6D, v3;
	v4 =	vand.u32 $0xC00, v8;
	v5 =	vld.idx.msk [tilespmem:v63+s28+$0x0], $0xffff  }
0x1c8: {  	v3 =	vor.u32 v4, v3  }
0x1c9: {  	s1 =	sld [smem:$0x7EC];
	v3 =	vor.u32 v1, v3;
	_ =	sdelay $0x2  }
0x1ca: {  	s0 =	ssub.s32 s23, s1;
	v9 =	vmul.f32 v5, v2  }
0x1cb: {  	v10 =	vadd.s32 s0, v0  }
0x1cc: {  	[tilespmem:v3+s18+$0x0] =	vst.idx.msk $0xffff, v9  }
0x1cd: {  	s23 =	sadd.s32 $0xFFFFFFEF, s19;
	_ =	swait.ge [sflag:s10], $0x800  }
0x1ce: {  	v3 =	vmov s23;
	[sflag:s10] =	ssyncset.done $0x0  }
0x1cf: {  	s24 =	simm.s32 $0x7200;
	v11 =	vshll.u32 v3, $0x3;
	[sflag:s10] =	ssyncadd.s32 $0xFFFFF800  }
0x1d0: {  	v3 =	vand.u32 $0x6E, v3;
	v4 =	vand.u32 $0xC00, v11;
	v5 =	vld.idx.msk [tilespmem:v10+s24+$0x0], $0xffff  }
0x1d1: {  	v3 =	vor.u32 v4, v3  }
0x1d2: {  	s25 =	sld [smem:$0x7ED];
	v3 =	vor.u32 v1, v3;
	_ =	sdelay $0x2  }
0x1d3: {  	s0 =	ssub.s32 s26, s25;
	v12 =	vmul.f32 v5, v2  }
0x1d4: {  	v13 =	vadd.s32 s0, v0  }
0x1d5: {  	[tilespmem:v3+s18+$0x0] =	vst.idx.msk $0xffff, v12  }
0x1d6: {  	s28 =	sadd.s32 $0xFFFFFFF0, s19;
	_ =	swait.ge [sflag:s10], $0x800  }
0x1d7: {  	v3 =	vmov s28;
	[sflag:s10] =	ssyncset.done $0x0  }
0x1d8: {  	s24 =	simm.s32 $0x7A00;
	v14 =	vshll.u32 v3, $0x3;
	[sflag:s10] =	ssyncadd.s32 $0xFFFFF800  }
0x1d9: {  	v3 =	vand.u32 $0x6F, v3;
	v4 =	vand.u32 $0xC00, v14;
	v5 =	vld.idx.msk [tilespmem:v13+s24+$0x0], $0xffff  }
0x1da: {  	v3 =	vor.u32 v4, v3  }
0x1db: {  	s23 =	sld [smem:$0x7EE];
	v3 =	vor.u32 v1, v3;
	_ =	sdelay $0x2  }
0x1dc: {  	s0 =	ssub.s32 s31, s23;
	v15 =	vmul.f32 v5, v2  }
0x1dd: {  	v16 =	vadd.s32 s0, v0  }
0x1de: {  	[tilespmem:v3+s18+$0x0] =	vst.idx.msk $0xffff, v15  }
0x1df: {  	s24 =	sadd.s32 $0xFFFFFFF1, s19;
	_ =	swait.ge [sflag:s10], $0x800  }
0x1e0: {  	v3 =	vmov s24;
	[sflag:s10] =	ssyncset.done $0x0  }
0x1e1: {  	s1 =	simm.s32 $0x8200;
	v17 =	vshll.u32 v3, $0x3;
	[sflag:s10] =	ssyncadd.s32 $0xFFFFF800  }
0x1e2: {  	v3 =	vand.u32 $0x70, v3;
	v4 =	vand.u32 $0xC00, v17;
	v5 =	vld.idx.msk [tilespmem:v16+s1+$0x0], $0xffff  }
0x1e3: {  	v3 =	vor.u32 v4, v3  }
0x1e4: {  	s26 =	sld [smem:$0x7EF];
	v3 =	vor.u32 v1, v3;
	_ =	sdelay $0x2  }
0x1e5: {  	s0 =	ssub.s32 s29, s26;
	v18 =	vmul.f32 v5, v2  }
0x1e6: {  	v19 =	vadd.s32 s0, v0  }
0x1e7: {  	[tilespmem:v3+s18+$0x0] =	vst.idx.msk $0xffff, v18  }
0x1e8: {  	s28 =	sadd.s32 $0xFFFFFFF2, s19;
	_ =	swait.ge [sflag:s10], $0x800  }
0x1e9: {  	v3 =	vmov s28;
	[sflag:s10] =	ssyncset.done $0x0  }
0x1ea: {  	s25 =	simm.s32 $0x8A00;
	v20 =	vshll.u32 v3, $0x3;
	[sflag:s10] =	ssyncadd.s32 $0xFFFFF800  }
0x1eb: {  	v3 =	vand.u32 $0x71, v3;
	v4 =	vand.u32 $0xC00, v20;
	v5 =	vld.idx.msk [tilespmem:v19+s25+$0x0], $0xffff  }
0x1ec: {  	v3 =	vor.u32 v4, v3  }
0x1ed: {  	s31 =	sld [smem:$0x7F0];
	v3 =	vor.u32 v1, v3;
	_ =	sdelay $0x2  }
0x1ee: {  	s0 =	ssub.s32 s21, s31;
	v21 =	vmul.f32 v5, v2  }
0x1ef: {  	v22 =	vadd.s32 s0, v0  }
0x1f0: {  	[tilespmem:v3+s18+$0x0] =	vst.idx.msk $0xffff, v21  }
0x1f1: {  	s1 =	sadd.s32 $0xFFFFFFF3, s19;
	_ =	swait.ge [sflag:s10], $0x800  }
0x1f2: {  	v3 =	vmov s1;
	[sflag:s10] =	ssyncset.done $0x0  }
0x1f3: {  	s29 =	simm.s32 $0x9200;
	v23 =	vshll.u32 v3, $0x3;
	[sflag:s10] =	ssyncadd.s32 $0xFFFFF800  }
0x1f4: {  	v3 =	vand.u32 $0x72, v3;
	v4 =	vand.u32 $0xC00, v23;
	v5 =	vld.idx.msk [tilespmem:v22+s29+$0x0], $0xffff  }
0x1f5: {  	v3 =	vor.u32 v4, v3  }
0x1f6: {  	s24 =	sld [smem:$0x7F1];
	v3 =	vor.u32 v1, v3;
	_ =	sdelay $0x2  }
0x1f7: {  	s0 =	ssub.s32 s20, s24;
	v24 =	vmul.f32 v5, v2  }
0x1f8: {  	v25 =	vadd.s32 s0, v0  }
0x1f9: {  	[tilespmem:v3+s18+$0x0] =	vst.idx.msk $0xffff, v24  }
0x1fa: {  	s25 =	sadd.s32 $0xFFFFFFF4, s19;
	_ =	swait.ge [sflag:s10], $0x800  }
0x1fb: {  	v3 =	vmov s25;
	[sflag:s10] =	ssyncset.done $0x0  }
0x1fc: {  	s23 =	simm.s32 $0x9A00;
	v26 =	vshll.u32 v3, $0x3;
	[sflag:s10] =	ssyncadd.s32 $0xFFFFF800  }
0x1fd: {  	v3 =	vand.u32 $0x73, v3;
	v4 =	vand.u32 $0xC00, v26;
	v5 =	vld.idx.msk [tilespmem:v25+s23+$0x0], $0xffff  }
0x1fe: {  	v3 =	vor.u32 v4, v3  }
0x1ff: {  	s28 =	sld [smem:$0x7F2];
	v3 =	vor.u32 v1, v3;
	_ =	sdelay $0x2  }
0x200: {  	s0 =	ssub.s32 s17, s28;
	v27 =	vmul.f32 v5, v2  }
0x201: {  	v28 =	vadd.s32 s0, v0  }
0x202: {  	[tilespmem:v3+s18+$0x0] =	vst.idx.msk $0xffff, v27  }
0x203: {  	s29 =	sadd.s32 $0xFFFFFFF5, s19;
	_ =	swait.ge [sflag:s10], $0x800  }
0x204: {  	v3 =	vmov s29;
	[sflag:s10] =	ssyncset.done $0x0  }
0x205: {  	s26 =	simm.s32 $0xA200;
	v29 =	vshll.u32 v3, $0x3;
	[sflag:s10] =	ssyncadd.s32 $0xFFFFF800  }
0x206: {  	v3 =	vand.u32 $0x74, v3;
	v4 =	vand.u32 $0xC00, v29;
	v5 =	vld.idx.msk [tilespmem:v28+s26+$0x0], $0xffff  }
0x207: {  	v3 =	vor.u32 v4, v3  }
0x208: {  	s1 =	sld [smem:$0x7F3];
	v3 =	vor.u32 v1, v3;
	_ =	sdelay $0x2  }
0x209: {  	s0 =	ssub.s32 s16, s1;
	v30 =	vmul.f32 v5, v2  }
0x20a: {  	v31 =	vadd.s32 s0, v0  }
0x20b: {  	[tilespmem:v3+s18+$0x0] =	vst.idx.msk $0xffff, v30  }
0x20c: {  	s23 =	sadd.s32 $0xFFFFFFF6, s19;
	_ =	swait.ge [sflag:s10], $0x800  }
0x20d: {  	v3 =	vmov s23;
	[sflag:s10] =	ssyncset.done $0x0  }
0x20e: {  	s31 =	simm.s32 $0xAA00;
	v32 =	vshll.u32 v3, $0x3;
	[sflag:s10] =	ssyncadd.s32 $0xFFFFF800  }
0x20f: {  	v3 =	vand.u32 $0x75, v3;
	v4 =	vand.u32 $0xC00, v32;
	v5 =	vld.idx.msk [tilespmem:v31+s31+$0x0], $0xffff  }
0x210: {  	v3 =	vor.u32 v4, v3  }
0x211: {  	s25 =	sld [smem:$0x7F4];
	v3 =	vor.u32 v1, v3;
	_ =	sdelay $0x2  }
0x212: {  	s0 =	ssub.s32 s15, s25;
	v33 =	vmul.f32 v5, v2  }
0x213: {  	v34 =	vadd.s32 s0, v0  }
0x214: {  	[tilespmem:v3+s18+$0x0] =	vst.idx.msk $0xffff, v33  }
0x215: {  	s26 =	sadd.s32 $0xFFFFFFF7, s19;
	_ =	swait.ge [sflag:s10], $0x800  }
0x216: {  	v3 =	vmov s26;
	[sflag:s10] =	ssyncset.done $0x0  }
0x217: {  	s24 =	simm.s32 $0xB200;
	v35 =	vshll.u32 v3, $0x3;
	[sflag:s10] =	ssyncadd.s32 $0xFFFFF800  }
0x218: {  	v3 =	vand.u32 $0x76, v3;
	v4 =	vand.u32 $0xC00, v35;
	v5 =	vld.idx.msk [tilespmem:v34+s24+$0x0], $0xffff  }
0x219: {  	v3 =	vor.u32 v4, v3  }
0x21a: {  	s29 =	sld [smem:$0x7F5];
	v3 =	vor.u32 v1, v3;
	_ =	sdelay $0x2  }
0x21b: {  	s0 =	ssub.s32 s14, s29;
	v36 =	vmul.f32 v5, v2  }
0x21c: {  	v37 =	vadd.s32 s0, v0  }
0x21d: {  	[tilespmem:v3+s18+$0x0] =	vst.idx.msk $0xffff, v36  }
0x21e: {  	s31 =	sadd.s32 $0xFFFFFFF8, s19;
	_ =	swait.ge [sflag:s10], $0x800  }
0x21f: {  	v3 =	vmov s31;
	[sflag:s10] =	ssyncset.done $0x0  }
0x220: {  	s28 =	simm.s32 $0xBA00;
	v38 =	vshll.u32 v3, $0x3;
	[sflag:s10] =	ssyncadd.s32 $0xFFFFF800  }
0x221: {  	v3 =	vand.u32 $0x77, v3;
	v4 =	vand.u32 $0xC00, v38;
	v5 =	vld.idx.msk [tilespmem:v37+s28+$0x0], $0xffff  }
0x222: {  	v3 =	vor.u32 v4, v3  }
0x223: {  	s23 =	sld [smem:$0x7F6];
	v3 =	vor.u32 v1, v3;
	_ =	sdelay $0x2  }
0x224: {  	s0 =	ssub.s32 s13, s23;
	v39 =	vmul.f32 v5, v2  }
0x225: {  	v40 =	vadd.s32 s0, v0  }
0x226: {  	[tilespmem:v3+s18+$0x0] =	vst.idx.msk $0xffff, v39  }
0x227: {  	s24 =	sadd.s32 $0xFFFFFFF9, s19;
	_ =	swait.ge [sflag:s10], $0x800  }
0x228: {  	v3 =	vmov s24;
	[sflag:s10] =	ssyncset.done $0x0  }
0x229: {  	s1 =	simm.s32 $0xC200;
	v41 =	vshll.u32 v3, $0x3;
	[sflag:s10] =	ssyncadd.s32 $0xFFFFF800  }
0x22a: {  	v3 =	vand.u32 $0x78, v3;
	v4 =	vand.u32 $0xC00, v41;
	v5 =	vld.idx.msk [tilespmem:v40+s1+$0x0], $0xffff  }
0x22b: {  	v3 =	vor.u32 v4, v3  }
0x22c: {  	s26 =	sld [smem:$0x7F7];
	v3 =	vor.u32 v1, v3;
	_ =	sdelay $0x2  }
0x22d: {  	s0 =	ssub.s32 s8, s26;
	v42 =	vmul.f32 v5, v2  }
0x22e: {  	v43 =	vadd.s32 s0, v0  }
0x22f: {  	[tilespmem:v3+s18+$0x0] =	vst.idx.msk $0xffff, v42  }
0x230: {  	s28 =	sadd.s32 $0xFFFFFFFA, s19;
	_ =	swait.ge [sflag:s10], $0x800  }
0x231: {  	v3 =	vmov s28;
	[sflag:s10] =	ssyncset.done $0x0  }
0x232: {  	s25 =	simm.s32 $0xCA00;
	v44 =	vshll.u32 v3, $0x3;
	[sflag:s10] =	ssyncadd.s32 $0xFFFFF800  }
0x233: {  	v3 =	vand.u32 $0x79, v3;
	v4 =	vand.u32 $0xC00, v44;
	v5 =	vld.idx.msk [tilespmem:v43+s25+$0x0], $0xffff  }
0x234: {  	v3 =	vor.u32 v4, v3  }
0x235: {  	s31 =	sld [smem:$0x7F8];
	v3 =	vor.u32 v1, v3;
	_ =	sdelay $0x2  }
0x236: {  	s0 =	ssub.s32 s7, s31;
	v45 =	vmul.f32 v5, v2  }
0x237: {  	v46 =	vadd.s32 s0, v0  }
0x238: {  	[tilespmem:v3+s18+$0x0] =	vst.idx.msk $0xffff, v45  }
0x239: {  	s1 =	sadd.s32 $0xFFFFFFFB, s19;
	_ =	swait.ge [sflag:s10], $0x800  }
0x23a: {  	v3 =	vmov s1;
	[sflag:s10] =	ssyncset.done $0x0  }
0x23b: {  	s29 =	simm.s32 $0xD200;
	v47 =	vshll.u32 v3, $0x3;
	[sflag:s10] =	ssyncadd.s32 $0xFFFFF800  }
0x23c: {  	v3 =	vand.u32 $0x7A, v3;
	v4 =	vand.u32 $0xC00, v47;
	v5 =	vld.idx.msk [tilespmem:v46+s29+$0x0], $0xffff  }
0x23d: {  	v3 =	vor.u32 v4, v3  }
0x23e: {  	s24 =	sld [smem:$0x7F9];
	v3 =	vor.u32 v1, v3;
	_ =	sdelay $0x2  }
0x23f: {  	s0 =	ssub.s32 s6, s24;
	v48 =	vmul.f32 v5, v2  }
0x240: {  	v49 =	vadd.s32 s0, v0  }
0x241: {  	[tilespmem:v3+s18+$0x0] =	vst.idx.msk $0xffff, v48  }
0x242: {  	s25 =	sadd.s32 $0xFFFFFFFC, s19;
	_ =	swait.ge [sflag:s10], $0x800  }
0x243: {  	v3 =	vmov s25;
	[sflag:s10] =	ssyncset.done $0x0  }
0x244: {  	s23 =	simm.s32 $0xDA00;
	v50 =	vshll.u32 v3, $0x3;
	[sflag:s10] =	ssyncadd.s32 $0xFFFFF800  }
0x245: {  	v3 =	vand.u32 $0x7B, v3;
	v4 =	vand.u32 $0xC00, v50;
	v5 =	vld.idx.msk [tilespmem:v49+s23+$0x0], $0xffff  }
0x246: {  	v3 =	vor.u32 v4, v3  }
0x247: {  	s28 =	sld [smem:$0x7FA];
	v3 =	vor.u32 v1, v3;
	_ =	sdelay $0x2  }
0x248: {  	s0 =	ssub.s32 s5, s28;
	v51 =	vmul.f32 v5, v2  }
0x249: {  	v52 =	vadd.s32 s0, v0  }
0x24a: {  	[tilespmem:v3+s18+$0x0] =	vst.idx.msk $0xffff, v51  }
0x24b: {  	s29 =	sadd.s32 $0xFFFFFFFD, s19;
	_ =	swait.ge [sflag:s10], $0x800  }
0x24c: {  	v3 =	vmov s29;
	[sflag:s10] =	ssyncset.done $0x0  }
0x24d: {  	s26 =	simm.s32 $0xE200;
	v53 =	vshll.u32 v3, $0x3;
	[sflag:s10] =	ssyncadd.s32 $0xFFFFF800  }
0x24e: {  	v3 =	vand.u32 $0x7C, v3;
	v4 =	vand.u32 $0xC00, v53;
	v5 =	vld.idx.msk [tilespmem:v52+s26+$0x0], $0xffff  }
0x24f: {  	v3 =	vor.u32 v4, v3  }
0x250: {  	s1 =	sld [smem:$0x7FB];
	v3 =	vor.u32 v1, v3;
	_ =	sdelay $0x2  }
0x251: {  	s0 =	ssub.s32 s4, s1;
	v54 =	vmul.f32 v5, v2  }
0x252: {  	v55 =	vadd.s32 s0, v0  }
0x253: {  	[tilespmem:v3+s18+$0x0] =	vst.idx.msk $0xffff, v54  }
0x254: {  	s23 =	sadd.s32 $0xFFFFFFFE, s19;
	_ =	swait.ge [sflag:s10], $0x800  }
0x255: {  	v3 =	vmov s23;
	[sflag:s10] =	ssyncset.done $0x0  }
0x256: {  	s31 =	simm.s32 $0xEA00;
	v56 =	vshll.u32 v3, $0x3;
	[sflag:s10] =	ssyncadd.s32 $0xFFFFF800  }
0x257: {  	v3 =	vand.u32 $0x7D, v3;
	v4 =	vand.u32 $0xC00, v56;
	v5 =	vld.idx.msk [tilespmem:v55+s31+$0x0], $0xffff  }
0x258: {  	v3 =	vor.u32 v4, v3  }
0x259: {  	s25 =	sld [smem:$0x7FC];
	v3 =	vor.u32 v1, v3;
	_ =	sdelay $0x2  }
0x25a: {  	s0 =	ssub.s32 s2, s25;
	v57 =	vmul.f32 v5, v2  }
0x25b: {  	v58 =	vadd.s32 s0, v0  }
0x25c: {  	[tilespmem:v3+s18+$0x0] =	vst.idx.msk $0xffff, v57  }
0x25d: {  	s26 =	sadd.s32 $0xFFFFFFFF, s19;
	_ =	swait.ge [sflag:s10], $0x800  }
0x25e: {  	v3 =	vmov s26;
	[sflag:s10] =	ssyncset.done $0x0  }
0x25f: {  	s24 =	simm.s32 $0xF200;
	v59 =	vshll.u32 v3, $0x3;
	[sflag:s10] =	ssyncadd.s32 $0xFFFFF800  }
0x260: {  	v3 =	vand.u32 $0x7E, v3;
	v4 =	vand.u32 $0xC00, v59;
	v5 =	vld.idx.msk [tilespmem:v58+s24+$0x0], $0xffff  }
0x261: {  	v3 =	vor.u32 v4, v3  }
0x262: {  	s29 =	sld [smem:$0x7FD];
	v3 =	vor.u32 v1, v3;
	_ =	sdelay $0x2  }
0x263: {  	s0 =	ssub.s32 s9, s29;
	v60 =	vmul.f32 v5, v2  }
0x264: {  	v61 =	vadd.s32 s0, v0  }
0x265: {  	[tilespmem:v3+s18+$0x0] =	vst.idx.msk $0xffff, v60  }
0x266: {  	s31 =	rddreg [dreg:$0x9];
	_ =	swait.ge [sflag:s10], $0x800  }
0x267: {  	v3 =	vmov s19;
	[sflag:s10] =	ssyncset.done $0x0  }
0x268: {  	s28 =	simm.s32 $0xFA00;
	v62 =	vshll.u32 v3, $0x3;
	[sflag:s10] =	ssyncadd.s32 $0xFFFFF800  }
0x269: {  	v3 =	vand.u32 $0x7F, v3;
	v4 =	vand.u32 $0xC00, v62;
	v5 =	vld.idx.msk [tilespmem:v61+s28+$0x0], $0xffff  }
0x26a: {  	v3 =	vor.u32 v4, v3  }
0x26b: {  	p0 =	sne.s32 s19, $0x1FF;
	s3 =	simm.s32 $0x200;
	v3 =	vor.u32 v1, v3  }
.Ltmp0:
0x26c: {  	s21 =	simm.s32 $0x6200;
	s20 =	simm.s32 $0x5200;
	(pc) =	sbr.rel @p0 .LBB2_2-.Ltmp0, $4  }
0x26d: {  	s17 =	simm.s32 $0x5A00;
	s16 =	simm.s32 $0x4A00;
	s15 =	simm.s32 $0x4200  }
0x26e: {  	s14 =	simm.s32 $0x3A00;
	s13 =	simm.s32 $0x3200;
	s8 =	simm.s32 $0x2A00;
	v63 =	vmul.f32 v5, v2  }
0x26f: {  	s7 =	simm.s32 $0x2200;
	s6 =	simm.s32 $0x1A00;
	s5 =	simm.s32 $0x1200  }
0x270: {  	s4 =	simm.s32 $0xA00;
	s0 =	sadd.s32 $0x20, s31;
	s19 =	sadd.s32 $0x20, s19;
	[tilespmem:v3+s18+$0x0] =	vst.idx.msk $0xffff, v63  }
0x271: {  	s0 =	rddreg [dreg:$0x6];
	s1 =	simm.s32 $0x1000;
	s2 =	simm.s32 $0x20000  }
0x272: {  	[hbm4b:s0+s1] =	stream.strided.scatter [tilespmem:s18], [sflag:$0x2], $0x2000, s2, s1, $0x38;
	[tilespmem:$0x12280] =	vst v63  }
0x273: {  	s2 =	simm.s32 $0x2  }
0x274: {  	_ =	swait.ge [sflag:s2], $0x2000  }
0x275: {  	s29 =	rddreg [dreg:$0x8]  }
0x276: {  	s31 =	rddreg [dreg:$0x7];
	s1 =	sadd.s32 $0x1, s29  }
0x277: {  	p0 =	sne.s32 s1, s31  }
.Ltmp1:
0x278: {  	_ = 	snop;
	(pc) =	sbr.rel @p0 .LBB2_1-.Ltmp1, $3  }
0x279: {  	_ =	sdelay $0x1  }
0x27a: {  	[sflag:s2] =	ssyncset.done $0x0  }
0x27b: {  	[sflag:s2] =	ssyncadd.s32 $0xFFFFE000  }
0x27c: {  	_ =	sfence.sel $0x180000  }
0x27d: {  	[bflag:$0x0] =	sbarrier.arrive $0xFFFF  }
0x27e: {  	_ =	strace $0x90000047  }
0x27f: {  	s0 =	stileid.u32;
	[bflag:$0x2] =	sbarrier.arrive $0xFFFF  }
0x280: {  	p0 =	sne.s32 s0, $0x0;
	s0 =	rddreg [dreg:$0x4]  }
0x281: {  	s0 =	sadd.s32 @!p0 $0x100000, s0  }
0x282: {  	[sflag:s0] =	ssyncadd.tile.s32 @!p0 $0x1;
	_ =	shalt  }
.Lfunc_end2:
_tile_overlayer_lowered:
.L_overlay_start_2:
0x283: {  	(tag) =	ssettag $0x2  }
0x284: {  	s0 =	rddreg [dreg:$0x0];
	s2 =	stileid.u32  }
0x285: {  	s1 =	rddreg [dreg:$0x1];
	p0 =	sne.s32 s2, $0x0  }
0x286: {  	s3 =	rddreg [dreg:$0x2];
	[bflag:$0x3] =	sbarrier.arrive $0xFFFF;
	s2 =	simm.s32 @!p0 $0x1C02  }
0x287: {  	[timem:s3], [sflag:s2] =	dma.local @!p0 [hbm:s0], s1  }
0x288: {  	s0 =	simm.s32 @!p0 $0x2  }
0x289: {  	_ =	swait.ge @!p0 [sflag:s0], s1  }
0x28a: {  	s1 =	ssub.s32 @!p0 $0x0, s1;
	[sflag:s0] =	ssyncset.done @!p0 $0x0  }
0x28b: {  	[sflag:s0] =	ssyncadd.s32 @!p0 s1  }
0x28c: {  	[bflag:$0x3] =	sbarrier.arrive $0xFFFF  }
0x28d: {  	_ =	shalt  }

</sc_bundles>
